<compile_context>
chip_gen: v7x
topology: tpu7x:2x2x1
jax: 0.10.2.dev20260603
libtpu: 0.0.44.dev20260713+nightly
codegen_flags: <defaults>
</compile_context>

<pallas_src>
import functools

import jax
import jax.numpy as jnp
from jax import lax
from jax.experimental import pallas as pl
from jax.experimental.pallas import tpu as pltpu
from jax.experimental.pallas import tpu_sc as plsc

N = 50000
CIN = 64
COUT = 64
K = 32
S = 32
NCELL = S * S * S
HALF = NCELL // 2
CH = 512
NP = 50176
NCHUNK = NP // CH
DUMP = HALF
TAIL = NP - NCELL
TPT = TAIL // 32
VTPT = (N - NCELL) // 32
VREM = (N - NCELL) - 32 * VTPT

_f32 = jnp.float32
_i32 = jnp.int32


def _s1_body(f_ref, c_ref, wf_ref, of_ref, key_ref):
    f = f_ref[...]
    c = c_ref[...]
    kidx = c[:, 1:2]
    rows = (pl.program_id(0) * CH
            + lax.broadcasted_iota(_i32, (CH, 1), 0))
    key = c[:, 0:1] * (S * S) + c[:, 2:3] * S + c[:, 3:4]
    key_ref[...] = jnp.where(rows < N, key, -1)
    acc = jnp.zeros((CH, COUT), _f32)
    for k in range(K):
        m = (kidx == k).astype(_f32)
        acc += jnp.dot(f, wf_ref[k], preferred_element_type=_f32) * m
    of_ref[...] = acc


def _stage1(feats, coords, wf):
    return pl.pallas_call(
        _s1_body,
        grid=(NCHUNK,),
        in_specs=[
            pl.BlockSpec((CH, CIN), lambda i: (i, 0)),
            pl.BlockSpec((CH, 4), lambda i: (i, 0)),
            pl.BlockSpec((K, CIN, COUT), lambda i: (0, 0, 0)),
        ],
        out_specs=[
            pl.BlockSpec((CH, COUT), lambda i: (i, 0)),
            pl.BlockSpec((CH, 1), lambda i: (i, 0)),
        ],
        out_shape=[
            jax.ShapeDtypeStruct((NP, COUT), _f32),
            jax.ShapeDtypeStruct((NP, 1), _i32),
        ],
    )(feats, coords, wf)


def _s2_body(keys_hbm, feats_hbm, grid_out, occ_out,
             grid_sh, occ_sh, fv, kv, lv, zv, ov):
    cid = lax.axis_index("c")
    sid = lax.axis_index("s")
    lo = cid * HALF

    def _zrow(r, _):
        for g in range(CIN // 16):
            zv[r, pl.ds(g * 16, 16)] = jnp.zeros((16,), _f32)
        ov[r, pl.ds(0, 16)] = jnp.zeros((16,), _f32)
        return 0
    lax.fori_loop(0, 128, _zrow, 0)
    for j in range(8):
        pltpu.sync_copy(zv, grid_sh.at[pl.ds(sid * 1024 + j * 128, 128)])
        pltpu.sync_copy(ov, occ_sh.at[pl.ds(sid * 1024 + j * 128, 128)])

    @pl.when(sid == 0)
    def _():
        pltpu.sync_copy(zv.at[pl.ds(0, 8)], grid_sh.at[pl.ds(HALF, 8)])
        pltpu.sync_copy(ov.at[pl.ds(0, 8)], occ_sh.at[pl.ds(HALF, 8)])

    def _orow(r, _):
        ov[r, pl.ds(0, 16)] = jnp.ones((16,), _f32)
        return 0
    lax.fori_loop(0, 128, _orow, 0)

    plsc.subcore_barrier()

    def _chunk(i, _):
        ci = sid + 16 * i

        @pl.when(ci < NCHUNK)
        def _():
            pltpu.sync_copy(keys_hbm.at[pl.ds(ci * CH, CH)], kv)
            pltpu.sync_copy(feats_hbm.at[pl.ds(ci * CH, CH)], fv)
            for g in range(CH // 16):
                k16 = kv[pl.ds(g * 16, 16)]
                mine = (k16 >= lo) & (k16 < lo + HALF)
                l16 = jnp.where(mine, k16 - lo, DUMP)
                lv[g // 8, pl.ds((g % 8) * 16, 16)] = l16
            for j in range(CH // 128):
                idx = lv.at[j]
                pltpu.sync_copy(fv.at[pl.ds(j * 128, 128)],
                                grid_sh.at[idx], add=True)
                pltpu.sync_copy(ov, occ_sh.at[idx], add=True)
        return 0
    lax.fori_loop(0, 7, _chunk, 0)

    plsc.subcore_barrier()

    pltpu.sync_copy(grid_sh.at[pl.ds(sid * 1024, 1024)],
                    grid_out.at[pl.ds(lo + sid * 1024, 1024)])
    pltpu.sync_copy(occ_sh.at[pl.ds(sid * 1024, 1024)],
                    occ_out.at[pl.ds(lo + sid * 1024, 1024)])


def _stage2(keys, out_feats):
    kern = pl.kernel(
        _s2_body,
        out_type=(
            jax.ShapeDtypeStruct((NCELL, COUT), _f32),
            jax.ShapeDtypeStruct((NCELL, 16), _f32),
        ),
        mesh=plsc.VectorSubcoreMesh(core_axis_name="c", subcore_axis_name="s"),
        compiler_params=pltpu.CompilerParams(use_tc_tiling_on_sc=False),
        scratch_types=[
            pltpu.VMEM_SHARED((HALF + 8, COUT), _f32),
            pltpu.VMEM_SHARED((HALF + 8, 16), _f32),
            pltpu.VMEM((CH, COUT), _f32),
            pltpu.VMEM((CH,), _i32),
            pltpu.VMEM((4, 128), _i32),
            pltpu.VMEM((128, COUT), _f32),
            pltpu.VMEM((128, 16), _f32),
        ],
    )
    return kern(keys, out_feats)


def _s3_body(occv_ref, occ2k_ref, sidx_ref, irows_ref):
    m = (occv_ref[...] > 0.0).astype(_f32)
    su = (lax.broadcasted_iota(_i32, (128, 128), 0)
          < lax.broadcasted_iota(_i32, (128, 128), 1)).astype(_f32)
    inner = jnp.dot(m, su, preferred_element_type=_f32)
    rs = jnp.sum(m, axis=1, keepdims=True)
    lt = (lax.broadcasted_iota(_i32, (256, 256), 0)
          > lax.broadcasted_iota(_i32, (256, 256), 1)).astype(_f32)
    roff = jnp.dot(lt, rs, preferred_element_type=_f32)
    pocc = (inner + roff).astype(_i32)
    total = jnp.sum(m).astype(_i32)
    kg = (lax.broadcasted_iota(_i32, (256, 128), 0) * 128
          + lax.broadcasted_iota(_i32, (256, 128), 1))
    sidx_ref[...] = jnp.where(m > 0.0, pocc, total + kg - pocc)

    occ2k = occ2k_ref[...] > 0.0
    r = lax.broadcasted_iota(_i32, (2048, 256), 0)
    c = lax.broadcasted_iota(_i32, (2048, 256), 1)
    k2 = r * 16 + (c >> 4)
    lane = c & 15
    dec = jnp.where(lane == 0, k2 >> 10,
                    jnp.where(lane == 2, (k2 >> 5) & 31,
                              jnp.where(lane == 3, k2 & 31, 0)))
    fill = jnp.where(lane == 0, -1, 31)
    irows_ref[...] = jnp.where(occ2k, dec, fill)


def _stage3(occv, occ2k):
    return pl.pallas_call(
        _s3_body,
        out_shape=[
            jax.ShapeDtypeStruct((256, 128), _i32),
            jax.ShapeDtypeStruct((2048, 256), _i32),
        ],
    )(occv, occ2k)


def _s4_body(grid_hbm, irows_hbm, sidx_hbm, vals_out, idx_out,
             sidx, gv, iv, zv, tv):
    cid = lax.axis_index("c")
    sid = lax.axis_index("s")
    w = cid * 16 + sid
    base = w * 1024

    pltpu.sync_copy(sidx_hbm.at[pl.ds(w * 8, 8)], sidx)
    for j in range(8):
        pltpu.sync_copy(grid_hbm.at[pl.ds(base + j * 128, 128)], gv)
        pltpu.sync_copy(irows_hbm.at[pl.ds(base + j * 128, 128)], iv)
        pltpu.sync_copy(gv, vals_out.at[sidx.at[j]])
        pltpu.sync_copy(iv, idx_out.at[sidx.at[j]])

    lane = lax.broadcasted_iota(_i32, (16,), 0)
    fill16 = jnp.where(lane == 0, -1, 31)

    def _frow(r, _):
        for g in range(COUT // 16):
            zv[r, pl.ds(g * 16, 16)] = jnp.zeros((16,), _f32)
        tv[r, pl.ds(0, 16)] = fill16
        return 0
    lax.fori_loop(0, TPT, _frow, 0)
    pltpu.sync_copy(zv.at[pl.ds(0, VTPT)],
                    vals_out.at[pl.ds(NCELL + w * VTPT, VTPT)])
    pltpu.sync_copy(tv, idx_out.at[pl.ds(NCELL + w * TPT, TPT)])

    @pl.when(w == 0)
    def _():
        pltpu.sync_copy(zv.at[pl.ds(0, VREM)],
                        vals_out.at[pl.ds(NCELL + 32 * VTPT, VREM)])


def _stage4(grid, irows, sidx):
    kern = pl.kernel(
        _s4_body,
        out_type=(
            jax.ShapeDtypeStruct((N, COUT), _f32),
            jax.ShapeDtypeStruct((NP, 16), _i32),
        ),
        mesh=plsc.VectorSubcoreMesh(core_axis_name="c", subcore_axis_name="s"),
        compiler_params=pltpu.CompilerParams(use_tc_tiling_on_sc=False),
        scratch_types=[
            pltpu.VMEM((8, 128), _i32),
            pltpu.VMEM((128, COUT), _f32),
            pltpu.VMEM((128, 16), _i32),
            pltpu.VMEM((TPT, COUT), _f32),
            pltpu.VMEM((TPT, 16), _i32),
        ],
    )
    return kern(grid, irows, sidx)


@jax.jit
def kernel(feats, coords, kernel):
    out_feats, keys2d = _stage1(feats, coords, kernel)
    keys = keys2d.reshape(NP)

    grid, occ16 = _stage2(keys, out_feats)
    occv = occ16[:, 0].reshape(256, 128)

    sidx, irows2k = _stage3(occv, occ16.reshape(2048, 256))
    irows = irows2k.reshape(NCELL, 16)

    vals, idx16 = _stage4(grid, irows, sidx)
    return vals, idx16[:N, :4]

# --- scband reference (transcript-rebuilt; emitter-appended) ---
"""Pipeline reference for scband-to-bevconvolution-13194139533436 (READ-ONLY COPY).

The authoritative reference and input builder live on the scoring server;
editing this copy changes nothing except your own understanding.
"""

import jax, jax.numpy as jnp
import numpy as np

N = 50000
CIN = 64
COUT = 64
K = 32
S = 32  # coordinate grid extent per axis (and batch col range)
STRIDE_Z = 1  # input.stride assumed 1 -> stride scalar = 1, ratio = 1


def setup_inputs(seed: int = 0) -> dict:
    key = jax.random.key(seed)
    k1, k2, k3 = jax.random.split(key, 3)
    coords = jax.random.randint(k1, (N, 4), 0, S, dtype=jnp.int32)
    feats = jax.random.normal(k2, (N, CIN), dtype=jnp.float32)
    std = 1.0 / np.sqrt(CIN)
    kernel = jax.random.uniform(k3, (K, CIN, COUT), minval=-std, maxval=std, dtype=jnp.float32)
    return {"feats": feats, "coords": coords, "kernel": kernel}


def reference(feats, coords, kernel):
    # kernels = index_select(kernel, 0, coords[:, dim] // stride_z), dim = 1
    kidx = (coords[:, 1] // STRIDE_Z).astype(jnp.int32)
    kernels = jnp.take(kernel, kidx, axis=0)            # [N, CIN, COUT] gather
    # feats.unsqueeze(-1) * kernels, sum over in_channels  (bias=False -> +0)
    out_feats = jnp.einsum('nc,nco->no', feats, kernels)  # [N, COUT]
    # zero out the height dim, then coalesce duplicates (scatter-add)
    c = coords.astype(jnp.int32)
    c = c.at[:, 1].set(0)
    # stride == 1, so the quantize-by-ratio branch is skipped
    keys = ((c[:, 0] * S + c[:, 1]) * S + c[:, 2]) * S + c[:, 3]
    uniq, inv = jnp.unique(keys, return_inverse=True, size=keys.shape[0], fill_value=-1)
    inv = inv.reshape(-1)
    values = jax.ops.segment_sum(out_feats, inv, num_segments=keys.shape[0])
    i0 = uniq // (S * S * S)
    r = uniq % (S * S * S)
    i1 = r // (S * S)
    r = r % (S * S)
    i2 = r // S
    i3 = r % S
    indices = jnp.stack([i0, i1, i2, i3], axis=1).astype(jnp.int32)
    return (values, indices)

if __name__ == "__main__":
    import jax
    _d = setup_inputs()
    print(jax.jit(kernel)(*tuple(_d.values())))

</pallas_src>

<mosaic_0001>
#map = affine_map<(d0, d1) -> (0)>
#map1 = affine_map<(d0, d1) -> (0, 0)>
module attributes {stable_mosaic.version = 14 : i64} {
  func.func @_s2_body(%arg0: i32, %arg1: i32, %arg2: memref<50176xi32, #tpu.memory_space<hbm>>, %arg3: memref<50176x64xf32, #tpu.memory_space<hbm>>, %arg4: memref<32768x64xf32, #tpu.memory_space<hbm>>, %arg5: memref<32768x16xf32, #tpu.memory_space<hbm>>, %arg6: memref<16392x64xf32, #tpu.memory_space<vmem_shared>>, %arg7: memref<16392x16xf32, #tpu.memory_space<vmem_shared>>, %arg8: memref<512x64xf32, #tpu.memory_space<vmem>>, %arg9: memref<512xi32, #tpu.memory_space<vmem>>, %arg10: memref<4x128xi32, #tpu.memory_space<vmem>>, %arg11: memref<128x64xf32, #tpu.memory_space<vmem>>, %arg12: memref<128x16xf32, #tpu.memory_space<vmem>>) attributes {dimension_semantics = [#tpu.dimension_semantics<core_parallel>, #tpu.dimension_semantics<subcore_parallel>], iteration_bounds = array<i64: 2, 16>, scalar_prefetch = 0 : i64, scratch_operands = 7 : i64, tpu.core_type = #tpu.core_type<sc_vector_subcore>, window_params = [{transform_indices = #map}, {transform_indices = #map1}, {transform_indices = #map1}, {transform_indices = #map1}]} {
    %mul3A = arith.constant 16384 : i32
    %mul3A_0 = arith.muli %arg0, %mul3A : i32
    %scan3A = arith.constant 0 : i32
    %scan3A_1 = arith.constant 0 : i32
    %scan3A_2 = arith.constant 128 : i32
    %scan3A_3 = arith.addi %scan3A_1, %scan3A_2 : i32
    %scan3A_4 = arith.constant 1 : i32
    %scan3A_5 = scf.for %scan3A_97 = %scan3A_1 to %scan3A_3 step %scan3A_4 iter_args(%scan3A_98 = %scan3A) -> (i32)  : i32 {
      %broadcast_in_dim3A = arith.constant 0.000000e+00 : f32
      %broadcast_in_dim3A_99 = vector.broadcast %broadcast_in_dim3A : f32 to vector<16xf32>
      %swap3A = arith.index_cast %scan3A_97 : i32 to index
      %swap3A_100 = arith.constant 0 : index
      %swap3A_101 = tpu.vector_load %arg11[%swap3A, %swap3A_100] {strides = array<i32>} : memref<128x64xf32, #tpu.memory_space<vmem>>, vector<1x16xf32>,
      %swap3A_102 = vector.shape_cast %swap3A_101 : vector<1x16xf32> to vector<16xf32>
      %swap3A_103 = vector.shape_cast %broadcast_in_dim3A_99 : vector<16xf32> to vector<1x16xf32>
      tpu.vector_store %arg11[%swap3A, %swap3A_100], %swap3A_103 {strides = array<i32>} : memref<128x64xf32, #tpu.memory_space<vmem>>, vector<1x16xf32>,
      %broadcast_in_dim3A_104 = arith.constant 0.000000e+00 : f32
      %broadcast_in_dim3A_105 = vector.broadcast %broadcast_in_dim3A_104 : f32 to vector<16xf32>
      %swap3A_106 = arith.index_cast %scan3A_97 : i32 to index
      %swap3A_107 = arith.constant 16 : index
      %swap3A_108 = tpu.vector_load %arg11[%swap3A_106, %swap3A_107] {strides = array<i32>} : memref<128x64xf32, #tpu.memory_space<vmem>>, vector<1x16xf32>,
      %swap3A_109 = vector.shape_cast %swap3A_108 : vector<1x16xf32> to vector<16xf32>
      %swap3A_110 = vector.shape_cast %broadcast_in_dim3A_105 : vector<16xf32> to vector<1x16xf32>
      tpu.vector_store %arg11[%swap3A_106, %swap3A_107], %swap3A_110 {strides = array<i32>} : memref<128x64xf32, #tpu.memory_space<vmem>>, vector<1x16xf32>,
      %broadcast_in_dim3A_111 = arith.constant 0.000000e+00 : f32
      %broadcast_in_dim3A_112 = vector.broadcast %broadcast_in_dim3A_111 : f32 to vector<16xf32>
      %swap3A_113 = arith.index_cast %scan3A_97 : i32 to index
      %swap3A_114 = arith.constant 32 : index
      %swap3A_115 = tpu.vector_load %arg11[%swap3A_113, %swap3A_114] {strides = array<i32>} : memref<128x64xf32, #tpu.memory_space<vmem>>, vector<1x16xf32>,
      %swap3A_116 = vector.shape_cast %swap3A_115 : vector<1x16xf32> to vector<16xf32>
      %swap3A_117 = vector.shape_cast %broadcast_in_dim3A_112 : vector<16xf32> to vector<1x16xf32>
      tpu.vector_store %arg11[%swap3A_113, %swap3A_114], %swap3A_117 {strides = array<i32>} : memref<128x64xf32, #tpu.memory_space<vmem>>, vector<1x16xf32>,
      %broadcast_in_dim3A_118 = arith.constant 0.000000e+00 : f32
      %broadcast_in_dim3A_119 = vector.broadcast %broadcast_in_dim3A_118 : f32 to vector<16xf32>
      %swap3A_120 = arith.index_cast %scan3A_97 : i32 to index
      %swap3A_121 = arith.constant 48 : index
      %swap3A_122 = tpu.vector_load %arg11[%swap3A_120, %swap3A_121] {strides = array<i32>} : memref<128x64xf32, #tpu.memory_space<vmem>>, vector<1x16xf32>,
      %swap3A_123 = vector.shape_cast %swap3A_122 : vector<1x16xf32> to vector<16xf32>
      %swap3A_124 = vector.shape_cast %broadcast_in_dim3A_119 : vector<16xf32> to vector<1x16xf32>
      tpu.vector_store %arg11[%swap3A_120, %swap3A_121], %swap3A_124 {strides = array<i32>} : memref<128x64xf32, #tpu.memory_space<vmem>>, vector<1x16xf32>,
      %broadcast_in_dim3A_125 = arith.constant 0.000000e+00 : f32
      %broadcast_in_dim3A_126 = vector.broadcast %broadcast_in_dim3A_125 : f32 to vector<16xf32>
      %swap3A_127 = arith.index_cast %scan3A_97 : i32 to index
      %swap3A_128 = arith.constant 0 : index
      %swap3A_129 = tpu.vector_load %arg12[%swap3A_127, %swap3A_128] {strides = array<i32>} : memref<128x16xf32, #tpu.memory_space<vmem>>, vector<1x16xf32>,
      %swap3A_130 = vector.shape_cast %swap3A_129 : vector<1x16xf32> to vector<16xf32>
      %swap3A_131 = vector.shape_cast %broadcast_in_dim3A_126 : vector<16xf32> to vector<1x16xf32>
      tpu.vector_store %arg12[%swap3A_127, %swap3A_128], %swap3A_131 {strides = array<i32>} : memref<128x16xf32, #tpu.memory_space<vmem>>, vector<1x16xf32>,
      %scan3A_132 = arith.constant 0 : i32
      scf.yield %scan3A_132 : i32
    }
    %scan3A_6 = arith.constant 128 : i32
    %mul3A_7 = arith.constant 1024 : i32
    %mul3A_8 = arith.muli %arg1, %mul3A_7 : i32
    %add3A = arith.constant 0 : i32
    %add3A_9 = arith.addi %mul3A_8, %add3A : i32
    "tpu.region"() ({
      %run_scoped3A = tpu.sem_alloc : memref<!tpu.dma_semaphore, #tpu.memory_space<semaphore_mem>>
      %dma_start3A = arith.constant 0 : i32
      %dma_start3A_97 = tpu.memref_slice %arg6[%add3A_9, %dma_start3A] : memref<16392x64xf32, #tpu.memory_space<vmem_shared>> -> memref<128x64xf32, #tpu.memory_space<vmem_shared>>
      %dma_start3A_98 = arith.constant 0 : i32
      %dma_start3A_99 = tpu.memref_slice %arg6[%add3A_9, %dma_start3A_98] : memref<16392x64xf32, #tpu.memory_space<vmem_shared>> -> memref<128x64xf32, #tpu.memory_space<vmem_shared>>
      tpu.enqueue_dma source(%arg11 : memref<128x64xf32, #tpu.memory_space<vmem>>) target(%dma_start3A_99 : memref<128x64xf32, #tpu.memory_space<vmem_shared>>) target_semaphore(%run_scoped3A : memref<!tpu.dma_semaphore, #tpu.memory_space<semaphore_mem>>)
      %dma_wait3A = arith.constant 0 : i32
      %dma_wait3A_100 = tpu.memref_slice %arg6[%add3A_9, %dma_wait3A] : memref<16392x64xf32, #tpu.memory_space<vmem_shared>> -> memref<128x64xf32, #tpu.memory_space<vmem_shared>>
      %dma_wait3A_101 = arith.constant 0 : i32
      %dma_wait3A_102 = tpu.memref_slice %arg6[%add3A_9, %dma_wait3A_101] : memref<16392x64xf32, #tpu.memory_space<vmem_shared>> -> memref<128x64xf32, #tpu.memory_space<vmem_shared>>
      tpu.wait_dma2 semaphore(%run_scoped3A : memref<!tpu.dma_semaphore, #tpu.memory_space<semaphore_mem>>) src(%arg11 : memref<128x64xf32, #tpu.memory_space<vmem>>) dst(%dma_wait3A_102 : memref<128x64xf32, #tpu.memory_space<vmem_shared>>)
      tpu.yield
    }) : () -> ()
    %mul3A_10 = arith.constant 1024 : i32
    %mul3A_11 = arith.muli %arg1, %mul3A_10 : i32
    %add3A_12 = arith.constant 0 : i32
    %add3A_13 = arith.addi %mul3A_11, %add3A_12 : i32
    "tpu.region"() ({
      %run_scoped3A = tpu.sem_alloc : memref<!tpu.dma_semaphore, #tpu.memory_space<semaphore_mem>>
      %dma_start3A = arith.constant 0 : i32
      %dma_start3A_97 = tpu.memref_slice %arg7[%add3A_13, %dma_start3A] : memref<16392x16xf32, #tpu.memory_space<vmem_shared>> -> memref<128x16xf32, #tpu.memory_space<vmem_shared>>
      %dma_start3A_98 = arith.constant 0 : i32
      %dma_start3A_99 = tpu.memref_slice %arg7[%add3A_13, %dma_start3A_98] : memref<16392x16xf32, #tpu.memory_space<vmem_shared>> -> memref<128x16xf32, #tpu.memory_space<vmem_shared>>
      tpu.enqueue_dma source(%arg12 : memref<128x16xf32, #tpu.memory_space<vmem>>) target(%dma_start3A_99 : memref<128x16xf32, #tpu.memory_space<vmem_shared>>) target_semaphore(%run_scoped3A : memref<!tpu.dma_semaphore, #tpu.memory_space<semaphore_mem>>)
      %dma_wait3A = arith.constant 0 : i32
      %dma_wait3A_100 = tpu.memref_slice %arg7[%add3A_13, %dma_wait3A] : memref<16392x16xf32, #tpu.memory_space<vmem_shared>> -> memref<128x16xf32, #tpu.memory_space<vmem_shared>>
      %dma_wait3A_101 = arith.constant 0 : i32
      %dma_wait3A_102 = tpu.memref_slice %arg7[%add3A_13, %dma_wait3A_101] : memref<16392x16xf32, #tpu.memory_space<vmem_shared>> -> memref<128x16xf32, #tpu.memory_space<vmem_shared>>
      tpu.wait_dma2 semaphore(%run_scoped3A : memref<!tpu.dma_semaphore, #tpu.memory_space<semaphore_mem>>) src(%arg12 : memref<128x16xf32, #tpu.memory_space<vmem>>) dst(%dma_wait3A_102 : memref<128x16xf32, #tpu.memory_space<vmem_shared>>)
      tpu.yield
    }) : () -> ()
    %mul3A_14 = arith.constant 1024 : i32
    %mul3A_15 = arith.muli %arg1, %mul3A_14 : i32
    %add3A_16 = arith.constant 128 : i32
    %add3A_17 = arith.addi %mul3A_15, %add3A_16 : i32
    "tpu.region"() ({
      %run_scoped3A = tpu.sem_alloc : memref<!tpu.dma_semaphore, #tpu.memory_space<semaphore_mem>>
      %dma_start3A = arith.constant 0 : i32
      %dma_start3A_97 = tpu.memref_slice %arg6[%add3A_17, %dma_start3A] : memref<16392x64xf32, #tpu.memory_space<vmem_shared>> -> memref<128x64xf32, #tpu.memory_space<vmem_shared>>
      %dma_start3A_98 = arith.constant 0 : i32
      %dma_start3A_99 = tpu.memref_slice %arg6[%add3A_17, %dma_start3A_98] : memref<16392x64xf32, #tpu.memory_space<vmem_shared>> -> memref<128x64xf32, #tpu.memory_space<vmem_shared>>
      tpu.enqueue_dma source(%arg11 : memref<128x64xf32, #tpu.memory_space<vmem>>) target(%dma_start3A_99 : memref<128x64xf32, #tpu.memory_space<vmem_shared>>) target_semaphore(%run_scoped3A : memref<!tpu.dma_semaphore, #tpu.memory_space<semaphore_mem>>)
      %dma_wait3A = arith.constant 0 : i32
      %dma_wait3A_100 = tpu.memref_slice %arg6[%add3A_17, %dma_wait3A] : memref<16392x64xf32, #tpu.memory_space<vmem_shared>> -> memref<128x64xf32, #tpu.memory_space<vmem_shared>>
      %dma_wait3A_101 = arith.constant 0 : i32
      %dma_wait3A_102 = tpu.memref_slice %arg6[%add3A_17, %dma_wait3A_101] : memref<16392x64xf32, #tpu.memory_space<vmem_shared>> -> memref<128x64xf32, #tpu.memory_space<vmem_shared>>
      tpu.wait_dma2 semaphore(%run_scoped3A : memref<!tpu.dma_semaphore, #tpu.memory_space<semaphore_mem>>) src(%arg11 : memref<128x64xf32, #tpu.memory_space<vmem>>) dst(%dma_wait3A_102 : memref<128x64xf32, #tpu.memory_space<vmem_shared>>)
      tpu.yield
    }) : () -> ()
    %mul3A_18 = arith.constant 1024 : i32
    %mul3A_19 = arith.muli %arg1, %mul3A_18 : i32
    %add3A_20 = arith.constant 128 : i32
    %add3A_21 = arith.addi %mul3A_19, %add3A_20 : i32
    "tpu.region"() ({
      %run_scoped3A = tpu.sem_alloc : memref<!tpu.dma_semaphore, #tpu.memory_space<semaphore_mem>>
      %dma_start3A = arith.constant 0 : i32
      %dma_start3A_97 = tpu.memref_slice %arg7[%add3A_21, %dma_start3A] : memref<16392x16xf32, #tpu.memory_space<vmem_shared>> -> memref<128x16xf32, #tpu.memory_space<vmem_shared>>
      %dma_start3A_98 = arith.constant 0 : i32
      %dma_start3A_99 = tpu.memref_slice %arg7[%add3A_21, %dma_start3A_98] : memref<16392x16xf32, #tpu.memory_space<vmem_shared>> -> memref<128x16xf32, #tpu.memory_space<vmem_shared>>
      tpu.enqueue_dma source(%arg12 : memref<128x16xf32, #tpu.memory_space<vmem>>) target(%dma_start3A_99 : memref<128x16xf32, #tpu.memory_space<vmem_shared>>) target_semaphore(%run_scoped3A : memref<!tpu.dma_semaphore, #tpu.memory_space<semaphore_mem>>)
      %dma_wait3A = arith.constant 0 : i32
      %dma_wait3A_100 = tpu.memref_slice %arg7[%add3A_21, %dma_wait3A] : memref<16392x16xf32, #tpu.memory_space<vmem_shared>> -> memref<128x16xf32, #tpu.memory_space<vmem_shared>>
      %dma_wait3A_101 = arith.constant 0 : i32
      %dma_wait3A_102 = tpu.memref_slice %arg7[%add3A_21, %dma_wait3A_101] : memref<16392x16xf32, #tpu.memory_space<vmem_shared>> -> memref<128x16xf32, #tpu.memory_space<vmem_shared>>
      tpu.wait_dma2 semaphore(%run_scoped3A : memref<!tpu.dma_semaphore, #tpu.memory_space<semaphore_mem>>) src(%arg12 : memref<128x16xf32, #tpu.memory_space<vmem>>) dst(%dma_wait3A_102 : memref<128x16xf32, #tpu.memory_space<vmem_shared>>)
      tpu.yield
    }) : () -> ()
    %mul3A_22 = arith.constant 1024 : i32
    %mul3A_23 = arith.muli %arg1, %mul3A_22 : i32
    %add3A_24 = arith.constant 256 : i32
    %add3A_25 = arith.addi %mul3A_23, %add3A_24 : i32
    "tpu.region"() ({
      %run_scoped3A = tpu.sem_alloc : memref<!tpu.dma_semaphore, #tpu.memory_space<semaphore_mem>>
      %dma_start3A = arith.constant 0 : i32
      %dma_start3A_97 = tpu.memref_slice %arg6[%add3A_25, %dma_start3A] : memref<16392x64xf32, #tpu.memory_space<vmem_shared>> -> memref<128x64xf32, #tpu.memory_space<vmem_shared>>
      %dma_start3A_98 = arith.constant 0 : i32
      %dma_start3A_99 = tpu.memref_slice %arg6[%add3A_25, %dma_start3A_98] : memref<16392x64xf32, #tpu.memory_space<vmem_shared>> -> memref<128x64xf32, #tpu.memory_space<vmem_shared>>
      tpu.enqueue_dma source(%arg11 : memref<128x64xf32, #tpu.memory_space<vmem>>) target(%dma_start3A_99 : memref<128x64xf32, #tpu.memory_space<vmem_shared>>) target_semaphore(%run_scoped3A : memref<!tpu.dma_semaphore, #tpu.memory_space<semaphore_mem>>)
      %dma_wait3A = arith.constant 0 : i32
      %dma_wait3A_100 = tpu.memref_slice %arg6[%add3A_25, %dma_wait3A] : memref<16392x64xf32, #tpu.memory_space<vmem_shared>> -> memref<128x64xf32, #tpu.memory_space<vmem_shared>>
      %dma_wait3A_101 = arith.constant 0 : i32
      %dma_wait3A_102 = tpu.memref_slice %arg6[%add3A_25, %dma_wait3A_101] : memref<16392x64xf32, #tpu.memory_space<vmem_shared>> -> memref<128x64xf32, #tpu.memory_space<vmem_shared>>
      tpu.wait_dma2 semaphore(%run_scoped3A : memref<!tpu.dma_semaphore, #tpu.memory_space<semaphore_mem>>) src(%arg11 : memref<128x64xf32, #tpu.memory_space<vmem>>) dst(%dma_wait3A_102 : memref<128x64xf32, #tpu.memory_space<vmem_shared>>)
      tpu.yield
    }) : () -> ()
    %mul3A_26 = arith.constant 1024 : i32
    %mul3A_27 = arith.muli %arg1, %mul3A_26 : i32
    %add3A_28 = arith.constant 256 : i32
    %add3A_29 = arith.addi %mul3A_27, %add3A_28 : i32
    "tpu.region"() ({
      %run_scoped3A = tpu.sem_alloc : memref<!tpu.dma_semaphore, #tpu.memory_space<semaphore_mem>>
      %dma_start3A = arith.constant 0 : i32
      %dma_start3A_97 = tpu.memref_slice %arg7[%add3A_29, %dma_start3A] : memref<16392x16xf32, #tpu.memory_space<vmem_shared>> -> memref<128x16xf32, #tpu.memory_space<vmem_shared>>
      %dma_start3A_98 = arith.constant 0 : i32
      %dma_start3A_99 = tpu.memref_slice %arg7[%add3A_29, %dma_start3A_98] : memref<16392x16xf32, #tpu.memory_space<vmem_shared>> -> memref<128x16xf32, #tpu.memory_space<vmem_shared>>
      tpu.enqueue_dma source(%arg12 : memref<128x16xf32, #tpu.memory_space<vmem>>) target(%dma_start3A_99 : memref<128x16xf32, #tpu.memory_space<vmem_shared>>) target_semaphore(%run_scoped3A : memref<!tpu.dma_semaphore, #tpu.memory_space<semaphore_mem>>)
      %dma_wait3A = arith.constant 0 : i32
      %dma_wait3A_100 = tpu.memref_slice %arg7[%add3A_29, %dma_wait3A] : memref<16392x16xf32, #tpu.memory_space<vmem_shared>> -> memref<128x16xf32, #tpu.memory_space<vmem_shared>>
      %dma_wait3A_101 = arith.constant 0 : i32
      %dma_wait3A_102 = tpu.memref_slice %arg7[%add3A_29, %dma_wait3A_101] : memref<16392x16xf32, #tpu.memory_space<vmem_shared>> -> memref<128x16xf32, #tpu.memory_space<vmem_shared>>
      tpu.wait_dma2 semaphore(%run_scoped3A : memref<!tpu.dma_semaphore, #tpu.memory_space<semaphore_mem>>) src(%arg12 : memref<128x16xf32, #tpu.memory_space<vmem>>) dst(%dma_wait3A_102 : memref<128x16xf32, #tpu.memory_space<vmem_shared>>)
      tpu.yield
    }) : () -> ()
    %mul3A_30 = arith.constant 1024 : i32
    %mul3A_31 = arith.muli %arg1, %mul3A_30 : i32
    %add3A_32 = arith.constant 384 : i32
    %add3A_33 = arith.addi %mul3A_31, %add3A_32 : i32
    "tpu.region"() ({
      %run_scoped3A = tpu.sem_alloc : memref<!tpu.dma_semaphore, #tpu.memory_space<semaphore_mem>>
      %dma_start3A = arith.constant 0 : i32
      %dma_start3A_97 = tpu.memref_slice %arg6[%add3A_33, %dma_start3A] : memref<16392x64xf32, #tpu.memory_space<vmem_shared>> -> memref<128x64xf32, #tpu.memory_space<vmem_shared>>
      %dma_start3A_98 = arith.constant 0 : i32
      %dma_start3A_99 = tpu.memref_slice %arg6[%add3A_33, %dma_start3A_98] : memref<16392x64xf32, #tpu.memory_space<vmem_shared>> -> memref<128x64xf32, #tpu.memory_space<vmem_shared>>
      tpu.enqueue_dma source(%arg11 : memref<128x64xf32, #tpu.memory_space<vmem>>) target(%dma_start3A_99 : memref<128x64xf32, #tpu.memory_space<vmem_shared>>) target_semaphore(%run_scoped3A : memref<!tpu.dma_semaphore, #tpu.memory_space<semaphore_mem>>)
      %dma_wait3A = arith.constant 0 : i32
      %dma_wait3A_100 = tpu.memref_slice %arg6[%add3A_33, %dma_wait3A] : memref<16392x64xf32, #tpu.memory_space<vmem_shared>> -> memref<128x64xf32, #tpu.memory_space<vmem_shared>>
      %dma_wait3A_101 = arith.constant 0 : i32
      %dma_wait3A_102 = tpu.memref_slice %arg6[%add3A_33, %dma_wait3A_101] : memref<16392x64xf32, #tpu.memory_space<vmem_shared>> -> memref<128x64xf32, #tpu.memory_space<vmem_shared>>
      tpu.wait_dma2 semaphore(%run_scoped3A : memref<!tpu.dma_semaphore, #tpu.memory_space<semaphore_mem>>) src(%arg11 : memref<128x64xf32, #tpu.memory_space<vmem>>) dst(%dma_wait3A_102 : memref<128x64xf32, #tpu.memory_space<vmem_shared>>)
      tpu.yield
    }) : () -> ()
    %mul3A_34 = arith.constant 1024 : i32
    %mul3A_35 = arith.muli %arg1, %mul3A_34 : i32
    %add3A_36 = arith.constant 384 : i32
    %add3A_37 = arith.addi %mul3A_35, %add3A_36 : i32
    "tpu.region"() ({
      %run_scoped3A = tpu.sem_alloc : memref<!tpu.dma_semaphore, #tpu.memory_space<semaphore_mem>>
      %dma_start3A = arith.constant 0 : i32
      %dma_start3A_97 = tpu.memref_slice %arg7[%add3A_37, %dma_start3A] : memref<16392x16xf32, #tpu.memory_space<vmem_shared>> -> memref<128x16xf32, #tpu.memory_space<vmem_shared>>
      %dma_start3A_98 = arith.constant 0 : i32
      %dma_start3A_99 = tpu.memref_slice %arg7[%add3A_37, %dma_start3A_98] : memref<16392x16xf32, #tpu.memory_space<vmem_shared>> -> memref<128x16xf32, #tpu.memory_space<vmem_shared>>
      tpu.enqueue_dma source(%arg12 : memref<128x16xf32, #tpu.memory_space<vmem>>) target(%dma_start3A_99 : memref<128x16xf32, #tpu.memory_space<vmem_shared>>) target_semaphore(%run_scoped3A : memref<!tpu.dma_semaphore, #tpu.memory_space<semaphore_mem>>)
      %dma_wait3A = arith.constant 0 : i32
      %dma_wait3A_100 = tpu.memref_slice %arg7[%add3A_37, %dma_wait3A] : memref<16392x16xf32, #tpu.memory_space<vmem_shared>> -> memref<128x16xf32, #tpu.memory_space<vmem_shared>>
      %dma_wait3A_101 = arith.constant 0 : i32
      %dma_wait3A_102 = tpu.memref_slice %arg7[%add3A_37, %dma_wait3A_101] : memref<16392x16xf32, #tpu.memory_space<vmem_shared>> -> memref<128x16xf32, #tpu.memory_space<vmem_shared>>
      tpu.wait_dma2 semaphore(%run_scoped3A : memref<!tpu.dma_semaphore, #tpu.memory_space<semaphore_mem>>) src(%arg12 : memref<128x16xf32, #tpu.memory_space<vmem>>) dst(%dma_wait3A_102 : memref<128x16xf32, #tpu.memory_space<vmem_shared>>)
      tpu.yield
    }) : () -> ()
    %mul3A_38 = arith.constant 1024 : i32
    %mul3A_39 = arith.muli %arg1, %mul3A_38 : i32
    %add3A_40 = arith.constant 512 : i32
    %add3A_41 = arith.addi %mul3A_39, %add3A_40 : i32
    "tpu.region"() ({
      %run_scoped3A = tpu.sem_alloc : memref<!tpu.dma_semaphore, #tpu.memory_space<semaphore_mem>>
      %dma_start3A = arith.constant 0 : i32
      %dma_start3A_97 = tpu.memref_slice %arg6[%add3A_41, %dma_start3A] : memref<16392x64xf32, #tpu.memory_space<vmem_shared>> -> memref<128x64xf32, #tpu.memory_space<vmem_shared>>
      %dma_start3A_98 = arith.constant 0 : i32
      %dma_start3A_99 = tpu.memref_slice %arg6[%add3A_41, %dma_start3A_98] : memref<16392x64xf32, #tpu.memory_space<vmem_shared>> -> memref<128x64xf32, #tpu.memory_space<vmem_shared>>
      tpu.enqueue_dma source(%arg11 : memref<128x64xf32, #tpu.memory_space<vmem>>) target(%dma_start3A_99 : memref<128x64xf32, #tpu.memory_space<vmem_shared>>) target_semaphore(%run_scoped3A : memref<!tpu.dma_semaphore, #tpu.memory_space<semaphore_mem>>)
      %dma_wait3A = arith.constant 0 : i32
      %dma_wait3A_100 = tpu.memref_slice %arg6[%add3A_41, %dma_wait3A] : memref<16392x64xf32, #tpu.memory_space<vmem_shared>> -> memref<128x64xf32, #tpu.memory_space<vmem_shared>>
      %dma_wait3A_101 = arith.constant 0 : i32
      %dma_wait3A_102 = tpu.memref_slice %arg6[%add3A_41, %dma_wait3A_101] : memref<16392x64xf32, #tpu.memory_space<vmem_shared>> -> memref<128x64xf32, #tpu.memory_space<vmem_shared>>
      tpu.wait_dma2 semaphore(%run_scoped3A : memref<!tpu.dma_semaphore, #tpu.memory_space<semaphore_mem>>) src(%arg11 : memref<128x64xf32, #tpu.memory_space<vmem>>) dst(%dma_wait3A_102 : memref<128x64xf32, #tpu.memory_space<vmem_shared>>)
      tpu.yield
    }) : () -> ()
    %mul3A_42 = arith.constant 1024 : i32
    %mul3A_43 = arith.muli %arg1, %mul3A_42 : i32
    %add3A_44 = arith.constant 512 : i32
    %add3A_45 = arith.addi %mul3A_43, %add3A_44 : i32
    "tpu.region"() ({
      %run_scoped3A = tpu.sem_alloc : memref<!tpu.dma_semaphore, #tpu.memory_space<semaphore_mem>>
      %dma_start3A = arith.constant 0 : i32
      %dma_start3A_97 = tpu.memref_slice %arg7[%add3A_45, %dma_start3A] : memref<16392x16xf32, #tpu.memory_space<vmem_shared>> -> memref<128x16xf32, #tpu.memory_space<vmem_shared>>
      %dma_start3A_98 = arith.constant 0 : i32
      %dma_start3A_99 = tpu.memref_slice %arg7[%add3A_45, %dma_start3A_98] : memref<16392x16xf32, #tpu.memory_space<vmem_shared>> -> memref<128x16xf32, #tpu.memory_space<vmem_shared>>
      tpu.enqueue_dma source(%arg12 : memref<128x16xf32, #tpu.memory_space<vmem>>) target(%dma_start3A_99 : memref<128x16xf32, #tpu.memory_space<vmem_shared>>) target_semaphore(%run_scoped3A : memref<!tpu.dma_semaphore, #tpu.memory_space<semaphore_mem>>)
      %dma_wait3A = arith.constant 0 : i32
      %dma_wait3A_100 = tpu.memref_slice %arg7[%add3A_45, %dma_wait3A] : memref<16392x16xf32, #tpu.memory_space<vmem_shared>> -> memref<128x16xf32, #tpu.memory_space<vmem_shared>>
      %dma_wait3A_101 = arith.constant 0 : i32
      %dma_wait3A_102 = tpu.memref_slice %arg7[%add3A_45, %dma_wait3A_101] : memref<16392x16xf32, #tpu.memory_space<vmem_shared>> -> memref<128x16xf32, #tpu.memory_space<vmem_shared>>
      tpu.wait_dma2 semaphore(%run_scoped3A : memref<!tpu.dma_semaphore, #tpu.memory_space<semaphore_mem>>) src(%arg12 : memref<128x16xf32, #tpu.memory_space<vmem>>) dst(%dma_wait3A_102 : memref<128x16xf32, #tpu.memory_space<vmem_shared>>)
      tpu.yield
    }) : () -> ()
    %mul3A_46 = arith.constant 1024 : i32
    %mul3A_47 = arith.muli %arg1, %mul3A_46 : i32
    %add3A_48 = arith.constant 640 : i32
    %add3A_49 = arith.addi %mul3A_47, %add3A_48 : i32
    "tpu.region"() ({
      %run_scoped3A = tpu.sem_alloc : memref<!tpu.dma_semaphore, #tpu.memory_space<semaphore_mem>>
      %dma_start3A = arith.constant 0 : i32
      %dma_start3A_97 = tpu.memref_slice %arg6[%add3A_49, %dma_start3A] : memref<16392x64xf32, #tpu.memory_space<vmem_shared>> -> memref<128x64xf32, #tpu.memory_space<vmem_shared>>
      %dma_start3A_98 = arith.constant 0 : i32
      %dma_start3A_99 = tpu.memref_slice %arg6[%add3A_49, %dma_start3A_98] : memref<16392x64xf32, #tpu.memory_space<vmem_shared>> -> memref<128x64xf32, #tpu.memory_space<vmem_shared>>
      tpu.enqueue_dma source(%arg11 : memref<128x64xf32, #tpu.memory_space<vmem>>) target(%dma_start3A_99 : memref<128x64xf32, #tpu.memory_space<vmem_shared>>) target_semaphore(%run_scoped3A : memref<!tpu.dma_semaphore, #tpu.memory_space<semaphore_mem>>)
      %dma_wait3A = arith.constant 0 : i32
      %dma_wait3A_100 = tpu.memref_slice %arg6[%add3A_49, %dma_wait3A] : memref<16392x64xf32, #tpu.memory_space<vmem_shared>> -> memref<128x64xf32, #tpu.memory_space<vmem_shared>>
      %dma_wait3A_101 = arith.constant 0 : i32
      %dma_wait3A_102 = tpu.memref_slice %arg6[%add3A_49, %dma_wait3A_101] : memref<16392x64xf32, #tpu.memory_space<vmem_shared>> -> memref<128x64xf32, #tpu.memory_space<vmem_shared>>
      tpu.wait_dma2 semaphore(%run_scoped3A : memref<!tpu.dma_semaphore, #tpu.memory_space<semaphore_mem>>) src(%arg11 : memref<128x64xf32, #tpu.memory_space<vmem>>) dst(%dma_wait3A_102 : memref<128x64xf32, #tpu.memory_space<vmem_shared>>)
      tpu.yield
    }) : () -> ()
    %mul3A_50 = arith.constant 1024 : i32
    %mul3A_51 = arith.muli %arg1, %mul3A_50 : i32
    %add3A_52 = arith.constant 640 : i32
    %add3A_53 = arith.addi %mul3A_51, %add3A_52 : i32
    "tpu.region"() ({
      %run_scoped3A = tpu.sem_alloc : memref<!tpu.dma_semaphore, #tpu.memory_space<semaphore_mem>>
      %dma_start3A = arith.constant 0 : i32
      %dma_start3A_97 = tpu.memref_slice %arg7[%add3A_53, %dma_start3A] : memref<16392x16xf32, #tpu.memory_space<vmem_shared>> -> memref<128x16xf32, #tpu.memory_space<vmem_shared>>
      %dma_start3A_98 = arith.constant 0 : i32
      %dma_start3A_99 = tpu.memref_slice %arg7[%add3A_53, %dma_start3A_98] : memref<16392x16xf32, #tpu.memory_space<vmem_shared>> -> memref<128x16xf32, #tpu.memory_space<vmem_shared>>
      tpu.enqueue_dma source(%arg12 : memref<128x16xf32, #tpu.memory_space<vmem>>) target(%dma_start3A_99 : memref<128x16xf32, #tpu.memory_space<vmem_shared>>) target_semaphore(%run_scoped3A : memref<!tpu.dma_semaphore, #tpu.memory_space<semaphore_mem>>)
      %dma_wait3A = arith.constant 0 : i32
      %dma_wait3A_100 = tpu.memref_slice %arg7[%add3A_53, %dma_wait3A] : memref<16392x16xf32, #tpu.memory_space<vmem_shared>> -> memref<128x16xf32, #tpu.memory_space<vmem_shared>>
      %dma_wait3A_101 = arith.constant 0 : i32
      %dma_wait3A_102 = tpu.memref_slice %arg7[%add3A_53, %dma_wait3A_101] : memref<16392x16xf32, #tpu.memory_space<vmem_shared>> -> memref<128x16xf32, #tpu.memory_space<vmem_shared>>
      tpu.wait_dma2 semaphore(%run_scoped3A : memref<!tpu.dma_semaphore, #tpu.memory_space<semaphore_mem>>) src(%arg12 : memref<128x16xf32, #tpu.memory_space<vmem>>) dst(%dma_wait3A_102 : memref<128x16xf32, #tpu.memory_space<vmem_shared>>)
      tpu.yield
    }) : () -> ()
    %mul3A_54 = arith.constant 1024 : i32
    %mul3A_55 = arith.muli %arg1, %mul3A_54 : i32
    %add3A_56 = arith.constant 768 : i32
    %add3A_57 = arith.addi %mul3A_55, %add3A_56 : i32
    "tpu.region"() ({
      %run_scoped3A = tpu.sem_alloc : memref<!tpu.dma_semaphore, #tpu.memory_space<semaphore_mem>>
      %dma_start3A = arith.constant 0 : i32
      %dma_start3A_97 = tpu.memref_slice %arg6[%add3A_57, %dma_start3A] : memref<16392x64xf32, #tpu.memory_space<vmem_shared>> -> memref<128x64xf32, #tpu.memory_space<vmem_shared>>
      %dma_start3A_98 = arith.constant 0 : i32
      %dma_start3A_99 = tpu.memref_slice %arg6[%add3A_57, %dma_start3A_98] : memref<16392x64xf32, #tpu.memory_space<vmem_shared>> -> memref<128x64xf32, #tpu.memory_space<vmem_shared>>
      tpu.enqueue_dma source(%arg11 : memref<128x64xf32, #tpu.memory_space<vmem>>) target(%dma_start3A_99 : memref<128x64xf32, #tpu.memory_space<vmem_shared>>) target_semaphore(%run_scoped3A : memref<!tpu.dma_semaphore, #tpu.memory_space<semaphore_mem>>)
      %dma_wait3A = arith.constant 0 : i32
      %dma_wait3A_100 = tpu.memref_slice %arg6[%add3A_57, %dma_wait3A] : memref<16392x64xf32, #tpu.memory_space<vmem_shared>> -> memref<128x64xf32, #tpu.memory_space<vmem_shared>>
      %dma_wait3A_101 = arith.constant 0 : i32
      %dma_wait3A_102 = tpu.memref_slice %arg6[%add3A_57, %dma_wait3A_101] : memref<16392x64xf32, #tpu.memory_space<vmem_shared>> -> memref<128x64xf32, #tpu.memory_space<vmem_shared>>
      tpu.wait_dma2 semaphore(%run_scoped3A : memref<!tpu.dma_semaphore, #tpu.memory_space<semaphore_mem>>) src(%arg11 : memref<128x64xf32, #tpu.memory_space<vmem>>) dst(%dma_wait3A_102 : memref<128x64xf32, #tpu.memory_space<vmem_shared>>)
      tpu.yield
    }) : () -> ()
    %mul3A_58 = arith.constant 1024 : i32
    %mul3A_59 = arith.muli %arg1, %mul3A_58 : i32
    %add3A_60 = arith.constant 768 : i32
    %add3A_61 = arith.addi %mul3A_59, %add3A_60 : i32
    "tpu.region"() ({
      %run_scoped3A = tpu.sem_alloc : memref<!tpu.dma_semaphore, #tpu.memory_space<semaphore_mem>>
      %dma_start3A = arith.constant 0 : i32
      %dma_start3A_97 = tpu.memref_slice %arg7[%add3A_61, %dma_start3A] : memref<16392x16xf32, #tpu.memory_space<vmem_shared>> -> memref<128x16xf32, #tpu.memory_space<vmem_shared>>
      %dma_start3A_98 = arith.constant 0 : i32
      %dma_start3A_99 = tpu.memref_slice %arg7[%add3A_61, %dma_start3A_98] : memref<16392x16xf32, #tpu.memory_space<vmem_shared>> -> memref<128x16xf32, #tpu.memory_space<vmem_shared>>
      tpu.enqueue_dma source(%arg12 : memref<128x16xf32, #tpu.memory_space<vmem>>) target(%dma_start3A_99 : memref<128x16xf32, #tpu.memory_space<vmem_shared>>) target_semaphore(%run_scoped3A : memref<!tpu.dma_semaphore, #tpu.memory_space<semaphore_mem>>)
      %dma_wait3A = arith.constant 0 : i32
      %dma_wait3A_100 = tpu.memref_slice %arg7[%add3A_61, %dma_wait3A] : memref<16392x16xf32, #tpu.memory_space<vmem_shared>> -> memref<128x16xf32, #tpu.memory_space<vmem_shared>>
      %dma_wait3A_101 = arith.constant 0 : i32
      %dma_wait3A_102 = tpu.memref_slice %arg7[%add3A_61, %dma_wait3A_101] : memref<16392x16xf32, #tpu.memory_space<vmem_shared>> -> memref<128x16xf32, #tpu.memory_space<vmem_shared>>
      tpu.wait_dma2 semaphore(%run_scoped3A : memref<!tpu.dma_semaphore, #tpu.memory_space<semaphore_mem>>) src(%arg12 : memref<128x16xf32, #tpu.memory_space<vmem>>) dst(%dma_wait3A_102 : memref<128x16xf32, #tpu.memory_space<vmem_shared>>)
      tpu.yield
    }) : () -> ()
    %mul3A_62 = arith.constant 1024 : i32
    %mul3A_63 = arith.muli %arg1, %mul3A_62 : i32
    %add3A_64 = arith.constant 896 : i32
    %add3A_65 = arith.addi %mul3A_63, %add3A_64 : i32
    "tpu.region"() ({
      %run_scoped3A = tpu.sem_alloc : memref<!tpu.dma_semaphore, #tpu.memory_space<semaphore_mem>>
      %dma_start3A = arith.constant 0 : i32
      %dma_start3A_97 = tpu.memref_slice %arg6[%add3A_65, %dma_start3A] : memref<16392x64xf32, #tpu.memory_space<vmem_shared>> -> memref<128x64xf32, #tpu.memory_space<vmem_shared>>
      %dma_start3A_98 = arith.constant 0 : i32
      %dma_start3A_99 = tpu.memref_slice %arg6[%add3A_65, %dma_start3A_98] : memref<16392x64xf32, #tpu.memory_space<vmem_shared>> -> memref<128x64xf32, #tpu.memory_space<vmem_shared>>
      tpu.enqueue_dma source(%arg11 : memref<128x64xf32, #tpu.memory_space<vmem>>) target(%dma_start3A_99 : memref<128x64xf32, #tpu.memory_space<vmem_shared>>) target_semaphore(%run_scoped3A : memref<!tpu.dma_semaphore, #tpu.memory_space<semaphore_mem>>)
      %dma_wait3A = arith.constant 0 : i32
      %dma_wait3A_100 = tpu.memref_slice %arg6[%add3A_65, %dma_wait3A] : memref<16392x64xf32, #tpu.memory_space<vmem_shared>> -> memref<128x64xf32, #tpu.memory_space<vmem_shared>>
      %dma_wait3A_101 = arith.constant 0 : i32
      %dma_wait3A_102 = tpu.memref_slice %arg6[%add3A_65, %dma_wait3A_101] : memref<16392x64xf32, #tpu.memory_space<vmem_shared>> -> memref<128x64xf32, #tpu.memory_space<vmem_shared>>
      tpu.wait_dma2 semaphore(%run_scoped3A : memref<!tpu.dma_semaphore, #tpu.memory_space<semaphore_mem>>) src(%arg11 : memref<128x64xf32, #tpu.memory_space<vmem>>) dst(%dma_wait3A_102 : memref<128x64xf32, #tpu.memory_space<vmem_shared>>)
      tpu.yield
    }) : () -> ()
    %mul3A_66 = arith.constant 1024 : i32
    %mul3A_67 = arith.muli %arg1, %mul3A_66 : i32
    %add3A_68 = arith.constant 896 : i32
    %add3A_69 = arith.addi %mul3A_67, %add3A_68 : i32
    "tpu.region"() ({
      %run_scoped3A = tpu.sem_alloc : memref<!tpu.dma_semaphore, #tpu.memory_space<semaphore_mem>>
      %dma_start3A = arith.constant 0 : i32
      %dma_start3A_97 = tpu.memref_slice %arg7[%add3A_69, %dma_start3A] : memref<16392x16xf32, #tpu.memory_space<vmem_shared>> -> memref<128x16xf32, #tpu.memory_space<vmem_shared>>
      %dma_start3A_98 = arith.constant 0 : i32
      %dma_start3A_99 = tpu.memref_slice %arg7[%add3A_69, %dma_start3A_98] : memref<16392x16xf32, #tpu.memory_space<vmem_shared>> -> memref<128x16xf32, #tpu.memory_space<vmem_shared>>
      tpu.enqueue_dma source(%arg12 : memref<128x16xf32, #tpu.memory_space<vmem>>) target(%dma_start3A_99 : memref<128x16xf32, #tpu.memory_space<vmem_shared>>) target_semaphore(%run_scoped3A : memref<!tpu.dma_semaphore, #tpu.memory_space<semaphore_mem>>)
      %dma_wait3A = arith.constant 0 : i32
      %dma_wait3A_100 = tpu.memref_slice %arg7[%add3A_69, %dma_wait3A] : memref<16392x16xf32, #tpu.memory_space<vmem_shared>> -> memref<128x16xf32, #tpu.memory_space<vmem_shared>>
      %dma_wait3A_101 = arith.constant 0 : i32
      %dma_wait3A_102 = tpu.memref_slice %arg7[%add3A_69, %dma_wait3A_101] : memref<16392x16xf32, #tpu.memory_space<vmem_shared>> -> memref<128x16xf32, #tpu.memory_space<vmem_shared>>
      tpu.wait_dma2 semaphore(%run_scoped3A : memref<!tpu.dma_semaphore, #tpu.memory_space<semaphore_mem>>) src(%arg12 : memref<128x16xf32, #tpu.memory_space<vmem>>) dst(%dma_wait3A_102 : memref<128x16xf32, #tpu.memory_space<vmem_shared>>)
      tpu.yield
    }) : () -> ()
    %eq3A = arith.constant 0 : i32
    %eq3A_70 = arith.cmpi eq, %arg1, %eq3A : i32
    %convert_element_type3A = arith.extui %eq3A_70 : i1 to i32
    %cond3A = arith.constant 0 : i32
    %cond3A_71 = arith.cmpi ne, %convert_element_type3A, %cond3A : i32
    scf.if %cond3A_71 {
      "tpu.region"() ({
        %run_scoped3A = tpu.sem_alloc : memref<!tpu.dma_semaphore, #tpu.memory_space<semaphore_mem>>
        %dma_start3A = arith.constant 0 : i32
        %dma_start3A_97 = arith.constant 0 : i32
        %dma_start3A_98 = tpu.memref_slice %arg11[%dma_start3A, %dma_start3A_97] : memref<128x64xf32, #tpu.memory_space<vmem>> -> memref<8x64xf32, #tpu.memory_space<vmem>>
        %dma_start3A_99 = arith.constant 16384 : i32
        %dma_start3A_100 = arith.constant 0 : i32
        %dma_start3A_101 = tpu.memref_slice %arg6[%dma_start3A_99, %dma_start3A_100] : memref<16392x64xf32, #tpu.memory_space<vmem_shared>> -> memref<8x64xf32, #tpu.memory_space<vmem_shared>>
        %dma_start3A_102 = arith.constant 16384 : i32
        %dma_start3A_103 = arith.constant 0 : i32
        %dma_start3A_104 = tpu.memref_slice %arg6[%dma_start3A_102, %dma_start3A_103] : memref<16392x64xf32, #tpu.memory_space<vmem_shared>> -> memref<8x64xf32, #tpu.memory_space<vmem_shared>>
        %dma_start3A_105 = arith.constant 0 : i32
        %dma_start3A_106 = arith.constant 0 : i32
        %dma_start3A_107 = tpu.memref_slice %arg11[%dma_start3A_105, %dma_start3A_106] : memref<128x64xf32, #tpu.memory_space<vmem>> -> memref<8x64xf32, #tpu.memory_space<vmem>>
        tpu.enqueue_dma source(%dma_start3A_107 : memref<8x64xf32, #tpu.memory_space<vmem>>) target(%dma_start3A_104 : memref<8x64xf32, #tpu.memory_space<vmem_shared>>) target_semaphore(%run_scoped3A : memref<!tpu.dma_semaphore, #tpu.memory_space<semaphore_mem>>)
        %dma_wait3A = arith.constant 0 : i32
        %dma_wait3A_108 = arith.constant 0 : i32
        %dma_wait3A_109 = tpu.memref_slice %arg11[%dma_wait3A, %dma_wait3A_108] : memref<128x64xf32, #tpu.memory_space<vmem>> -> memref<8x64xf32, #tpu.memory_space<vmem>>
        %dma_wait3A_110 = arith.constant 16384 : i32
        %dma_wait3A_111 = arith.constant 0 : i32
        %dma_wait3A_112 = tpu.memref_slice %arg6[%dma_wait3A_110, %dma_wait3A_111] : memref<16392x64xf32, #tpu.memory_space<vmem_shared>> -> memref<8x64xf32, #tpu.memory_space<vmem_shared>>
        %dma_wait3A_113 = arith.constant 16384 : i32
        %dma_wait3A_114 = arith.constant 0 : i32
        %dma_wait3A_115 = tpu.memref_slice %arg6[%dma_wait3A_113, %dma_wait3A_114] : memref<16392x64xf32, #tpu.memory_space<vmem_shared>> -> memref<8x64xf32, #tpu.memory_space<vmem_shared>>
        %dma_wait3A_116 = arith.constant 0 : i32
        %dma_wait3A_117 = arith.constant 0 : i32
        %dma_wait3A_118 = tpu.memref_slice %arg11[%dma_wait3A_116, %dma_wait3A_117] : memref<128x64xf32, #tpu.memory_space<vmem>> -> memref<8x64xf32, #tpu.memory_space<vmem>>
        tpu.wait_dma2 semaphore(%run_scoped3A : memref<!tpu.dma_semaphore, #tpu.memory_space<semaphore_mem>>) src(%dma_wait3A_118 : memref<8x64xf32, #tpu.memory_space<vmem>>) dst(%dma_wait3A_115 : memref<8x64xf32, #tpu.memory_space<vmem_shared>>)
        tpu.yield
      }) : () -> ()
      "tpu.region"() ({
        %run_scoped3A = tpu.sem_alloc : memref<!tpu.dma_semaphore, #tpu.memory_space<semaphore_mem>>
        %dma_start3A = arith.constant 0 : i32
        %dma_start3A_97 = arith.constant 0 : i32
        %dma_start3A_98 = tpu.memref_slice %arg12[%dma_start3A, %dma_start3A_97] : memref<128x16xf32, #tpu.memory_space<vmem>> -> memref<8x16xf32, #tpu.memory_space<vmem>>
        %dma_start3A_99 = arith.constant 16384 : i32
        %dma_start3A_100 = arith.constant 0 : i32
        %dma_start3A_101 = tpu.memref_slice %arg7[%dma_start3A_99, %dma_start3A_100] : memref<16392x16xf32, #tpu.memory_space<vmem_shared>> -> memref<8x16xf32, #tpu.memory_space<vmem_shared>>
        %dma_start3A_102 = arith.constant 16384 : i32
        %dma_start3A_103 = arith.constant 0 : i32
        %dma_start3A_104 = tpu.memref_slice %arg7[%dma_start3A_102, %dma_start3A_103] : memref<16392x16xf32, #tpu.memory_space<vmem_shared>> -> memref<8x16xf32, #tpu.memory_space<vmem_shared>>
        %dma_start3A_105 = arith.constant 0 : i32
        %dma_start3A_106 = arith.constant 0 : i32
        %dma_start3A_107 = tpu.memref_slice %arg12[%dma_start3A_105, %dma_start3A_106] : memref<128x16xf32, #tpu.memory_space<vmem>> -> memref<8x16xf32, #tpu.memory_space<vmem>>
        tpu.enqueue_dma source(%dma_start3A_107 : memref<8x16xf32, #tpu.memory_space<vmem>>) target(%dma_start3A_104 : memref<8x16xf32, #tpu.memory_space<vmem_shared>>) target_semaphore(%run_scoped3A : memref<!tpu.dma_semaphore, #tpu.memory_space<semaphore_mem>>)
        %dma_wait3A = arith.constant 0 : i32
        %dma_wait3A_108 = arith.constant 0 : i32
        %dma_wait3A_109 = tpu.memref_slice %arg12[%dma_wait3A, %dma_wait3A_108] : memref<128x16xf32, #tpu.memory_space<vmem>> -> memref<8x16xf32, #tpu.memory_space<vmem>>
        %dma_wait3A_110 = arith.constant 16384 : i32
        %dma_wait3A_111 = arith.constant 0 : i32
        %dma_wait3A_112 = tpu.memref_slice %arg7[%dma_wait3A_110, %dma_wait3A_111] : memref<16392x16xf32, #tpu.memory_space<vmem_shared>> -> memref<8x16xf32, #tpu.memory_space<vmem_shared>>
        %dma_wait3A_113 = arith.constant 16384 : i32
        %dma_wait3A_114 = arith.constant 0 : i32
        %dma_wait3A_115 = tpu.memref_slice %arg7[%dma_wait3A_113, %dma_wait3A_114] : memref<16392x16xf32, #tpu.memory_space<vmem_shared>> -> memref<8x16xf32, #tpu.memory_space<vmem_shared>>
        %dma_wait3A_116 = arith.constant 0 : i32
        %dma_wait3A_117 = arith.constant 0 : i32
        %dma_wait3A_118 = tpu.memref_slice %arg12[%dma_wait3A_116, %dma_wait3A_117] : memref<128x16xf32, #tpu.memory_space<vmem>> -> memref<8x16xf32, #tpu.memory_space<vmem>>
        tpu.wait_dma2 semaphore(%run_scoped3A : memref<!tpu.dma_semaphore, #tpu.memory_space<semaphore_mem>>) src(%dma_wait3A_118 : memref<8x16xf32, #tpu.memory_space<vmem>>) dst(%dma_wait3A_115 : memref<8x16xf32, #tpu.memory_space<vmem_shared>>)
        tpu.yield
      }) : () -> ()
    } else {
    }
    %scan3A_72 = arith.constant 0 : i32
    %scan3A_73 = arith.constant 0 : i32
    %scan3A_74 = arith.constant 128 : i32
    %scan3A_75 = arith.addi %scan3A_73, %scan3A_74 : i32
    %scan3A_76 = arith.constant 1 : i32
    %scan3A_77 = scf.for %scan3A_97 = %scan3A_73 to %scan3A_75 step %scan3A_76 iter_args(%scan3A_98 = %scan3A_72) -> (i32)  : i32 {
      %broadcast_in_dim3A = arith.constant 1.000000e+00 : f32
      %broadcast_in_dim3A_99 = vector.broadcast %broadcast_in_dim3A : f32 to vector<16xf32>
      %swap3A = arith.index_cast %scan3A_97 : i32 to index
      %swap3A_100 = arith.constant 0 : index
      %swap3A_101 = tpu.vector_load %arg12[%swap3A, %swap3A_100] {strides = array<i32>} : memref<128x16xf32, #tpu.memory_space<vmem>>, vector<1x16xf32>,
      %swap3A_102 = vector.shape_cast %swap3A_101 : vector<1x16xf32> to vector<16xf32>
      %swap3A_103 = vector.shape_cast %broadcast_in_dim3A_99 : vector<16xf32> to vector<1x16xf32>
      tpu.vector_store %arg12[%swap3A, %swap3A_100], %swap3A_103 {strides = array<i32>} : memref<128x16xf32, #tpu.memory_space<vmem>>, vector<1x16xf32>,
      %scan3A_104 = arith.constant 0 : i32
      scf.yield %scan3A_104 : i32
    }
    %scan3A_78 = arith.constant 128 : i32
    %barrier3A = arith.constant 0 : index
    tpu.barrier barrier_id(%barrier3A)
    %scan3A_79 = arith.constant 0 : i32
    %scan3A_80 = arith.constant 0 : i32
    %scan3A_81 = arith.constant 7 : i32
    %scan3A_82 = arith.addi %scan3A_80, %scan3A_81 : i32
    %scan3A_83 = arith.constant 1 : i32
    %scan3A_84 = scf.for %scan3A_97 = %scan3A_80 to %scan3A_82 step %scan3A_83 iter_args(%scan3A_98 = %scan3A_79) -> (i32)  : i32 {
      %mul3A_99 = arith.constant 16 : i32
      %mul3A_100 = arith.muli %mul3A_99, %scan3A_97 : i32
      %add3A_101 = arith.addi %arg1, %mul3A_100 : i32
      %lt3A = arith.constant 98 : i32
      %lt3A_102 = arith.cmpi slt, %add3A_101, %lt3A : i32
      %convert_element_type3A_103 = arith.extui %lt3A_102 : i1 to i32
      %cond3A_104 = arith.constant 0 : i32
      %cond3A_105 = arith.cmpi ne, %convert_element_type3A_103, %cond3A_104 : i32
      scf.if %cond3A_105 {
        %mul3A_107 = arith.constant 512 : i32
        %mul3A_108 = arith.muli %add3A_101, %mul3A_107 : i32
        "tpu.region"() ({
          %run_scoped3A_782 = tpu.sem_alloc : memref<!tpu.dma_semaphore, #tpu.memory_space<semaphore_mem>>
          %dma_start3A = tpu.memref_slice %arg2[%mul3A_108] : memref<50176xi32, #tpu.memory_space<hbm>> -> memref<512xi32, #tpu.memory_space<hbm>>
          %dma_start3A_783 = tpu.memref_slice %arg2[%mul3A_108] : memref<50176xi32, #tpu.memory_space<hbm>> -> memref<512xi32, #tpu.memory_space<hbm>>
          tpu.enqueue_dma source(%dma_start3A_783 : memref<512xi32, #tpu.memory_space<hbm>>) target(%arg9 : memref<512xi32, #tpu.memory_space<vmem>>) target_semaphore(%run_scoped3A_782 : memref<!tpu.dma_semaphore, #tpu.memory_space<semaphore_mem>>)
          %dma_wait3A = tpu.memref_slice %arg2[%mul3A_108] : memref<50176xi32, #tpu.memory_space<hbm>> -> memref<512xi32, #tpu.memory_space<hbm>>
          %dma_wait3A_784 = tpu.memref_slice %arg2[%mul3A_108] : memref<50176xi32, #tpu.memory_space<hbm>> -> memref<512xi32, #tpu.memory_space<hbm>>
          tpu.wait_dma2 semaphore(%run_scoped3A_782 : memref<!tpu.dma_semaphore, #tpu.memory_space<semaphore_mem>>) src(%dma_wait3A_784 : memref<512xi32, #tpu.memory_space<hbm>>) dst(%arg9 : memref<512xi32, #tpu.memory_space<vmem>>)
          tpu.yield
        }) : () -> ()
        %mul3A_109 = arith.constant 512 : i32
        %mul3A_110 = arith.muli %add3A_101, %mul3A_109 : i32
        "tpu.region"() ({
          %run_scoped3A_782 = tpu.sem_alloc : memref<!tpu.dma_semaphore, #tpu.memory_space<semaphore_mem>>
          %dma_start3A = arith.constant 0 : i32
          %dma_start3A_783 = tpu.memref_slice %arg3[%mul3A_110, %dma_start3A] : memref<50176x64xf32, #tpu.memory_space<hbm>> -> memref<512x64xf32, #tpu.memory_space<hbm>>
          %dma_start3A_784 = arith.constant 0 : i32
          %dma_start3A_785 = tpu.memref_slice %arg3[%mul3A_110, %dma_start3A_784] : memref<50176x64xf32, #tpu.memory_space<hbm>> -> memref<512x64xf32, #tpu.memory_space<hbm>>
          tpu.enqueue_dma source(%dma_start3A_785 : memref<512x64xf32, #tpu.memory_space<hbm>>) target(%arg8 : memref<512x64xf32, #tpu.memory_space<vmem>>) target_semaphore(%run_scoped3A_782 : memref<!tpu.dma_semaphore, #tpu.memory_space<semaphore_mem>>)
          %dma_wait3A = arith.constant 0 : i32
          %dma_wait3A_786 = tpu.memref_slice %arg3[%mul3A_110, %dma_wait3A] : memref<50176x64xf32, #tpu.memory_space<hbm>> -> memref<512x64xf32, #tpu.memory_space<hbm>>
          %dma_wait3A_787 = arith.constant 0 : i32
          %dma_wait3A_788 = tpu.memref_slice %arg3[%mul3A_110, %dma_wait3A_787] : memref<50176x64xf32, #tpu.memory_space<hbm>> -> memref<512x64xf32, #tpu.memory_space<hbm>>
          tpu.wait_dma2 semaphore(%run_scoped3A_782 : memref<!tpu.dma_semaphore, #tpu.memory_space<semaphore_mem>>) src(%dma_wait3A_788 : memref<512x64xf32, #tpu.memory_space<hbm>>) dst(%arg8 : memref<512x64xf32, #tpu.memory_space<vmem>>)
          tpu.yield
        }) : () -> ()
        %get3A = arith.constant 0 : index
        %get3A_111 = tpu.vector_load %arg9[%get3A] {strides = array<i32>} : memref<512xi32, #tpu.memory_space<vmem>>, vector<16xi32>,
        %get3A_112 = vector.shape_cast %get3A_111 : vector<16xi32> to vector<16xi32>
        %ge3A = vector.broadcast %mul3A_0 : i32 to vector<16xi32>
        %ge3A_113 = arith.cmpi sge, %get3A_112, %ge3A : vector<16xi32>
        %add3A_114 = arith.constant 16384 : i32
        %add3A_115 = arith.addi %mul3A_0, %add3A_114 : i32
        %lt3A_116 = vector.broadcast %add3A_115 : i32 to vector<16xi32>
        %lt3A_117 = arith.cmpi slt, %get3A_112, %lt3A_116 : vector<16xi32>
        %and3A = arith.andi %ge3A_113, %lt3A_117 : vector<16xi1>
        %sub3A = vector.broadcast %mul3A_0 : i32 to vector<16xi32>
        %sub3A_118 = arith.subi %get3A_112, %sub3A : vector<16xi32>
        %jit3A = arith.constant 16384 : i32
        %broadcast_in_dim3A = vector.broadcast %jit3A : i32 to vector<16xi32>
        %select_n3A = arith.select %and3A, %sub3A_118, %broadcast_in_dim3A : vector<16xi1>, vector<16xi32>
        %swap3A = arith.constant 0 : i32
        %swap3A_119 = arith.index_cast %swap3A : i32 to index
        %swap3A_120 = arith.constant 0 : index
        %swap3A_121 = tpu.vector_load %arg10[%swap3A_119, %swap3A_120] {strides = array<i32>} : memref<4x128xi32, #tpu.memory_space<vmem>>, vector<1x16xi32>,
        %swap3A_122 = vector.shape_cast %swap3A_121 : vector<1x16xi32> to vector<16xi32>
        %swap3A_123 = vector.shape_cast %select_n3A : vector<16xi32> to vector<1x16xi32>
        tpu.vector_store %arg10[%swap3A_119, %swap3A_120], %swap3A_123 {strides = array<i32>} : memref<4x128xi32, #tpu.memory_space<vmem>>, vector<1x16xi32>,
        %get3A_124 = arith.constant 16 : index
        %get3A_125 = tpu.vector_load %arg9[%get3A_124] {strides = array<i32>} : memref<512xi32, #tpu.memory_space<vmem>>, vector<16xi32>,
        %get3A_126 = vector.shape_cast %get3A_125 : vector<16xi32> to vector<16xi32>
        %ge3A_127 = vector.broadcast %mul3A_0 : i32 to vector<16xi32>
        %ge3A_128 = arith.cmpi sge, %get3A_126, %ge3A_127 : vector<16xi32>
        %add3A_129 = arith.constant 16384 : i32
        %add3A_130 = arith.addi %mul3A_0, %add3A_129 : i32
        %lt3A_131 = vector.broadcast %add3A_130 : i32 to vector<16xi32>
        %lt3A_132 = arith.cmpi slt, %get3A_126, %lt3A_131 : vector<16xi32>
        %and3A_133 = arith.andi %ge3A_128, %lt3A_132 : vector<16xi1>
        %sub3A_134 = vector.broadcast %mul3A_0 : i32 to vector<16xi32>
        %sub3A_135 = arith.subi %get3A_126, %sub3A_134 : vector<16xi32>
        %jit3A_136 = arith.constant 16384 : i32
        %broadcast_in_dim3A_137 = vector.broadcast %jit3A_136 : i32 to vector<16xi32>
        %select_n3A_138 = arith.select %and3A_133, %sub3A_135, %broadcast_in_dim3A_137 : vector<16xi1>, vector<16xi32>
        %swap3A_139 = arith.constant 0 : i32
        %swap3A_140 = arith.index_cast %swap3A_139 : i32 to index
        %swap3A_141 = arith.constant 16 : index
        %swap3A_142 = tpu.vector_load %arg10[%swap3A_140, %swap3A_141] {strides = array<i32>} : memref<4x128xi32, #tpu.memory_space<vmem>>, vector<1x16xi32>,
        %swap3A_143 = vector.shape_cast %swap3A_142 : vector<1x16xi32> to vector<16xi32>
        %swap3A_144 = vector.shape_cast %select_n3A_138 : vector<16xi32> to vector<1x16xi32>
        tpu.vector_store %arg10[%swap3A_140, %swap3A_141], %swap3A_144 {strides = array<i32>} : memref<4x128xi32, #tpu.memory_space<vmem>>, vector<1x16xi32>,
        %get3A_145 = arith.constant 32 : index
        %get3A_146 = tpu.vector_load %arg9[%get3A_145] {strides = array<i32>} : memref<512xi32, #tpu.memory_space<vmem>>, vector<16xi32>,
        %get3A_147 = vector.shape_cast %get3A_146 : vector<16xi32> to vector<16xi32>
        %ge3A_148 = vector.broadcast %mul3A_0 : i32 to vector<16xi32>
        %ge3A_149 = arith.cmpi sge, %get3A_147, %ge3A_148 : vector<16xi32>
        %add3A_150 = arith.constant 16384 : i32
        %add3A_151 = arith.addi %mul3A_0, %add3A_150 : i32
        %lt3A_152 = vector.broadcast %add3A_151 : i32 to vector<16xi32>
        %lt3A_153 = arith.cmpi slt, %get3A_147, %lt3A_152 : vector<16xi32>
        %and3A_154 = arith.andi %ge3A_149, %lt3A_153 : vector<16xi1>
        %sub3A_155 = vector.broadcast %mul3A_0 : i32 to vector<16xi32>
        %sub3A_156 = arith.subi %get3A_147, %sub3A_155 : vector<16xi32>
        %jit3A_157 = arith.constant 16384 : i32
        %broadcast_in_dim3A_158 = vector.broadcast %jit3A_157 : i32 to vector<16xi32>
        %select_n3A_159 = arith.select %and3A_154, %sub3A_156, %broadcast_in_dim3A_158 : vector<16xi1>, vector<16xi32>
        %swap3A_160 = arith.constant 0 : i32
        %swap3A_161 = arith.index_cast %swap3A_160 : i32 to index
        %swap3A_162 = arith.constant 32 : index
        %swap3A_163 = tpu.vector_load %arg10[%swap3A_161, %swap3A_162] {strides = array<i32>} : memref<4x128xi32, #tpu.memory_space<vmem>>, vector<1x16xi32>,
        %swap3A_164 = vector.shape_cast %swap3A_163 : vector<1x16xi32> to vector<16xi32>
        %swap3A_165 = vector.shape_cast %select_n3A_159 : vector<16xi32> to vector<1x16xi32>
        tpu.vector_store %arg10[%swap3A_161, %swap3A_162], %swap3A_165 {strides = array<i32>} : memref<4x128xi32, #tpu.memory_space<vmem>>, vector<1x16xi32>,
        %get3A_166 = arith.constant 48 : index
        %get3A_167 = tpu.vector_load %arg9[%get3A_166] {strides = array<i32>} : memref<512xi32, #tpu.memory_space<vmem>>, vector<16xi32>,
        %get3A_168 = vector.shape_cast %get3A_167 : vector<16xi32> to vector<16xi32>
        %ge3A_169 = vector.broadcast %mul3A_0 : i32 to vector<16xi32>
        %ge3A_170 = arith.cmpi sge, %get3A_168, %ge3A_169 : vector<16xi32>
        %add3A_171 = arith.constant 16384 : i32
        %add3A_172 = arith.addi %mul3A_0, %add3A_171 : i32
        %lt3A_173 = vector.broadcast %add3A_172 : i32 to vector<16xi32>
        %lt3A_174 = arith.cmpi slt, %get3A_168, %lt3A_173 : vector<16xi32>
        %and3A_175 = arith.andi %ge3A_170, %lt3A_174 : vector<16xi1>
        %sub3A_176 = vector.broadcast %mul3A_0 : i32 to vector<16xi32>
        %sub3A_177 = arith.subi %get3A_168, %sub3A_176 : vector<16xi32>
        %jit3A_178 = arith.constant 16384 : i32
        %broadcast_in_dim3A_179 = vector.broadcast %jit3A_178 : i32 to vector<16xi32>
        %select_n3A_180 = arith.select %and3A_175, %sub3A_177, %broadcast_in_dim3A_179 : vector<16xi1>, vector<16xi32>
        %swap3A_181 = arith.constant 0 : i32
        %swap3A_182 = arith.index_cast %swap3A_181 : i32 to index
        %swap3A_183 = arith.constant 48 : index
        %swap3A_184 = tpu.vector_load %arg10[%swap3A_182, %swap3A_183] {strides = array<i32>} : memref<4x128xi32, #tpu.memory_space<vmem>>, vector<1x16xi32>,
        %swap3A_185 = vector.shape_cast %swap3A_184 : vector<1x16xi32> to vector<16xi32>
        %swap3A_186 = vector.shape_cast %select_n3A_180 : vector<16xi32> to vector<1x16xi32>
        tpu.vector_store %arg10[%swap3A_182, %swap3A_183], %swap3A_186 {strides = array<i32>} : memref<4x128xi32, #tpu.memory_space<vmem>>, vector<1x16xi32>,
        %get3A_187 = arith.constant 64 : index
        %get3A_188 = tpu.vector_load %arg9[%get3A_187] {strides = array<i32>} : memref<512xi32, #tpu.memory_space<vmem>>, vector<16xi32>,
        %get3A_189 = vector.shape_cast %get3A_188 : vector<16xi32> to vector<16xi32>
        %ge3A_190 = vector.broadcast %mul3A_0 : i32 to vector<16xi32>
        %ge3A_191 = arith.cmpi sge, %get3A_189, %ge3A_190 : vector<16xi32>
        %add3A_192 = arith.constant 16384 : i32
        %add3A_193 = arith.addi %mul3A_0, %add3A_192 : i32
        %lt3A_194 = vector.broadcast %add3A_193 : i32 to vector<16xi32>
        %lt3A_195 = arith.cmpi slt, %get3A_189, %lt3A_194 : vector<16xi32>
        %and3A_196 = arith.andi %ge3A_191, %lt3A_195 : vector<16xi1>
        %sub3A_197 = vector.broadcast %mul3A_0 : i32 to vector<16xi32>
        %sub3A_198 = arith.subi %get3A_189, %sub3A_197 : vector<16xi32>
        %jit3A_199 = arith.constant 16384 : i32
        %broadcast_in_dim3A_200 = vector.broadcast %jit3A_199 : i32 to vector<16xi32>
        %select_n3A_201 = arith.select %and3A_196, %sub3A_198, %broadcast_in_dim3A_200 : vector<16xi1>, vector<16xi32>
        %swap3A_202 = arith.constant 0 : i32
        %swap3A_203 = arith.index_cast %swap3A_202 : i32 to index
        %swap3A_204 = arith.constant 64 : index
        %swap3A_205 = tpu.vector_load %arg10[%swap3A_203, %swap3A_204] {strides = array<i32>} : memref<4x128xi32, #tpu.memory_space<vmem>>, vector<1x16xi32>,
        %swap3A_206 = vector.shape_cast %swap3A_205 : vector<1x16xi32> to vector<16xi32>
        %swap3A_207 = vector.shape_cast %select_n3A_201 : vector<16xi32> to vector<1x16xi32>
        tpu.vector_store %arg10[%swap3A_203, %swap3A_204], %swap3A_207 {strides = array<i32>} : memref<4x128xi32, #tpu.memory_space<vmem>>, vector<1x16xi32>,
        %get3A_208 = arith.constant 80 : index
        %get3A_209 = tpu.vector_load %arg9[%get3A_208] {strides = array<i32>} : memref<512xi32, #tpu.memory_space<vmem>>, vector<16xi32>,
        %get3A_210 = vector.shape_cast %get3A_209 : vector<16xi32> to vector<16xi32>
        %ge3A_211 = vector.broadcast %mul3A_0 : i32 to vector<16xi32>
        %ge3A_212 = arith.cmpi sge, %get3A_210, %ge3A_211 : vector<16xi32>
        %add3A_213 = arith.constant 16384 : i32
        %add3A_214 = arith.addi %mul3A_0, %add3A_213 : i32
        %lt3A_215 = vector.broadcast %add3A_214 : i32 to vector<16xi32>
        %lt3A_216 = arith.cmpi slt, %get3A_210, %lt3A_215 : vector<16xi32>
        %and3A_217 = arith.andi %ge3A_212, %lt3A_216 : vector<16xi1>
        %sub3A_218 = vector.broadcast %mul3A_0 : i32 to vector<16xi32>
        %sub3A_219 = arith.subi %get3A_210, %sub3A_218 : vector<16xi32>
        %jit3A_220 = arith.constant 16384 : i32
        %broadcast_in_dim3A_221 = vector.broadcast %jit3A_220 : i32 to vector<16xi32>
        %select_n3A_222 = arith.select %and3A_217, %sub3A_219, %broadcast_in_dim3A_221 : vector<16xi1>, vector<16xi32>
        %swap3A_223 = arith.constant 0 : i32
        %swap3A_224 = arith.index_cast %swap3A_223 : i32 to index
        %swap3A_225 = arith.constant 80 : index
        %swap3A_226 = tpu.vector_load %arg10[%swap3A_224, %swap3A_225] {strides = array<i32>} : memref<4x128xi32, #tpu.memory_space<vmem>>, vector<1x16xi32>,
        %swap3A_227 = vector.shape_cast %swap3A_226 : vector<1x16xi32> to vector<16xi32>
        %swap3A_228 = vector.shape_cast %select_n3A_222 : vector<16xi32> to vector<1x16xi32>
        tpu.vector_store %arg10[%swap3A_224, %swap3A_225], %swap3A_228 {strides = array<i32>} : memref<4x128xi32, #tpu.memory_space<vmem>>, vector<1x16xi32>,
        %get3A_229 = arith.constant 96 : index
        %get3A_230 = tpu.vector_load %arg9[%get3A_229] {strides = array<i32>} : memref<512xi32, #tpu.memory_space<vmem>>, vector<16xi32>,
        %get3A_231 = vector.shape_cast %get3A_230 : vector<16xi32> to vector<16xi32>
        %ge3A_232 = vector.broadcast %mul3A_0 : i32 to vector<16xi32>
        %ge3A_233 = arith.cmpi sge, %get3A_231, %ge3A_232 : vector<16xi32>
        %add3A_234 = arith.constant 16384 : i32
        %add3A_235 = arith.addi %mul3A_0, %add3A_234 : i32
        %lt3A_236 = vector.broadcast %add3A_235 : i32 to vector<16xi32>
        %lt3A_237 = arith.cmpi slt, %get3A_231, %lt3A_236 : vector<16xi32>
        %and3A_238 = arith.andi %ge3A_233, %lt3A_237 : vector<16xi1>
        %sub3A_239 = vector.broadcast %mul3A_0 : i32 to vector<16xi32>
        %sub3A_240 = arith.subi %get3A_231, %sub3A_239 : vector<16xi32>
        %jit3A_241 = arith.constant 16384 : i32
        %broadcast_in_dim3A_242 = vector.broadcast %jit3A_241 : i32 to vector<16xi32>
        %select_n3A_243 = arith.select %and3A_238, %sub3A_240, %broadcast_in_dim3A_242 : vector<16xi1>, vector<16xi32>
        %swap3A_244 = arith.constant 0 : i32
        %swap3A_245 = arith.index_cast %swap3A_244 : i32 to index
        %swap3A_246 = arith.constant 96 : index
        %swap3A_247 = tpu.vector_load %arg10[%swap3A_245, %swap3A_246] {strides = array<i32>} : memref<4x128xi32, #tpu.memory_space<vmem>>, vector<1x16xi32>,
        %swap3A_248 = vector.shape_cast %swap3A_247 : vector<1x16xi32> to vector<16xi32>
        %swap3A_249 = vector.shape_cast %select_n3A_243 : vector<16xi32> to vector<1x16xi32>
        tpu.vector_store %arg10[%swap3A_245, %swap3A_246], %swap3A_249 {strides = array<i32>} : memref<4x128xi32, #tpu.memory_space<vmem>>, vector<1x16xi32>,
        %get3A_250 = arith.constant 112 : index
        %get3A_251 = tpu.vector_load %arg9[%get3A_250] {strides = array<i32>} : memref<512xi32, #tpu.memory_space<vmem>>, vector<16xi32>,
        %get3A_252 = vector.shape_cast %get3A_251 : vector<16xi32> to vector<16xi32>
        %ge3A_253 = vector.broadcast %mul3A_0 : i32 to vector<16xi32>
        %ge3A_254 = arith.cmpi sge, %get3A_252, %ge3A_253 : vector<16xi32>
        %add3A_255 = arith.constant 16384 : i32
        %add3A_256 = arith.addi %mul3A_0, %add3A_255 : i32
        %lt3A_257 = vector.broadcast %add3A_256 : i32 to vector<16xi32>
        %lt3A_258 = arith.cmpi slt, %get3A_252, %lt3A_257 : vector<16xi32>
        %and3A_259 = arith.andi %ge3A_254, %lt3A_258 : vector<16xi1>
        %sub3A_260 = vector.broadcast %mul3A_0 : i32 to vector<16xi32>
        %sub3A_261 = arith.subi %get3A_252, %sub3A_260 : vector<16xi32>
        %jit3A_262 = arith.constant 16384 : i32
        %broadcast_in_dim3A_263 = vector.broadcast %jit3A_262 : i32 to vector<16xi32>
        %select_n3A_264 = arith.select %and3A_259, %sub3A_261, %broadcast_in_dim3A_263 : vector<16xi1>, vector<16xi32>
        %swap3A_265 = arith.constant 0 : i32
        %swap3A_266 = arith.index_cast %swap3A_265 : i32 to index
        %swap3A_267 = arith.constant 112 : index
        %swap3A_268 = tpu.vector_load %arg10[%swap3A_266, %swap3A_267] {strides = array<i32>} : memref<4x128xi32, #tpu.memory_space<vmem>>, vector<1x16xi32>,
        %swap3A_269 = vector.shape_cast %swap3A_268 : vector<1x16xi32> to vector<16xi32>
        %swap3A_270 = vector.shape_cast %select_n3A_264 : vector<16xi32> to vector<1x16xi32>
        tpu.vector_store %arg10[%swap3A_266, %swap3A_267], %swap3A_270 {strides = array<i32>} : memref<4x128xi32, #tpu.memory_space<vmem>>, vector<1x16xi32>,
        %get3A_271 = arith.constant 128 : index
        %get3A_272 = tpu.vector_load %arg9[%get3A_271] {strides = array<i32>} : memref<512xi32, #tpu.memory_space<vmem>>, vector<16xi32>,
        %get3A_273 = vector.shape_cast %get3A_272 : vector<16xi32> to vector<16xi32>
        %ge3A_274 = vector.broadcast %mul3A_0 : i32 to vector<16xi32>
        %ge3A_275 = arith.cmpi sge, %get3A_273, %ge3A_274 : vector<16xi32>
        %add3A_276 = arith.constant 16384 : i32
        %add3A_277 = arith.addi %mul3A_0, %add3A_276 : i32
        %lt3A_278 = vector.broadcast %add3A_277 : i32 to vector<16xi32>
        %lt3A_279 = arith.cmpi slt, %get3A_273, %lt3A_278 : vector<16xi32>
        %and3A_280 = arith.andi %ge3A_275, %lt3A_279 : vector<16xi1>
        %sub3A_281 = vector.broadcast %mul3A_0 : i32 to vector<16xi32>
        %sub3A_282 = arith.subi %get3A_273, %sub3A_281 : vector<16xi32>
        %jit3A_283 = arith.constant 16384 : i32
        %broadcast_in_dim3A_284 = vector.broadcast %jit3A_283 : i32 to vector<16xi32>
        %select_n3A_285 = arith.select %and3A_280, %sub3A_282, %broadcast_in_dim3A_284 : vector<16xi1>, vector<16xi32>
        %swap3A_286 = arith.constant 1 : i32
        %swap3A_287 = arith.index_cast %swap3A_286 : i32 to index
        %swap3A_288 = arith.constant 0 : index
        %swap3A_289 = tpu.vector_load %arg10[%swap3A_287, %swap3A_288] {strides = array<i32>} : memref<4x128xi32, #tpu.memory_space<vmem>>, vector<1x16xi32>,
        %swap3A_290 = vector.shape_cast %swap3A_289 : vector<1x16xi32> to vector<16xi32>
        %swap3A_291 = vector.shape_cast %select_n3A_285 : vector<16xi32> to vector<1x16xi32>
        tpu.vector_store %arg10[%swap3A_287, %swap3A_288], %swap3A_291 {strides = array<i32>} : memref<4x128xi32, #tpu.memory_space<vmem>>, vector<1x16xi32>,
        %get3A_292 = arith.constant 144 : index
        %get3A_293 = tpu.vector_load %arg9[%get3A_292] {strides = array<i32>} : memref<512xi32, #tpu.memory_space<vmem>>, vector<16xi32>,
        %get3A_294 = vector.shape_cast %get3A_293 : vector<16xi32> to vector<16xi32>
        %ge3A_295 = vector.broadcast %mul3A_0 : i32 to vector<16xi32>
        %ge3A_296 = arith.cmpi sge, %get3A_294, %ge3A_295 : vector<16xi32>
        %add3A_297 = arith.constant 16384 : i32
        %add3A_298 = arith.addi %mul3A_0, %add3A_297 : i32
        %lt3A_299 = vector.broadcast %add3A_298 : i32 to vector<16xi32>
        %lt3A_300 = arith.cmpi slt, %get3A_294, %lt3A_299 : vector<16xi32>
        %and3A_301 = arith.andi %ge3A_296, %lt3A_300 : vector<16xi1>
        %sub3A_302 = vector.broadcast %mul3A_0 : i32 to vector<16xi32>
        %sub3A_303 = arith.subi %get3A_294, %sub3A_302 : vector<16xi32>
        %jit3A_304 = arith.constant 16384 : i32
        %broadcast_in_dim3A_305 = vector.broadcast %jit3A_304 : i32 to vector<16xi32>
        %select_n3A_306 = arith.select %and3A_301, %sub3A_303, %broadcast_in_dim3A_305 : vector<16xi1>, vector<16xi32>
        %swap3A_307 = arith.constant 1 : i32
        %swap3A_308 = arith.index_cast %swap3A_307 : i32 to index
        %swap3A_309 = arith.constant 16 : index
        %swap3A_310 = tpu.vector_load %arg10[%swap3A_308, %swap3A_309] {strides = array<i32>} : memref<4x128xi32, #tpu.memory_space<vmem>>, vector<1x16xi32>,
        %swap3A_311 = vector.shape_cast %swap3A_310 : vector<1x16xi32> to vector<16xi32>
        %swap3A_312 = vector.shape_cast %select_n3A_306 : vector<16xi32> to vector<1x16xi32>
        tpu.vector_store %arg10[%swap3A_308, %swap3A_309], %swap3A_312 {strides = array<i32>} : memref<4x128xi32, #tpu.memory_space<vmem>>, vector<1x16xi32>,
        %get3A_313 = arith.constant 160 : index
        %get3A_314 = tpu.vector_load %arg9[%get3A_313] {strides = array<i32>} : memref<512xi32, #tpu.memory_space<vmem>>, vector<16xi32>,
        %get3A_315 = vector.shape_cast %get3A_314 : vector<16xi32> to vector<16xi32>
        %ge3A_316 = vector.broadcast %mul3A_0 : i32 to vector<16xi32>
        %ge3A_317 = arith.cmpi sge, %get3A_315, %ge3A_316 : vector<16xi32>
        %add3A_318 = arith.constant 16384 : i32
        %add3A_319 = arith.addi %mul3A_0, %add3A_318 : i32
        %lt3A_320 = vector.broadcast %add3A_319 : i32 to vector<16xi32>
        %lt3A_321 = arith.cmpi slt, %get3A_315, %lt3A_320 : vector<16xi32>
        %and3A_322 = arith.andi %ge3A_317, %lt3A_321 : vector<16xi1>
        %sub3A_323 = vector.broadcast %mul3A_0 : i32 to vector<16xi32>
        %sub3A_324 = arith.subi %get3A_315, %sub3A_323 : vector<16xi32>
        %jit3A_325 = arith.constant 16384 : i32
        %broadcast_in_dim3A_326 = vector.broadcast %jit3A_325 : i32 to vector<16xi32>
        %select_n3A_327 = arith.select %and3A_322, %sub3A_324, %broadcast_in_dim3A_326 : vector<16xi1>, vector<16xi32>
        %swap3A_328 = arith.constant 1 : i32
        %swap3A_329 = arith.index_cast %swap3A_328 : i32 to index
        %swap3A_330 = arith.constant 32 : index
        %swap3A_331 = tpu.vector_load %arg10[%swap3A_329, %swap3A_330] {strides = array<i32>} : memref<4x128xi32, #tpu.memory_space<vmem>>, vector<1x16xi32>,
        %swap3A_332 = vector.shape_cast %swap3A_331 : vector<1x16xi32> to vector<16xi32>
        %swap3A_333 = vector.shape_cast %select_n3A_327 : vector<16xi32> to vector<1x16xi32>
        tpu.vector_store %arg10[%swap3A_329, %swap3A_330], %swap3A_333 {strides = array<i32>} : memref<4x128xi32, #tpu.memory_space<vmem>>, vector<1x16xi32>,
        %get3A_334 = arith.constant 176 : index
        %get3A_335 = tpu.vector_load %arg9[%get3A_334] {strides = array<i32>} : memref<512xi32, #tpu.memory_space<vmem>>, vector<16xi32>,
        %get3A_336 = vector.shape_cast %get3A_335 : vector<16xi32> to vector<16xi32>
        %ge3A_337 = vector.broadcast %mul3A_0 : i32 to vector<16xi32>
        %ge3A_338 = arith.cmpi sge, %get3A_336, %ge3A_337 : vector<16xi32>
        %add3A_339 = arith.constant 16384 : i32
        %add3A_340 = arith.addi %mul3A_0, %add3A_339 : i32
        %lt3A_341 = vector.broadcast %add3A_340 : i32 to vector<16xi32>
        %lt3A_342 = arith.cmpi slt, %get3A_336, %lt3A_341 : vector<16xi32>
        %and3A_343 = arith.andi %ge3A_338, %lt3A_342 : vector<16xi1>
        %sub3A_344 = vector.broadcast %mul3A_0 : i32 to vector<16xi32>
        %sub3A_345 = arith.subi %get3A_336, %sub3A_344 : vector<16xi32>
        %jit3A_346 = arith.constant 16384 : i32
        %broadcast_in_dim3A_347 = vector.broadcast %jit3A_346 : i32 to vector<16xi32>
        %select_n3A_348 = arith.select %and3A_343, %sub3A_345, %broadcast_in_dim3A_347 : vector<16xi1>, vector<16xi32>
        %swap3A_349 = arith.constant 1 : i32
        %swap3A_350 = arith.index_cast %swap3A_349 : i32 to index
        %swap3A_351 = arith.constant 48 : index
        %swap3A_352 = tpu.vector_load %arg10[%swap3A_350, %swap3A_351] {strides = array<i32>} : memref<4x128xi32, #tpu.memory_space<vmem>>, vector<1x16xi32>,
        %swap3A_353 = vector.shape_cast %swap3A_352 : vector<1x16xi32> to vector<16xi32>
        %swap3A_354 = vector.shape_cast %select_n3A_348 : vector<16xi32> to vector<1x16xi32>
        tpu.vector_store %arg10[%swap3A_350, %swap3A_351], %swap3A_354 {strides = array<i32>} : memref<4x128xi32, #tpu.memory_space<vmem>>, vector<1x16xi32>,
        %get3A_355 = arith.constant 192 : index
        %get3A_356 = tpu.vector_load %arg9[%get3A_355] {strides = array<i32>} : memref<512xi32, #tpu.memory_space<vmem>>, vector<16xi32>,
        %get3A_357 = vector.shape_cast %get3A_356 : vector<16xi32> to vector<16xi32>
        %ge3A_358 = vector.broadcast %mul3A_0 : i32 to vector<16xi32>
        %ge3A_359 = arith.cmpi sge, %get3A_357, %ge3A_358 : vector<16xi32>
        %add3A_360 = arith.constant 16384 : i32
        %add3A_361 = arith.addi %mul3A_0, %add3A_360 : i32
        %lt3A_362 = vector.broadcast %add3A_361 : i32 to vector<16xi32>
        %lt3A_363 = arith.cmpi slt, %get3A_357, %lt3A_362 : vector<16xi32>
        %and3A_364 = arith.andi %ge3A_359, %lt3A_363 : vector<16xi1>
        %sub3A_365 = vector.broadcast %mul3A_0 : i32 to vector<16xi32>
        %sub3A_366 = arith.subi %get3A_357, %sub3A_365 : vector<16xi32>
        %jit3A_367 = arith.constant 16384 : i32
        %broadcast_in_dim3A_368 = vector.broadcast %jit3A_367 : i32 to vector<16xi32>
        %select_n3A_369 = arith.select %and3A_364, %sub3A_366, %broadcast_in_dim3A_368 : vector<16xi1>, vector<16xi32>
        %swap3A_370 = arith.constant 1 : i32
        %swap3A_371 = arith.index_cast %swap3A_370 : i32 to index
        %swap3A_372 = arith.constant 64 : index
        %swap3A_373 = tpu.vector_load %arg10[%swap3A_371, %swap3A_372] {strides = array<i32>} : memref<4x128xi32, #tpu.memory_space<vmem>>, vector<1x16xi32>,
        %swap3A_374 = vector.shape_cast %swap3A_373 : vector<1x16xi32> to vector<16xi32>
        %swap3A_375 = vector.shape_cast %select_n3A_369 : vector<16xi32> to vector<1x16xi32>
        tpu.vector_store %arg10[%swap3A_371, %swap3A_372], %swap3A_375 {strides = array<i32>} : memref<4x128xi32, #tpu.memory_space<vmem>>, vector<1x16xi32>,
        %get3A_376 = arith.constant 208 : index
        %get3A_377 = tpu.vector_load %arg9[%get3A_376] {strides = array<i32>} : memref<512xi32, #tpu.memory_space<vmem>>, vector<16xi32>,
        %get3A_378 = vector.shape_cast %get3A_377 : vector<16xi32> to vector<16xi32>
        %ge3A_379 = vector.broadcast %mul3A_0 : i32 to vector<16xi32>
        %ge3A_380 = arith.cmpi sge, %get3A_378, %ge3A_379 : vector<16xi32>
        %add3A_381 = arith.constant 16384 : i32
        %add3A_382 = arith.addi %mul3A_0, %add3A_381 : i32
        %lt3A_383 = vector.broadcast %add3A_382 : i32 to vector<16xi32>
        %lt3A_384 = arith.cmpi slt, %get3A_378, %lt3A_383 : vector<16xi32>
        %and3A_385 = arith.andi %ge3A_380, %lt3A_384 : vector<16xi1>
        %sub3A_386 = vector.broadcast %mul3A_0 : i32 to vector<16xi32>
        %sub3A_387 = arith.subi %get3A_378, %sub3A_386 : vector<16xi32>
        %jit3A_388 = arith.constant 16384 : i32
        %broadcast_in_dim3A_389 = vector.broadcast %jit3A_388 : i32 to vector<16xi32>
        %select_n3A_390 = arith.select %and3A_385, %sub3A_387, %broadcast_in_dim3A_389 : vector<16xi1>, vector<16xi32>
        %swap3A_391 = arith.constant 1 : i32
        %swap3A_392 = arith.index_cast %swap3A_391 : i32 to index
        %swap3A_393 = arith.constant 80 : index
        %swap3A_394 = tpu.vector_load %arg10[%swap3A_392, %swap3A_393] {strides = array<i32>} : memref<4x128xi32, #tpu.memory_space<vmem>>, vector<1x16xi32>,
        %swap3A_395 = vector.shape_cast %swap3A_394 : vector<1x16xi32> to vector<16xi32>
        %swap3A_396 = vector.shape_cast %select_n3A_390 : vector<16xi32> to vector<1x16xi32>
        tpu.vector_store %arg10[%swap3A_392, %swap3A_393], %swap3A_396 {strides = array<i32>} : memref<4x128xi32, #tpu.memory_space<vmem>>, vector<1x16xi32>,
        %get3A_397 = arith.constant 224 : index
        %get3A_398 = tpu.vector_load %arg9[%get3A_397] {strides = array<i32>} : memref<512xi32, #tpu.memory_space<vmem>>, vector<16xi32>,
        %get3A_399 = vector.shape_cast %get3A_398 : vector<16xi32> to vector<16xi32>
        %ge3A_400 = vector.broadcast %mul3A_0 : i32 to vector<16xi32>
        %ge3A_401 = arith.cmpi sge, %get3A_399, %ge3A_400 : vector<16xi32>
        %add3A_402 = arith.constant 16384 : i32
        %add3A_403 = arith.addi %mul3A_0, %add3A_402 : i32
        %lt3A_404 = vector.broadcast %add3A_403 : i32 to vector<16xi32>
        %lt3A_405 = arith.cmpi slt, %get3A_399, %lt3A_404 : vector<16xi32>
        %and3A_406 = arith.andi %ge3A_401, %lt3A_405 : vector<16xi1>
        %sub3A_407 = vector.broadcast %mul3A_0 : i32 to vector<16xi32>
        %sub3A_408 = arith.subi %get3A_399, %sub3A_407 : vector<16xi32>
        %jit3A_409 = arith.constant 16384 : i32
        %broadcast_in_dim3A_410 = vector.broadcast %jit3A_409 : i32 to vector<16xi32>
        %select_n3A_411 = arith.select %and3A_406, %sub3A_408, %broadcast_in_dim3A_410 : vector<16xi1>, vector<16xi32>
        %swap3A_412 = arith.constant 1 : i32
        %swap3A_413 = arith.index_cast %swap3A_412 : i32 to index
        %swap3A_414 = arith.constant 96 : index
        %swap3A_415 = tpu.vector_load %arg10[%swap3A_413, %swap3A_414] {strides = array<i32>} : memref<4x128xi32, #tpu.memory_space<vmem>>, vector<1x16xi32>,
        %swap3A_416 = vector.shape_cast %swap3A_415 : vector<1x16xi32> to vector<16xi32>
        %swap3A_417 = vector.shape_cast %select_n3A_411 : vector<16xi32> to vector<1x16xi32>
        tpu.vector_store %arg10[%swap3A_413, %swap3A_414], %swap3A_417 {strides = array<i32>} : memref<4x128xi32, #tpu.memory_space<vmem>>, vector<1x16xi32>,
        %get3A_418 = arith.constant 240 : index
        %get3A_419 = tpu.vector_load %arg9[%get3A_418] {strides = array<i32>} : memref<512xi32, #tpu.memory_space<vmem>>, vector<16xi32>,
        %get3A_420 = vector.shape_cast %get3A_419 : vector<16xi32> to vector<16xi32>
        %ge3A_421 = vector.broadcast %mul3A_0 : i32 to vector<16xi32>
        %ge3A_422 = arith.cmpi sge, %get3A_420, %ge3A_421 : vector<16xi32>
        %add3A_423 = arith.constant 16384 : i32
        %add3A_424 = arith.addi %mul3A_0, %add3A_423 : i32
        %lt3A_425 = vector.broadcast %add3A_424 : i32 to vector<16xi32>
        %lt3A_426 = arith.cmpi slt, %get3A_420, %lt3A_425 : vector<16xi32>
        %and3A_427 = arith.andi %ge3A_422, %lt3A_426 : vector<16xi1>
        %sub3A_428 = vector.broadcast %mul3A_0 : i32 to vector<16xi32>
        %sub3A_429 = arith.subi %get3A_420, %sub3A_428 : vector<16xi32>
        %jit3A_430 = arith.constant 16384 : i32
        %broadcast_in_dim3A_431 = vector.broadcast %jit3A_430 : i32 to vector<16xi32>
        %select_n3A_432 = arith.select %and3A_427, %sub3A_429, %broadcast_in_dim3A_431 : vector<16xi1>, vector<16xi32>
        %swap3A_433 = arith.constant 1 : i32
        %swap3A_434 = arith.index_cast %swap3A_433 : i32 to index
        %swap3A_435 = arith.constant 112 : index
        %swap3A_436 = tpu.vector_load %arg10[%swap3A_434, %swap3A_435] {strides = array<i32>} : memref<4x128xi32, #tpu.memory_space<vmem>>, vector<1x16xi32>,
        %swap3A_437 = vector.shape_cast %swap3A_436 : vector<1x16xi32> to vector<16xi32>
        %swap3A_438 = vector.shape_cast %select_n3A_432 : vector<16xi32> to vector<1x16xi32>
        tpu.vector_store %arg10[%swap3A_434, %swap3A_435], %swap3A_438 {strides = array<i32>} : memref<4x128xi32, #tpu.memory_space<vmem>>, vector<1x16xi32>,
        %get3A_439 = arith.constant 256 : index
        %get3A_440 = tpu.vector_load %arg9[%get3A_439] {strides = array<i32>} : memref<512xi32, #tpu.memory_space<vmem>>, vector<16xi32>,
        %get3A_441 = vector.shape_cast %get3A_440 : vector<16xi32> to vector<16xi32>
        %ge3A_442 = vector.broadcast %mul3A_0 : i32 to vector<16xi32>
        %ge3A_443 = arith.cmpi sge, %get3A_441, %ge3A_442 : vector<16xi32>
        %add3A_444 = arith.constant 16384 : i32
        %add3A_445 = arith.addi %mul3A_0, %add3A_444 : i32
        %lt3A_446 = vector.broadcast %add3A_445 : i32 to vector<16xi32>
        %lt3A_447 = arith.cmpi slt, %get3A_441, %lt3A_446 : vector<16xi32>
        %and3A_448 = arith.andi %ge3A_443, %lt3A_447 : vector<16xi1>
        %sub3A_449 = vector.broadcast %mul3A_0 : i32 to vector<16xi32>
        %sub3A_450 = arith.subi %get3A_441, %sub3A_449 : vector<16xi32>
        %jit3A_451 = arith.constant 16384 : i32
        %broadcast_in_dim3A_452 = vector.broadcast %jit3A_451 : i32 to vector<16xi32>
        %select_n3A_453 = arith.select %and3A_448, %sub3A_450, %broadcast_in_dim3A_452 : vector<16xi1>, vector<16xi32>
        %swap3A_454 = arith.constant 2 : i32
        %swap3A_455 = arith.index_cast %swap3A_454 : i32 to index
        %swap3A_456 = arith.constant 0 : index
        %swap3A_457 = tpu.vector_load %arg10[%swap3A_455, %swap3A_456] {strides = array<i32>} : memref<4x128xi32, #tpu.memory_space<vmem>>, vector<1x16xi32>,
        %swap3A_458 = vector.shape_cast %swap3A_457 : vector<1x16xi32> to vector<16xi32>
        %swap3A_459 = vector.shape_cast %select_n3A_453 : vector<16xi32> to vector<1x16xi32>
        tpu.vector_store %arg10[%swap3A_455, %swap3A_456], %swap3A_459 {strides = array<i32>} : memref<4x128xi32, #tpu.memory_space<vmem>>, vector<1x16xi32>,
        %get3A_460 = arith.constant 272 : index
        %get3A_461 = tpu.vector_load %arg9[%get3A_460] {strides = array<i32>} : memref<512xi32, #tpu.memory_space<vmem>>, vector<16xi32>,
        %get3A_462 = vector.shape_cast %get3A_461 : vector<16xi32> to vector<16xi32>
        %ge3A_463 = vector.broadcast %mul3A_0 : i32 to vector<16xi32>
        %ge3A_464 = arith.cmpi sge, %get3A_462, %ge3A_463 : vector<16xi32>
        %add3A_465 = arith.constant 16384 : i32
        %add3A_466 = arith.addi %mul3A_0, %add3A_465 : i32
        %lt3A_467 = vector.broadcast %add3A_466 : i32 to vector<16xi32>
        %lt3A_468 = arith.cmpi slt, %get3A_462, %lt3A_467 : vector<16xi32>
        %and3A_469 = arith.andi %ge3A_464, %lt3A_468 : vector<16xi1>
        %sub3A_470 = vector.broadcast %mul3A_0 : i32 to vector<16xi32>
        %sub3A_471 = arith.subi %get3A_462, %sub3A_470 : vector<16xi32>
        %jit3A_472 = arith.constant 16384 : i32
        %broadcast_in_dim3A_473 = vector.broadcast %jit3A_472 : i32 to vector<16xi32>
        %select_n3A_474 = arith.select %and3A_469, %sub3A_471, %broadcast_in_dim3A_473 : vector<16xi1>, vector<16xi32>
        %swap3A_475 = arith.constant 2 : i32
        %swap3A_476 = arith.index_cast %swap3A_475 : i32 to index
        %swap3A_477 = arith.constant 16 : index
        %swap3A_478 = tpu.vector_load %arg10[%swap3A_476, %swap3A_477] {strides = array<i32>} : memref<4x128xi32, #tpu.memory_space<vmem>>, vector<1x16xi32>,
        %swap3A_479 = vector.shape_cast %swap3A_478 : vector<1x16xi32> to vector<16xi32>
        %swap3A_480 = vector.shape_cast %select_n3A_474 : vector<16xi32> to vector<1x16xi32>
        tpu.vector_store %arg10[%swap3A_476, %swap3A_477], %swap3A_480 {strides = array<i32>} : memref<4x128xi32, #tpu.memory_space<vmem>>, vector<1x16xi32>,
        %get3A_481 = arith.constant 288 : index
        %get3A_482 = tpu.vector_load %arg9[%get3A_481] {strides = array<i32>} : memref<512xi32, #tpu.memory_space<vmem>>, vector<16xi32>,
        %get3A_483 = vector.shape_cast %get3A_482 : vector<16xi32> to vector<16xi32>
        %ge3A_484 = vector.broadcast %mul3A_0 : i32 to vector<16xi32>
        %ge3A_485 = arith.cmpi sge, %get3A_483, %ge3A_484 : vector<16xi32>
        %add3A_486 = arith.constant 16384 : i32
        %add3A_487 = arith.addi %mul3A_0, %add3A_486 : i32
        %lt3A_488 = vector.broadcast %add3A_487 : i32 to vector<16xi32>
        %lt3A_489 = arith.cmpi slt, %get3A_483, %lt3A_488 : vector<16xi32>
        %and3A_490 = arith.andi %ge3A_485, %lt3A_489 : vector<16xi1>
        %sub3A_491 = vector.broadcast %mul3A_0 : i32 to vector<16xi32>
        %sub3A_492 = arith.subi %get3A_483, %sub3A_491 : vector<16xi32>
        %jit3A_493 = arith.constant 16384 : i32
        %broadcast_in_dim3A_494 = vector.broadcast %jit3A_493 : i32 to vector<16xi32>
        %select_n3A_495 = arith.select %and3A_490, %sub3A_492, %broadcast_in_dim3A_494 : vector<16xi1>, vector<16xi32>
        %swap3A_496 = arith.constant 2 : i32
        %swap3A_497 = arith.index_cast %swap3A_496 : i32 to index
        %swap3A_498 = arith.constant 32 : index
        %swap3A_499 = tpu.vector_load %arg10[%swap3A_497, %swap3A_498] {strides = array<i32>} : memref<4x128xi32, #tpu.memory_space<vmem>>, vector<1x16xi32>,
        %swap3A_500 = vector.shape_cast %swap3A_499 : vector<1x16xi32> to vector<16xi32>
        %swap3A_501 = vector.shape_cast %select_n3A_495 : vector<16xi32> to vector<1x16xi32>
        tpu.vector_store %arg10[%swap3A_497, %swap3A_498], %swap3A_501 {strides = array<i32>} : memref<4x128xi32, #tpu.memory_space<vmem>>, vector<1x16xi32>,
        %get3A_502 = arith.constant 304 : index
        %get3A_503 = tpu.vector_load %arg9[%get3A_502] {strides = array<i32>} : memref<512xi32, #tpu.memory_space<vmem>>, vector<16xi32>,
        %get3A_504 = vector.shape_cast %get3A_503 : vector<16xi32> to vector<16xi32>
        %ge3A_505 = vector.broadcast %mul3A_0 : i32 to vector<16xi32>
        %ge3A_506 = arith.cmpi sge, %get3A_504, %ge3A_505 : vector<16xi32>
        %add3A_507 = arith.constant 16384 : i32
        %add3A_508 = arith.addi %mul3A_0, %add3A_507 : i32
        %lt3A_509 = vector.broadcast %add3A_508 : i32 to vector<16xi32>
        %lt3A_510 = arith.cmpi slt, %get3A_504, %lt3A_509 : vector<16xi32>
        %and3A_511 = arith.andi %ge3A_506, %lt3A_510 : vector<16xi1>
        %sub3A_512 = vector.broadcast %mul3A_0 : i32 to vector<16xi32>
        %sub3A_513 = arith.subi %get3A_504, %sub3A_512 : vector<16xi32>
        %jit3A_514 = arith.constant 16384 : i32
        %broadcast_in_dim3A_515 = vector.broadcast %jit3A_514 : i32 to vector<16xi32>
        %select_n3A_516 = arith.select %and3A_511, %sub3A_513, %broadcast_in_dim3A_515 : vector<16xi1>, vector<16xi32>
        %swap3A_517 = arith.constant 2 : i32
        %swap3A_518 = arith.index_cast %swap3A_517 : i32 to index
        %swap3A_519 = arith.constant 48 : index
        %swap3A_520 = tpu.vector_load %arg10[%swap3A_518, %swap3A_519] {strides = array<i32>} : memref<4x128xi32, #tpu.memory_space<vmem>>, vector<1x16xi32>,
        %swap3A_521 = vector.shape_cast %swap3A_520 : vector<1x16xi32> to vector<16xi32>
        %swap3A_522 = vector.shape_cast %select_n3A_516 : vector<16xi32> to vector<1x16xi32>
        tpu.vector_store %arg10[%swap3A_518, %swap3A_519], %swap3A_522 {strides = array<i32>} : memref<4x128xi32, #tpu.memory_space<vmem>>, vector<1x16xi32>,
        %get3A_523 = arith.constant 320 : index
        %get3A_524 = tpu.vector_load %arg9[%get3A_523] {strides = array<i32>} : memref<512xi32, #tpu.memory_space<vmem>>, vector<16xi32>,
        %get3A_525 = vector.shape_cast %get3A_524 : vector<16xi32> to vector<16xi32>
        %ge3A_526 = vector.broadcast %mul3A_0 : i32 to vector<16xi32>
        %ge3A_527 = arith.cmpi sge, %get3A_525, %ge3A_526 : vector<16xi32>
        %add3A_528 = arith.constant 16384 : i32
        %add3A_529 = arith.addi %mul3A_0, %add3A_528 : i32
        %lt3A_530 = vector.broadcast %add3A_529 : i32 to vector<16xi32>
        %lt3A_531 = arith.cmpi slt, %get3A_525, %lt3A_530 : vector<16xi32>
        %and3A_532 = arith.andi %ge3A_527, %lt3A_531 : vector<16xi1>
        %sub3A_533 = vector.broadcast %mul3A_0 : i32 to vector<16xi32>
        %sub3A_534 = arith.subi %get3A_525, %sub3A_533 : vector<16xi32>
        %jit3A_535 = arith.constant 16384 : i32
        %broadcast_in_dim3A_536 = vector.broadcast %jit3A_535 : i32 to vector<16xi32>
        %select_n3A_537 = arith.select %and3A_532, %sub3A_534, %broadcast_in_dim3A_536 : vector<16xi1>, vector<16xi32>
        %swap3A_538 = arith.constant 2 : i32
        %swap3A_539 = arith.index_cast %swap3A_538 : i32 to index
        %swap3A_540 = arith.constant 64 : index
        %swap3A_541 = tpu.vector_load %arg10[%swap3A_539, %swap3A_540] {strides = array<i32>} : memref<4x128xi32, #tpu.memory_space<vmem>>, vector<1x16xi32>,
        %swap3A_542 = vector.shape_cast %swap3A_541 : vector<1x16xi32> to vector<16xi32>
        %swap3A_543 = vector.shape_cast %select_n3A_537 : vector<16xi32> to vector<1x16xi32>
        tpu.vector_store %arg10[%swap3A_539, %swap3A_540], %swap3A_543 {strides = array<i32>} : memref<4x128xi32, #tpu.memory_space<vmem>>, vector<1x16xi32>,
        %get3A_544 = arith.constant 336 : index
        %get3A_545 = tpu.vector_load %arg9[%get3A_544] {strides = array<i32>} : memref<512xi32, #tpu.memory_space<vmem>>, vector<16xi32>,
        %get3A_546 = vector.shape_cast %get3A_545 : vector<16xi32> to vector<16xi32>
        %ge3A_547 = vector.broadcast %mul3A_0 : i32 to vector<16xi32>
        %ge3A_548 = arith.cmpi sge, %get3A_546, %ge3A_547 : vector<16xi32>
        %add3A_549 = arith.constant 16384 : i32
        %add3A_550 = arith.addi %mul3A_0, %add3A_549 : i32
        %lt3A_551 = vector.broadcast %add3A_550 : i32 to vector<16xi32>
        %lt3A_552 = arith.cmpi slt, %get3A_546, %lt3A_551 : vector<16xi32>
        %and3A_553 = arith.andi %ge3A_548, %lt3A_552 : vector<16xi1>
        %sub3A_554 = vector.broadcast %mul3A_0 : i32 to vector<16xi32>
        %sub3A_555 = arith.subi %get3A_546, %sub3A_554 : vector<16xi32>
        %jit3A_556 = arith.constant 16384 : i32
        %broadcast_in_dim3A_557 = vector.broadcast %jit3A_556 : i32 to vector<16xi32>
        %select_n3A_558 = arith.select %and3A_553, %sub3A_555, %broadcast_in_dim3A_557 : vector<16xi1>, vector<16xi32>
        %swap3A_559 = arith.constant 2 : i32
        %swap3A_560 = arith.index_cast %swap3A_559 : i32 to index
        %swap3A_561 = arith.constant 80 : index
        %swap3A_562 = tpu.vector_load %arg10[%swap3A_560, %swap3A_561] {strides = array<i32>} : memref<4x128xi32, #tpu.memory_space<vmem>>, vector<1x16xi32>,
        %swap3A_563 = vector.shape_cast %swap3A_562 : vector<1x16xi32> to vector<16xi32>
        %swap3A_564 = vector.shape_cast %select_n3A_558 : vector<16xi32> to vector<1x16xi32>
        tpu.vector_store %arg10[%swap3A_560, %swap3A_561], %swap3A_564 {strides = array<i32>} : memref<4x128xi32, #tpu.memory_space<vmem>>, vector<1x16xi32>,
        %get3A_565 = arith.constant 352 : index
        %get3A_566 = tpu.vector_load %arg9[%get3A_565] {strides = array<i32>} : memref<512xi32, #tpu.memory_space<vmem>>, vector<16xi32>,
        %get3A_567 = vector.shape_cast %get3A_566 : vector<16xi32> to vector<16xi32>
        %ge3A_568 = vector.broadcast %mul3A_0 : i32 to vector<16xi32>
        %ge3A_569 = arith.cmpi sge, %get3A_567, %ge3A_568 : vector<16xi32>
        %add3A_570 = arith.constant 16384 : i32
        %add3A_571 = arith.addi %mul3A_0, %add3A_570 : i32
        %lt3A_572 = vector.broadcast %add3A_571 : i32 to vector<16xi32>
        %lt3A_573 = arith.cmpi slt, %get3A_567, %lt3A_572 : vector<16xi32>
        %and3A_574 = arith.andi %ge3A_569, %lt3A_573 : vector<16xi1>
        %sub3A_575 = vector.broadcast %mul3A_0 : i32 to vector<16xi32>
        %sub3A_576 = arith.subi %get3A_567, %sub3A_575 : vector<16xi32>
        %jit3A_577 = arith.constant 16384 : i32
        %broadcast_in_dim3A_578 = vector.broadcast %jit3A_577 : i32 to vector<16xi32>
        %select_n3A_579 = arith.select %and3A_574, %sub3A_576, %broadcast_in_dim3A_578 : vector<16xi1>, vector<16xi32>
        %swap3A_580 = arith.constant 2 : i32
        %swap3A_581 = arith.index_cast %swap3A_580 : i32 to index
        %swap3A_582 = arith.constant 96 : index
        %swap3A_583 = tpu.vector_load %arg10[%swap3A_581, %swap3A_582] {strides = array<i32>} : memref<4x128xi32, #tpu.memory_space<vmem>>, vector<1x16xi32>,
        %swap3A_584 = vector.shape_cast %swap3A_583 : vector<1x16xi32> to vector<16xi32>
        %swap3A_585 = vector.shape_cast %select_n3A_579 : vector<16xi32> to vector<1x16xi32>
        tpu.vector_store %arg10[%swap3A_581, %swap3A_582], %swap3A_585 {strides = array<i32>} : memref<4x128xi32, #tpu.memory_space<vmem>>, vector<1x16xi32>,
        %get3A_586 = arith.constant 368 : index
        %get3A_587 = tpu.vector_load %arg9[%get3A_586] {strides = array<i32>} : memref<512xi32, #tpu.memory_space<vmem>>, vector<16xi32>,
        %get3A_588 = vector.shape_cast %get3A_587 : vector<16xi32> to vector<16xi32>
        %ge3A_589 = vector.broadcast %mul3A_0 : i32 to vector<16xi32>
        %ge3A_590 = arith.cmpi sge, %get3A_588, %ge3A_589 : vector<16xi32>
        %add3A_591 = arith.constant 16384 : i32
        %add3A_592 = arith.addi %mul3A_0, %add3A_591 : i32
        %lt3A_593 = vector.broadcast %add3A_592 : i32 to vector<16xi32>
        %lt3A_594 = arith.cmpi slt, %get3A_588, %lt3A_593 : vector<16xi32>
        %and3A_595 = arith.andi %ge3A_590, %lt3A_594 : vector<16xi1>
        %sub3A_596 = vector.broadcast %mul3A_0 : i32 to vector<16xi32>
        %sub3A_597 = arith.subi %get3A_588, %sub3A_596 : vector<16xi32>
        %jit3A_598 = arith.constant 16384 : i32
        %broadcast_in_dim3A_599 = vector.broadcast %jit3A_598 : i32 to vector<16xi32>
        %select_n3A_600 = arith.select %and3A_595, %sub3A_597, %broadcast_in_dim3A_599 : vector<16xi1>, vector<16xi32>
        %swap3A_601 = arith.constant 2 : i32
        %swap3A_602 = arith.index_cast %swap3A_601 : i32 to index
        %swap3A_603 = arith.constant 112 : index
        %swap3A_604 = tpu.vector_load %arg10[%swap3A_602, %swap3A_603] {strides = array<i32>} : memref<4x128xi32, #tpu.memory_space<vmem>>, vector<1x16xi32>,
        %swap3A_605 = vector.shape_cast %swap3A_604 : vector<1x16xi32> to vector<16xi32>
        %swap3A_606 = vector.shape_cast %select_n3A_600 : vector<16xi32> to vector<1x16xi32>
        tpu.vector_store %arg10[%swap3A_602, %swap3A_603], %swap3A_606 {strides = array<i32>} : memref<4x128xi32, #tpu.memory_space<vmem>>, vector<1x16xi32>,
        %get3A_607 = arith.constant 384 : index
        %get3A_608 = tpu.vector_load %arg9[%get3A_607] {strides = array<i32>} : memref<512xi32, #tpu.memory_space<vmem>>, vector<16xi32>,
        %get3A_609 = vector.shape_cast %get3A_608 : vector<16xi32> to vector<16xi32>
        %ge3A_610 = vector.broadcast %mul3A_0 : i32 to vector<16xi32>
        %ge3A_611 = arith.cmpi sge, %get3A_609, %ge3A_610 : vector<16xi32>
        %add3A_612 = arith.constant 16384 : i32
        %add3A_613 = arith.addi %mul3A_0, %add3A_612 : i32
        %lt3A_614 = vector.broadcast %add3A_613 : i32 to vector<16xi32>
        %lt3A_615 = arith.cmpi slt, %get3A_609, %lt3A_614 : vector<16xi32>
        %and3A_616 = arith.andi %ge3A_611, %lt3A_615 : vector<16xi1>
        %sub3A_617 = vector.broadcast %mul3A_0 : i32 to vector<16xi32>
        %sub3A_618 = arith.subi %get3A_609, %sub3A_617 : vector<16xi32>
        %jit3A_619 = arith.constant 16384 : i32
        %broadcast_in_dim3A_620 = vector.broadcast %jit3A_619 : i32 to vector<16xi32>
        %select_n3A_621 = arith.select %and3A_616, %sub3A_618, %broadcast_in_dim3A_620 : vector<16xi1>, vector<16xi32>
        %swap3A_622 = arith.constant 3 : i32
        %swap3A_623 = arith.index_cast %swap3A_622 : i32 to index
        %swap3A_624 = arith.constant 0 : index
        %swap3A_625 = tpu.vector_load %arg10[%swap3A_623, %swap3A_624] {strides = array<i32>} : memref<4x128xi32, #tpu.memory_space<vmem>>, vector<1x16xi32>,
        %swap3A_626 = vector.shape_cast %swap3A_625 : vector<1x16xi32> to vector<16xi32>
        %swap3A_627 = vector.shape_cast %select_n3A_621 : vector<16xi32> to vector<1x16xi32>
        tpu.vector_store %arg10[%swap3A_623, %swap3A_624], %swap3A_627 {strides = array<i32>} : memref<4x128xi32, #tpu.memory_space<vmem>>, vector<1x16xi32>,
        %get3A_628 = arith.constant 400 : index
        %get3A_629 = tpu.vector_load %arg9[%get3A_628] {strides = array<i32>} : memref<512xi32, #tpu.memory_space<vmem>>, vector<16xi32>,
        %get3A_630 = vector.shape_cast %get3A_629 : vector<16xi32> to vector<16xi32>
        %ge3A_631 = vector.broadcast %mul3A_0 : i32 to vector<16xi32>
        %ge3A_632 = arith.cmpi sge, %get3A_630, %ge3A_631 : vector<16xi32>
        %add3A_633 = arith.constant 16384 : i32
        %add3A_634 = arith.addi %mul3A_0, %add3A_633 : i32
        %lt3A_635 = vector.broadcast %add3A_634 : i32 to vector<16xi32>
        %lt3A_636 = arith.cmpi slt, %get3A_630, %lt3A_635 : vector<16xi32>
        %and3A_637 = arith.andi %ge3A_632, %lt3A_636 : vector<16xi1>
        %sub3A_638 = vector.broadcast %mul3A_0 : i32 to vector<16xi32>
        %sub3A_639 = arith.subi %get3A_630, %sub3A_638 : vector<16xi32>
        %jit3A_640 = arith.constant 16384 : i32
        %broadcast_in_dim3A_641 = vector.broadcast %jit3A_640 : i32 to vector<16xi32>
        %select_n3A_642 = arith.select %and3A_637, %sub3A_639, %broadcast_in_dim3A_641 : vector<16xi1>, vector<16xi32>
        %swap3A_643 = arith.constant 3 : i32
        %swap3A_644 = arith.index_cast %swap3A_643 : i32 to index
        %swap3A_645 = arith.constant 16 : index
        %swap3A_646 = tpu.vector_load %arg10[%swap3A_644, %swap3A_645] {strides = array<i32>} : memref<4x128xi32, #tpu.memory_space<vmem>>, vector<1x16xi32>,
        %swap3A_647 = vector.shape_cast %swap3A_646 : vector<1x16xi32> to vector<16xi32>
        %swap3A_648 = vector.shape_cast %select_n3A_642 : vector<16xi32> to vector<1x16xi32>
        tpu.vector_store %arg10[%swap3A_644, %swap3A_645], %swap3A_648 {strides = array<i32>} : memref<4x128xi32, #tpu.memory_space<vmem>>, vector<1x16xi32>,
        %get3A_649 = arith.constant 416 : index
        %get3A_650 = tpu.vector_load %arg9[%get3A_649] {strides = array<i32>} : memref<512xi32, #tpu.memory_space<vmem>>, vector<16xi32>,
        %get3A_651 = vector.shape_cast %get3A_650 : vector<16xi32> to vector<16xi32>
        %ge3A_652 = vector.broadcast %mul3A_0 : i32 to vector<16xi32>
        %ge3A_653 = arith.cmpi sge, %get3A_651, %ge3A_652 : vector<16xi32>
        %add3A_654 = arith.constant 16384 : i32
        %add3A_655 = arith.addi %mul3A_0, %add3A_654 : i32
        %lt3A_656 = vector.broadcast %add3A_655 : i32 to vector<16xi32>
        %lt3A_657 = arith.cmpi slt, %get3A_651, %lt3A_656 : vector<16xi32>
        %and3A_658 = arith.andi %ge3A_653, %lt3A_657 : vector<16xi1>
        %sub3A_659 = vector.broadcast %mul3A_0 : i32 to vector<16xi32>
        %sub3A_660 = arith.subi %get3A_651, %sub3A_659 : vector<16xi32>
        %jit3A_661 = arith.constant 16384 : i32
        %broadcast_in_dim3A_662 = vector.broadcast %jit3A_661 : i32 to vector<16xi32>
        %select_n3A_663 = arith.select %and3A_658, %sub3A_660, %broadcast_in_dim3A_662 : vector<16xi1>, vector<16xi32>
        %swap3A_664 = arith.constant 3 : i32
        %swap3A_665 = arith.index_cast %swap3A_664 : i32 to index
        %swap3A_666 = arith.constant 32 : index
        %swap3A_667 = tpu.vector_load %arg10[%swap3A_665, %swap3A_666] {strides = array<i32>} : memref<4x128xi32, #tpu.memory_space<vmem>>, vector<1x16xi32>,
        %swap3A_668 = vector.shape_cast %swap3A_667 : vector<1x16xi32> to vector<16xi32>
        %swap3A_669 = vector.shape_cast %select_n3A_663 : vector<16xi32> to vector<1x16xi32>
        tpu.vector_store %arg10[%swap3A_665, %swap3A_666], %swap3A_669 {strides = array<i32>} : memref<4x128xi32, #tpu.memory_space<vmem>>, vector<1x16xi32>,
        %get3A_670 = arith.constant 432 : index
        %get3A_671 = tpu.vector_load %arg9[%get3A_670] {strides = array<i32>} : memref<512xi32, #tpu.memory_space<vmem>>, vector<16xi32>,
        %get3A_672 = vector.shape_cast %get3A_671 : vector<16xi32> to vector<16xi32>
        %ge3A_673 = vector.broadcast %mul3A_0 : i32 to vector<16xi32>
        %ge3A_674 = arith.cmpi sge, %get3A_672, %ge3A_673 : vector<16xi32>
        %add3A_675 = arith.constant 16384 : i32
        %add3A_676 = arith.addi %mul3A_0, %add3A_675 : i32
        %lt3A_677 = vector.broadcast %add3A_676 : i32 to vector<16xi32>
        %lt3A_678 = arith.cmpi slt, %get3A_672, %lt3A_677 : vector<16xi32>
        %and3A_679 = arith.andi %ge3A_674, %lt3A_678 : vector<16xi1>
        %sub3A_680 = vector.broadcast %mul3A_0 : i32 to vector<16xi32>
        %sub3A_681 = arith.subi %get3A_672, %sub3A_680 : vector<16xi32>
        %jit3A_682 = arith.constant 16384 : i32
        %broadcast_in_dim3A_683 = vector.broadcast %jit3A_682 : i32 to vector<16xi32>
        %select_n3A_684 = arith.select %and3A_679, %sub3A_681, %broadcast_in_dim3A_683 : vector<16xi1>, vector<16xi32>
        %swap3A_685 = arith.constant 3 : i32
        %swap3A_686 = arith.index_cast %swap3A_685 : i32 to index
        %swap3A_687 = arith.constant 48 : index
        %swap3A_688 = tpu.vector_load %arg10[%swap3A_686, %swap3A_687] {strides = array<i32>} : memref<4x128xi32, #tpu.memory_space<vmem>>, vector<1x16xi32>,
        %swap3A_689 = vector.shape_cast %swap3A_688 : vector<1x16xi32> to vector<16xi32>
        %swap3A_690 = vector.shape_cast %select_n3A_684 : vector<16xi32> to vector<1x16xi32>
        tpu.vector_store %arg10[%swap3A_686, %swap3A_687], %swap3A_690 {strides = array<i32>} : memref<4x128xi32, #tpu.memory_space<vmem>>, vector<1x16xi32>,
        %get3A_691 = arith.constant 448 : index
        %get3A_692 = tpu.vector_load %arg9[%get3A_691] {strides = array<i32>} : memref<512xi32, #tpu.memory_space<vmem>>, vector<16xi32>,
        %get3A_693 = vector.shape_cast %get3A_692 : vector<16xi32> to vector<16xi32>
        %ge3A_694 = vector.broadcast %mul3A_0 : i32 to vector<16xi32>
        %ge3A_695 = arith.cmpi sge, %get3A_693, %ge3A_694 : vector<16xi32>
        %add3A_696 = arith.constant 16384 : i32
        %add3A_697 = arith.addi %mul3A_0, %add3A_696 : i32
        %lt3A_698 = vector.broadcast %add3A_697 : i32 to vector<16xi32>
        %lt3A_699 = arith.cmpi slt, %get3A_693, %lt3A_698 : vector<16xi32>
        %and3A_700 = arith.andi %ge3A_695, %lt3A_699 : vector<16xi1>
        %sub3A_701 = vector.broadcast %mul3A_0 : i32 to vector<16xi32>
        %sub3A_702 = arith.subi %get3A_693, %sub3A_701 : vector<16xi32>
        %jit3A_703 = arith.constant 16384 : i32
        %broadcast_in_dim3A_704 = vector.broadcast %jit3A_703 : i32 to vector<16xi32>
        %select_n3A_705 = arith.select %and3A_700, %sub3A_702, %broadcast_in_dim3A_704 : vector<16xi1>, vector<16xi32>
        %swap3A_706 = arith.constant 3 : i32
        %swap3A_707 = arith.index_cast %swap3A_706 : i32 to index
        %swap3A_708 = arith.constant 64 : index
        %swap3A_709 = tpu.vector_load %arg10[%swap3A_707, %swap3A_708] {strides = array<i32>} : memref<4x128xi32, #tpu.memory_space<vmem>>, vector<1x16xi32>,
        %swap3A_710 = vector.shape_cast %swap3A_709 : vector<1x16xi32> to vector<16xi32>
        %swap3A_711 = vector.shape_cast %select_n3A_705 : vector<16xi32> to vector<1x16xi32>
        tpu.vector_store %arg10[%swap3A_707, %swap3A_708], %swap3A_711 {strides = array<i32>} : memref<4x128xi32, #tpu.memory_space<vmem>>, vector<1x16xi32>,
        %get3A_712 = arith.constant 464 : index
        %get3A_713 = tpu.vector_load %arg9[%get3A_712] {strides = array<i32>} : memref<512xi32, #tpu.memory_space<vmem>>, vector<16xi32>,
        %get3A_714 = vector.shape_cast %get3A_713 : vector<16xi32> to vector<16xi32>
        %ge3A_715 = vector.broadcast %mul3A_0 : i32 to vector<16xi32>
        %ge3A_716 = arith.cmpi sge, %get3A_714, %ge3A_715 : vector<16xi32>
        %add3A_717 = arith.constant 16384 : i32
        %add3A_718 = arith.addi %mul3A_0, %add3A_717 : i32
        %lt3A_719 = vector.broadcast %add3A_718 : i32 to vector<16xi32>
        %lt3A_720 = arith.cmpi slt, %get3A_714, %lt3A_719 : vector<16xi32>
        %and3A_721 = arith.andi %ge3A_716, %lt3A_720 : vector<16xi1>
        %sub3A_722 = vector.broadcast %mul3A_0 : i32 to vector<16xi32>
        %sub3A_723 = arith.subi %get3A_714, %sub3A_722 : vector<16xi32>
        %jit3A_724 = arith.constant 16384 : i32
        %broadcast_in_dim3A_725 = vector.broadcast %jit3A_724 : i32 to vector<16xi32>
        %select_n3A_726 = arith.select %and3A_721, %sub3A_723, %broadcast_in_dim3A_725 : vector<16xi1>, vector<16xi32>
        %swap3A_727 = arith.constant 3 : i32
        %swap3A_728 = arith.index_cast %swap3A_727 : i32 to index
        %swap3A_729 = arith.constant 80 : index
        %swap3A_730 = tpu.vector_load %arg10[%swap3A_728, %swap3A_729] {strides = array<i32>} : memref<4x128xi32, #tpu.memory_space<vmem>>, vector<1x16xi32>,
        %swap3A_731 = vector.shape_cast %swap3A_730 : vector<1x16xi32> to vector<16xi32>
        %swap3A_732 = vector.shape_cast %select_n3A_726 : vector<16xi32> to vector<1x16xi32>
        tpu.vector_store %arg10[%swap3A_728, %swap3A_729], %swap3A_732 {strides = array<i32>} : memref<4x128xi32, #tpu.memory_space<vmem>>, vector<1x16xi32>,
        %get3A_733 = arith.constant 480 : index
        %get3A_734 = tpu.vector_load %arg9[%get3A_733] {strides = array<i32>} : memref<512xi32, #tpu.memory_space<vmem>>, vector<16xi32>,
        %get3A_735 = vector.shape_cast %get3A_734 : vector<16xi32> to vector<16xi32>
        %ge3A_736 = vector.broadcast %mul3A_0 : i32 to vector<16xi32>
        %ge3A_737 = arith.cmpi sge, %get3A_735, %ge3A_736 : vector<16xi32>
        %add3A_738 = arith.constant 16384 : i32
        %add3A_739 = arith.addi %mul3A_0, %add3A_738 : i32
        %lt3A_740 = vector.broadcast %add3A_739 : i32 to vector<16xi32>
        %lt3A_741 = arith.cmpi slt, %get3A_735, %lt3A_740 : vector<16xi32>
        %and3A_742 = arith.andi %ge3A_737, %lt3A_741 : vector<16xi1>
        %sub3A_743 = vector.broadcast %mul3A_0 : i32 to vector<16xi32>
        %sub3A_744 = arith.subi %get3A_735, %sub3A_743 : vector<16xi32>
        %jit3A_745 = arith.constant 16384 : i32
        %broadcast_in_dim3A_746 = vector.broadcast %jit3A_745 : i32 to vector<16xi32>
        %select_n3A_747 = arith.select %and3A_742, %sub3A_744, %broadcast_in_dim3A_746 : vector<16xi1>, vector<16xi32>
        %swap3A_748 = arith.constant 3 : i32
        %swap3A_749 = arith.index_cast %swap3A_748 : i32 to index
        %swap3A_750 = arith.constant 96 : index
        %swap3A_751 = tpu.vector_load %arg10[%swap3A_749, %swap3A_750] {strides = array<i32>} : memref<4x128xi32, #tpu.memory_space<vmem>>, vector<1x16xi32>,
        %swap3A_752 = vector.shape_cast %swap3A_751 : vector<1x16xi32> to vector<16xi32>
        %swap3A_753 = vector.shape_cast %select_n3A_747 : vector<16xi32> to vector<1x16xi32>
        tpu.vector_store %arg10[%swap3A_749, %swap3A_750], %swap3A_753 {strides = array<i32>} : memref<4x128xi32, #tpu.memory_space<vmem>>, vector<1x16xi32>,
        %get3A_754 = arith.constant 496 : index
        %get3A_755 = tpu.vector_load %arg9[%get3A_754] {strides = array<i32>} : memref<512xi32, #tpu.memory_space<vmem>>, vector<16xi32>,
        %get3A_756 = vector.shape_cast %get3A_755 : vector<16xi32> to vector<16xi32>
        %ge3A_757 = vector.broadcast %mul3A_0 : i32 to vector<16xi32>
        %ge3A_758 = arith.cmpi sge, %get3A_756, %ge3A_757 : vector<16xi32>
        %add3A_759 = arith.constant 16384 : i32
        %add3A_760 = arith.addi %mul3A_0, %add3A_759 : i32
        %lt3A_761 = vector.broadcast %add3A_760 : i32 to vector<16xi32>
        %lt3A_762 = arith.cmpi slt, %get3A_756, %lt3A_761 : vector<16xi32>
        %and3A_763 = arith.andi %ge3A_758, %lt3A_762 : vector<16xi1>
        %sub3A_764 = vector.broadcast %mul3A_0 : i32 to vector<16xi32>
        %sub3A_765 = arith.subi %get3A_756, %sub3A_764 : vector<16xi32>
        %jit3A_766 = arith.constant 16384 : i32
        %broadcast_in_dim3A_767 = vector.broadcast %jit3A_766 : i32 to vector<16xi32>
        %select_n3A_768 = arith.select %and3A_763, %sub3A_765, %broadcast_in_dim3A_767 : vector<16xi1>, vector<16xi32>
        %swap3A_769 = arith.constant 3 : i32
        %swap3A_770 = arith.index_cast %swap3A_769 : i32 to index
        %swap3A_771 = arith.constant 112 : index
        %swap3A_772 = tpu.vector_load %arg10[%swap3A_770, %swap3A_771] {strides = array<i32>} : memref<4x128xi32, #tpu.memory_space<vmem>>, vector<1x16xi32>,
        %swap3A_773 = vector.shape_cast %swap3A_772 : vector<1x16xi32> to vector<16xi32>
        %swap3A_774 = vector.shape_cast %select_n3A_768 : vector<16xi32> to vector<1x16xi32>
        tpu.vector_store %arg10[%swap3A_770, %swap3A_771], %swap3A_774 {strides = array<i32>} : memref<4x128xi32, #tpu.memory_space<vmem>>, vector<1x16xi32>,
        %run_scoped3A = arith.constant 0 : i32
        "tpu.region"() ({
          %run_scoped3A_782 = tpu.sem_alloc : memref<!tpu.dma_semaphore, #tpu.memory_space<semaphore_mem>>
          %dma_start3A = arith.constant 0 : i32
          %dma_start3A_783 = arith.constant 0 : i32
          %dma_start3A_784 = tpu.memref_slice %arg8[%dma_start3A, %dma_start3A_783] : memref<512x64xf32, #tpu.memory_space<vmem>> -> memref<128x64xf32, #tpu.memory_space<vmem>>
          %dma_start3A_785 = arith.constant 0 : i32
          %dma_start3A_786 = tpu.memref_slice %arg10[%run_scoped3A, %dma_start3A_785] : memref<4x128xi32, #tpu.memory_space<vmem>> -> memref<1x128xi32, #tpu.memory_space<vmem>>
          %dma_start3A_787 = tpu.memref_squeeze %dma_start3A_786 : memref<1x128xi32, #tpu.memory_space<vmem>> -> memref<128xi32, #tpu.memory_space<vmem>>
          %dma_start3A_788 = arith.constant 0 : i32
          %dma_start3A_789 = arith.constant 0 : i32
          %dma_start3A_790 = tpu.memref_slice %arg6[%dma_start3A_788, %dma_start3A_789] : memref<16392x64xf32, #tpu.memory_space<vmem_shared>> -> memref<16392x64xf32, #tpu.memory_space<vmem_shared>>
          tpu.enqueue_indirect_dma source(%dma_start3A_784 : memref<128x64xf32, #tpu.memory_space<vmem>>) target(%dma_start3A_790 : memref<16392x64xf32, #tpu.memory_space<vmem_shared>>) offsets(%dma_start3A_787 : memref<128xi32, #tpu.memory_space<vmem>>) semaphore(%run_scoped3A_782 : memref<!tpu.dma_semaphore, #tpu.memory_space<semaphore_mem>>) {add = true}
          %dma_wait3A = arith.constant 0 : i32
          %dma_wait3A_791 = arith.constant 0 : i32
          %dma_wait3A_792 = tpu.memref_slice %arg8[%dma_wait3A, %dma_wait3A_791] : memref<512x64xf32, #tpu.memory_space<vmem>> -> memref<128x64xf32, #tpu.memory_space<vmem>>
          %dma_wait3A_793 = arith.constant 0 : i32
          %dma_wait3A_794 = tpu.memref_slice %arg10[%run_scoped3A, %dma_wait3A_793] : memref<4x128xi32, #tpu.memory_space<vmem>> -> memref<1x128xi32, #tpu.memory_space<vmem>>
          %dma_wait3A_795 = tpu.memref_squeeze %dma_wait3A_794 : memref<1x128xi32, #tpu.memory_space<vmem>> -> memref<128xi32, #tpu.memory_space<vmem>>
          %dma_wait3A_796 = arith.constant 0 : i32
          %dma_wait3A_797 = arith.constant 0 : i32
          %dma_wait3A_798 = tpu.memref_slice %arg6[%dma_wait3A_796, %dma_wait3A_797] : memref<16392x64xf32, #tpu.memory_space<vmem_shared>> -> memref<16392x64xf32, #tpu.memory_space<vmem_shared>>
          tpu.wait_indirect_dma semaphore(%run_scoped3A_782 : memref<!tpu.dma_semaphore, #tpu.memory_space<semaphore_mem>>) src(%dma_wait3A_792 : memref<128x64xf32, #tpu.memory_space<vmem>>) dst(%dma_wait3A_798 : memref<16392x64xf32, #tpu.memory_space<vmem_shared>>)
          tpu.yield
        }) : () -> ()
        %run_scoped3A_775 = arith.constant 0 : i32
        "tpu.region"() ({
          %run_scoped3A_782 = tpu.sem_alloc : memref<!tpu.dma_semaphore, #tpu.memory_space<semaphore_mem>>
          %dma_start3A = arith.constant 0 : i32
          %dma_start3A_783 = tpu.memref_slice %arg10[%run_scoped3A_775, %dma_start3A] : memref<4x128xi32, #tpu.memory_space<vmem>> -> memref<1x128xi32, #tpu.memory_space<vmem>>
          %dma_start3A_784 = tpu.memref_squeeze %dma_start3A_783 : memref<1x128xi32, #tpu.memory_space<vmem>> -> memref<128xi32, #tpu.memory_space<vmem>>
          %dma_start3A_785 = arith.constant 0 : i32
          %dma_start3A_786 = arith.constant 0 : i32
          %dma_start3A_787 = tpu.memref_slice %arg7[%dma_start3A_785, %dma_start3A_786] : memref<16392x16xf32, #tpu.memory_space<vmem_shared>> -> memref<16392x16xf32, #tpu.memory_space<vmem_shared>>
          tpu.enqueue_indirect_dma source(%arg12 : memref<128x16xf32, #tpu.memory_space<vmem>>) target(%dma_start3A_787 : memref<16392x16xf32, #tpu.memory_space<vmem_shared>>) offsets(%dma_start3A_784 : memref<128xi32, #tpu.memory_space<vmem>>) semaphore(%run_scoped3A_782 : memref<!tpu.dma_semaphore, #tpu.memory_space<semaphore_mem>>) {add = true}
          %dma_wait3A = arith.constant 0 : i32
          %dma_wait3A_788 = tpu.memref_slice %arg10[%run_scoped3A_775, %dma_wait3A] : memref<4x128xi32, #tpu.memory_space<vmem>> -> memref<1x128xi32, #tpu.memory_space<vmem>>
          %dma_wait3A_789 = tpu.memref_squeeze %dma_wait3A_788 : memref<1x128xi32, #tpu.memory_space<vmem>> -> memref<128xi32, #tpu.memory_space<vmem>>
          %dma_wait3A_790 = arith.constant 0 : i32
          %dma_wait3A_791 = arith.constant 0 : i32
          %dma_wait3A_792 = tpu.memref_slice %arg7[%dma_wait3A_790, %dma_wait3A_791] : memref<16392x16xf32, #tpu.memory_space<vmem_shared>> -> memref<16392x16xf32, #tpu.memory_space<vmem_shared>>
          tpu.wait_indirect_dma semaphore(%run_scoped3A_782 : memref<!tpu.dma_semaphore, #tpu.memory_space<semaphore_mem>>) src(%arg12 : memref<128x16xf32, #tpu.memory_space<vmem>>) dst(%dma_wait3A_792 : memref<16392x16xf32, #tpu.memory_space<vmem_shared>>)
          tpu.yield
        }) : () -> ()
        %run_scoped3A_776 = arith.constant 1 : i32
        "tpu.region"() ({
          %run_scoped3A_782 = tpu.sem_alloc : memref<!tpu.dma_semaphore, #tpu.memory_space<semaphore_mem>>
          %dma_start3A = arith.constant 128 : i32
          %dma_start3A_783 = arith.constant 0 : i32
          %dma_start3A_784 = tpu.memref_slice %arg8[%dma_start3A, %dma_start3A_783] : memref<512x64xf32, #tpu.memory_space<vmem>> -> memref<128x64xf32, #tpu.memory_space<vmem>>
          %dma_start3A_785 = arith.constant 0 : i32
          %dma_start3A_786 = tpu.memref_slice %arg10[%run_scoped3A_776, %dma_start3A_785] : memref<4x128xi32, #tpu.memory_space<vmem>> -> memref<1x128xi32, #tpu.memory_space<vmem>>
          %dma_start3A_787 = tpu.memref_squeeze %dma_start3A_786 : memref<1x128xi32, #tpu.memory_space<vmem>> -> memref<128xi32, #tpu.memory_space<vmem>>
          %dma_start3A_788 = arith.constant 0 : i32
          %dma_start3A_789 = arith.constant 0 : i32
          %dma_start3A_790 = tpu.memref_slice %arg6[%dma_start3A_788, %dma_start3A_789] : memref<16392x64xf32, #tpu.memory_space<vmem_shared>> -> memref<16392x64xf32, #tpu.memory_space<vmem_shared>>
          tpu.enqueue_indirect_dma source(%dma_start3A_784 : memref<128x64xf32, #tpu.memory_space<vmem>>) target(%dma_start3A_790 : memref<16392x64xf32, #tpu.memory_space<vmem_shared>>) offsets(%dma_start3A_787 : memref<128xi32, #tpu.memory_space<vmem>>) semaphore(%run_scoped3A_782 : memref<!tpu.dma_semaphore, #tpu.memory_space<semaphore_mem>>) {add = true}
          %dma_wait3A = arith.constant 128 : i32
          %dma_wait3A_791 = arith.constant 0 : i32
          %dma_wait3A_792 = tpu.memref_slice %arg8[%dma_wait3A, %dma_wait3A_791] : memref<512x64xf32, #tpu.memory_space<vmem>> -> memref<128x64xf32, #tpu.memory_space<vmem>>
          %dma_wait3A_793 = arith.constant 0 : i32
          %dma_wait3A_794 = tpu.memref_slice %arg10[%run_scoped3A_776, %dma_wait3A_793] : memref<4x128xi32, #tpu.memory_space<vmem>> -> memref<1x128xi32, #tpu.memory_space<vmem>>
          %dma_wait3A_795 = tpu.memref_squeeze %dma_wait3A_794 : memref<1x128xi32, #tpu.memory_space<vmem>> -> memref<128xi32, #tpu.memory_space<vmem>>
          %dma_wait3A_796 = arith.constant 0 : i32
          %dma_wait3A_797 = arith.constant 0 : i32
          %dma_wait3A_798 = tpu.memref_slice %arg6[%dma_wait3A_796, %dma_wait3A_797] : memref<16392x64xf32, #tpu.memory_space<vmem_shared>> -> memref<16392x64xf32, #tpu.memory_space<vmem_shared>>
          tpu.wait_indirect_dma semaphore(%run_scoped3A_782 : memref<!tpu.dma_semaphore, #tpu.memory_space<semaphore_mem>>) src(%dma_wait3A_792 : memref<128x64xf32, #tpu.memory_space<vmem>>) dst(%dma_wait3A_798 : memref<16392x64xf32, #tpu.memory_space<vmem_shared>>)
          tpu.yield
        }) : () -> ()
        %run_scoped3A_777 = arith.constant 1 : i32
        "tpu.region"() ({
          %run_scoped3A_782 = tpu.sem_alloc : memref<!tpu.dma_semaphore, #tpu.memory_space<semaphore_mem>>
          %dma_start3A = arith.constant 0 : i32
          %dma_start3A_783 = tpu.memref_slice %arg10[%run_scoped3A_777, %dma_start3A] : memref<4x128xi32, #tpu.memory_space<vmem>> -> memref<1x128xi32, #tpu.memory_space<vmem>>
          %dma_start3A_784 = tpu.memref_squeeze %dma_start3A_783 : memref<1x128xi32, #tpu.memory_space<vmem>> -> memref<128xi32, #tpu.memory_space<vmem>>
          %dma_start3A_785 = arith.constant 0 : i32
          %dma_start3A_786 = arith.constant 0 : i32
          %dma_start3A_787 = tpu.memref_slice %arg7[%dma_start3A_785, %dma_start3A_786] : memref<16392x16xf32, #tpu.memory_space<vmem_shared>> -> memref<16392x16xf32, #tpu.memory_space<vmem_shared>>
          tpu.enqueue_indirect_dma source(%arg12 : memref<128x16xf32, #tpu.memory_space<vmem>>) target(%dma_start3A_787 : memref<16392x16xf32, #tpu.memory_space<vmem_shared>>) offsets(%dma_start3A_784 : memref<128xi32, #tpu.memory_space<vmem>>) semaphore(%run_scoped3A_782 : memref<!tpu.dma_semaphore, #tpu.memory_space<semaphore_mem>>) {add = true}
          %dma_wait3A = arith.constant 0 : i32
          %dma_wait3A_788 = tpu.memref_slice %arg10[%run_scoped3A_777, %dma_wait3A] : memref<4x128xi32, #tpu.memory_space<vmem>> -> memref<1x128xi32, #tpu.memory_space<vmem>>
          %dma_wait3A_789 = tpu.memref_squeeze %dma_wait3A_788 : memref<1x128xi32, #tpu.memory_space<vmem>> -> memref<128xi32, #tpu.memory_space<vmem>>
          %dma_wait3A_790 = arith.constant 0 : i32
          %dma_wait3A_791 = arith.constant 0 : i32
          %dma_wait3A_792 = tpu.memref_slice %arg7[%dma_wait3A_790, %dma_wait3A_791] : memref<16392x16xf32, #tpu.memory_space<vmem_shared>> -> memref<16392x16xf32, #tpu.memory_space<vmem_shared>>
          tpu.wait_indirect_dma semaphore(%run_scoped3A_782 : memref<!tpu.dma_semaphore, #tpu.memory_space<semaphore_mem>>) src(%arg12 : memref<128x16xf32, #tpu.memory_space<vmem>>) dst(%dma_wait3A_792 : memref<16392x16xf32, #tpu.memory_space<vmem_shared>>)
          tpu.yield
        }) : () -> ()
        %run_scoped3A_778 = arith.constant 2 : i32
        "tpu.region"() ({
          %run_scoped3A_782 = tpu.sem_alloc : memref<!tpu.dma_semaphore, #tpu.memory_space<semaphore_mem>>
          %dma_start3A = arith.constant 256 : i32
          %dma_start3A_783 = arith.constant 0 : i32
          %dma_start3A_784 = tpu.memref_slice %arg8[%dma_start3A, %dma_start3A_783] : memref<512x64xf32, #tpu.memory_space<vmem>> -> memref<128x64xf32, #tpu.memory_space<vmem>>
          %dma_start3A_785 = arith.constant 0 : i32
          %dma_start3A_786 = tpu.memref_slice %arg10[%run_scoped3A_778, %dma_start3A_785] : memref<4x128xi32, #tpu.memory_space<vmem>> -> memref<1x128xi32, #tpu.memory_space<vmem>>
          %dma_start3A_787 = tpu.memref_squeeze %dma_start3A_786 : memref<1x128xi32, #tpu.memory_space<vmem>> -> memref<128xi32, #tpu.memory_space<vmem>>
          %dma_start3A_788 = arith.constant 0 : i32
          %dma_start3A_789 = arith.constant 0 : i32
          %dma_start3A_790 = tpu.memref_slice %arg6[%dma_start3A_788, %dma_start3A_789] : memref<16392x64xf32, #tpu.memory_space<vmem_shared>> -> memref<16392x64xf32, #tpu.memory_space<vmem_shared>>
          tpu.enqueue_indirect_dma source(%dma_start3A_784 : memref<128x64xf32, #tpu.memory_space<vmem>>) target(%dma_start3A_790 : memref<16392x64xf32, #tpu.memory_space<vmem_shared>>) offsets(%dma_start3A_787 : memref<128xi32, #tpu.memory_space<vmem>>) semaphore(%run_scoped3A_782 : memref<!tpu.dma_semaphore, #tpu.memory_space<semaphore_mem>>) {add = true}
          %dma_wait3A = arith.constant 256 : i32
          %dma_wait3A_791 = arith.constant 0 : i32
          %dma_wait3A_792 = tpu.memref_slice %arg8[%dma_wait3A, %dma_wait3A_791] : memref<512x64xf32, #tpu.memory_space<vmem>> -> memref<128x64xf32, #tpu.memory_space<vmem>>
          %dma_wait3A_793 = arith.constant 0 : i32
          %dma_wait3A_794 = tpu.memref_slice %arg10[%run_scoped3A_778, %dma_wait3A_793] : memref<4x128xi32, #tpu.memory_space<vmem>> -> memref<1x128xi32, #tpu.memory_space<vmem>>
          %dma_wait3A_795 = tpu.memref_squeeze %dma_wait3A_794 : memref<1x128xi32, #tpu.memory_space<vmem>> -> memref<128xi32, #tpu.memory_space<vmem>>
          %dma_wait3A_796 = arith.constant 0 : i32
          %dma_wait3A_797 = arith.constant 0 : i32
          %dma_wait3A_798 = tpu.memref_slice %arg6[%dma_wait3A_796, %dma_wait3A_797] : memref<16392x64xf32, #tpu.memory_space<vmem_shared>> -> memref<16392x64xf32, #tpu.memory_space<vmem_shared>>
          tpu.wait_indirect_dma semaphore(%run_scoped3A_782 : memref<!tpu.dma_semaphore, #tpu.memory_space<semaphore_mem>>) src(%dma_wait3A_792 : memref<128x64xf32, #tpu.memory_space<vmem>>) dst(%dma_wait3A_798 : memref<16392x64xf32, #tpu.memory_space<vmem_shared>>)
          tpu.yield
        }) : () -> ()
        %run_scoped3A_779 = arith.constant 2 : i32
        "tpu.region"() ({
          %run_scoped3A_782 = tpu.sem_alloc : memref<!tpu.dma_semaphore, #tpu.memory_space<semaphore_mem>>
          %dma_start3A = arith.constant 0 : i32
          %dma_start3A_783 = tpu.memref_slice %arg10[%run_scoped3A_779, %dma_start3A] : memref<4x128xi32, #tpu.memory_space<vmem>> -> memref<1x128xi32, #tpu.memory_space<vmem>>
          %dma_start3A_784 = tpu.memref_squeeze %dma_start3A_783 : memref<1x128xi32, #tpu.memory_space<vmem>> -> memref<128xi32, #tpu.memory_space<vmem>>
          %dma_start3A_785 = arith.constant 0 : i32
          %dma_start3A_786 = arith.constant 0 : i32
          %dma_start3A_787 = tpu.memref_slice %arg7[%dma_start3A_785, %dma_start3A_786] : memref<16392x16xf32, #tpu.memory_space<vmem_shared>> -> memref<16392x16xf32, #tpu.memory_space<vmem_shared>>
          tpu.enqueue_indirect_dma source(%arg12 : memref<128x16xf32, #tpu.memory_space<vmem>>) target(%dma_start3A_787 : memref<16392x16xf32, #tpu.memory_space<vmem_shared>>) offsets(%dma_start3A_784 : memref<128xi32, #tpu.memory_space<vmem>>) semaphore(%run_scoped3A_782 : memref<!tpu.dma_semaphore, #tpu.memory_space<semaphore_mem>>) {add = true}
          %dma_wait3A = arith.constant 0 : i32
          %dma_wait3A_788 = tpu.memref_slice %arg10[%run_scoped3A_779, %dma_wait3A] : memref<4x128xi32, #tpu.memory_space<vmem>> -> memref<1x128xi32, #tpu.memory_space<vmem>>
          %dma_wait3A_789 = tpu.memref_squeeze %dma_wait3A_788 : memref<1x128xi32, #tpu.memory_space<vmem>> -> memref<128xi32, #tpu.memory_space<vmem>>
          %dma_wait3A_790 = arith.constant 0 : i32
          %dma_wait3A_791 = arith.constant 0 : i32
          %dma_wait3A_792 = tpu.memref_slice %arg7[%dma_wait3A_790, %dma_wait3A_791] : memref<16392x16xf32, #tpu.memory_space<vmem_shared>> -> memref<16392x16xf32, #tpu.memory_space<vmem_shared>>
          tpu.wait_indirect_dma semaphore(%run_scoped3A_782 : memref<!tpu.dma_semaphore, #tpu.memory_space<semaphore_mem>>) src(%arg12 : memref<128x16xf32, #tpu.memory_space<vmem>>) dst(%dma_wait3A_792 : memref<16392x16xf32, #tpu.memory_space<vmem_shared>>)
          tpu.yield
        }) : () -> ()
        %run_scoped3A_780 = arith.constant 3 : i32
        "tpu.region"() ({
          %run_scoped3A_782 = tpu.sem_alloc : memref<!tpu.dma_semaphore, #tpu.memory_space<semaphore_mem>>
          %dma_start3A = arith.constant 384 : i32
          %dma_start3A_783 = arith.constant 0 : i32
          %dma_start3A_784 = tpu.memref_slice %arg8[%dma_start3A, %dma_start3A_783] : memref<512x64xf32, #tpu.memory_space<vmem>> -> memref<128x64xf32, #tpu.memory_space<vmem>>
          %dma_start3A_785 = arith.constant 0 : i32
          %dma_start3A_786 = tpu.memref_slice %arg10[%run_scoped3A_780, %dma_start3A_785] : memref<4x128xi32, #tpu.memory_space<vmem>> -> memref<1x128xi32, #tpu.memory_space<vmem>>
          %dma_start3A_787 = tpu.memref_squeeze %dma_start3A_786 : memref<1x128xi32, #tpu.memory_space<vmem>> -> memref<128xi32, #tpu.memory_space<vmem>>
          %dma_start3A_788 = arith.constant 0 : i32
          %dma_start3A_789 = arith.constant 0 : i32
          %dma_start3A_790 = tpu.memref_slice %arg6[%dma_start3A_788, %dma_start3A_789] : memref<16392x64xf32, #tpu.memory_space<vmem_shared>> -> memref<16392x64xf32, #tpu.memory_space<vmem_shared>>
          tpu.enqueue_indirect_dma source(%dma_start3A_784 : memref<128x64xf32, #tpu.memory_space<vmem>>) target(%dma_start3A_790 : memref<16392x64xf32, #tpu.memory_space<vmem_shared>>) offsets(%dma_start3A_787 : memref<128xi32, #tpu.memory_space<vmem>>) semaphore(%run_scoped3A_782 : memref<!tpu.dma_semaphore, #tpu.memory_space<semaphore_mem>>) {add = true}
          %dma_wait3A = arith.constant 384 : i32
          %dma_wait3A_791 = arith.constant 0 : i32
          %dma_wait3A_792 = tpu.memref_slice %arg8[%dma_wait3A, %dma_wait3A_791] : memref<512x64xf32, #tpu.memory_space<vmem>> -> memref<128x64xf32, #tpu.memory_space<vmem>>
          %dma_wait3A_793 = arith.constant 0 : i32
          %dma_wait3A_794 = tpu.memref_slice %arg10[%run_scoped3A_780, %dma_wait3A_793] : memref<4x128xi32, #tpu.memory_space<vmem>> -> memref<1x128xi32, #tpu.memory_space<vmem>>
          %dma_wait3A_795 = tpu.memref_squeeze %dma_wait3A_794 : memref<1x128xi32, #tpu.memory_space<vmem>> -> memref<128xi32, #tpu.memory_space<vmem>>
          %dma_wait3A_796 = arith.constant 0 : i32
          %dma_wait3A_797 = arith.constant 0 : i32
          %dma_wait3A_798 = tpu.memref_slice %arg6[%dma_wait3A_796, %dma_wait3A_797] : memref<16392x64xf32, #tpu.memory_space<vmem_shared>> -> memref<16392x64xf32, #tpu.memory_space<vmem_shared>>
          tpu.wait_indirect_dma semaphore(%run_scoped3A_782 : memref<!tpu.dma_semaphore, #tpu.memory_space<semaphore_mem>>) src(%dma_wait3A_792 : memref<128x64xf32, #tpu.memory_space<vmem>>) dst(%dma_wait3A_798 : memref<16392x64xf32, #tpu.memory_space<vmem_shared>>)
          tpu.yield
        }) : () -> ()
        %run_scoped3A_781 = arith.constant 3 : i32
        "tpu.region"() ({
          %run_scoped3A_782 = tpu.sem_alloc : memref<!tpu.dma_semaphore, #tpu.memory_space<semaphore_mem>>
          %dma_start3A = arith.constant 0 : i32
          %dma_start3A_783 = tpu.memref_slice %arg10[%run_scoped3A_781, %dma_start3A] : memref<4x128xi32, #tpu.memory_space<vmem>> -> memref<1x128xi32, #tpu.memory_space<vmem>>
          %dma_start3A_784 = tpu.memref_squeeze %dma_start3A_783 : memref<1x128xi32, #tpu.memory_space<vmem>> -> memref<128xi32, #tpu.memory_space<vmem>>
          %dma_start3A_785 = arith.constant 0 : i32
          %dma_start3A_786 = arith.constant 0 : i32
          %dma_start3A_787 = tpu.memref_slice %arg7[%dma_start3A_785, %dma_start3A_786] : memref<16392x16xf32, #tpu.memory_space<vmem_shared>> -> memref<16392x16xf32, #tpu.memory_space<vmem_shared>>
          tpu.enqueue_indirect_dma source(%arg12 : memref<128x16xf32, #tpu.memory_space<vmem>>) target(%dma_start3A_787 : memref<16392x16xf32, #tpu.memory_space<vmem_shared>>) offsets(%dma_start3A_784 : memref<128xi32, #tpu.memory_space<vmem>>) semaphore(%run_scoped3A_782 : memref<!tpu.dma_semaphore, #tpu.memory_space<semaphore_mem>>) {add = true}
          %dma_wait3A = arith.constant 0 : i32
          %dma_wait3A_788 = tpu.memref_slice %arg10[%run_scoped3A_781, %dma_wait3A] : memref<4x128xi32, #tpu.memory_space<vmem>> -> memref<1x128xi32, #tpu.memory_space<vmem>>
          %dma_wait3A_789 = tpu.memref_squeeze %dma_wait3A_788 : memref<1x128xi32, #tpu.memory_space<vmem>> -> memref<128xi32, #tpu.memory_space<vmem>>
          %dma_wait3A_790 = arith.constant 0 : i32
          %dma_wait3A_791 = arith.constant 0 : i32
          %dma_wait3A_792 = tpu.memref_slice %arg7[%dma_wait3A_790, %dma_wait3A_791] : memref<16392x16xf32, #tpu.memory_space<vmem_shared>> -> memref<16392x16xf32, #tpu.memory_space<vmem_shared>>
          tpu.wait_indirect_dma semaphore(%run_scoped3A_782 : memref<!tpu.dma_semaphore, #tpu.memory_space<semaphore_mem>>) src(%arg12 : memref<128x16xf32, #tpu.memory_space<vmem>>) dst(%dma_wait3A_792 : memref<16392x16xf32, #tpu.memory_space<vmem_shared>>)
          tpu.yield
        }) : () -> ()
      } else {
      }
      %scan3A_106 = arith.constant 0 : i32
      scf.yield %scan3A_106 : i32
    }
    %scan3A_85 = arith.constant 7 : i32
    %barrier3A_86 = arith.constant 0 : index
    tpu.barrier barrier_id(%barrier3A_86)
    %mul3A_87 = arith.constant 1024 : i32
    %mul3A_88 = arith.muli %arg1, %mul3A_87 : i32
    %mul3A_89 = arith.constant 1024 : i32
    %mul3A_90 = arith.muli %arg1, %mul3A_89 : i32
    %add3A_91 = arith.addi %mul3A_0, %mul3A_90 : i32
    "tpu.region"() ({
      %run_scoped3A = tpu.sem_alloc : memref<!tpu.dma_semaphore, #tpu.memory_space<semaphore_mem>>
      %dma_start3A = arith.constant 0 : i32
      %dma_start3A_97 = tpu.memref_slice %arg4[%add3A_91, %dma_start3A] : memref<32768x64xf32, #tpu.memory_space<hbm>> -> memref<1024x64xf32, #tpu.memory_space<hbm>>
      %dma_start3A_98 = arith.constant 0 : i32
      %dma_start3A_99 = tpu.memref_slice %arg6[%mul3A_88, %dma_start3A_98] : memref<16392x64xf32, #tpu.memory_space<vmem_shared>> -> memref<1024x64xf32, #tpu.memory_space<vmem_shared>>
      tpu.enqueue_dma source(%dma_start3A_99 : memref<1024x64xf32, #tpu.memory_space<vmem_shared>>) target(%dma_start3A_97 : memref<1024x64xf32, #tpu.memory_space<hbm>>) target_semaphore(%run_scoped3A : memref<!tpu.dma_semaphore, #tpu.memory_space<semaphore_mem>>)
      %dma_wait3A = arith.constant 0 : i32
      %dma_wait3A_100 = tpu.memref_slice %arg4[%add3A_91, %dma_wait3A] : memref<32768x64xf32, #tpu.memory_space<hbm>> -> memref<1024x64xf32, #tpu.memory_space<hbm>>
      %dma_wait3A_101 = arith.constant 0 : i32
      %dma_wait3A_102 = tpu.memref_slice %arg6[%mul3A_88, %dma_wait3A_101] : memref<16392x64xf32, #tpu.memory_space<vmem_shared>> -> memref<1024x64xf32, #tpu.memory_space<vmem_shared>>
      tpu.wait_dma2 semaphore(%run_scoped3A : memref<!tpu.dma_semaphore, #tpu.memory_space<semaphore_mem>>) src(%dma_wait3A_102 : memref<1024x64xf32, #tpu.memory_space<vmem_shared>>) dst(%dma_wait3A_100 : memref<1024x64xf32, #tpu.memory_space<hbm>>)
      tpu.yield
    }) : () -> ()
    %mul3A_92 = arith.constant 1024 : i32
    %mul3A_93 = arith.muli %arg1, %mul3A_92 : i32
    %mul3A_94 = arith.constant 1024 : i32
    %mul3A_95 = arith.muli %arg1, %mul3A_94 : i32
    %add3A_96 = arith.addi %mul3A_0, %mul3A_95 : i32
    "tpu.region"() ({
      %run_scoped3A = tpu.sem_alloc : memref<!tpu.dma_semaphore, #tpu.memory_space<semaphore_mem>>
      %dma_start3A = arith.constant 0 : i32
      %dma_start3A_97 = tpu.memref_slice %arg5[%add3A_96, %dma_start3A] : memref<32768x16xf32, #tpu.memory_space<hbm>> -> memref<1024x16xf32, #tpu.memory_space<hbm>>
      %dma_start3A_98 = arith.constant 0 : i32
      %dma_start3A_99 = tpu.memref_slice %arg7[%mul3A_93, %dma_start3A_98] : memref<16392x16xf32, #tpu.memory_space<vmem_shared>> -> memref<1024x16xf32, #tpu.memory_space<vmem_shared>>
      tpu.enqueue_dma source(%dma_start3A_99 : memref<1024x16xf32, #tpu.memory_space<vmem_shared>>) target(%dma_start3A_97 : memref<1024x16xf32, #tpu.memory_space<hbm>>) target_semaphore(%run_scoped3A : memref<!tpu.dma_semaphore, #tpu.memory_space<semaphore_mem>>)
      %dma_wait3A = arith.constant 0 : i32
      %dma_wait3A_100 = tpu.memref_slice %arg5[%add3A_96, %dma_wait3A] : memref<32768x16xf32, #tpu.memory_space<hbm>> -> memref<1024x16xf32, #tpu.memory_space<hbm>>
      %dma_wait3A_101 = arith.constant 0 : i32
      %dma_wait3A_102 = tpu.memref_slice %arg7[%mul3A_93, %dma_wait3A_101] : memref<16392x16xf32, #tpu.memory_space<vmem_shared>> -> memref<1024x16xf32, #tpu.memory_space<vmem_shared>>
      tpu.wait_dma2 semaphore(%run_scoped3A : memref<!tpu.dma_semaphore, #tpu.memory_space<semaphore_mem>>) src(%dma_wait3A_102 : memref<1024x16xf32, #tpu.memory_space<vmem_shared>>) dst(%dma_wait3A_100 : memref<1024x16xf32, #tpu.memory_space<hbm>>)
      tpu.yield
    }) : () -> ()
    return
  }
}

#map = affine_map<(d0, d1) -> (0, 0)>
module attributes {stable_mosaic.version = 14 : i64} {
  func.func @_s4_body(%arg0: i32, %arg1: i32, %arg2: memref<32768x64xf32, #tpu.memory_space<hbm>>, %arg3: memref<32768x16xi32, #tpu.memory_space<hbm>>, %arg4: memref<256x128xi32, #tpu.memory_space<hbm>>, %arg5: memref<50000x64xf32, #tpu.memory_space<hbm>>, %arg6: memref<50176x16xi32, #tpu.memory_space<hbm>>, %arg7: memref<8x128xi32, #tpu.memory_space<vmem>>, %arg8: memref<128x64xf32, #tpu.memory_space<vmem>>, %arg9: memref<128x16xi32, #tpu.memory_space<vmem>>, %arg10: memref<544x64xf32, #tpu.memory_space<vmem>>, %arg11: memref<544x16xi32, #tpu.memory_space<vmem>>) attributes {dimension_semantics = [#tpu.dimension_semantics<core_parallel>, #tpu.dimension_semantics<subcore_parallel>], iteration_bounds = array<i64: 2, 16>, scalar_prefetch = 0 : i64, scratch_operands = 5 : i64, tpu.core_type = #tpu.core_type<sc_vector_subcore>, window_params = [{transform_indices = #map}, {transform_indices = #map}, {transform_indices = #map}, {transform_indices = #map}, {transform_indices = #map}]} {
    %mul3A = arith.constant 16 : i32
    %mul3A_0 = arith.muli %arg0, %mul3A : i32
    %add3A = arith.addi %mul3A_0, %arg1 : i32
    %mul3A_1 = arith.constant 1024 : i32
    %mul3A_2 = arith.muli %add3A, %mul3A_1 : i32
    %mul3A_3 = arith.constant 8 : i32
    %mul3A_4 = arith.muli %add3A, %mul3A_3 : i32
    "tpu.region"() ({
      %run_scoped3A_73 = tpu.sem_alloc : memref<!tpu.dma_semaphore, #tpu.memory_space<semaphore_mem>>
      %dma_start3A = arith.constant 0 : i32
      %dma_start3A_74 = tpu.memref_slice %arg4[%mul3A_4, %dma_start3A] : memref<256x128xi32, #tpu.memory_space<hbm>> -> memref<8x128xi32, #tpu.memory_space<hbm>>
      %dma_start3A_75 = arith.constant 0 : i32
      %dma_start3A_76 = tpu.memref_slice %arg4[%mul3A_4, %dma_start3A_75] : memref<256x128xi32, #tpu.memory_space<hbm>> -> memref<8x128xi32, #tpu.memory_space<hbm>>
      tpu.enqueue_dma source(%dma_start3A_76 : memref<8x128xi32, #tpu.memory_space<hbm>>) target(%arg7 : memref<8x128xi32, #tpu.memory_space<vmem>>) target_semaphore(%run_scoped3A_73 : memref<!tpu.dma_semaphore, #tpu.memory_space<semaphore_mem>>)
      %dma_wait3A = arith.constant 0 : i32
      %dma_wait3A_77 = tpu.memref_slice %arg4[%mul3A_4, %dma_wait3A] : memref<256x128xi32, #tpu.memory_space<hbm>> -> memref<8x128xi32, #tpu.memory_space<hbm>>
      %dma_wait3A_78 = arith.constant 0 : i32
      %dma_wait3A_79 = tpu.memref_slice %arg4[%mul3A_4, %dma_wait3A_78] : memref<256x128xi32, #tpu.memory_space<hbm>> -> memref<8x128xi32, #tpu.memory_space<hbm>>
      tpu.wait_dma2 semaphore(%run_scoped3A_73 : memref<!tpu.dma_semaphore, #tpu.memory_space<semaphore_mem>>) src(%dma_wait3A_79 : memref<8x128xi32, #tpu.memory_space<hbm>>) dst(%arg7 : memref<8x128xi32, #tpu.memory_space<vmem>>)
      tpu.yield
    }) : () -> ()
    %add3A_5 = arith.constant 0 : i32
    %add3A_6 = arith.addi %mul3A_2, %add3A_5 : i32
    "tpu.region"() ({
      %run_scoped3A_73 = tpu.sem_alloc : memref<!tpu.dma_semaphore, #tpu.memory_space<semaphore_mem>>
      %dma_start3A = arith.constant 0 : i32
      %dma_start3A_74 = tpu.memref_slice %arg2[%add3A_6, %dma_start3A] : memref<32768x64xf32, #tpu.memory_space<hbm>> -> memref<128x64xf32, #tpu.memory_space<hbm>>
      %dma_start3A_75 = arith.constant 0 : i32
      %dma_start3A_76 = tpu.memref_slice %arg2[%add3A_6, %dma_start3A_75] : memref<32768x64xf32, #tpu.memory_space<hbm>> -> memref<128x64xf32, #tpu.memory_space<hbm>>
      tpu.enqueue_dma source(%dma_start3A_76 : memref<128x64xf32, #tpu.memory_space<hbm>>) target(%arg8 : memref<128x64xf32, #tpu.memory_space<vmem>>) target_semaphore(%run_scoped3A_73 : memref<!tpu.dma_semaphore, #tpu.memory_space<semaphore_mem>>)
      %dma_wait3A = arith.constant 0 : i32
      %dma_wait3A_77 = tpu.memref_slice %arg2[%add3A_6, %dma_wait3A] : memref<32768x64xf32, #tpu.memory_space<hbm>> -> memref<128x64xf32, #tpu.memory_space<hbm>>
      %dma_wait3A_78 = arith.constant 0 : i32
      %dma_wait3A_79 = tpu.memref_slice %arg2[%add3A_6, %dma_wait3A_78] : memref<32768x64xf32, #tpu.memory_space<hbm>> -> memref<128x64xf32, #tpu.memory_space<hbm>>
      tpu.wait_dma2 semaphore(%run_scoped3A_73 : memref<!tpu.dma_semaphore, #tpu.memory_space<semaphore_mem>>) src(%dma_wait3A_79 : memref<128x64xf32, #tpu.memory_space<hbm>>) dst(%arg8 : memref<128x64xf32, #tpu.memory_space<vmem>>)
      tpu.yield
    }) : () -> ()
    %add3A_7 = arith.constant 0 : i32
    %add3A_8 = arith.addi %mul3A_2, %add3A_7 : i32
    "tpu.region"() ({
      %run_scoped3A_73 = tpu.sem_alloc : memref<!tpu.dma_semaphore, #tpu.memory_space<semaphore_mem>>
      %dma_start3A = arith.constant 0 : i32
      %dma_start3A_74 = tpu.memref_slice %arg3[%add3A_8, %dma_start3A] : memref<32768x16xi32, #tpu.memory_space<hbm>> -> memref<128x16xi32, #tpu.memory_space<hbm>>
      %dma_start3A_75 = arith.constant 0 : i32
      %dma_start3A_76 = tpu.memref_slice %arg3[%add3A_8, %dma_start3A_75] : memref<32768x16xi32, #tpu.memory_space<hbm>> -> memref<128x16xi32, #tpu.memory_space<hbm>>
      tpu.enqueue_dma source(%dma_start3A_76 : memref<128x16xi32, #tpu.memory_space<hbm>>) target(%arg9 : memref<128x16xi32, #tpu.memory_space<vmem>>) target_semaphore(%run_scoped3A_73 : memref<!tpu.dma_semaphore, #tpu.memory_space<semaphore_mem>>)
      %dma_wait3A = arith.constant 0 : i32
      %dma_wait3A_77 = tpu.memref_slice %arg3[%add3A_8, %dma_wait3A] : memref<32768x16xi32, #tpu.memory_space<hbm>> -> memref<128x16xi32, #tpu.memory_space<hbm>>
      %dma_wait3A_78 = arith.constant 0 : i32
      %dma_wait3A_79 = tpu.memref_slice %arg3[%add3A_8, %dma_wait3A_78] : memref<32768x16xi32, #tpu.memory_space<hbm>> -> memref<128x16xi32, #tpu.memory_space<hbm>>
      tpu.wait_dma2 semaphore(%run_scoped3A_73 : memref<!tpu.dma_semaphore, #tpu.memory_space<semaphore_mem>>) src(%dma_wait3A_79 : memref<128x16xi32, #tpu.memory_space<hbm>>) dst(%arg9 : memref<128x16xi32, #tpu.memory_space<vmem>>)
      tpu.yield
    }) : () -> ()
    %run_scoped3A = arith.constant 0 : i32
    "tpu.region"() ({
      %run_scoped3A_73 = tpu.sem_alloc : memref<!tpu.dma_semaphore, #tpu.memory_space<semaphore_mem>>
      %dma_start3A = arith.constant 0 : i32
      %dma_start3A_74 = tpu.memref_slice %arg7[%run_scoped3A, %dma_start3A] : memref<8x128xi32, #tpu.memory_space<vmem>> -> memref<1x128xi32, #tpu.memory_space<vmem>>
      %dma_start3A_75 = tpu.memref_squeeze %dma_start3A_74 : memref<1x128xi32, #tpu.memory_space<vmem>> -> memref<128xi32, #tpu.memory_space<vmem>>
      %dma_start3A_76 = arith.constant 0 : i32
      %dma_start3A_77 = arith.constant 0 : i32
      %dma_start3A_78 = tpu.memref_slice %arg5[%dma_start3A_76, %dma_start3A_77] : memref<50000x64xf32, #tpu.memory_space<hbm>> -> memref<50000x64xf32, #tpu.memory_space<hbm>>
      tpu.enqueue_indirect_dma source(%arg8 : memref<128x64xf32, #tpu.memory_space<vmem>>) target(%dma_start3A_78 : memref<50000x64xf32, #tpu.memory_space<hbm>>) offsets(%dma_start3A_75 : memref<128xi32, #tpu.memory_space<vmem>>) semaphore(%run_scoped3A_73 : memref<!tpu.dma_semaphore, #tpu.memory_space<semaphore_mem>>)
      %dma_wait3A = arith.constant 0 : i32
      %dma_wait3A_79 = tpu.memref_slice %arg7[%run_scoped3A, %dma_wait3A] : memref<8x128xi32, #tpu.memory_space<vmem>> -> memref<1x128xi32, #tpu.memory_space<vmem>>
      %dma_wait3A_80 = tpu.memref_squeeze %dma_wait3A_79 : memref<1x128xi32, #tpu.memory_space<vmem>> -> memref<128xi32, #tpu.memory_space<vmem>>
      %dma_wait3A_81 = arith.constant 0 : i32
      %dma_wait3A_82 = arith.constant 0 : i32
      %dma_wait3A_83 = tpu.memref_slice %arg5[%dma_wait3A_81, %dma_wait3A_82] : memref<50000x64xf32, #tpu.memory_space<hbm>> -> memref<50000x64xf32, #tpu.memory_space<hbm>>
      tpu.wait_indirect_dma semaphore(%run_scoped3A_73 : memref<!tpu.dma_semaphore, #tpu.memory_space<semaphore_mem>>) src(%arg8 : memref<128x64xf32, #tpu.memory_space<vmem>>) dst(%dma_wait3A_83 : memref<50000x64xf32, #tpu.memory_space<hbm>>)
      tpu.yield
    }) : () -> ()
    %run_scoped3A_9 = arith.constant 0 : i32
    "tpu.region"() ({
      %run_scoped3A_73 = tpu.sem_alloc : memref<!tpu.dma_semaphore, #tpu.memory_space<semaphore_mem>>
      %dma_start3A = arith.constant 0 : i32
      %dma_start3A_74 = tpu.memref_slice %arg7[%run_scoped3A_9, %dma_start3A] : memref<8x128xi32, #tpu.memory_space<vmem>> -> memref<1x128xi32, #tpu.memory_space<vmem>>
      %dma_start3A_75 = tpu.memref_squeeze %dma_start3A_74 : memref<1x128xi32, #tpu.memory_space<vmem>> -> memref<128xi32, #tpu.memory_space<vmem>>
      %dma_start3A_76 = arith.constant 0 : i32
      %dma_start3A_77 = arith.constant 0 : i32
      %dma_start3A_78 = tpu.memref_slice %arg6[%dma_start3A_76, %dma_start3A_77] : memref<50176x16xi32, #tpu.memory_space<hbm>> -> memref<50176x16xi32, #tpu.memory_space<hbm>>
      tpu.enqueue_indirect_dma source(%arg9 : memref<128x16xi32, #tpu.memory_space<vmem>>) target(%dma_start3A_78 : memref<50176x16xi32, #tpu.memory_space<hbm>>) offsets(%dma_start3A_75 : memref<128xi32, #tpu.memory_space<vmem>>) semaphore(%run_scoped3A_73 : memref<!tpu.dma_semaphore, #tpu.memory_space<semaphore_mem>>)
      %dma_wait3A = arith.constant 0 : i32
      %dma_wait3A_79 = tpu.memref_slice %arg7[%run_scoped3A_9, %dma_wait3A] : memref<8x128xi32, #tpu.memory_space<vmem>> -> memref<1x128xi32, #tpu.memory_space<vmem>>
      %dma_wait3A_80 = tpu.memref_squeeze %dma_wait3A_79 : memref<1x128xi32, #tpu.memory_space<vmem>> -> memref<128xi32, #tpu.memory_space<vmem>>
      %dma_wait3A_81 = arith.constant 0 : i32
      %dma_wait3A_82 = arith.constant 0 : i32
      %dma_wait3A_83 = tpu.memref_slice %arg6[%dma_wait3A_81, %dma_wait3A_82] : memref<50176x16xi32, #tpu.memory_space<hbm>> -> memref<50176x16xi32, #tpu.memory_space<hbm>>
      tpu.wait_indirect_dma semaphore(%run_scoped3A_73 : memref<!tpu.dma_semaphore, #tpu.memory_space<semaphore_mem>>) src(%arg9 : memref<128x16xi32, #tpu.memory_space<vmem>>) dst(%dma_wait3A_83 : memref<50176x16xi32, #tpu.memory_space<hbm>>)
      tpu.yield
    }) : () -> ()
    %add3A_10 = arith.constant 128 : i32
    %add3A_11 = arith.addi %mul3A_2, %add3A_10 : i32
    "tpu.region"() ({
      %run_scoped3A_73 = tpu.sem_alloc : memref<!tpu.dma_semaphore, #tpu.memory_space<semaphore_mem>>
      %dma_start3A = arith.constant 0 : i32
      %dma_start3A_74 = tpu.memref_slice %arg2[%add3A_11, %dma_start3A] : memref<32768x64xf32, #tpu.memory_space<hbm>> -> memref<128x64xf32, #tpu.memory_space<hbm>>
      %dma_start3A_75 = arith.constant 0 : i32
      %dma_start3A_76 = tpu.memref_slice %arg2[%add3A_11, %dma_start3A_75] : memref<32768x64xf32, #tpu.memory_space<hbm>> -> memref<128x64xf32, #tpu.memory_space<hbm>>
      tpu.enqueue_dma source(%dma_start3A_76 : memref<128x64xf32, #tpu.memory_space<hbm>>) target(%arg8 : memref<128x64xf32, #tpu.memory_space<vmem>>) target_semaphore(%run_scoped3A_73 : memref<!tpu.dma_semaphore, #tpu.memory_space<semaphore_mem>>)
      %dma_wait3A = arith.constant 0 : i32
      %dma_wait3A_77 = tpu.memref_slice %arg2[%add3A_11, %dma_wait3A] : memref<32768x64xf32, #tpu.memory_space<hbm>> -> memref<128x64xf32, #tpu.memory_space<hbm>>
      %dma_wait3A_78 = arith.constant 0 : i32
      %dma_wait3A_79 = tpu.memref_slice %arg2[%add3A_11, %dma_wait3A_78] : memref<32768x64xf32, #tpu.memory_space<hbm>> -> memref<128x64xf32, #tpu.memory_space<hbm>>
      tpu.wait_dma2 semaphore(%run_scoped3A_73 : memref<!tpu.dma_semaphore, #tpu.memory_space<semaphore_mem>>) src(%dma_wait3A_79 : memref<128x64xf32, #tpu.memory_space<hbm>>) dst(%arg8 : memref<128x64xf32, #tpu.memory_space<vmem>>)
      tpu.yield
    }) : () -> ()
    %add3A_12 = arith.constant 128 : i32
    %add3A_13 = arith.addi %mul3A_2, %add3A_12 : i32
    "tpu.region"() ({
      %run_scoped3A_73 = tpu.sem_alloc : memref<!tpu.dma_semaphore, #tpu.memory_space<semaphore_mem>>
      %dma_start3A = arith.constant 0 : i32
      %dma_start3A_74 = tpu.memref_slice %arg3[%add3A_13, %dma_start3A] : memref<32768x16xi32, #tpu.memory_space<hbm>> -> memref<128x16xi32, #tpu.memory_space<hbm>>
      %dma_start3A_75 = arith.constant 0 : i32
      %dma_start3A_76 = tpu.memref_slice %arg3[%add3A_13, %dma_start3A_75] : memref<32768x16xi32, #tpu.memory_space<hbm>> -> memref<128x16xi32, #tpu.memory_space<hbm>>
      tpu.enqueue_dma source(%dma_start3A_76 : memref<128x16xi32, #tpu.memory_space<hbm>>) target(%arg9 : memref<128x16xi32, #tpu.memory_space<vmem>>) target_semaphore(%run_scoped3A_73 : memref<!tpu.dma_semaphore, #tpu.memory_space<semaphore_mem>>)
      %dma_wait3A = arith.constant 0 : i32
      %dma_wait3A_77 = tpu.memref_slice %arg3[%add3A_13, %dma_wait3A] : memref<32768x16xi32, #tpu.memory_space<hbm>> -> memref<128x16xi32, #tpu.memory_space<hbm>>
      %dma_wait3A_78 = arith.constant 0 : i32
      %dma_wait3A_79 = tpu.memref_slice %arg3[%add3A_13, %dma_wait3A_78] : memref<32768x16xi32, #tpu.memory_space<hbm>> -> memref<128x16xi32, #tpu.memory_space<hbm>>
      tpu.wait_dma2 semaphore(%run_scoped3A_73 : memref<!tpu.dma_semaphore, #tpu.memory_space<semaphore_mem>>) src(%dma_wait3A_79 : memref<128x16xi32, #tpu.memory_space<hbm>>) dst(%arg9 : memref<128x16xi32, #tpu.memory_space<vmem>>)
      tpu.yield
    }) : () -> ()
    %run_scoped3A_14 = arith.constant 1 : i32
    "tpu.region"() ({
      %run_scoped3A_73 = tpu.sem_alloc : memref<!tpu.dma_semaphore, #tpu.memory_space<semaphore_mem>>
      %dma_start3A = arith.constant 0 : i32
      %dma_start3A_74 = tpu.memref_slice %arg7[%run_scoped3A_14, %dma_start3A] : memref<8x128xi32, #tpu.memory_space<vmem>> -> memref<1x128xi32, #tpu.memory_space<vmem>>
      %dma_start3A_75 = tpu.memref_squeeze %dma_start3A_74 : memref<1x128xi32, #tpu.memory_space<vmem>> -> memref<128xi32, #tpu.memory_space<vmem>>
      %dma_start3A_76 = arith.constant 0 : i32
      %dma_start3A_77 = arith.constant 0 : i32
      %dma_start3A_78 = tpu.memref_slice %arg5[%dma_start3A_76, %dma_start3A_77] : memref<50000x64xf32, #tpu.memory_space<hbm>> -> memref<50000x64xf32, #tpu.memory_space<hbm>>
      tpu.enqueue_indirect_dma source(%arg8 : memref<128x64xf32, #tpu.memory_space<vmem>>) target(%dma_start3A_78 : memref<50000x64xf32, #tpu.memory_space<hbm>>) offsets(%dma_start3A_75 : memref<128xi32, #tpu.memory_space<vmem>>) semaphore(%run_scoped3A_73 : memref<!tpu.dma_semaphore, #tpu.memory_space<semaphore_mem>>)
      %dma_wait3A = arith.constant 0 : i32
      %dma_wait3A_79 = tpu.memref_slice %arg7[%run_scoped3A_14, %dma_wait3A] : memref<8x128xi32, #tpu.memory_space<vmem>> -> memref<1x128xi32, #tpu.memory_space<vmem>>
      %dma_wait3A_80 = tpu.memref_squeeze %dma_wait3A_79 : memref<1x128xi32, #tpu.memory_space<vmem>> -> memref<128xi32, #tpu.memory_space<vmem>>
      %dma_wait3A_81 = arith.constant 0 : i32
      %dma_wait3A_82 = arith.constant 0 : i32
      %dma_wait3A_83 = tpu.memref_slice %arg5[%dma_wait3A_81, %dma_wait3A_82] : memref<50000x64xf32, #tpu.memory_space<hbm>> -> memref<50000x64xf32, #tpu.memory_space<hbm>>
      tpu.wait_indirect_dma semaphore(%run_scoped3A_73 : memref<!tpu.dma_semaphore, #tpu.memory_space<semaphore_mem>>) src(%arg8 : memref<128x64xf32, #tpu.memory_space<vmem>>) dst(%dma_wait3A_83 : memref<50000x64xf32, #tpu.memory_space<hbm>>)
      tpu.yield
    }) : () -> ()
    %run_scoped3A_15 = arith.constant 1 : i32
    "tpu.region"() ({
      %run_scoped3A_73 = tpu.sem_alloc : memref<!tpu.dma_semaphore, #tpu.memory_space<semaphore_mem>>
      %dma_start3A = arith.constant 0 : i32
      %dma_start3A_74 = tpu.memref_slice %arg7[%run_scoped3A_15, %dma_start3A] : memref<8x128xi32, #tpu.memory_space<vmem>> -> memref<1x128xi32, #tpu.memory_space<vmem>>
      %dma_start3A_75 = tpu.memref_squeeze %dma_start3A_74 : memref<1x128xi32, #tpu.memory_space<vmem>> -> memref<128xi32, #tpu.memory_space<vmem>>
      %dma_start3A_76 = arith.constant 0 : i32
      %dma_start3A_77 = arith.constant 0 : i32
      %dma_start3A_78 = tpu.memref_slice %arg6[%dma_start3A_76, %dma_start3A_77] : memref<50176x16xi32, #tpu.memory_space<hbm>> -> memref<50176x16xi32, #tpu.memory_space<hbm>>
      tpu.enqueue_indirect_dma source(%arg9 : memref<128x16xi32, #tpu.memory_space<vmem>>) target(%dma_start3A_78 : memref<50176x16xi32, #tpu.memory_space<hbm>>) offsets(%dma_start3A_75 : memref<128xi32, #tpu.memory_space<vmem>>) semaphore(%run_scoped3A_73 : memref<!tpu.dma_semaphore, #tpu.memory_space<semaphore_mem>>)
      %dma_wait3A = arith.constant 0 : i32
      %dma_wait3A_79 = tpu.memref_slice %arg7[%run_scoped3A_15, %dma_wait3A] : memref<8x128xi32, #tpu.memory_space<vmem>> -> memref<1x128xi32, #tpu.memory_space<vmem>>
      %dma_wait3A_80 = tpu.memref_squeeze %dma_wait3A_79 : memref<1x128xi32, #tpu.memory_space<vmem>> -> memref<128xi32, #tpu.memory_space<vmem>>
      %dma_wait3A_81 = arith.constant 0 : i32
      %dma_wait3A_82 = arith.constant 0 : i32
      %dma_wait3A_83 = tpu.memref_slice %arg6[%dma_wait3A_81, %dma_wait3A_82] : memref<50176x16xi32, #tpu.memory_space<hbm>> -> memref<50176x16xi32, #tpu.memory_space<hbm>>
      tpu.wait_indirect_dma semaphore(%run_scoped3A_73 : memref<!tpu.dma_semaphore, #tpu.memory_space<semaphore_mem>>) src(%arg9 : memref<128x16xi32, #tpu.memory_space<vmem>>) dst(%dma_wait3A_83 : memref<50176x16xi32, #tpu.memory_space<hbm>>)
      tpu.yield
    }) : () -> ()
    %add3A_16 = arith.constant 256 : i32
    %add3A_17 = arith.addi %mul3A_2, %add3A_16 : i32
    "tpu.region"() ({
      %run_scoped3A_73 = tpu.sem_alloc : memref<!tpu.dma_semaphore, #tpu.memory_space<semaphore_mem>>
      %dma_start3A = arith.constant 0 : i32
      %dma_start3A_74 = tpu.memref_slice %arg2[%add3A_17, %dma_start3A] : memref<32768x64xf32, #tpu.memory_space<hbm>> -> memref<128x64xf32, #tpu.memory_space<hbm>>
      %dma_start3A_75 = arith.constant 0 : i32
      %dma_start3A_76 = tpu.memref_slice %arg2[%add3A_17, %dma_start3A_75] : memref<32768x64xf32, #tpu.memory_space<hbm>> -> memref<128x64xf32, #tpu.memory_space<hbm>>
      tpu.enqueue_dma source(%dma_start3A_76 : memref<128x64xf32, #tpu.memory_space<hbm>>) target(%arg8 : memref<128x64xf32, #tpu.memory_space<vmem>>) target_semaphore(%run_scoped3A_73 : memref<!tpu.dma_semaphore, #tpu.memory_space<semaphore_mem>>)
      %dma_wait3A = arith.constant 0 : i32
      %dma_wait3A_77 = tpu.memref_slice %arg2[%add3A_17, %dma_wait3A] : memref<32768x64xf32, #tpu.memory_space<hbm>> -> memref<128x64xf32, #tpu.memory_space<hbm>>
      %dma_wait3A_78 = arith.constant 0 : i32
      %dma_wait3A_79 = tpu.memref_slice %arg2[%add3A_17, %dma_wait3A_78] : memref<32768x64xf32, #tpu.memory_space<hbm>> -> memref<128x64xf32, #tpu.memory_space<hbm>>
      tpu.wait_dma2 semaphore(%run_scoped3A_73 : memref<!tpu.dma_semaphore, #tpu.memory_space<semaphore_mem>>) src(%dma_wait3A_79 : memref<128x64xf32, #tpu.memory_space<hbm>>) dst(%arg8 : memref<128x64xf32, #tpu.memory_space<vmem>>)
      tpu.yield
    }) : () -> ()
    %add3A_18 = arith.constant 256 : i32
    %add3A_19 = arith.addi %mul3A_2, %add3A_18 : i32
    "tpu.region"() ({
      %run_scoped3A_73 = tpu.sem_alloc : memref<!tpu.dma_semaphore, #tpu.memory_space<semaphore_mem>>
      %dma_start3A = arith.constant 0 : i32
      %dma_start3A_74 = tpu.memref_slice %arg3[%add3A_19, %dma_start3A] : memref<32768x16xi32, #tpu.memory_space<hbm>> -> memref<128x16xi32, #tpu.memory_space<hbm>>
      %dma_start3A_75 = arith.constant 0 : i32
      %dma_start3A_76 = tpu.memref_slice %arg3[%add3A_19, %dma_start3A_75] : memref<32768x16xi32, #tpu.memory_space<hbm>> -> memref<128x16xi32, #tpu.memory_space<hbm>>
      tpu.enqueue_dma source(%dma_start3A_76 : memref<128x16xi32, #tpu.memory_space<hbm>>) target(%arg9 : memref<128x16xi32, #tpu.memory_space<vmem>>) target_semaphore(%run_scoped3A_73 : memref<!tpu.dma_semaphore, #tpu.memory_space<semaphore_mem>>)
      %dma_wait3A = arith.constant 0 : i32
      %dma_wait3A_77 = tpu.memref_slice %arg3[%add3A_19, %dma_wait3A] : memref<32768x16xi32, #tpu.memory_space<hbm>> -> memref<128x16xi32, #tpu.memory_space<hbm>>
      %dma_wait3A_78 = arith.constant 0 : i32
      %dma_wait3A_79 = tpu.memref_slice %arg3[%add3A_19, %dma_wait3A_78] : memref<32768x16xi32, #tpu.memory_space<hbm>> -> memref<128x16xi32, #tpu.memory_space<hbm>>
      tpu.wait_dma2 semaphore(%run_scoped3A_73 : memref<!tpu.dma_semaphore, #tpu.memory_space<semaphore_mem>>) src(%dma_wait3A_79 : memref<128x16xi32, #tpu.memory_space<hbm>>) dst(%arg9 : memref<128x16xi32, #tpu.memory_space<vmem>>)
      tpu.yield
    }) : () -> ()
    %run_scoped3A_20 = arith.constant 2 : i32
    "tpu.region"() ({
      %run_scoped3A_73 = tpu.sem_alloc : memref<!tpu.dma_semaphore, #tpu.memory_space<semaphore_mem>>
      %dma_start3A = arith.constant 0 : i32
      %dma_start3A_74 = tpu.memref_slice %arg7[%run_scoped3A_20, %dma_start3A] : memref<8x128xi32, #tpu.memory_space<vmem>> -> memref<1x128xi32, #tpu.memory_space<vmem>>
      %dma_start3A_75 = tpu.memref_squeeze %dma_start3A_74 : memref<1x128xi32, #tpu.memory_space<vmem>> -> memref<128xi32, #tpu.memory_space<vmem>>
      %dma_start3A_76 = arith.constant 0 : i32
      %dma_start3A_77 = arith.constant 0 : i32
      %dma_start3A_78 = tpu.memref_slice %arg5[%dma_start3A_76, %dma_start3A_77] : memref<50000x64xf32, #tpu.memory_space<hbm>> -> memref<50000x64xf32, #tpu.memory_space<hbm>>
      tpu.enqueue_indirect_dma source(%arg8 : memref<128x64xf32, #tpu.memory_space<vmem>>) target(%dma_start3A_78 : memref<50000x64xf32, #tpu.memory_space<hbm>>) offsets(%dma_start3A_75 : memref<128xi32, #tpu.memory_space<vmem>>) semaphore(%run_scoped3A_73 : memref<!tpu.dma_semaphore, #tpu.memory_space<semaphore_mem>>)
      %dma_wait3A = arith.constant 0 : i32
      %dma_wait3A_79 = tpu.memref_slice %arg7[%run_scoped3A_20, %dma_wait3A] : memref<8x128xi32, #tpu.memory_space<vmem>> -> memref<1x128xi32, #tpu.memory_space<vmem>>
      %dma_wait3A_80 = tpu.memref_squeeze %dma_wait3A_79 : memref<1x128xi32, #tpu.memory_space<vmem>> -> memref<128xi32, #tpu.memory_space<vmem>>
      %dma_wait3A_81 = arith.constant 0 : i32
      %dma_wait3A_82 = arith.constant 0 : i32
      %dma_wait3A_83 = tpu.memref_slice %arg5[%dma_wait3A_81, %dma_wait3A_82] : memref<50000x64xf32, #tpu.memory_space<hbm>> -> memref<50000x64xf32, #tpu.memory_space<hbm>>
      tpu.wait_indirect_dma semaphore(%run_scoped3A_73 : memref<!tpu.dma_semaphore, #tpu.memory_space<semaphore_mem>>) src(%arg8 : memref<128x64xf32, #tpu.memory_space<vmem>>) dst(%dma_wait3A_83 : memref<50000x64xf32, #tpu.memory_space<hbm>>)
      tpu.yield
    }) : () -> ()
    %run_scoped3A_21 = arith.constant 2 : i32
    "tpu.region"() ({
      %run_scoped3A_73 = tpu.sem_alloc : memref<!tpu.dma_semaphore, #tpu.memory_space<semaphore_mem>>
      %dma_start3A = arith.constant 0 : i32
      %dma_start3A_74 = tpu.memref_slice %arg7[%run_scoped3A_21, %dma_start3A] : memref<8x128xi32, #tpu.memory_space<vmem>> -> memref<1x128xi32, #tpu.memory_space<vmem>>
      %dma_start3A_75 = tpu.memref_squeeze %dma_start3A_74 : memref<1x128xi32, #tpu.memory_space<vmem>> -> memref<128xi32, #tpu.memory_space<vmem>>
      %dma_start3A_76 = arith.constant 0 : i32
      %dma_start3A_77 = arith.constant 0 : i32
      %dma_start3A_78 = tpu.memref_slice %arg6[%dma_start3A_76, %dma_start3A_77] : memref<50176x16xi32, #tpu.memory_space<hbm>> -> memref<50176x16xi32, #tpu.memory_space<hbm>>
      tpu.enqueue_indirect_dma source(%arg9 : memref<128x16xi32, #tpu.memory_space<vmem>>) target(%dma_start3A_78 : memref<50176x16xi32, #tpu.memory_space<hbm>>) offsets(%dma_start3A_75 : memref<128xi32, #tpu.memory_space<vmem>>) semaphore(%run_scoped3A_73 : memref<!tpu.dma_semaphore, #tpu.memory_space<semaphore_mem>>)
      %dma_wait3A = arith.constant 0 : i32
      %dma_wait3A_79 = tpu.memref_slice %arg7[%run_scoped3A_21, %dma_wait3A] : memref<8x128xi32, #tpu.memory_space<vmem>> -> memref<1x128xi32, #tpu.memory_space<vmem>>
      %dma_wait3A_80 = tpu.memref_squeeze %dma_wait3A_79 : memref<1x128xi32, #tpu.memory_space<vmem>> -> memref<128xi32, #tpu.memory_space<vmem>>
      %dma_wait3A_81 = arith.constant 0 : i32
      %dma_wait3A_82 = arith.constant 0 : i32
      %dma_wait3A_83 = tpu.memref_slice %arg6[%dma_wait3A_81, %dma_wait3A_82] : memref<50176x16xi32, #tpu.memory_space<hbm>> -> memref<50176x16xi32, #tpu.memory_space<hbm>>
      tpu.wait_indirect_dma semaphore(%run_scoped3A_73 : memref<!tpu.dma_semaphore, #tpu.memory_space<semaphore_mem>>) src(%arg9 : memref<128x16xi32, #tpu.memory_space<vmem>>) dst(%dma_wait3A_83 : memref<50176x16xi32, #tpu.memory_space<hbm>>)
      tpu.yield
    }) : () -> ()
    %add3A_22 = arith.constant 384 : i32
    %add3A_23 = arith.addi %mul3A_2, %add3A_22 : i32
    "tpu.region"() ({
      %run_scoped3A_73 = tpu.sem_alloc : memref<!tpu.dma_semaphore, #tpu.memory_space<semaphore_mem>>
      %dma_start3A = arith.constant 0 : i32
      %dma_start3A_74 = tpu.memref_slice %arg2[%add3A_23, %dma_start3A] : memref<32768x64xf32, #tpu.memory_space<hbm>> -> memref<128x64xf32, #tpu.memory_space<hbm>>
      %dma_start3A_75 = arith.constant 0 : i32
      %dma_start3A_76 = tpu.memref_slice %arg2[%add3A_23, %dma_start3A_75] : memref<32768x64xf32, #tpu.memory_space<hbm>> -> memref<128x64xf32, #tpu.memory_space<hbm>>
      tpu.enqueue_dma source(%dma_start3A_76 : memref<128x64xf32, #tpu.memory_space<hbm>>) target(%arg8 : memref<128x64xf32, #tpu.memory_space<vmem>>) target_semaphore(%run_scoped3A_73 : memref<!tpu.dma_semaphore, #tpu.memory_space<semaphore_mem>>)
      %dma_wait3A = arith.constant 0 : i32
      %dma_wait3A_77 = tpu.memref_slice %arg2[%add3A_23, %dma_wait3A] : memref<32768x64xf32, #tpu.memory_space<hbm>> -> memref<128x64xf32, #tpu.memory_space<hbm>>
      %dma_wait3A_78 = arith.constant 0 : i32
      %dma_wait3A_79 = tpu.memref_slice %arg2[%add3A_23, %dma_wait3A_78] : memref<32768x64xf32, #tpu.memory_space<hbm>> -> memref<128x64xf32, #tpu.memory_space<hbm>>
      tpu.wait_dma2 semaphore(%run_scoped3A_73 : memref<!tpu.dma_semaphore, #tpu.memory_space<semaphore_mem>>) src(%dma_wait3A_79 : memref<128x64xf32, #tpu.memory_space<hbm>>) dst(%arg8 : memref<128x64xf32, #tpu.memory_space<vmem>>)
      tpu.yield
    }) : () -> ()
    %add3A_24 = arith.constant 384 : i32
    %add3A_25 = arith.addi %mul3A_2, %add3A_24 : i32
    "tpu.region"() ({
      %run_scoped3A_73 = tpu.sem_alloc : memref<!tpu.dma_semaphore, #tpu.memory_space<semaphore_mem>>
      %dma_start3A = arith.constant 0 : i32
      %dma_start3A_74 = tpu.memref_slice %arg3[%add3A_25, %dma_start3A] : memref<32768x16xi32, #tpu.memory_space<hbm>> -> memref<128x16xi32, #tpu.memory_space<hbm>>
      %dma_start3A_75 = arith.constant 0 : i32
      %dma_start3A_76 = tpu.memref_slice %arg3[%add3A_25, %dma_start3A_75] : memref<32768x16xi32, #tpu.memory_space<hbm>> -> memref<128x16xi32, #tpu.memory_space<hbm>>
      tpu.enqueue_dma source(%dma_start3A_76 : memref<128x16xi32, #tpu.memory_space<hbm>>) target(%arg9 : memref<128x16xi32, #tpu.memory_space<vmem>>) target_semaphore(%run_scoped3A_73 : memref<!tpu.dma_semaphore, #tpu.memory_space<semaphore_mem>>)
      %dma_wait3A = arith.constant 0 : i32
      %dma_wait3A_77 = tpu.memref_slice %arg3[%add3A_25, %dma_wait3A] : memref<32768x16xi32, #tpu.memory_space<hbm>> -> memref<128x16xi32, #tpu.memory_space<hbm>>
      %dma_wait3A_78 = arith.constant 0 : i32
      %dma_wait3A_79 = tpu.memref_slice %arg3[%add3A_25, %dma_wait3A_78] : memref<32768x16xi32, #tpu.memory_space<hbm>> -> memref<128x16xi32, #tpu.memory_space<hbm>>
      tpu.wait_dma2 semaphore(%run_scoped3A_73 : memref<!tpu.dma_semaphore, #tpu.memory_space<semaphore_mem>>) src(%dma_wait3A_79 : memref<128x16xi32, #tpu.memory_space<hbm>>) dst(%arg9 : memref<128x16xi32, #tpu.memory_space<vmem>>)
      tpu.yield
    }) : () -> ()
    %run_scoped3A_26 = arith.constant 3 : i32
    "tpu.region"() ({
      %run_scoped3A_73 = tpu.sem_alloc : memref<!tpu.dma_semaphore, #tpu.memory_space<semaphore_mem>>
      %dma_start3A = arith.constant 0 : i32
      %dma_start3A_74 = tpu.memref_slice %arg7[%run_scoped3A_26, %dma_start3A] : memref<8x128xi32, #tpu.memory_space<vmem>> -> memref<1x128xi32, #tpu.memory_space<vmem>>
      %dma_start3A_75 = tpu.memref_squeeze %dma_start3A_74 : memref<1x128xi32, #tpu.memory_space<vmem>> -> memref<128xi32, #tpu.memory_space<vmem>>
      %dma_start3A_76 = arith.constant 0 : i32
      %dma_start3A_77 = arith.constant 0 : i32
      %dma_start3A_78 = tpu.memref_slice %arg5[%dma_start3A_76, %dma_start3A_77] : memref<50000x64xf32, #tpu.memory_space<hbm>> -> memref<50000x64xf32, #tpu.memory_space<hbm>>
      tpu.enqueue_indirect_dma source(%arg8 : memref<128x64xf32, #tpu.memory_space<vmem>>) target(%dma_start3A_78 : memref<50000x64xf32, #tpu.memory_space<hbm>>) offsets(%dma_start3A_75 : memref<128xi32, #tpu.memory_space<vmem>>) semaphore(%run_scoped3A_73 : memref<!tpu.dma_semaphore, #tpu.memory_space<semaphore_mem>>)
      %dma_wait3A = arith.constant 0 : i32
      %dma_wait3A_79 = tpu.memref_slice %arg7[%run_scoped3A_26, %dma_wait3A] : memref<8x128xi32, #tpu.memory_space<vmem>> -> memref<1x128xi32, #tpu.memory_space<vmem>>
      %dma_wait3A_80 = tpu.memref_squeeze %dma_wait3A_79 : memref<1x128xi32, #tpu.memory_space<vmem>> -> memref<128xi32, #tpu.memory_space<vmem>>
      %dma_wait3A_81 = arith.constant 0 : i32
      %dma_wait3A_82 = arith.constant 0 : i32
      %dma_wait3A_83 = tpu.memref_slice %arg5[%dma_wait3A_81, %dma_wait3A_82] : memref<50000x64xf32, #tpu.memory_space<hbm>> -> memref<50000x64xf32, #tpu.memory_space<hbm>>
      tpu.wait_indirect_dma semaphore(%run_scoped3A_73 : memref<!tpu.dma_semaphore, #tpu.memory_space<semaphore_mem>>) src(%arg8 : memref<128x64xf32, #tpu.memory_space<vmem>>) dst(%dma_wait3A_83 : memref<50000x64xf32, #tpu.memory_space<hbm>>)
      tpu.yield
    }) : () -> ()
    %run_scoped3A_27 = arith.constant 3 : i32
    "tpu.region"() ({
      %run_scoped3A_73 = tpu.sem_alloc : memref<!tpu.dma_semaphore, #tpu.memory_space<semaphore_mem>>
      %dma_start3A = arith.constant 0 : i32
      %dma_start3A_74 = tpu.memref_slice %arg7[%run_scoped3A_27, %dma_start3A] : memref<8x128xi32, #tpu.memory_space<vmem>> -> memref<1x128xi32, #tpu.memory_space<vmem>>
      %dma_start3A_75 = tpu.memref_squeeze %dma_start3A_74 : memref<1x128xi32, #tpu.memory_space<vmem>> -> memref<128xi32, #tpu.memory_space<vmem>>
      %dma_start3A_76 = arith.constant 0 : i32
      %dma_start3A_77 = arith.constant 0 : i32
      %dma_start3A_78 = tpu.memref_slice %arg6[%dma_start3A_76, %dma_start3A_77] : memref<50176x16xi32, #tpu.memory_space<hbm>> -> memref<50176x16xi32, #tpu.memory_space<hbm>>
      tpu.enqueue_indirect_dma source(%arg9 : memref<128x16xi32, #tpu.memory_space<vmem>>) target(%dma_start3A_78 : memref<50176x16xi32, #tpu.memory_space<hbm>>) offsets(%dma_start3A_75 : memref<128xi32, #tpu.memory_space<vmem>>) semaphore(%run_scoped3A_73 : memref<!tpu.dma_semaphore, #tpu.memory_space<semaphore_mem>>)
      %dma_wait3A = arith.constant 0 : i32
      %dma_wait3A_79 = tpu.memref_slice %arg7[%run_scoped3A_27, %dma_wait3A] : memref<8x128xi32, #tpu.memory_space<vmem>> -> memref<1x128xi32, #tpu.memory_space<vmem>>
      %dma_wait3A_80 = tpu.memref_squeeze %dma_wait3A_79 : memref<1x128xi32, #tpu.memory_space<vmem>> -> memref<128xi32, #tpu.memory_space<vmem>>
      %dma_wait3A_81 = arith.constant 0 : i32
      %dma_wait3A_82 = arith.constant 0 : i32
      %dma_wait3A_83 = tpu.memref_slice %arg6[%dma_wait3A_81, %dma_wait3A_82] : memref<50176x16xi32, #tpu.memory_space<hbm>> -> memref<50176x16xi32, #tpu.memory_space<hbm>>
      tpu.wait_indirect_dma semaphore(%run_scoped3A_73 : memref<!tpu.dma_semaphore, #tpu.memory_space<semaphore_mem>>) src(%arg9 : memref<128x16xi32, #tpu.memory_space<vmem>>) dst(%dma_wait3A_83 : memref<50176x16xi32, #tpu.memory_space<hbm>>)
      tpu.yield
    }) : () -> ()
    %add3A_28 = arith.constant 512 : i32
    %add3A_29 = arith.addi %mul3A_2, %add3A_28 : i32
    "tpu.region"() ({
      %run_scoped3A_73 = tpu.sem_alloc : memref<!tpu.dma_semaphore, #tpu.memory_space<semaphore_mem>>
      %dma_start3A = arith.constant 0 : i32
      %dma_start3A_74 = tpu.memref_slice %arg2[%add3A_29, %dma_start3A] : memref<32768x64xf32, #tpu.memory_space<hbm>> -> memref<128x64xf32, #tpu.memory_space<hbm>>
      %dma_start3A_75 = arith.constant 0 : i32
      %dma_start3A_76 = tpu.memref_slice %arg2[%add3A_29, %dma_start3A_75] : memref<32768x64xf32, #tpu.memory_space<hbm>> -> memref<128x64xf32, #tpu.memory_space<hbm>>
      tpu.enqueue_dma source(%dma_start3A_76 : memref<128x64xf32, #tpu.memory_space<hbm>>) target(%arg8 : memref<128x64xf32, #tpu.memory_space<vmem>>) target_semaphore(%run_scoped3A_73 : memref<!tpu.dma_semaphore, #tpu.memory_space<semaphore_mem>>)
      %dma_wait3A = arith.constant 0 : i32
      %dma_wait3A_77 = tpu.memref_slice %arg2[%add3A_29, %dma_wait3A] : memref<32768x64xf32, #tpu.memory_space<hbm>> -> memref<128x64xf32, #tpu.memory_space<hbm>>
      %dma_wait3A_78 = arith.constant 0 : i32
      %dma_wait3A_79 = tpu.memref_slice %arg2[%add3A_29, %dma_wait3A_78] : memref<32768x64xf32, #tpu.memory_space<hbm>> -> memref<128x64xf32, #tpu.memory_space<hbm>>
      tpu.wait_dma2 semaphore(%run_scoped3A_73 : memref<!tpu.dma_semaphore, #tpu.memory_space<semaphore_mem>>) src(%dma_wait3A_79 : memref<128x64xf32, #tpu.memory_space<hbm>>) dst(%arg8 : memref<128x64xf32, #tpu.memory_space<vmem>>)
      tpu.yield
    }) : () -> ()
    %add3A_30 = arith.constant 512 : i32
    %add3A_31 = arith.addi %mul3A_2, %add3A_30 : i32
    "tpu.region"() ({
      %run_scoped3A_73 = tpu.sem_alloc : memref<!tpu.dma_semaphore, #tpu.memory_space<semaphore_mem>>
      %dma_start3A = arith.constant 0 : i32
      %dma_start3A_74 = tpu.memref_slice %arg3[%add3A_31, %dma_start3A] : memref<32768x16xi32, #tpu.memory_space<hbm>> -> memref<128x16xi32, #tpu.memory_space<hbm>>
      %dma_start3A_75 = arith.constant 0 : i32
      %dma_start3A_76 = tpu.memref_slice %arg3[%add3A_31, %dma_start3A_75] : memref<32768x16xi32, #tpu.memory_space<hbm>> -> memref<128x16xi32, #tpu.memory_space<hbm>>
      tpu.enqueue_dma source(%dma_start3A_76 : memref<128x16xi32, #tpu.memory_space<hbm>>) target(%arg9 : memref<128x16xi32, #tpu.memory_space<vmem>>) target_semaphore(%run_scoped3A_73 : memref<!tpu.dma_semaphore, #tpu.memory_space<semaphore_mem>>)
      %dma_wait3A = arith.constant 0 : i32
      %dma_wait3A_77 = tpu.memref_slice %arg3[%add3A_31, %dma_wait3A] : memref<32768x16xi32, #tpu.memory_space<hbm>> -> memref<128x16xi32, #tpu.memory_space<hbm>>
      %dma_wait3A_78 = arith.constant 0 : i32
      %dma_wait3A_79 = tpu.memref_slice %arg3[%add3A_31, %dma_wait3A_78] : memref<32768x16xi32, #tpu.memory_space<hbm>> -> memref<128x16xi32, #tpu.memory_space<hbm>>
      tpu.wait_dma2 semaphore(%run_scoped3A_73 : memref<!tpu.dma_semaphore, #tpu.memory_space<semaphore_mem>>) src(%dma_wait3A_79 : memref<128x16xi32, #tpu.memory_space<hbm>>) dst(%arg9 : memref<128x16xi32, #tpu.memory_space<vmem>>)
      tpu.yield
    }) : () -> ()
    %run_scoped3A_32 = arith.constant 4 : i32
    "tpu.region"() ({
      %run_scoped3A_73 = tpu.sem_alloc : memref<!tpu.dma_semaphore, #tpu.memory_space<semaphore_mem>>
      %dma_start3A = arith.constant 0 : i32
      %dma_start3A_74 = tpu.memref_slice %arg7[%run_scoped3A_32, %dma_start3A] : memref<8x128xi32, #tpu.memory_space<vmem>> -> memref<1x128xi32, #tpu.memory_space<vmem>>
      %dma_start3A_75 = tpu.memref_squeeze %dma_start3A_74 : memref<1x128xi32, #tpu.memory_space<vmem>> -> memref<128xi32, #tpu.memory_space<vmem>>
      %dma_start3A_76 = arith.constant 0 : i32
      %dma_start3A_77 = arith.constant 0 : i32
      %dma_start3A_78 = tpu.memref_slice %arg5[%dma_start3A_76, %dma_start3A_77] : memref<50000x64xf32, #tpu.memory_space<hbm>> -> memref<50000x64xf32, #tpu.memory_space<hbm>>
      tpu.enqueue_indirect_dma source(%arg8 : memref<128x64xf32, #tpu.memory_space<vmem>>) target(%dma_start3A_78 : memref<50000x64xf32, #tpu.memory_space<hbm>>) offsets(%dma_start3A_75 : memref<128xi32, #tpu.memory_space<vmem>>) semaphore(%run_scoped3A_73 : memref<!tpu.dma_semaphore, #tpu.memory_space<semaphore_mem>>)
      %dma_wait3A = arith.constant 0 : i32
      %dma_wait3A_79 = tpu.memref_slice %arg7[%run_scoped3A_32, %dma_wait3A] : memref<8x128xi32, #tpu.memory_space<vmem>> -> memref<1x128xi32, #tpu.memory_space<vmem>>
      %dma_wait3A_80 = tpu.memref_squeeze %dma_wait3A_79 : memref<1x128xi32, #tpu.memory_space<vmem>> -> memref<128xi32, #tpu.memory_space<vmem>>
      %dma_wait3A_81 = arith.constant 0 : i32
      %dma_wait3A_82 = arith.constant 0 : i32
      %dma_wait3A_83 = tpu.memref_slice %arg5[%dma_wait3A_81, %dma_wait3A_82] : memref<50000x64xf32, #tpu.memory_space<hbm>> -> memref<50000x64xf32, #tpu.memory_space<hbm>>
      tpu.wait_indirect_dma semaphore(%run_scoped3A_73 : memref<!tpu.dma_semaphore, #tpu.memory_space<semaphore_mem>>) src(%arg8 : memref<128x64xf32, #tpu.memory_space<vmem>>) dst(%dma_wait3A_83 : memref<50000x64xf32, #tpu.memory_space<hbm>>)
      tpu.yield
    }) : () -> ()
    %run_scoped3A_33 = arith.constant 4 : i32
    "tpu.region"() ({
      %run_scoped3A_73 = tpu.sem_alloc : memref<!tpu.dma_semaphore, #tpu.memory_space<semaphore_mem>>
      %dma_start3A = arith.constant 0 : i32
      %dma_start3A_74 = tpu.memref_slice %arg7[%run_scoped3A_33, %dma_start3A] : memref<8x128xi32, #tpu.memory_space<vmem>> -> memref<1x128xi32, #tpu.memory_space<vmem>>
      %dma_start3A_75 = tpu.memref_squeeze %dma_start3A_74 : memref<1x128xi32, #tpu.memory_space<vmem>> -> memref<128xi32, #tpu.memory_space<vmem>>
      %dma_start3A_76 = arith.constant 0 : i32
      %dma_start3A_77 = arith.constant 0 : i32
      %dma_start3A_78 = tpu.memref_slice %arg6[%dma_start3A_76, %dma_start3A_77] : memref<50176x16xi32, #tpu.memory_space<hbm>> -> memref<50176x16xi32, #tpu.memory_space<hbm>>
      tpu.enqueue_indirect_dma source(%arg9 : memref<128x16xi32, #tpu.memory_space<vmem>>) target(%dma_start3A_78 : memref<50176x16xi32, #tpu.memory_space<hbm>>) offsets(%dma_start3A_75 : memref<128xi32, #tpu.memory_space<vmem>>) semaphore(%run_scoped3A_73 : memref<!tpu.dma_semaphore, #tpu.memory_space<semaphore_mem>>)
      %dma_wait3A = arith.constant 0 : i32
      %dma_wait3A_79 = tpu.memref_slice %arg7[%run_scoped3A_33, %dma_wait3A] : memref<8x128xi32, #tpu.memory_space<vmem>> -> memref<1x128xi32, #tpu.memory_space<vmem>>
      %dma_wait3A_80 = tpu.memref_squeeze %dma_wait3A_79 : memref<1x128xi32, #tpu.memory_space<vmem>> -> memref<128xi32, #tpu.memory_space<vmem>>
      %dma_wait3A_81 = arith.constant 0 : i32
      %dma_wait3A_82 = arith.constant 0 : i32
      %dma_wait3A_83 = tpu.memref_slice %arg6[%dma_wait3A_81, %dma_wait3A_82] : memref<50176x16xi32, #tpu.memory_space<hbm>> -> memref<50176x16xi32, #tpu.memory_space<hbm>>
      tpu.wait_indirect_dma semaphore(%run_scoped3A_73 : memref<!tpu.dma_semaphore, #tpu.memory_space<semaphore_mem>>) src(%arg9 : memref<128x16xi32, #tpu.memory_space<vmem>>) dst(%dma_wait3A_83 : memref<50176x16xi32, #tpu.memory_space<hbm>>)
      tpu.yield
    }) : () -> ()
    %add3A_34 = arith.constant 640 : i32
    %add3A_35 = arith.addi %mul3A_2, %add3A_34 : i32
    "tpu.region"() ({
      %run_scoped3A_73 = tpu.sem_alloc : memref<!tpu.dma_semaphore, #tpu.memory_space<semaphore_mem>>
      %dma_start3A = arith.constant 0 : i32
      %dma_start3A_74 = tpu.memref_slice %arg2[%add3A_35, %dma_start3A] : memref<32768x64xf32, #tpu.memory_space<hbm>> -> memref<128x64xf32, #tpu.memory_space<hbm>>
      %dma_start3A_75 = arith.constant 0 : i32
      %dma_start3A_76 = tpu.memref_slice %arg2[%add3A_35, %dma_start3A_75] : memref<32768x64xf32, #tpu.memory_space<hbm>> -> memref<128x64xf32, #tpu.memory_space<hbm>>
      tpu.enqueue_dma source(%dma_start3A_76 : memref<128x64xf32, #tpu.memory_space<hbm>>) target(%arg8 : memref<128x64xf32, #tpu.memory_space<vmem>>) target_semaphore(%run_scoped3A_73 : memref<!tpu.dma_semaphore, #tpu.memory_space<semaphore_mem>>)
      %dma_wait3A = arith.constant 0 : i32
      %dma_wait3A_77 = tpu.memref_slice %arg2[%add3A_35, %dma_wait3A] : memref<32768x64xf32, #tpu.memory_space<hbm>> -> memref<128x64xf32, #tpu.memory_space<hbm>>
      %dma_wait3A_78 = arith.constant 0 : i32
      %dma_wait3A_79 = tpu.memref_slice %arg2[%add3A_35, %dma_wait3A_78] : memref<32768x64xf32, #tpu.memory_space<hbm>> -> memref<128x64xf32, #tpu.memory_space<hbm>>
      tpu.wait_dma2 semaphore(%run_scoped3A_73 : memref<!tpu.dma_semaphore, #tpu.memory_space<semaphore_mem>>) src(%dma_wait3A_79 : memref<128x64xf32, #tpu.memory_space<hbm>>) dst(%arg8 : memref<128x64xf32, #tpu.memory_space<vmem>>)
      tpu.yield
    }) : () -> ()
    %add3A_36 = arith.constant 640 : i32
    %add3A_37 = arith.addi %mul3A_2, %add3A_36 : i32
    "tpu.region"() ({
      %run_scoped3A_73 = tpu.sem_alloc : memref<!tpu.dma_semaphore, #tpu.memory_space<semaphore_mem>>
      %dma_start3A = arith.constant 0 : i32
      %dma_start3A_74 = tpu.memref_slice %arg3[%add3A_37, %dma_start3A] : memref<32768x16xi32, #tpu.memory_space<hbm>> -> memref<128x16xi32, #tpu.memory_space<hbm>>
      %dma_start3A_75 = arith.constant 0 : i32
      %dma_start3A_76 = tpu.memref_slice %arg3[%add3A_37, %dma_start3A_75] : memref<32768x16xi32, #tpu.memory_space<hbm>> -> memref<128x16xi32, #tpu.memory_space<hbm>>
      tpu.enqueue_dma source(%dma_start3A_76 : memref<128x16xi32, #tpu.memory_space<hbm>>) target(%arg9 : memref<128x16xi32, #tpu.memory_space<vmem>>) target_semaphore(%run_scoped3A_73 : memref<!tpu.dma_semaphore, #tpu.memory_space<semaphore_mem>>)
      %dma_wait3A = arith.constant 0 : i32
      %dma_wait3A_77 = tpu.memref_slice %arg3[%add3A_37, %dma_wait3A] : memref<32768x16xi32, #tpu.memory_space<hbm>> -> memref<128x16xi32, #tpu.memory_space<hbm>>
      %dma_wait3A_78 = arith.constant 0 : i32
      %dma_wait3A_79 = tpu.memref_slice %arg3[%add3A_37, %dma_wait3A_78] : memref<32768x16xi32, #tpu.memory_space<hbm>> -> memref<128x16xi32, #tpu.memory_space<hbm>>
      tpu.wait_dma2 semaphore(%run_scoped3A_73 : memref<!tpu.dma_semaphore, #tpu.memory_space<semaphore_mem>>) src(%dma_wait3A_79 : memref<128x16xi32, #tpu.memory_space<hbm>>) dst(%arg9 : memref<128x16xi32, #tpu.memory_space<vmem>>)
      tpu.yield
    }) : () -> ()
    %run_scoped3A_38 = arith.constant 5 : i32
    "tpu.region"() ({
      %run_scoped3A_73 = tpu.sem_alloc : memref<!tpu.dma_semaphore, #tpu.memory_space<semaphore_mem>>
      %dma_start3A = arith.constant 0 : i32
      %dma_start3A_74 = tpu.memref_slice %arg7[%run_scoped3A_38, %dma_start3A] : memref<8x128xi32, #tpu.memory_space<vmem>> -> memref<1x128xi32, #tpu.memory_space<vmem>>
      %dma_start3A_75 = tpu.memref_squeeze %dma_start3A_74 : memref<1x128xi32, #tpu.memory_space<vmem>> -> memref<128xi32, #tpu.memory_space<vmem>>
      %dma_start3A_76 = arith.constant 0 : i32
      %dma_start3A_77 = arith.constant 0 : i32
      %dma_start3A_78 = tpu.memref_slice %arg5[%dma_start3A_76, %dma_start3A_77] : memref<50000x64xf32, #tpu.memory_space<hbm>> -> memref<50000x64xf32, #tpu.memory_space<hbm>>
      tpu.enqueue_indirect_dma source(%arg8 : memref<128x64xf32, #tpu.memory_space<vmem>>) target(%dma_start3A_78 : memref<50000x64xf32, #tpu.memory_space<hbm>>) offsets(%dma_start3A_75 : memref<128xi32, #tpu.memory_space<vmem>>) semaphore(%run_scoped3A_73 : memref<!tpu.dma_semaphore, #tpu.memory_space<semaphore_mem>>)
      %dma_wait3A = arith.constant 0 : i32
      %dma_wait3A_79 = tpu.memref_slice %arg7[%run_scoped3A_38, %dma_wait3A] : memref<8x128xi32, #tpu.memory_space<vmem>> -> memref<1x128xi32, #tpu.memory_space<vmem>>
      %dma_wait3A_80 = tpu.memref_squeeze %dma_wait3A_79 : memref<1x128xi32, #tpu.memory_space<vmem>> -> memref<128xi32, #tpu.memory_space<vmem>>
      %dma_wait3A_81 = arith.constant 0 : i32
      %dma_wait3A_82 = arith.constant 0 : i32
      %dma_wait3A_83 = tpu.memref_slice %arg5[%dma_wait3A_81, %dma_wait3A_82] : memref<50000x64xf32, #tpu.memory_space<hbm>> -> memref<50000x64xf32, #tpu.memory_space<hbm>>
      tpu.wait_indirect_dma semaphore(%run_scoped3A_73 : memref<!tpu.dma_semaphore, #tpu.memory_space<semaphore_mem>>) src(%arg8 : memref<128x64xf32, #tpu.memory_space<vmem>>) dst(%dma_wait3A_83 : memref<50000x64xf32, #tpu.memory_space<hbm>>)
      tpu.yield
    }) : () -> ()
    %run_scoped3A_39 = arith.constant 5 : i32
    "tpu.region"() ({
      %run_scoped3A_73 = tpu.sem_alloc : memref<!tpu.dma_semaphore, #tpu.memory_space<semaphore_mem>>
      %dma_start3A = arith.constant 0 : i32
      %dma_start3A_74 = tpu.memref_slice %arg7[%run_scoped3A_39, %dma_start3A] : memref<8x128xi32, #tpu.memory_space<vmem>> -> memref<1x128xi32, #tpu.memory_space<vmem>>
      %dma_start3A_75 = tpu.memref_squeeze %dma_start3A_74 : memref<1x128xi32, #tpu.memory_space<vmem>> -> memref<128xi32, #tpu.memory_space<vmem>>
      %dma_start3A_76 = arith.constant 0 : i32
      %dma_start3A_77 = arith.constant 0 : i32
      %dma_start3A_78 = tpu.memref_slice %arg6[%dma_start3A_76, %dma_start3A_77] : memref<50176x16xi32, #tpu.memory_space<hbm>> -> memref<50176x16xi32, #tpu.memory_space<hbm>>
      tpu.enqueue_indirect_dma source(%arg9 : memref<128x16xi32, #tpu.memory_space<vmem>>) target(%dma_start3A_78 : memref<50176x16xi32, #tpu.memory_space<hbm>>) offsets(%dma_start3A_75 : memref<128xi32, #tpu.memory_space<vmem>>) semaphore(%run_scoped3A_73 : memref<!tpu.dma_semaphore, #tpu.memory_space<semaphore_mem>>)
      %dma_wait3A = arith.constant 0 : i32
      %dma_wait3A_79 = tpu.memref_slice %arg7[%run_scoped3A_39, %dma_wait3A] : memref<8x128xi32, #tpu.memory_space<vmem>> -> memref<1x128xi32, #tpu.memory_space<vmem>>
      %dma_wait3A_80 = tpu.memref_squeeze %dma_wait3A_79 : memref<1x128xi32, #tpu.memory_space<vmem>> -> memref<128xi32, #tpu.memory_space<vmem>>
      %dma_wait3A_81 = arith.constant 0 : i32
      %dma_wait3A_82 = arith.constant 0 : i32
      %dma_wait3A_83 = tpu.memref_slice %arg6[%dma_wait3A_81, %dma_wait3A_82] : memref<50176x16xi32, #tpu.memory_space<hbm>> -> memref<50176x16xi32, #tpu.memory_space<hbm>>
      tpu.wait_indirect_dma semaphore(%run_scoped3A_73 : memref<!tpu.dma_semaphore, #tpu.memory_space<semaphore_mem>>) src(%arg9 : memref<128x16xi32, #tpu.memory_space<vmem>>) dst(%dma_wait3A_83 : memref<50176x16xi32, #tpu.memory_space<hbm>>)
      tpu.yield
    }) : () -> ()
    %add3A_40 = arith.constant 768 : i32
    %add3A_41 = arith.addi %mul3A_2, %add3A_40 : i32
    "tpu.region"() ({
      %run_scoped3A_73 = tpu.sem_alloc : memref<!tpu.dma_semaphore, #tpu.memory_space<semaphore_mem>>
      %dma_start3A = arith.constant 0 : i32
      %dma_start3A_74 = tpu.memref_slice %arg2[%add3A_41, %dma_start3A] : memref<32768x64xf32, #tpu.memory_space<hbm>> -> memref<128x64xf32, #tpu.memory_space<hbm>>
      %dma_start3A_75 = arith.constant 0 : i32
      %dma_start3A_76 = tpu.memref_slice %arg2[%add3A_41, %dma_start3A_75] : memref<32768x64xf32, #tpu.memory_space<hbm>> -> memref<128x64xf32, #tpu.memory_space<hbm>>
      tpu.enqueue_dma source(%dma_start3A_76 : memref<128x64xf32, #tpu.memory_space<hbm>>) target(%arg8 : memref<128x64xf32, #tpu.memory_space<vmem>>) target_semaphore(%run_scoped3A_73 : memref<!tpu.dma_semaphore, #tpu.memory_space<semaphore_mem>>)
      %dma_wait3A = arith.constant 0 : i32
      %dma_wait3A_77 = tpu.memref_slice %arg2[%add3A_41, %dma_wait3A] : memref<32768x64xf32, #tpu.memory_space<hbm>> -> memref<128x64xf32, #tpu.memory_space<hbm>>
      %dma_wait3A_78 = arith.constant 0 : i32
      %dma_wait3A_79 = tpu.memref_slice %arg2[%add3A_41, %dma_wait3A_78] : memref<32768x64xf32, #tpu.memory_space<hbm>> -> memref<128x64xf32, #tpu.memory_space<hbm>>
      tpu.wait_dma2 semaphore(%run_scoped3A_73 : memref<!tpu.dma_semaphore, #tpu.memory_space<semaphore_mem>>) src(%dma_wait3A_79 : memref<128x64xf32, #tpu.memory_space<hbm>>) dst(%arg8 : memref<128x64xf32, #tpu.memory_space<vmem>>)
      tpu.yield
    }) : () -> ()
    %add3A_42 = arith.constant 768 : i32
    %add3A_43 = arith.addi %mul3A_2, %add3A_42 : i32
    "tpu.region"() ({
      %run_scoped3A_73 = tpu.sem_alloc : memref<!tpu.dma_semaphore, #tpu.memory_space<semaphore_mem>>
      %dma_start3A = arith.constant 0 : i32
      %dma_start3A_74 = tpu.memref_slice %arg3[%add3A_43, %dma_start3A] : memref<32768x16xi32, #tpu.memory_space<hbm>> -> memref<128x16xi32, #tpu.memory_space<hbm>>
      %dma_start3A_75 = arith.constant 0 : i32
      %dma_start3A_76 = tpu.memref_slice %arg3[%add3A_43, %dma_start3A_75] : memref<32768x16xi32, #tpu.memory_space<hbm>> -> memref<128x16xi32, #tpu.memory_space<hbm>>
      tpu.enqueue_dma source(%dma_start3A_76 : memref<128x16xi32, #tpu.memory_space<hbm>>) target(%arg9 : memref<128x16xi32, #tpu.memory_space<vmem>>) target_semaphore(%run_scoped3A_73 : memref<!tpu.dma_semaphore, #tpu.memory_space<semaphore_mem>>)
      %dma_wait3A = arith.constant 0 : i32
      %dma_wait3A_77 = tpu.memref_slice %arg3[%add3A_43, %dma_wait3A] : memref<32768x16xi32, #tpu.memory_space<hbm>> -> memref<128x16xi32, #tpu.memory_space<hbm>>
      %dma_wait3A_78 = arith.constant 0 : i32
      %dma_wait3A_79 = tpu.memref_slice %arg3[%add3A_43, %dma_wait3A_78] : memref<32768x16xi32, #tpu.memory_space<hbm>> -> memref<128x16xi32, #tpu.memory_space<hbm>>
      tpu.wait_dma2 semaphore(%run_scoped3A_73 : memref<!tpu.dma_semaphore, #tpu.memory_space<semaphore_mem>>) src(%dma_wait3A_79 : memref<128x16xi32, #tpu.memory_space<hbm>>) dst(%arg9 : memref<128x16xi32, #tpu.memory_space<vmem>>)
      tpu.yield
    }) : () -> ()
    %run_scoped3A_44 = arith.constant 6 : i32
    "tpu.region"() ({
      %run_scoped3A_73 = tpu.sem_alloc : memref<!tpu.dma_semaphore, #tpu.memory_space<semaphore_mem>>
      %dma_start3A = arith.constant 0 : i32
      %dma_start3A_74 = tpu.memref_slice %arg7[%run_scoped3A_44, %dma_start3A] : memref<8x128xi32, #tpu.memory_space<vmem>> -> memref<1x128xi32, #tpu.memory_space<vmem>>
      %dma_start3A_75 = tpu.memref_squeeze %dma_start3A_74 : memref<1x128xi32, #tpu.memory_space<vmem>> -> memref<128xi32, #tpu.memory_space<vmem>>
      %dma_start3A_76 = arith.constant 0 : i32
      %dma_start3A_77 = arith.constant 0 : i32
      %dma_start3A_78 = tpu.memref_slice %arg5[%dma_start3A_76, %dma_start3A_77] : memref<50000x64xf32, #tpu.memory_space<hbm>> -> memref<50000x64xf32, #tpu.memory_space<hbm>>
      tpu.enqueue_indirect_dma source(%arg8 : memref<128x64xf32, #tpu.memory_space<vmem>>) target(%dma_start3A_78 : memref<50000x64xf32, #tpu.memory_space<hbm>>) offsets(%dma_start3A_75 : memref<128xi32, #tpu.memory_space<vmem>>) semaphore(%run_scoped3A_73 : memref<!tpu.dma_semaphore, #tpu.memory_space<semaphore_mem>>)
      %dma_wait3A = arith.constant 0 : i32
      %dma_wait3A_79 = tpu.memref_slice %arg7[%run_scoped3A_44, %dma_wait3A] : memref<8x128xi32, #tpu.memory_space<vmem>> -> memref<1x128xi32, #tpu.memory_space<vmem>>
      %dma_wait3A_80 = tpu.memref_squeeze %dma_wait3A_79 : memref<1x128xi32, #tpu.memory_space<vmem>> -> memref<128xi32, #tpu.memory_space<vmem>>
      %dma_wait3A_81 = arith.constant 0 : i32
      %dma_wait3A_82 = arith.constant 0 : i32
      %dma_wait3A_83 = tpu.memref_slice %arg5[%dma_wait3A_81, %dma_wait3A_82] : memref<50000x64xf32, #tpu.memory_space<hbm>> -> memref<50000x64xf32, #tpu.memory_space<hbm>>
      tpu.wait_indirect_dma semaphore(%run_scoped3A_73 : memref<!tpu.dma_semaphore, #tpu.memory_space<semaphore_mem>>) src(%arg8 : memref<128x64xf32, #tpu.memory_space<vmem>>) dst(%dma_wait3A_83 : memref<50000x64xf32, #tpu.memory_space<hbm>>)
      tpu.yield
    }) : () -> ()
    %run_scoped3A_45 = arith.constant 6 : i32
    "tpu.region"() ({
      %run_scoped3A_73 = tpu.sem_alloc : memref<!tpu.dma_semaphore, #tpu.memory_space<semaphore_mem>>
      %dma_start3A = arith.constant 0 : i32
      %dma_start3A_74 = tpu.memref_slice %arg7[%run_scoped3A_45, %dma_start3A] : memref<8x128xi32, #tpu.memory_space<vmem>> -> memref<1x128xi32, #tpu.memory_space<vmem>>
      %dma_start3A_75 = tpu.memref_squeeze %dma_start3A_74 : memref<1x128xi32, #tpu.memory_space<vmem>> -> memref<128xi32, #tpu.memory_space<vmem>>
      %dma_start3A_76 = arith.constant 0 : i32
      %dma_start3A_77 = arith.constant 0 : i32
      %dma_start3A_78 = tpu.memref_slice %arg6[%dma_start3A_76, %dma_start3A_77] : memref<50176x16xi32, #tpu.memory_space<hbm>> -> memref<50176x16xi32, #tpu.memory_space<hbm>>
      tpu.enqueue_indirect_dma source(%arg9 : memref<128x16xi32, #tpu.memory_space<vmem>>) target(%dma_start3A_78 : memref<50176x16xi32, #tpu.memory_space<hbm>>) offsets(%dma_start3A_75 : memref<128xi32, #tpu.memory_space<vmem>>) semaphore(%run_scoped3A_73 : memref<!tpu.dma_semaphore, #tpu.memory_space<semaphore_mem>>)
      %dma_wait3A = arith.constant 0 : i32
      %dma_wait3A_79 = tpu.memref_slice %arg7[%run_scoped3A_45, %dma_wait3A] : memref<8x128xi32, #tpu.memory_space<vmem>> -> memref<1x128xi32, #tpu.memory_space<vmem>>
      %dma_wait3A_80 = tpu.memref_squeeze %dma_wait3A_79 : memref<1x128xi32, #tpu.memory_space<vmem>> -> memref<128xi32, #tpu.memory_space<vmem>>
      %dma_wait3A_81 = arith.constant 0 : i32
      %dma_wait3A_82 = arith.constant 0 : i32
      %dma_wait3A_83 = tpu.memref_slice %arg6[%dma_wait3A_81, %dma_wait3A_82] : memref<50176x16xi32, #tpu.memory_space<hbm>> -> memref<50176x16xi32, #tpu.memory_space<hbm>>
      tpu.wait_indirect_dma semaphore(%run_scoped3A_73 : memref<!tpu.dma_semaphore, #tpu.memory_space<semaphore_mem>>) src(%arg9 : memref<128x16xi32, #tpu.memory_space<vmem>>) dst(%dma_wait3A_83 : memref<50176x16xi32, #tpu.memory_space<hbm>>)
      tpu.yield
    }) : () -> ()
    %add3A_46 = arith.constant 896 : i32
    %add3A_47 = arith.addi %mul3A_2, %add3A_46 : i32
    "tpu.region"() ({
      %run_scoped3A_73 = tpu.sem_alloc : memref<!tpu.dma_semaphore, #tpu.memory_space<semaphore_mem>>
      %dma_start3A = arith.constant 0 : i32
      %dma_start3A_74 = tpu.memref_slice %arg2[%add3A_47, %dma_start3A] : memref<32768x64xf32, #tpu.memory_space<hbm>> -> memref<128x64xf32, #tpu.memory_space<hbm>>
      %dma_start3A_75 = arith.constant 0 : i32
      %dma_start3A_76 = tpu.memref_slice %arg2[%add3A_47, %dma_start3A_75] : memref<32768x64xf32, #tpu.memory_space<hbm>> -> memref<128x64xf32, #tpu.memory_space<hbm>>
      tpu.enqueue_dma source(%dma_start3A_76 : memref<128x64xf32, #tpu.memory_space<hbm>>) target(%arg8 : memref<128x64xf32, #tpu.memory_space<vmem>>) target_semaphore(%run_scoped3A_73 : memref<!tpu.dma_semaphore, #tpu.memory_space<semaphore_mem>>)
      %dma_wait3A = arith.constant 0 : i32
      %dma_wait3A_77 = tpu.memref_slice %arg2[%add3A_47, %dma_wait3A] : memref<32768x64xf32, #tpu.memory_space<hbm>> -> memref<128x64xf32, #tpu.memory_space<hbm>>
      %dma_wait3A_78 = arith.constant 0 : i32
      %dma_wait3A_79 = tpu.memref_slice %arg2[%add3A_47, %dma_wait3A_78] : memref<32768x64xf32, #tpu.memory_space<hbm>> -> memref<128x64xf32, #tpu.memory_space<hbm>>
      tpu.wait_dma2 semaphore(%run_scoped3A_73 : memref<!tpu.dma_semaphore, #tpu.memory_space<semaphore_mem>>) src(%dma_wait3A_79 : memref<128x64xf32, #tpu.memory_space<hbm>>) dst(%arg8 : memref<128x64xf32, #tpu.memory_space<vmem>>)
      tpu.yield
    }) : () -> ()
    %add3A_48 = arith.constant 896 : i32
    %add3A_49 = arith.addi %mul3A_2, %add3A_48 : i32
    "tpu.region"() ({
      %run_scoped3A_73 = tpu.sem_alloc : memref<!tpu.dma_semaphore, #tpu.memory_space<semaphore_mem>>
      %dma_start3A = arith.constant 0 : i32
      %dma_start3A_74 = tpu.memref_slice %arg3[%add3A_49, %dma_start3A] : memref<32768x16xi32, #tpu.memory_space<hbm>> -> memref<128x16xi32, #tpu.memory_space<hbm>>
      %dma_start3A_75 = arith.constant 0 : i32
      %dma_start3A_76 = tpu.memref_slice %arg3[%add3A_49, %dma_start3A_75] : memref<32768x16xi32, #tpu.memory_space<hbm>> -> memref<128x16xi32, #tpu.memory_space<hbm>>
      tpu.enqueue_dma source(%dma_start3A_76 : memref<128x16xi32, #tpu.memory_space<hbm>>) target(%arg9 : memref<128x16xi32, #tpu.memory_space<vmem>>) target_semaphore(%run_scoped3A_73 : memref<!tpu.dma_semaphore, #tpu.memory_space<semaphore_mem>>)
      %dma_wait3A = arith.constant 0 : i32
      %dma_wait3A_77 = tpu.memref_slice %arg3[%add3A_49, %dma_wait3A] : memref<32768x16xi32, #tpu.memory_space<hbm>> -> memref<128x16xi32, #tpu.memory_space<hbm>>
      %dma_wait3A_78 = arith.constant 0 : i32
      %dma_wait3A_79 = tpu.memref_slice %arg3[%add3A_49, %dma_wait3A_78] : memref<32768x16xi32, #tpu.memory_space<hbm>> -> memref<128x16xi32, #tpu.memory_space<hbm>>
      tpu.wait_dma2 semaphore(%run_scoped3A_73 : memref<!tpu.dma_semaphore, #tpu.memory_space<semaphore_mem>>) src(%dma_wait3A_79 : memref<128x16xi32, #tpu.memory_space<hbm>>) dst(%arg9 : memref<128x16xi32, #tpu.memory_space<vmem>>)
      tpu.yield
    }) : () -> ()
    %run_scoped3A_50 = arith.constant 7 : i32
    "tpu.region"() ({
      %run_scoped3A_73 = tpu.sem_alloc : memref<!tpu.dma_semaphore, #tpu.memory_space<semaphore_mem>>
      %dma_start3A = arith.constant 0 : i32
      %dma_start3A_74 = tpu.memref_slice %arg7[%run_scoped3A_50, %dma_start3A] : memref<8x128xi32, #tpu.memory_space<vmem>> -> memref<1x128xi32, #tpu.memory_space<vmem>>
      %dma_start3A_75 = tpu.memref_squeeze %dma_start3A_74 : memref<1x128xi32, #tpu.memory_space<vmem>> -> memref<128xi32, #tpu.memory_space<vmem>>
      %dma_start3A_76 = arith.constant 0 : i32
      %dma_start3A_77 = arith.constant 0 : i32
      %dma_start3A_78 = tpu.memref_slice %arg5[%dma_start3A_76, %dma_start3A_77] : memref<50000x64xf32, #tpu.memory_space<hbm>> -> memref<50000x64xf32, #tpu.memory_space<hbm>>
      tpu.enqueue_indirect_dma source(%arg8 : memref<128x64xf32, #tpu.memory_space<vmem>>) target(%dma_start3A_78 : memref<50000x64xf32, #tpu.memory_space<hbm>>) offsets(%dma_start3A_75 : memref<128xi32, #tpu.memory_space<vmem>>) semaphore(%run_scoped3A_73 : memref<!tpu.dma_semaphore, #tpu.memory_space<semaphore_mem>>)
      %dma_wait3A = arith.constant 0 : i32
      %dma_wait3A_79 = tpu.memref_slice %arg7[%run_scoped3A_50, %dma_wait3A] : memref<8x128xi32, #tpu.memory_space<vmem>> -> memref<1x128xi32, #tpu.memory_space<vmem>>
      %dma_wait3A_80 = tpu.memref_squeeze %dma_wait3A_79 : memref<1x128xi32, #tpu.memory_space<vmem>> -> memref<128xi32, #tpu.memory_space<vmem>>
      %dma_wait3A_81 = arith.constant 0 : i32
      %dma_wait3A_82 = arith.constant 0 : i32
      %dma_wait3A_83 = tpu.memref_slice %arg5[%dma_wait3A_81, %dma_wait3A_82] : memref<50000x64xf32, #tpu.memory_space<hbm>> -> memref<50000x64xf32, #tpu.memory_space<hbm>>
      tpu.wait_indirect_dma semaphore(%run_scoped3A_73 : memref<!tpu.dma_semaphore, #tpu.memory_space<semaphore_mem>>) src(%arg8 : memref<128x64xf32, #tpu.memory_space<vmem>>) dst(%dma_wait3A_83 : memref<50000x64xf32, #tpu.memory_space<hbm>>)
      tpu.yield
    }) : () -> ()
    %run_scoped3A_51 = arith.constant 7 : i32
    "tpu.region"() ({
      %run_scoped3A_73 = tpu.sem_alloc : memref<!tpu.dma_semaphore, #tpu.memory_space<semaphore_mem>>
      %dma_start3A = arith.constant 0 : i32
      %dma_start3A_74 = tpu.memref_slice %arg7[%run_scoped3A_51, %dma_start3A] : memref<8x128xi32, #tpu.memory_space<vmem>> -> memref<1x128xi32, #tpu.memory_space<vmem>>
      %dma_start3A_75 = tpu.memref_squeeze %dma_start3A_74 : memref<1x128xi32, #tpu.memory_space<vmem>> -> memref<128xi32, #tpu.memory_space<vmem>>
      %dma_start3A_76 = arith.constant 0 : i32
      %dma_start3A_77 = arith.constant 0 : i32
      %dma_start3A_78 = tpu.memref_slice %arg6[%dma_start3A_76, %dma_start3A_77] : memref<50176x16xi32, #tpu.memory_space<hbm>> -> memref<50176x16xi32, #tpu.memory_space<hbm>>
      tpu.enqueue_indirect_dma source(%arg9 : memref<128x16xi32, #tpu.memory_space<vmem>>) target(%dma_start3A_78 : memref<50176x16xi32, #tpu.memory_space<hbm>>) offsets(%dma_start3A_75 : memref<128xi32, #tpu.memory_space<vmem>>) semaphore(%run_scoped3A_73 : memref<!tpu.dma_semaphore, #tpu.memory_space<semaphore_mem>>)
      %dma_wait3A = arith.constant 0 : i32
      %dma_wait3A_79 = tpu.memref_slice %arg7[%run_scoped3A_51, %dma_wait3A] : memref<8x128xi32, #tpu.memory_space<vmem>> -> memref<1x128xi32, #tpu.memory_space<vmem>>
      %dma_wait3A_80 = tpu.memref_squeeze %dma_wait3A_79 : memref<1x128xi32, #tpu.memory_space<vmem>> -> memref<128xi32, #tpu.memory_space<vmem>>
      %dma_wait3A_81 = arith.constant 0 : i32
      %dma_wait3A_82 = arith.constant 0 : i32
      %dma_wait3A_83 = tpu.memref_slice %arg6[%dma_wait3A_81, %dma_wait3A_82] : memref<50176x16xi32, #tpu.memory_space<hbm>> -> memref<50176x16xi32, #tpu.memory_space<hbm>>
      tpu.wait_indirect_dma semaphore(%run_scoped3A_73 : memref<!tpu.dma_semaphore, #tpu.memory_space<semaphore_mem>>) src(%arg9 : memref<128x16xi32, #tpu.memory_space<vmem>>) dst(%dma_wait3A_83 : memref<50176x16xi32, #tpu.memory_space<hbm>>)
      tpu.yield
    }) : () -> ()
    %iota3A = tpu.iota {dimensions = array<i32: 0>} : vector<16xi32>
    %eq3A = arith.constant 0 : i32
    %eq3A_52 = vector.broadcast %eq3A : i32 to vector<16xi32>
    %eq3A_53 = arith.cmpi eq, %iota3A, %eq3A_52 : vector<16xi32>
    %jit3A = arith.constant -1 : i32
    %jit3A_54 = arith.constant 31 : i32
    %broadcast_in_dim3A = vector.broadcast %jit3A : i32 to vector<16xi32>
    %broadcast_in_dim3A_55 = vector.broadcast %jit3A_54 : i32 to vector<16xi32>
    %select_n3A = arith.select %eq3A_53, %broadcast_in_dim3A, %broadcast_in_dim3A_55 : vector<16xi1>, vector<16xi32>
    %scan3A = arith.constant 0 : i32
    %scan3A_56 = arith.constant 0 : i32
    %scan3A_57 = arith.constant 544 : i32
    %scan3A_58 = arith.addi %scan3A_56, %scan3A_57 : i32
    %scan3A_59 = arith.constant 1 : i32
    %scan3A_60 = scf.for %scan3A_73 = %scan3A_56 to %scan3A_58 step %scan3A_59 iter_args(%scan3A_74 = %scan3A) -> (i32)  : i32 {
      %broadcast_in_dim3A_75 = arith.constant 0.000000e+00 : f32
      %broadcast_in_dim3A_76 = vector.broadcast %broadcast_in_dim3A_75 : f32 to vector<16xf32>
      %swap3A = arith.index_cast %scan3A_73 : i32 to index
      %swap3A_77 = arith.constant 0 : index
      %swap3A_78 = tpu.vector_load %arg10[%swap3A, %swap3A_77] {strides = array<i32>} : memref<544x64xf32, #tpu.memory_space<vmem>>, vector<1x16xf32>,
      %swap3A_79 = vector.shape_cast %swap3A_78 : vector<1x16xf32> to vector<16xf32>
      %swap3A_80 = vector.shape_cast %broadcast_in_dim3A_76 : vector<16xf32> to vector<1x16xf32>
      tpu.vector_store %arg10[%swap3A, %swap3A_77], %swap3A_80 {strides = array<i32>} : memref<544x64xf32, #tpu.memory_space<vmem>>, vector<1x16xf32>,
      %broadcast_in_dim3A_81 = arith.constant 0.000000e+00 : f32
      %broadcast_in_dim3A_82 = vector.broadcast %broadcast_in_dim3A_81 : f32 to vector<16xf32>
      %swap3A_83 = arith.index_cast %scan3A_73 : i32 to index
      %swap3A_84 = arith.constant 16 : index
      %swap3A_85 = tpu.vector_load %arg10[%swap3A_83, %swap3A_84] {strides = array<i32>} : memref<544x64xf32, #tpu.memory_space<vmem>>, vector<1x16xf32>,
      %swap3A_86 = vector.shape_cast %swap3A_85 : vector<1x16xf32> to vector<16xf32>
      %swap3A_87 = vector.shape_cast %broadcast_in_dim3A_82 : vector<16xf32> to vector<1x16xf32>
      tpu.vector_store %arg10[%swap3A_83, %swap3A_84], %swap3A_87 {strides = array<i32>} : memref<544x64xf32, #tpu.memory_space<vmem>>, vector<1x16xf32>,
      %broadcast_in_dim3A_88 = arith.constant 0.000000e+00 : f32
      %broadcast_in_dim3A_89 = vector.broadcast %broadcast_in_dim3A_88 : f32 to vector<16xf32>
      %swap3A_90 = arith.index_cast %scan3A_73 : i32 to index
      %swap3A_91 = arith.constant 32 : index
      %swap3A_92 = tpu.vector_load %arg10[%swap3A_90, %swap3A_91] {strides = array<i32>} : memref<544x64xf32, #tpu.memory_space<vmem>>, vector<1x16xf32>,
      %swap3A_93 = vector.shape_cast %swap3A_92 : vector<1x16xf32> to vector<16xf32>
      %swap3A_94 = vector.shape_cast %broadcast_in_dim3A_89 : vector<16xf32> to vector<1x16xf32>
      tpu.vector_store %arg10[%swap3A_90, %swap3A_91], %swap3A_94 {strides = array<i32>} : memref<544x64xf32, #tpu.memory_space<vmem>>, vector<1x16xf32>,
      %broadcast_in_dim3A_95 = arith.constant 0.000000e+00 : f32
      %broadcast_in_dim3A_96 = vector.broadcast %broadcast_in_dim3A_95 : f32 to vector<16xf32>
      %swap3A_97 = arith.index_cast %scan3A_73 : i32 to index
      %swap3A_98 = arith.constant 48 : index
      %swap3A_99 = tpu.vector_load %arg10[%swap3A_97, %swap3A_98] {strides = array<i32>} : memref<544x64xf32, #tpu.memory_space<vmem>>, vector<1x16xf32>,
      %swap3A_100 = vector.shape_cast %swap3A_99 : vector<1x16xf32> to vector<16xf32>
      %swap3A_101 = vector.shape_cast %broadcast_in_dim3A_96 : vector<16xf32> to vector<1x16xf32>
      tpu.vector_store %arg10[%swap3A_97, %swap3A_98], %swap3A_101 {strides = array<i32>} : memref<544x64xf32, #tpu.memory_space<vmem>>, vector<1x16xf32>,
      %swap3A_102 = arith.index_cast %scan3A_73 : i32 to index
      %swap3A_103 = arith.constant 0 : index
      %swap3A_104 = tpu.vector_load %arg11[%swap3A_102, %swap3A_103] {strides = array<i32>} : memref<544x16xi32, #tpu.memory_space<vmem>>, vector<1x16xi32>,
      %swap3A_105 = vector.shape_cast %swap3A_104 : vector<1x16xi32> to vector<16xi32>
      %swap3A_106 = vector.shape_cast %select_n3A : vector<16xi32> to vector<1x16xi32>
      tpu.vector_store %arg11[%swap3A_102, %swap3A_103], %swap3A_106 {strides = array<i32>} : memref<544x16xi32, #tpu.memory_space<vmem>>, vector<1x16xi32>,
      %scan3A_107 = arith.constant 0 : i32
      scf.yield %scan3A_107 : i32
    }
    %scan3A_61 = arith.constant 544 : i32
    %mul3A_62 = arith.constant 538 : i32
    %mul3A_63 = arith.muli %add3A, %mul3A_62 : i32
    %add3A_64 = arith.constant 32768 : i32
    %add3A_65 = arith.addi %add3A_64, %mul3A_63 : i32
    "tpu.region"() ({
      %run_scoped3A_73 = tpu.sem_alloc : memref<!tpu.dma_semaphore, #tpu.memory_space<semaphore_mem>>
      %dma_start3A = arith.constant 0 : i32
      %dma_start3A_74 = arith.constant 0 : i32
      %dma_start3A_75 = tpu.memref_slice %arg10[%dma_start3A, %dma_start3A_74] : memref<544x64xf32, #tpu.memory_space<vmem>> -> memref<538x64xf32, #tpu.memory_space<vmem>>
      %dma_start3A_76 = arith.constant 0 : i32
      %dma_start3A_77 = tpu.memref_slice %arg5[%add3A_65, %dma_start3A_76] : memref<50000x64xf32, #tpu.memory_space<hbm>> -> memref<538x64xf32, #tpu.memory_space<hbm>>
      %dma_start3A_78 = arith.constant 0 : i32
      %dma_start3A_79 = tpu.memref_slice %arg5[%add3A_65, %dma_start3A_78] : memref<50000x64xf32, #tpu.memory_space<hbm>> -> memref<538x64xf32, #tpu.memory_space<hbm>>
      %dma_start3A_80 = arith.constant 0 : i32
      %dma_start3A_81 = arith.constant 0 : i32
      %dma_start3A_82 = tpu.memref_slice %arg10[%dma_start3A_80, %dma_start3A_81] : memref<544x64xf32, #tpu.memory_space<vmem>> -> memref<538x64xf32, #tpu.memory_space<vmem>>
      tpu.enqueue_dma source(%dma_start3A_82 : memref<538x64xf32, #tpu.memory_space<vmem>>) target(%dma_start3A_79 : memref<538x64xf32, #tpu.memory_space<hbm>>) target_semaphore(%run_scoped3A_73 : memref<!tpu.dma_semaphore, #tpu.memory_space<semaphore_mem>>)
      %dma_wait3A = arith.constant 0 : i32
      %dma_wait3A_83 = arith.constant 0 : i32
      %dma_wait3A_84 = tpu.memref_slice %arg10[%dma_wait3A, %dma_wait3A_83] : memref<544x64xf32, #tpu.memory_space<vmem>> -> memref<538x64xf32, #tpu.memory_space<vmem>>
      %dma_wait3A_85 = arith.constant 0 : i32
      %dma_wait3A_86 = tpu.memref_slice %arg5[%add3A_65, %dma_wait3A_85] : memref<50000x64xf32, #tpu.memory_space<hbm>> -> memref<538x64xf32, #tpu.memory_space<hbm>>
      %dma_wait3A_87 = arith.constant 0 : i32
      %dma_wait3A_88 = tpu.memref_slice %arg5[%add3A_65, %dma_wait3A_87] : memref<50000x64xf32, #tpu.memory_space<hbm>> -> memref<538x64xf32, #tpu.memory_space<hbm>>
      %dma_wait3A_89 = arith.constant 0 : i32
      %dma_wait3A_90 = arith.constant 0 : i32
      %dma_wait3A_91 = tpu.memref_slice %arg10[%dma_wait3A_89, %dma_wait3A_90] : memref<544x64xf32, #tpu.memory_space<vmem>> -> memref<538x64xf32, #tpu.memory_space<vmem>>
      tpu.wait_dma2 semaphore(%run_scoped3A_73 : memref<!tpu.dma_semaphore, #tpu.memory_space<semaphore_mem>>) src(%dma_wait3A_91 : memref<538x64xf32, #tpu.memory_space<vmem>>) dst(%dma_wait3A_88 : memref<538x64xf32, #tpu.memory_space<hbm>>)
      tpu.yield
    }) : () -> ()
    %mul3A_66 = arith.constant 544 : i32
    %mul3A_67 = arith.muli %add3A, %mul3A_66 : i32
    %add3A_68 = arith.constant 32768 : i32
    %add3A_69 = arith.addi %add3A_68, %mul3A_67 : i32
    "tpu.region"() ({
      %run_scoped3A_73 = tpu.sem_alloc : memref<!tpu.dma_semaphore, #tpu.memory_space<semaphore_mem>>
      %dma_start3A = arith.constant 0 : i32
      %dma_start3A_74 = tpu.memref_slice %arg6[%add3A_69, %dma_start3A] : memref<50176x16xi32, #tpu.memory_space<hbm>> -> memref<544x16xi32, #tpu.memory_space<hbm>>
      %dma_start3A_75 = arith.constant 0 : i32
      %dma_start3A_76 = tpu.memref_slice %arg6[%add3A_69, %dma_start3A_75] : memref<50176x16xi32, #tpu.memory_space<hbm>> -> memref<544x16xi32, #tpu.memory_space<hbm>>
      tpu.enqueue_dma source(%arg11 : memref<544x16xi32, #tpu.memory_space<vmem>>) target(%dma_start3A_76 : memref<544x16xi32, #tpu.memory_space<hbm>>) target_semaphore(%run_scoped3A_73 : memref<!tpu.dma_semaphore, #tpu.memory_space<semaphore_mem>>)
      %dma_wait3A = arith.constant 0 : i32
      %dma_wait3A_77 = tpu.memref_slice %arg6[%add3A_69, %dma_wait3A] : memref<50176x16xi32, #tpu.memory_space<hbm>> -> memref<544x16xi32, #tpu.memory_space<hbm>>
      %dma_wait3A_78 = arith.constant 0 : i32
      %dma_wait3A_79 = tpu.memref_slice %arg6[%add3A_69, %dma_wait3A_78] : memref<50176x16xi32, #tpu.memory_space<hbm>> -> memref<544x16xi32, #tpu.memory_space<hbm>>
      tpu.wait_dma2 semaphore(%run_scoped3A_73 : memref<!tpu.dma_semaphore, #tpu.memory_space<semaphore_mem>>) src(%arg11 : memref<544x16xi32, #tpu.memory_space<vmem>>) dst(%dma_wait3A_79 : memref<544x16xi32, #tpu.memory_space<hbm>>)
      tpu.yield
    }) : () -> ()
    %eq3A_70 = arith.constant 0 : i32
    %eq3A_71 = arith.cmpi eq, %add3A, %eq3A_70 : i32
    %convert_element_type3A = arith.extui %eq3A_71 : i1 to i32
    %cond3A = arith.constant 0 : i32
    %cond3A_72 = arith.cmpi ne, %convert_element_type3A, %cond3A : i32
    scf.if %cond3A_72 {
      "tpu.region"() ({
        %run_scoped3A_73 = tpu.sem_alloc : memref<!tpu.dma_semaphore, #tpu.memory_space<semaphore_mem>>
        %dma_start3A = arith.constant 0 : i32
        %dma_start3A_74 = arith.constant 0 : i32
        %dma_start3A_75 = tpu.memref_slice %arg10[%dma_start3A, %dma_start3A_74] : memref<544x64xf32, #tpu.memory_space<vmem>> -> memref<16x64xf32, #tpu.memory_space<vmem>>
        %dma_start3A_76 = arith.constant 49984 : i32
        %dma_start3A_77 = arith.constant 0 : i32
        %dma_start3A_78 = tpu.memref_slice %arg5[%dma_start3A_76, %dma_start3A_77] : memref<50000x64xf32, #tpu.memory_space<hbm>> -> memref<16x64xf32, #tpu.memory_space<hbm>>
        %dma_start3A_79 = arith.constant 49984 : i32
        %dma_start3A_80 = arith.constant 0 : i32
        %dma_start3A_81 = tpu.memref_slice %arg5[%dma_start3A_79, %dma_start3A_80] : memref<50000x64xf32, #tpu.memory_space<hbm>> -> memref<16x64xf32, #tpu.memory_space<hbm>>
        %dma_start3A_82 = arith.constant 0 : i32
        %dma_start3A_83 = arith.constant 0 : i32
        %dma_start3A_84 = tpu.memref_slice %arg10[%dma_start3A_82, %dma_start3A_83] : memref<544x64xf32, #tpu.memory_space<vmem>> -> memref<16x64xf32, #tpu.memory_space<vmem>>
        tpu.enqueue_dma source(%dma_start3A_84 : memref<16x64xf32, #tpu.memory_space<vmem>>) target(%dma_start3A_81 : memref<16x64xf32, #tpu.memory_space<hbm>>) target_semaphore(%run_scoped3A_73 : memref<!tpu.dma_semaphore, #tpu.memory_space<semaphore_mem>>)
        %dma_wait3A = arith.constant 0 : i32
        %dma_wait3A_85 = arith.constant 0 : i32
        %dma_wait3A_86 = tpu.memref_slice %arg10[%dma_wait3A, %dma_wait3A_85] : memref<544x64xf32, #tpu.memory_space<vmem>> -> memref<16x64xf32, #tpu.memory_space<vmem>>
        %dma_wait3A_87 = arith.constant 49984 : i32
        %dma_wait3A_88 = arith.constant 0 : i32
        %dma_wait3A_89 = tpu.memref_slice %arg5[%dma_wait3A_87, %dma_wait3A_88] : memref<50000x64xf32, #tpu.memory_space<hbm>> -> memref<16x64xf32, #tpu.memory_space<hbm>>
        %dma_wait3A_90 = arith.constant 49984 : i32
        %dma_wait3A_91 = arith.constant 0 : i32
        %dma_wait3A_92 = tpu.memref_slice %arg5[%dma_wait3A_90, %dma_wait3A_91] : memref<50000x64xf32, #tpu.memory_space<hbm>> -> memref<16x64xf32, #tpu.memory_space<hbm>>
        %dma_wait3A_93 = arith.constant 0 : i32
        %dma_wait3A_94 = arith.constant 0 : i32
        %dma_wait3A_95 = tpu.memref_slice %arg10[%dma_wait3A_93, %dma_wait3A_94] : memref<544x64xf32, #tpu.memory_space<vmem>> -> memref<16x64xf32, #tpu.memory_space<vmem>>
        tpu.wait_dma2 semaphore(%run_scoped3A_73 : memref<!tpu.dma_semaphore, #tpu.memory_space<semaphore_mem>>) src(%dma_wait3A_95 : memref<16x64xf32, #tpu.memory_space<vmem>>) dst(%dma_wait3A_92 : memref<16x64xf32, #tpu.memory_space<hbm>>)
        tpu.yield
      }) : () -> ()
    } else {
    }
    return
  }
}

module attributes {stable_mosaic.version = 14 : i64} {
  func.func @_s1_body(%arg0: i32, %arg1: memref<512x64xf32, #tpu.memory_space<vmem>>, %arg2: memref<512x4xi32, #tpu.memory_space<vmem>>, %arg3: memref<32x64x64xf32, #tpu.memory_space<vmem>>, %arg4: memref<512x64xf32, #tpu.memory_space<vmem>>, %arg5: memref<512x1xi32, #tpu.memory_space<vmem>>) attributes {dimension_semantics = [#tpu.dimension_semantics<arbitrary>], iteration_bounds = array<i64: 98>, scalar_prefetch = 0 : i64, scratch_operands = 0 : i64, tpu.core_type = #tpu.core_type<tc>, window_params = [{transform_indices = @transform_0, window_bounds = array<i64: 512, 64>}, {transform_indices = @transform_1, window_bounds = array<i64: 512, 4>}, {pipeline_mode = #tpu.pipeline_mode<synchronous>, transform_indices = @transform_2, window_bounds = array<i64: 32, 64, 64>}, {transform_indices = @transform_3, window_bounds = array<i64: 512, 64>}, {transform_indices = @transform_4, window_bounds = array<i64: 512, 1>}]} {
    %get3A = arith.constant 0 : index
    %get3A_0 = arith.constant 0 : index
    %get3A_1 = vector.load %arg1[%get3A, %get3A_0] : memref<512x64xf32, #tpu.memory_space<vmem>>, vector<512x64xf32>
    %get3A_2 = arith.constant 0 : index
    %get3A_3 = arith.constant 0 : index
    %get3A_4 = vector.load %arg2[%get3A_2, %get3A_3] : memref<512x4xi32, #tpu.memory_space<vmem>>, vector<512x4xi32>
    %slice3A = vector.extract_strided_slice %get3A_4 {offsets = [0, 1], sizes = [512, 1], strides = [1, 1]} : vector<512x4xi32> to vector<512x1xi32>
    %mul3A = arith.constant 512 : i32
    %mul3A_5 = arith.muli %arg0, %mul3A : i32
    %iota3A = tpu.iota {dimensions = array<i32: 0>} : vector<512x1xi32>
    %add3A = vector.broadcast %mul3A_5 : i32 to vector<512x1xi32>
    %add3A_6 = arith.addi %add3A, %iota3A : vector<512x1xi32>
    %slice3A_7 = vector.extract_strided_slice %get3A_4 {offsets = [0, 0], sizes = [512, 1], strides = [1, 1]} : vector<512x4xi32> to vector<512x1xi32>
    %mul3A_8 = arith.constant 1024 : i32
    %mul3A_9 = vector.broadcast %mul3A_8 : i32 to vector<512x1xi32>
    %mul3A_10 = arith.muli %slice3A_7, %mul3A_9 : vector<512x1xi32>
    %slice3A_11 = vector.extract_strided_slice %get3A_4 {offsets = [0, 2], sizes = [512, 1], strides = [1, 1]} : vector<512x4xi32> to vector<512x1xi32>
    %mul3A_12 = arith.constant 32 : i32
    %mul3A_13 = vector.broadcast %mul3A_12 : i32 to vector<512x1xi32>
    %mul3A_14 = arith.muli %slice3A_11, %mul3A_13 : vector<512x1xi32>
    %add3A_15 = arith.addi %mul3A_10, %mul3A_14 : vector<512x1xi32>
    %slice3A_16 = vector.extract_strided_slice %get3A_4 {offsets = [0, 3], sizes = [512, 1], strides = [1, 1]} : vector<512x4xi32> to vector<512x1xi32>
    %add3A_17 = arith.addi %add3A_15, %slice3A_16 : vector<512x1xi32>
    %lt3A = arith.constant 50000 : i32
    %lt3A_18 = vector.broadcast %lt3A : i32 to vector<512x1xi32>
    %lt3A_19 = arith.cmpi slt, %add3A_6, %lt3A_18 : vector<512x1xi32>
    %jit3A = arith.constant -1 : i32
    %broadcast_in_dim3A = vector.broadcast %jit3A : i32 to vector<512x1xi32>
    %select_n3A = arith.select %lt3A_19, %add3A_17, %broadcast_in_dim3A : vector<512x1xi1>, vector<512x1xi32>
    %swap3A = arith.constant 0 : index
    %swap3A_20 = arith.constant 0 : index
    %swap3A_21 = vector.load %arg5[%swap3A, %swap3A_20] : memref<512x1xi32, #tpu.memory_space<vmem>>, vector<512x1xi32>
    tpu.vector_store %arg5[%swap3A, %swap3A_20], %select_n3A {strides = array<i32>} : memref<512x1xi32, #tpu.memory_space<vmem>>, vector<512x1xi32>,
    %broadcast_in_dim3A_22 = arith.constant 0.000000e+00 : f32
    %broadcast_in_dim3A_23 = vector.broadcast %broadcast_in_dim3A_22 : f32 to vector<512x64xf32>
    %eq3A = arith.constant 0 : i32
    %eq3A_24 = vector.broadcast %eq3A : i32 to vector<512x1xi32>
    %eq3A_25 = arith.cmpi eq, %slice3A, %eq3A_24 : vector<512x1xi32>
    %convert_element_type3A = arith.extui %eq3A_25 : vector<512x1xi1> to vector<512x1xi32>
    %convert_element_type3A_26 = arith.sitofp %convert_element_type3A : vector<512x1xi32> to vector<512x1xf32>
    %get3A_27 = arith.constant 0 : index
    %get3A_28 = arith.constant 0 : index
    %get3A_29 = arith.constant 0 : index
    %get3A_30 = vector.load %arg3[%get3A_27, %get3A_28, %get3A_29] : memref<32x64x64xf32, #tpu.memory_space<vmem>>, vector<1x64x64xf32>
    %get3A_31 = vector.shape_cast %get3A_30 : vector<1x64x64xf32> to vector<64x64xf32>
    %dot_general3A = arith.constant dense<0.000000e+00> : vector<512x64xf32>
    %dot_general3A_32 = tpu.matmul %get3A_1, %get3A_31, %dot_general3A {dimension_numbers = #tpu.dot_dimension_numbers<[1], [0], [0], [1], [0, 0, 1, 1], [], []>, transpose_lhs_hint = false} : vector<512x64xf32>, vector<64x64xf32>, vector<512x64xf32> -> vector<512x64xf32>
    %mul3A_33 = vector.broadcast %convert_element_type3A_26 : vector<512x1xf32> to vector<512x64xf32>
    %mul3A_34 = arith.mulf %dot_general3A_32, %mul3A_33 : vector<512x64xf32>
    %add3A_35 = arith.addf %broadcast_in_dim3A_23, %mul3A_34 : vector<512x64xf32>
    %eq3A_36 = arith.constant 1 : i32
    %eq3A_37 = vector.broadcast %eq3A_36 : i32 to vector<512x1xi32>
    %eq3A_38 = arith.cmpi eq, %slice3A, %eq3A_37 : vector<512x1xi32>
    %convert_element_type3A_39 = arith.extui %eq3A_38 : vector<512x1xi1> to vector<512x1xi32>
    %convert_element_type3A_40 = arith.sitofp %convert_element_type3A_39 : vector<512x1xi32> to vector<512x1xf32>
    %get3A_41 = arith.constant 1 : index
    %get3A_42 = arith.constant 0 : index
    %get3A_43 = arith.constant 0 : index
    %get3A_44 = vector.load %arg3[%get3A_41, %get3A_42, %get3A_43] : memref<32x64x64xf32, #tpu.memory_space<vmem>>, vector<1x64x64xf32>
    %get3A_45 = vector.shape_cast %get3A_44 : vector<1x64x64xf32> to vector<64x64xf32>
    %dot_general3A_46 = arith.constant dense<0.000000e+00> : vector<512x64xf32>
    %dot_general3A_47 = tpu.matmul %get3A_1, %get3A_45, %dot_general3A_46 {dimension_numbers = #tpu.dot_dimension_numbers<[1], [0], [0], [1], [0, 0, 1, 1], [], []>, transpose_lhs_hint = false} : vector<512x64xf32>, vector<64x64xf32>, vector<512x64xf32> -> vector<512x64xf32>
    %mul3A_48 = vector.broadcast %convert_element_type3A_40 : vector<512x1xf32> to vector<512x64xf32>
    %mul3A_49 = arith.mulf %dot_general3A_47, %mul3A_48 : vector<512x64xf32>
    %add3A_50 = arith.addf %add3A_35, %mul3A_49 : vector<512x64xf32>
    %eq3A_51 = arith.constant 2 : i32
    %eq3A_52 = vector.broadcast %eq3A_51 : i32 to vector<512x1xi32>
    %eq3A_53 = arith.cmpi eq, %slice3A, %eq3A_52 : vector<512x1xi32>
    %convert_element_type3A_54 = arith.extui %eq3A_53 : vector<512x1xi1> to vector<512x1xi32>
    %convert_element_type3A_55 = arith.sitofp %convert_element_type3A_54 : vector<512x1xi32> to vector<512x1xf32>
    %get3A_56 = arith.constant 2 : index
    %get3A_57 = arith.constant 0 : index
    %get3A_58 = arith.constant 0 : index
    %get3A_59 = vector.load %arg3[%get3A_56, %get3A_57, %get3A_58] : memref<32x64x64xf32, #tpu.memory_space<vmem>>, vector<1x64x64xf32>
    %get3A_60 = vector.shape_cast %get3A_59 : vector<1x64x64xf32> to vector<64x64xf32>
    %dot_general3A_61 = arith.constant dense<0.000000e+00> : vector<512x64xf32>
    %dot_general3A_62 = tpu.matmul %get3A_1, %get3A_60, %dot_general3A_61 {dimension_numbers = #tpu.dot_dimension_numbers<[1], [0], [0], [1], [0, 0, 1, 1], [], []>, transpose_lhs_hint = false} : vector<512x64xf32>, vector<64x64xf32>, vector<512x64xf32> -> vector<512x64xf32>
    %mul3A_63 = vector.broadcast %convert_element_type3A_55 : vector<512x1xf32> to vector<512x64xf32>
    %mul3A_64 = arith.mulf %dot_general3A_62, %mul3A_63 : vector<512x64xf32>
    %add3A_65 = arith.addf %add3A_50, %mul3A_64 : vector<512x64xf32>
    %eq3A_66 = arith.constant 3 : i32
    %eq3A_67 = vector.broadcast %eq3A_66 : i32 to vector<512x1xi32>
    %eq3A_68 = arith.cmpi eq, %slice3A, %eq3A_67 : vector<512x1xi32>
    %convert_element_type3A_69 = arith.extui %eq3A_68 : vector<512x1xi1> to vector<512x1xi32>
    %convert_element_type3A_70 = arith.sitofp %convert_element_type3A_69 : vector<512x1xi32> to vector<512x1xf32>
    %get3A_71 = arith.constant 3 : index
    %get3A_72 = arith.constant 0 : index
    %get3A_73 = arith.constant 0 : index
    %get3A_74 = vector.load %arg3[%get3A_71, %get3A_72, %get3A_73] : memref<32x64x64xf32, #tpu.memory_space<vmem>>, vector<1x64x64xf32>
    %get3A_75 = vector.shape_cast %get3A_74 : vector<1x64x64xf32> to vector<64x64xf32>
    %dot_general3A_76 = arith.constant dense<0.000000e+00> : vector<512x64xf32>
    %dot_general3A_77 = tpu.matmul %get3A_1, %get3A_75, %dot_general3A_76 {dimension_numbers = #tpu.dot_dimension_numbers<[1], [0], [0], [1], [0, 0, 1, 1], [], []>, transpose_lhs_hint = false} : vector<512x64xf32>, vector<64x64xf32>, vector<512x64xf32> -> vector<512x64xf32>
    %mul3A_78 = vector.broadcast %convert_element_type3A_70 : vector<512x1xf32> to vector<512x64xf32>
    %mul3A_79 = arith.mulf %dot_general3A_77, %mul3A_78 : vector<512x64xf32>
    %add3A_80 = arith.addf %add3A_65, %mul3A_79 : vector<512x64xf32>
    %eq3A_81 = arith.constant 4 : i32
    %eq3A_82 = vector.broadcast %eq3A_81 : i32 to vector<512x1xi32>
    %eq3A_83 = arith.cmpi eq, %slice3A, %eq3A_82 : vector<512x1xi32>
    %convert_element_type3A_84 = arith.extui %eq3A_83 : vector<512x1xi1> to vector<512x1xi32>
    %convert_element_type3A_85 = arith.sitofp %convert_element_type3A_84 : vector<512x1xi32> to vector<512x1xf32>
    %get3A_86 = arith.constant 4 : index
    %get3A_87 = arith.constant 0 : index
    %get3A_88 = arith.constant 0 : index
    %get3A_89 = vector.load %arg3[%get3A_86, %get3A_87, %get3A_88] : memref<32x64x64xf32, #tpu.memory_space<vmem>>, vector<1x64x64xf32>
    %get3A_90 = vector.shape_cast %get3A_89 : vector<1x64x64xf32> to vector<64x64xf32>
    %dot_general3A_91 = arith.constant dense<0.000000e+00> : vector<512x64xf32>
    %dot_general3A_92 = tpu.matmul %get3A_1, %get3A_90, %dot_general3A_91 {dimension_numbers = #tpu.dot_dimension_numbers<[1], [0], [0], [1], [0, 0, 1, 1], [], []>, transpose_lhs_hint = false} : vector<512x64xf32>, vector<64x64xf32>, vector<512x64xf32> -> vector<512x64xf32>
    %mul3A_93 = vector.broadcast %convert_element_type3A_85 : vector<512x1xf32> to vector<512x64xf32>
    %mul3A_94 = arith.mulf %dot_general3A_92, %mul3A_93 : vector<512x64xf32>
    %add3A_95 = arith.addf %add3A_80, %mul3A_94 : vector<512x64xf32>
    %eq3A_96 = arith.constant 5 : i32
    %eq3A_97 = vector.broadcast %eq3A_96 : i32 to vector<512x1xi32>
    %eq3A_98 = arith.cmpi eq, %slice3A, %eq3A_97 : vector<512x1xi32>
    %convert_element_type3A_99 = arith.extui %eq3A_98 : vector<512x1xi1> to vector<512x1xi32>
    %convert_element_type3A_100 = arith.sitofp %convert_element_type3A_99 : vector<512x1xi32> to vector<512x1xf32>
    %get3A_101 = arith.constant 5 : index
    %get3A_102 = arith.constant 0 : index
    %get3A_103 = arith.constant 0 : index
    %get3A_104 = vector.load %arg3[%get3A_101, %get3A_102, %get3A_103] : memref<32x64x64xf32, #tpu.memory_space<vmem>>, vector<1x64x64xf32>
    %get3A_105 = vector.shape_cast %get3A_104 : vector<1x64x64xf32> to vector<64x64xf32>
    %dot_general3A_106 = arith.constant dense<0.000000e+00> : vector<512x64xf32>
    %dot_general3A_107 = tpu.matmul %get3A_1, %get3A_105, %dot_general3A_106 {dimension_numbers = #tpu.dot_dimension_numbers<[1], [0], [0], [1], [0, 0, 1, 1], [], []>, transpose_lhs_hint = false} : vector<512x64xf32>, vector<64x64xf32>, vector<512x64xf32> -> vector<512x64xf32>
    %mul3A_108 = vector.broadcast %convert_element_type3A_100 : vector<512x1xf32> to vector<512x64xf32>
    %mul3A_109 = arith.mulf %dot_general3A_107, %mul3A_108 : vector<512x64xf32>
    %add3A_110 = arith.addf %add3A_95, %mul3A_109 : vector<512x64xf32>
    %eq3A_111 = arith.constant 6 : i32
    %eq3A_112 = vector.broadcast %eq3A_111 : i32 to vector<512x1xi32>
    %eq3A_113 = arith.cmpi eq, %slice3A, %eq3A_112 : vector<512x1xi32>
    %convert_element_type3A_114 = arith.extui %eq3A_113 : vector<512x1xi1> to vector<512x1xi32>
    %convert_element_type3A_115 = arith.sitofp %convert_element_type3A_114 : vector<512x1xi32> to vector<512x1xf32>
    %get3A_116 = arith.constant 6 : index
    %get3A_117 = arith.constant 0 : index
    %get3A_118 = arith.constant 0 : index
    %get3A_119 = vector.load %arg3[%get3A_116, %get3A_117, %get3A_118] : memref<32x64x64xf32, #tpu.memory_space<vmem>>, vector<1x64x64xf32>
    %get3A_120 = vector.shape_cast %get3A_119 : vector<1x64x64xf32> to vector<64x64xf32>
    %dot_general3A_121 = arith.constant dense<0.000000e+00> : vector<512x64xf32>
    %dot_general3A_122 = tpu.matmul %get3A_1, %get3A_120, %dot_general3A_121 {dimension_numbers = #tpu.dot_dimension_numbers<[1], [0], [0], [1], [0, 0, 1, 1], [], []>, transpose_lhs_hint = false} : vector<512x64xf32>, vector<64x64xf32>, vector<512x64xf32> -> vector<512x64xf32>
    %mul3A_123 = vector.broadcast %convert_element_type3A_115 : vector<512x1xf32> to vector<512x64xf32>
    %mul3A_124 = arith.mulf %dot_general3A_122, %mul3A_123 : vector<512x64xf32>
    %add3A_125 = arith.addf %add3A_110, %mul3A_124 : vector<512x64xf32>
    %eq3A_126 = arith.constant 7 : i32
    %eq3A_127 = vector.broadcast %eq3A_126 : i32 to vector<512x1xi32>
    %eq3A_128 = arith.cmpi eq, %slice3A, %eq3A_127 : vector<512x1xi32>
    %convert_element_type3A_129 = arith.extui %eq3A_128 : vector<512x1xi1> to vector<512x1xi32>
    %convert_element_type3A_130 = arith.sitofp %convert_element_type3A_129 : vector<512x1xi32> to vector<512x1xf32>
    %get3A_131 = arith.constant 7 : index
    %get3A_132 = arith.constant 0 : index
    %get3A_133 = arith.constant 0 : index
    %get3A_134 = vector.load %arg3[%get3A_131, %get3A_132, %get3A_133] : memref<32x64x64xf32, #tpu.memory_space<vmem>>, vector<1x64x64xf32>
    %get3A_135 = vector.shape_cast %get3A_134 : vector<1x64x64xf32> to vector<64x64xf32>
    %dot_general3A_136 = arith.constant dense<0.000000e+00> : vector<512x64xf32>
    %dot_general3A_137 = tpu.matmul %get3A_1, %get3A_135, %dot_general3A_136 {dimension_numbers = #tpu.dot_dimension_numbers<[1], [0], [0], [1], [0, 0, 1, 1], [], []>, transpose_lhs_hint = false} : vector<512x64xf32>, vector<64x64xf32>, vector<512x64xf32> -> vector<512x64xf32>
    %mul3A_138 = vector.broadcast %convert_element_type3A_130 : vector<512x1xf32> to vector<512x64xf32>
    %mul3A_139 = arith.mulf %dot_general3A_137, %mul3A_138 : vector<512x64xf32>
    %add3A_140 = arith.addf %add3A_125, %mul3A_139 : vector<512x64xf32>
    %eq3A_141 = arith.constant 8 : i32
    %eq3A_142 = vector.broadcast %eq3A_141 : i32 to vector<512x1xi32>
    %eq3A_143 = arith.cmpi eq, %slice3A, %eq3A_142 : vector<512x1xi32>
    %convert_element_type3A_144 = arith.extui %eq3A_143 : vector<512x1xi1> to vector<512x1xi32>
    %convert_element_type3A_145 = arith.sitofp %convert_element_type3A_144 : vector<512x1xi32> to vector<512x1xf32>
    %get3A_146 = arith.constant 8 : index
    %get3A_147 = arith.constant 0 : index
    %get3A_148 = arith.constant 0 : index
    %get3A_149 = vector.load %arg3[%get3A_146, %get3A_147, %get3A_148] : memref<32x64x64xf32, #tpu.memory_space<vmem>>, vector<1x64x64xf32>
    %get3A_150 = vector.shape_cast %get3A_149 : vector<1x64x64xf32> to vector<64x64xf32>
    %dot_general3A_151 = arith.constant dense<0.000000e+00> : vector<512x64xf32>
    %dot_general3A_152 = tpu.matmul %get3A_1, %get3A_150, %dot_general3A_151 {dimension_numbers = #tpu.dot_dimension_numbers<[1], [0], [0], [1], [0, 0, 1, 1], [], []>, transpose_lhs_hint = false} : vector<512x64xf32>, vector<64x64xf32>, vector<512x64xf32> -> vector<512x64xf32>
    %mul3A_153 = vector.broadcast %convert_element_type3A_145 : vector<512x1xf32> to vector<512x64xf32>
    %mul3A_154 = arith.mulf %dot_general3A_152, %mul3A_153 : vector<512x64xf32>
    %add3A_155 = arith.addf %add3A_140, %mul3A_154 : vector<512x64xf32>
    %eq3A_156 = arith.constant 9 : i32
    %eq3A_157 = vector.broadcast %eq3A_156 : i32 to vector<512x1xi32>
    %eq3A_158 = arith.cmpi eq, %slice3A, %eq3A_157 : vector<512x1xi32>
    %convert_element_type3A_159 = arith.extui %eq3A_158 : vector<512x1xi1> to vector<512x1xi32>
    %convert_element_type3A_160 = arith.sitofp %convert_element_type3A_159 : vector<512x1xi32> to vector<512x1xf32>
    %get3A_161 = arith.constant 9 : index
    %get3A_162 = arith.constant 0 : index
    %get3A_163 = arith.constant 0 : index
    %get3A_164 = vector.load %arg3[%get3A_161, %get3A_162, %get3A_163] : memref<32x64x64xf32, #tpu.memory_space<vmem>>, vector<1x64x64xf32>
    %get3A_165 = vector.shape_cast %get3A_164 : vector<1x64x64xf32> to vector<64x64xf32>
    %dot_general3A_166 = arith.constant dense<0.000000e+00> : vector<512x64xf32>
    %dot_general3A_167 = tpu.matmul %get3A_1, %get3A_165, %dot_general3A_166 {dimension_numbers = #tpu.dot_dimension_numbers<[1], [0], [0], [1], [0, 0, 1, 1], [], []>, transpose_lhs_hint = false} : vector<512x64xf32>, vector<64x64xf32>, vector<512x64xf32> -> vector<512x64xf32>
    %mul3A_168 = vector.broadcast %convert_element_type3A_160 : vector<512x1xf32> to vector<512x64xf32>
    %mul3A_169 = arith.mulf %dot_general3A_167, %mul3A_168 : vector<512x64xf32>
    %add3A_170 = arith.addf %add3A_155, %mul3A_169 : vector<512x64xf32>
    %eq3A_171 = arith.constant 10 : i32
    %eq3A_172 = vector.broadcast %eq3A_171 : i32 to vector<512x1xi32>
    %eq3A_173 = arith.cmpi eq, %slice3A, %eq3A_172 : vector<512x1xi32>
    %convert_element_type3A_174 = arith.extui %eq3A_173 : vector<512x1xi1> to vector<512x1xi32>
    %convert_element_type3A_175 = arith.sitofp %convert_element_type3A_174 : vector<512x1xi32> to vector<512x1xf32>
    %get3A_176 = arith.constant 10 : index
    %get3A_177 = arith.constant 0 : index
    %get3A_178 = arith.constant 0 : index
    %get3A_179 = vector.load %arg3[%get3A_176, %get3A_177, %get3A_178] : memref<32x64x64xf32, #tpu.memory_space<vmem>>, vector<1x64x64xf32>
    %get3A_180 = vector.shape_cast %get3A_179 : vector<1x64x64xf32> to vector<64x64xf32>
    %dot_general3A_181 = arith.constant dense<0.000000e+00> : vector<512x64xf32>
    %dot_general3A_182 = tpu.matmul %get3A_1, %get3A_180, %dot_general3A_181 {dimension_numbers = #tpu.dot_dimension_numbers<[1], [0], [0], [1], [0, 0, 1, 1], [], []>, transpose_lhs_hint = false} : vector<512x64xf32>, vector<64x64xf32>, vector<512x64xf32> -> vector<512x64xf32>
    %mul3A_183 = vector.broadcast %convert_element_type3A_175 : vector<512x1xf32> to vector<512x64xf32>
    %mul3A_184 = arith.mulf %dot_general3A_182, %mul3A_183 : vector<512x64xf32>
    %add3A_185 = arith.addf %add3A_170, %mul3A_184 : vector<512x64xf32>
    %eq3A_186 = arith.constant 11 : i32
    %eq3A_187 = vector.broadcast %eq3A_186 : i32 to vector<512x1xi32>
    %eq3A_188 = arith.cmpi eq, %slice3A, %eq3A_187 : vector<512x1xi32>
    %convert_element_type3A_189 = arith.extui %eq3A_188 : vector<512x1xi1> to vector<512x1xi32>
    %convert_element_type3A_190 = arith.sitofp %convert_element_type3A_189 : vector<512x1xi32> to vector<512x1xf32>
    %get3A_191 = arith.constant 11 : index
    %get3A_192 = arith.constant 0 : index
    %get3A_193 = arith.constant 0 : index
    %get3A_194 = vector.load %arg3[%get3A_191, %get3A_192, %get3A_193] : memref<32x64x64xf32, #tpu.memory_space<vmem>>, vector<1x64x64xf32>
    %get3A_195 = vector.shape_cast %get3A_194 : vector<1x64x64xf32> to vector<64x64xf32>
    %dot_general3A_196 = arith.constant dense<0.000000e+00> : vector<512x64xf32>
    %dot_general3A_197 = tpu.matmul %get3A_1, %get3A_195, %dot_general3A_196 {dimension_numbers = #tpu.dot_dimension_numbers<[1], [0], [0], [1], [0, 0, 1, 1], [], []>, transpose_lhs_hint = false} : vector<512x64xf32>, vector<64x64xf32>, vector<512x64xf32> -> vector<512x64xf32>
    %mul3A_198 = vector.broadcast %convert_element_type3A_190 : vector<512x1xf32> to vector<512x64xf32>
    %mul3A_199 = arith.mulf %dot_general3A_197, %mul3A_198 : vector<512x64xf32>
    %add3A_200 = arith.addf %add3A_185, %mul3A_199 : vector<512x64xf32>
    %eq3A_201 = arith.constant 12 : i32
    %eq3A_202 = vector.broadcast %eq3A_201 : i32 to vector<512x1xi32>
    %eq3A_203 = arith.cmpi eq, %slice3A, %eq3A_202 : vector<512x1xi32>
    %convert_element_type3A_204 = arith.extui %eq3A_203 : vector<512x1xi1> to vector<512x1xi32>
    %convert_element_type3A_205 = arith.sitofp %convert_element_type3A_204 : vector<512x1xi32> to vector<512x1xf32>
    %get3A_206 = arith.constant 12 : index
    %get3A_207 = arith.constant 0 : index
    %get3A_208 = arith.constant 0 : index
    %get3A_209 = vector.load %arg3[%get3A_206, %get3A_207, %get3A_208] : memref<32x64x64xf32, #tpu.memory_space<vmem>>, vector<1x64x64xf32>
    %get3A_210 = vector.shape_cast %get3A_209 : vector<1x64x64xf32> to vector<64x64xf32>
    %dot_general3A_211 = arith.constant dense<0.000000e+00> : vector<512x64xf32>
    %dot_general3A_212 = tpu.matmul %get3A_1, %get3A_210, %dot_general3A_211 {dimension_numbers = #tpu.dot_dimension_numbers<[1], [0], [0], [1], [0, 0, 1, 1], [], []>, transpose_lhs_hint = false} : vector<512x64xf32>, vector<64x64xf32>, vector<512x64xf32> -> vector<512x64xf32>
    %mul3A_213 = vector.broadcast %convert_element_type3A_205 : vector<512x1xf32> to vector<512x64xf32>
    %mul3A_214 = arith.mulf %dot_general3A_212, %mul3A_213 : vector<512x64xf32>
    %add3A_215 = arith.addf %add3A_200, %mul3A_214 : vector<512x64xf32>
    %eq3A_216 = arith.constant 13 : i32
    %eq3A_217 = vector.broadcast %eq3A_216 : i32 to vector<512x1xi32>
    %eq3A_218 = arith.cmpi eq, %slice3A, %eq3A_217 : vector<512x1xi32>
    %convert_element_type3A_219 = arith.extui %eq3A_218 : vector<512x1xi1> to vector<512x1xi32>
    %convert_element_type3A_220 = arith.sitofp %convert_element_type3A_219 : vector<512x1xi32> to vector<512x1xf32>
    %get3A_221 = arith.constant 13 : index
    %get3A_222 = arith.constant 0 : index
    %get3A_223 = arith.constant 0 : index
    %get3A_224 = vector.load %arg3[%get3A_221, %get3A_222, %get3A_223] : memref<32x64x64xf32, #tpu.memory_space<vmem>>, vector<1x64x64xf32>
    %get3A_225 = vector.shape_cast %get3A_224 : vector<1x64x64xf32> to vector<64x64xf32>
    %dot_general3A_226 = arith.constant dense<0.000000e+00> : vector<512x64xf32>
    %dot_general3A_227 = tpu.matmul %get3A_1, %get3A_225, %dot_general3A_226 {dimension_numbers = #tpu.dot_dimension_numbers<[1], [0], [0], [1], [0, 0, 1, 1], [], []>, transpose_lhs_hint = false} : vector<512x64xf32>, vector<64x64xf32>, vector<512x64xf32> -> vector<512x64xf32>
    %mul3A_228 = vector.broadcast %convert_element_type3A_220 : vector<512x1xf32> to vector<512x64xf32>
    %mul3A_229 = arith.mulf %dot_general3A_227, %mul3A_228 : vector<512x64xf32>
    %add3A_230 = arith.addf %add3A_215, %mul3A_229 : vector<512x64xf32>
    %eq3A_231 = arith.constant 14 : i32
    %eq3A_232 = vector.broadcast %eq3A_231 : i32 to vector<512x1xi32>
    %eq3A_233 = arith.cmpi eq, %slice3A, %eq3A_232 : vector<512x1xi32>
    %convert_element_type3A_234 = arith.extui %eq3A_233 : vector<512x1xi1> to vector<512x1xi32>
    %convert_element_type3A_235 = arith.sitofp %convert_element_type3A_234 : vector<512x1xi32> to vector<512x1xf32>
    %get3A_236 = arith.constant 14 : index
    %get3A_237 = arith.constant 0 : index
    %get3A_238 = arith.constant 0 : index
    %get3A_239 = vector.load %arg3[%get3A_236, %get3A_237, %get3A_238] : memref<32x64x64xf32, #tpu.memory_space<vmem>>, vector<1x64x64xf32>
    %get3A_240 = vector.shape_cast %get3A_239 : vector<1x64x64xf32> to vector<64x64xf32>
    %dot_general3A_241 = arith.constant dense<0.000000e+00> : vector<512x64xf32>
    %dot_general3A_242 = tpu.matmul %get3A_1, %get3A_240, %dot_general3A_241 {dimension_numbers = #tpu.dot_dimension_numbers<[1], [0], [0], [1], [0, 0, 1, 1], [], []>, transpose_lhs_hint = false} : vector<512x64xf32>, vector<64x64xf32>, vector<512x64xf32> -> vector<512x64xf32>
    %mul3A_243 = vector.broadcast %convert_element_type3A_235 : vector<512x1xf32> to vector<512x64xf32>
    %mul3A_244 = arith.mulf %dot_general3A_242, %mul3A_243 : vector<512x64xf32>
    %add3A_245 = arith.addf %add3A_230, %mul3A_244 : vector<512x64xf32>
    %eq3A_246 = arith.constant 15 : i32
    %eq3A_247 = vector.broadcast %eq3A_246 : i32 to vector<512x1xi32>
    %eq3A_248 = arith.cmpi eq, %slice3A, %eq3A_247 : vector<512x1xi32>
    %convert_element_type3A_249 = arith.extui %eq3A_248 : vector<512x1xi1> to vector<512x1xi32>
    %convert_element_type3A_250 = arith.sitofp %convert_element_type3A_249 : vector<512x1xi32> to vector<512x1xf32>
    %get3A_251 = arith.constant 15 : index
    %get3A_252 = arith.constant 0 : index
    %get3A_253 = arith.constant 0 : index
    %get3A_254 = vector.load %arg3[%get3A_251, %get3A_252, %get3A_253] : memref<32x64x64xf32, #tpu.memory_space<vmem>>, vector<1x64x64xf32>
    %get3A_255 = vector.shape_cast %get3A_254 : vector<1x64x64xf32> to vector<64x64xf32>
    %dot_general3A_256 = arith.constant dense<0.000000e+00> : vector<512x64xf32>
    %dot_general3A_257 = tpu.matmul %get3A_1, %get3A_255, %dot_general3A_256 {dimension_numbers = #tpu.dot_dimension_numbers<[1], [0], [0], [1], [0, 0, 1, 1], [], []>, transpose_lhs_hint = false} : vector<512x64xf32>, vector<64x64xf32>, vector<512x64xf32> -> vector<512x64xf32>
    %mul3A_258 = vector.broadcast %convert_element_type3A_250 : vector<512x1xf32> to vector<512x64xf32>
    %mul3A_259 = arith.mulf %dot_general3A_257, %mul3A_258 : vector<512x64xf32>
    %add3A_260 = arith.addf %add3A_245, %mul3A_259 : vector<512x64xf32>
    %eq3A_261 = arith.constant 16 : i32
    %eq3A_262 = vector.broadcast %eq3A_261 : i32 to vector<512x1xi32>
    %eq3A_263 = arith.cmpi eq, %slice3A, %eq3A_262 : vector<512x1xi32>
    %convert_element_type3A_264 = arith.extui %eq3A_263 : vector<512x1xi1> to vector<512x1xi32>
    %convert_element_type3A_265 = arith.sitofp %convert_element_type3A_264 : vector<512x1xi32> to vector<512x1xf32>
    %get3A_266 = arith.constant 16 : index
    %get3A_267 = arith.constant 0 : index
    %get3A_268 = arith.constant 0 : index
    %get3A_269 = vector.load %arg3[%get3A_266, %get3A_267, %get3A_268] : memref<32x64x64xf32, #tpu.memory_space<vmem>>, vector<1x64x64xf32>
    %get3A_270 = vector.shape_cast %get3A_269 : vector<1x64x64xf32> to vector<64x64xf32>
    %dot_general3A_271 = arith.constant dense<0.000000e+00> : vector<512x64xf32>
    %dot_general3A_272 = tpu.matmul %get3A_1, %get3A_270, %dot_general3A_271 {dimension_numbers = #tpu.dot_dimension_numbers<[1], [0], [0], [1], [0, 0, 1, 1], [], []>, transpose_lhs_hint = false} : vector<512x64xf32>, vector<64x64xf32>, vector<512x64xf32> -> vector<512x64xf32>
    %mul3A_273 = vector.broadcast %convert_element_type3A_265 : vector<512x1xf32> to vector<512x64xf32>
    %mul3A_274 = arith.mulf %dot_general3A_272, %mul3A_273 : vector<512x64xf32>
    %add3A_275 = arith.addf %add3A_260, %mul3A_274 : vector<512x64xf32>
    %eq3A_276 = arith.constant 17 : i32
    %eq3A_277 = vector.broadcast %eq3A_276 : i32 to vector<512x1xi32>
    %eq3A_278 = arith.cmpi eq, %slice3A, %eq3A_277 : vector<512x1xi32>
    %convert_element_type3A_279 = arith.extui %eq3A_278 : vector<512x1xi1> to vector<512x1xi32>
    %convert_element_type3A_280 = arith.sitofp %convert_element_type3A_279 : vector<512x1xi32> to vector<512x1xf32>
    %get3A_281 = arith.constant 17 : index
    %get3A_282 = arith.constant 0 : index
    %get3A_283 = arith.constant 0 : index
    %get3A_284 = vector.load %arg3[%get3A_281, %get3A_282, %get3A_283] : memref<32x64x64xf32, #tpu.memory_space<vmem>>, vector<1x64x64xf32>
    %get3A_285 = vector.shape_cast %get3A_284 : vector<1x64x64xf32> to vector<64x64xf32>
    %dot_general3A_286 = arith.constant dense<0.000000e+00> : vector<512x64xf32>
    %dot_general3A_287 = tpu.matmul %get3A_1, %get3A_285, %dot_general3A_286 {dimension_numbers = #tpu.dot_dimension_numbers<[1], [0], [0], [1], [0, 0, 1, 1], [], []>, transpose_lhs_hint = false} : vector<512x64xf32>, vector<64x64xf32>, vector<512x64xf32> -> vector<512x64xf32>
    %mul3A_288 = vector.broadcast %convert_element_type3A_280 : vector<512x1xf32> to vector<512x64xf32>
    %mul3A_289 = arith.mulf %dot_general3A_287, %mul3A_288 : vector<512x64xf32>
    %add3A_290 = arith.addf %add3A_275, %mul3A_289 : vector<512x64xf32>
    %eq3A_291 = arith.constant 18 : i32
    %eq3A_292 = vector.broadcast %eq3A_291 : i32 to vector<512x1xi32>
    %eq3A_293 = arith.cmpi eq, %slice3A, %eq3A_292 : vector<512x1xi32>
    %convert_element_type3A_294 = arith.extui %eq3A_293 : vector<512x1xi1> to vector<512x1xi32>
    %convert_element_type3A_295 = arith.sitofp %convert_element_type3A_294 : vector<512x1xi32> to vector<512x1xf32>
    %get3A_296 = arith.constant 18 : index
    %get3A_297 = arith.constant 0 : index
    %get3A_298 = arith.constant 0 : index
    %get3A_299 = vector.load %arg3[%get3A_296, %get3A_297, %get3A_298] : memref<32x64x64xf32, #tpu.memory_space<vmem>>, vector<1x64x64xf32>
    %get3A_300 = vector.shape_cast %get3A_299 : vector<1x64x64xf32> to vector<64x64xf32>
    %dot_general3A_301 = arith.constant dense<0.000000e+00> : vector<512x64xf32>
    %dot_general3A_302 = tpu.matmul %get3A_1, %get3A_300, %dot_general3A_301 {dimension_numbers = #tpu.dot_dimension_numbers<[1], [0], [0], [1], [0, 0, 1, 1], [], []>, transpose_lhs_hint = false} : vector<512x64xf32>, vector<64x64xf32>, vector<512x64xf32> -> vector<512x64xf32>
    %mul3A_303 = vector.broadcast %convert_element_type3A_295 : vector<512x1xf32> to vector<512x64xf32>
    %mul3A_304 = arith.mulf %dot_general3A_302, %mul3A_303 : vector<512x64xf32>
    %add3A_305 = arith.addf %add3A_290, %mul3A_304 : vector<512x64xf32>
    %eq3A_306 = arith.constant 19 : i32
    %eq3A_307 = vector.broadcast %eq3A_306 : i32 to vector<512x1xi32>
    %eq3A_308 = arith.cmpi eq, %slice3A, %eq3A_307 : vector<512x1xi32>
    %convert_element_type3A_309 = arith.extui %eq3A_308 : vector<512x1xi1> to vector<512x1xi32>
    %convert_element_type3A_310 = arith.sitofp %convert_element_type3A_309 : vector<512x1xi32> to vector<512x1xf32>
    %get3A_311 = arith.constant 19 : index
    %get3A_312 = arith.constant 0 : index
    %get3A_313 = arith.constant 0 : index
    %get3A_314 = vector.load %arg3[%get3A_311, %get3A_312, %get3A_313] : memref<32x64x64xf32, #tpu.memory_space<vmem>>, vector<1x64x64xf32>
    %get3A_315 = vector.shape_cast %get3A_314 : vector<1x64x64xf32> to vector<64x64xf32>
    %dot_general3A_316 = arith.constant dense<0.000000e+00> : vector<512x64xf32>
    %dot_general3A_317 = tpu.matmul %get3A_1, %get3A_315, %dot_general3A_316 {dimension_numbers = #tpu.dot_dimension_numbers<[1], [0], [0], [1], [0, 0, 1, 1], [], []>, transpose_lhs_hint = false} : vector<512x64xf32>, vector<64x64xf32>, vector<512x64xf32> -> vector<512x64xf32>
    %mul3A_318 = vector.broadcast %convert_element_type3A_310 : vector<512x1xf32> to vector<512x64xf32>
    %mul3A_319 = arith.mulf %dot_general3A_317, %mul3A_318 : vector<512x64xf32>
    %add3A_320 = arith.addf %add3A_305, %mul3A_319 : vector<512x64xf32>
    %eq3A_321 = arith.constant 20 : i32
    %eq3A_322 = vector.broadcast %eq3A_321 : i32 to vector<512x1xi32>
    %eq3A_323 = arith.cmpi eq, %slice3A, %eq3A_322 : vector<512x1xi32>
    %convert_element_type3A_324 = arith.extui %eq3A_323 : vector<512x1xi1> to vector<512x1xi32>
    %convert_element_type3A_325 = arith.sitofp %convert_element_type3A_324 : vector<512x1xi32> to vector<512x1xf32>
    %get3A_326 = arith.constant 20 : index
    %get3A_327 = arith.constant 0 : index
    %get3A_328 = arith.constant 0 : index
    %get3A_329 = vector.load %arg3[%get3A_326, %get3A_327, %get3A_328] : memref<32x64x64xf32, #tpu.memory_space<vmem>>, vector<1x64x64xf32>
    %get3A_330 = vector.shape_cast %get3A_329 : vector<1x64x64xf32> to vector<64x64xf32>
    %dot_general3A_331 = arith.constant dense<0.000000e+00> : vector<512x64xf32>
    %dot_general3A_332 = tpu.matmul %get3A_1, %get3A_330, %dot_general3A_331 {dimension_numbers = #tpu.dot_dimension_numbers<[1], [0], [0], [1], [0, 0, 1, 1], [], []>, transpose_lhs_hint = false} : vector<512x64xf32>, vector<64x64xf32>, vector<512x64xf32> -> vector<512x64xf32>
    %mul3A_333 = vector.broadcast %convert_element_type3A_325 : vector<512x1xf32> to vector<512x64xf32>
    %mul3A_334 = arith.mulf %dot_general3A_332, %mul3A_333 : vector<512x64xf32>
    %add3A_335 = arith.addf %add3A_320, %mul3A_334 : vector<512x64xf32>
    %eq3A_336 = arith.constant 21 : i32
    %eq3A_337 = vector.broadcast %eq3A_336 : i32 to vector<512x1xi32>
    %eq3A_338 = arith.cmpi eq, %slice3A, %eq3A_337 : vector<512x1xi32>
    %convert_element_type3A_339 = arith.extui %eq3A_338 : vector<512x1xi1> to vector<512x1xi32>
    %convert_element_type3A_340 = arith.sitofp %convert_element_type3A_339 : vector<512x1xi32> to vector<512x1xf32>
    %get3A_341 = arith.constant 21 : index
    %get3A_342 = arith.constant 0 : index
    %get3A_343 = arith.constant 0 : index
    %get3A_344 = vector.load %arg3[%get3A_341, %get3A_342, %get3A_343] : memref<32x64x64xf32, #tpu.memory_space<vmem>>, vector<1x64x64xf32>
    %get3A_345 = vector.shape_cast %get3A_344 : vector<1x64x64xf32> to vector<64x64xf32>
    %dot_general3A_346 = arith.constant dense<0.000000e+00> : vector<512x64xf32>
    %dot_general3A_347 = tpu.matmul %get3A_1, %get3A_345, %dot_general3A_346 {dimension_numbers = #tpu.dot_dimension_numbers<[1], [0], [0], [1], [0, 0, 1, 1], [], []>, transpose_lhs_hint = false} : vector<512x64xf32>, vector<64x64xf32>, vector<512x64xf32> -> vector<512x64xf32>
    %mul3A_348 = vector.broadcast %convert_element_type3A_340 : vector<512x1xf32> to vector<512x64xf32>
    %mul3A_349 = arith.mulf %dot_general3A_347, %mul3A_348 : vector<512x64xf32>
    %add3A_350 = arith.addf %add3A_335, %mul3A_349 : vector<512x64xf32>
    %eq3A_351 = arith.constant 22 : i32
    %eq3A_352 = vector.broadcast %eq3A_351 : i32 to vector<512x1xi32>
    %eq3A_353 = arith.cmpi eq, %slice3A, %eq3A_352 : vector<512x1xi32>
    %convert_element_type3A_354 = arith.extui %eq3A_353 : vector<512x1xi1> to vector<512x1xi32>
    %convert_element_type3A_355 = arith.sitofp %convert_element_type3A_354 : vector<512x1xi32> to vector<512x1xf32>
    %get3A_356 = arith.constant 22 : index
    %get3A_357 = arith.constant 0 : index
    %get3A_358 = arith.constant 0 : index
    %get3A_359 = vector.load %arg3[%get3A_356, %get3A_357, %get3A_358] : memref<32x64x64xf32, #tpu.memory_space<vmem>>, vector<1x64x64xf32>
    %get3A_360 = vector.shape_cast %get3A_359 : vector<1x64x64xf32> to vector<64x64xf32>
    %dot_general3A_361 = arith.constant dense<0.000000e+00> : vector<512x64xf32>
    %dot_general3A_362 = tpu.matmul %get3A_1, %get3A_360, %dot_general3A_361 {dimension_numbers = #tpu.dot_dimension_numbers<[1], [0], [0], [1], [0, 0, 1, 1], [], []>, transpose_lhs_hint = false} : vector<512x64xf32>, vector<64x64xf32>, vector<512x64xf32> -> vector<512x64xf32>
    %mul3A_363 = vector.broadcast %convert_element_type3A_355 : vector<512x1xf32> to vector<512x64xf32>
    %mul3A_364 = arith.mulf %dot_general3A_362, %mul3A_363 : vector<512x64xf32>
    %add3A_365 = arith.addf %add3A_350, %mul3A_364 : vector<512x64xf32>
    %eq3A_366 = arith.constant 23 : i32
    %eq3A_367 = vector.broadcast %eq3A_366 : i32 to vector<512x1xi32>
    %eq3A_368 = arith.cmpi eq, %slice3A, %eq3A_367 : vector<512x1xi32>
    %convert_element_type3A_369 = arith.extui %eq3A_368 : vector<512x1xi1> to vector<512x1xi32>
    %convert_element_type3A_370 = arith.sitofp %convert_element_type3A_369 : vector<512x1xi32> to vector<512x1xf32>
    %get3A_371 = arith.constant 23 : index
    %get3A_372 = arith.constant 0 : index
    %get3A_373 = arith.constant 0 : index
    %get3A_374 = vector.load %arg3[%get3A_371, %get3A_372, %get3A_373] : memref<32x64x64xf32, #tpu.memory_space<vmem>>, vector<1x64x64xf32>
    %get3A_375 = vector.shape_cast %get3A_374 : vector<1x64x64xf32> to vector<64x64xf32>
    %dot_general3A_376 = arith.constant dense<0.000000e+00> : vector<512x64xf32>
    %dot_general3A_377 = tpu.matmul %get3A_1, %get3A_375, %dot_general3A_376 {dimension_numbers = #tpu.dot_dimension_numbers<[1], [0], [0], [1], [0, 0, 1, 1], [], []>, transpose_lhs_hint = false} : vector<512x64xf32>, vector<64x64xf32>, vector<512x64xf32> -> vector<512x64xf32>
    %mul3A_378 = vector.broadcast %convert_element_type3A_370 : vector<512x1xf32> to vector<512x64xf32>
    %mul3A_379 = arith.mulf %dot_general3A_377, %mul3A_378 : vector<512x64xf32>
    %add3A_380 = arith.addf %add3A_365, %mul3A_379 : vector<512x64xf32>
    %eq3A_381 = arith.constant 24 : i32
    %eq3A_382 = vector.broadcast %eq3A_381 : i32 to vector<512x1xi32>
    %eq3A_383 = arith.cmpi eq, %slice3A, %eq3A_382 : vector<512x1xi32>
    %convert_element_type3A_384 = arith.extui %eq3A_383 : vector<512x1xi1> to vector<512x1xi32>
    %convert_element_type3A_385 = arith.sitofp %convert_element_type3A_384 : vector<512x1xi32> to vector<512x1xf32>
    %get3A_386 = arith.constant 24 : index
    %get3A_387 = arith.constant 0 : index
    %get3A_388 = arith.constant 0 : index
    %get3A_389 = vector.load %arg3[%get3A_386, %get3A_387, %get3A_388] : memref<32x64x64xf32, #tpu.memory_space<vmem>>, vector<1x64x64xf32>
    %get3A_390 = vector.shape_cast %get3A_389 : vector<1x64x64xf32> to vector<64x64xf32>
    %dot_general3A_391 = arith.constant dense<0.000000e+00> : vector<512x64xf32>
    %dot_general3A_392 = tpu.matmul %get3A_1, %get3A_390, %dot_general3A_391 {dimension_numbers = #tpu.dot_dimension_numbers<[1], [0], [0], [1], [0, 0, 1, 1], [], []>, transpose_lhs_hint = false} : vector<512x64xf32>, vector<64x64xf32>, vector<512x64xf32> -> vector<512x64xf32>
    %mul3A_393 = vector.broadcast %convert_element_type3A_385 : vector<512x1xf32> to vector<512x64xf32>
    %mul3A_394 = arith.mulf %dot_general3A_392, %mul3A_393 : vector<512x64xf32>
    %add3A_395 = arith.addf %add3A_380, %mul3A_394 : vector<512x64xf32>
    %eq3A_396 = arith.constant 25 : i32
    %eq3A_397 = vector.broadcast %eq3A_396 : i32 to vector<512x1xi32>
    %eq3A_398 = arith.cmpi eq, %slice3A, %eq3A_397 : vector<512x1xi32>
    %convert_element_type3A_399 = arith.extui %eq3A_398 : vector<512x1xi1> to vector<512x1xi32>
    %convert_element_type3A_400 = arith.sitofp %convert_element_type3A_399 : vector<512x1xi32> to vector<512x1xf32>
    %get3A_401 = arith.constant 25 : index
    %get3A_402 = arith.constant 0 : index
    %get3A_403 = arith.constant 0 : index
    %get3A_404 = vector.load %arg3[%get3A_401, %get3A_402, %get3A_403] : memref<32x64x64xf32, #tpu.memory_space<vmem>>, vector<1x64x64xf32>
    %get3A_405 = vector.shape_cast %get3A_404 : vector<1x64x64xf32> to vector<64x64xf32>
    %dot_general3A_406 = arith.constant dense<0.000000e+00> : vector<512x64xf32>
    %dot_general3A_407 = tpu.matmul %get3A_1, %get3A_405, %dot_general3A_406 {dimension_numbers = #tpu.dot_dimension_numbers<[1], [0], [0], [1], [0, 0, 1, 1], [], []>, transpose_lhs_hint = false} : vector<512x64xf32>, vector<64x64xf32>, vector<512x64xf32> -> vector<512x64xf32>
    %mul3A_408 = vector.broadcast %convert_element_type3A_400 : vector<512x1xf32> to vector<512x64xf32>
    %mul3A_409 = arith.mulf %dot_general3A_407, %mul3A_408 : vector<512x64xf32>
    %add3A_410 = arith.addf %add3A_395, %mul3A_409 : vector<512x64xf32>
    %eq3A_411 = arith.constant 26 : i32
    %eq3A_412 = vector.broadcast %eq3A_411 : i32 to vector<512x1xi32>
    %eq3A_413 = arith.cmpi eq, %slice3A, %eq3A_412 : vector<512x1xi32>
    %convert_element_type3A_414 = arith.extui %eq3A_413 : vector<512x1xi1> to vector<512x1xi32>
    %convert_element_type3A_415 = arith.sitofp %convert_element_type3A_414 : vector<512x1xi32> to vector<512x1xf32>
    %get3A_416 = arith.constant 26 : index
    %get3A_417 = arith.constant 0 : index
    %get3A_418 = arith.constant 0 : index
    %get3A_419 = vector.load %arg3[%get3A_416, %get3A_417, %get3A_418] : memref<32x64x64xf32, #tpu.memory_space<vmem>>, vector<1x64x64xf32>
    %get3A_420 = vector.shape_cast %get3A_419 : vector<1x64x64xf32> to vector<64x64xf32>
    %dot_general3A_421 = arith.constant dense<0.000000e+00> : vector<512x64xf32>
    %dot_general3A_422 = tpu.matmul %get3A_1, %get3A_420, %dot_general3A_421 {dimension_numbers = #tpu.dot_dimension_numbers<[1], [0], [0], [1], [0, 0, 1, 1], [], []>, transpose_lhs_hint = false} : vector<512x64xf32>, vector<64x64xf32>, vector<512x64xf32> -> vector<512x64xf32>
    %mul3A_423 = vector.broadcast %convert_element_type3A_415 : vector<512x1xf32> to vector<512x64xf32>
    %mul3A_424 = arith.mulf %dot_general3A_422, %mul3A_423 : vector<512x64xf32>
    %add3A_425 = arith.addf %add3A_410, %mul3A_424 : vector<512x64xf32>
    %eq3A_426 = arith.constant 27 : i32
    %eq3A_427 = vector.broadcast %eq3A_426 : i32 to vector<512x1xi32>
    %eq3A_428 = arith.cmpi eq, %slice3A, %eq3A_427 : vector<512x1xi32>
    %convert_element_type3A_429 = arith.extui %eq3A_428 : vector<512x1xi1> to vector<512x1xi32>
    %convert_element_type3A_430 = arith.sitofp %convert_element_type3A_429 : vector<512x1xi32> to vector<512x1xf32>
    %get3A_431 = arith.constant 27 : index
    %get3A_432 = arith.constant 0 : index
    %get3A_433 = arith.constant 0 : index
    %get3A_434 = vector.load %arg3[%get3A_431, %get3A_432, %get3A_433] : memref<32x64x64xf32, #tpu.memory_space<vmem>>, vector<1x64x64xf32>
    %get3A_435 = vector.shape_cast %get3A_434 : vector<1x64x64xf32> to vector<64x64xf32>
    %dot_general3A_436 = arith.constant dense<0.000000e+00> : vector<512x64xf32>
    %dot_general3A_437 = tpu.matmul %get3A_1, %get3A_435, %dot_general3A_436 {dimension_numbers = #tpu.dot_dimension_numbers<[1], [0], [0], [1], [0, 0, 1, 1], [], []>, transpose_lhs_hint = false} : vector<512x64xf32>, vector<64x64xf32>, vector<512x64xf32> -> vector<512x64xf32>
    %mul3A_438 = vector.broadcast %convert_element_type3A_430 : vector<512x1xf32> to vector<512x64xf32>
    %mul3A_439 = arith.mulf %dot_general3A_437, %mul3A_438 : vector<512x64xf32>
    %add3A_440 = arith.addf %add3A_425, %mul3A_439 : vector<512x64xf32>
    %eq3A_441 = arith.constant 28 : i32
    %eq3A_442 = vector.broadcast %eq3A_441 : i32 to vector<512x1xi32>
    %eq3A_443 = arith.cmpi eq, %slice3A, %eq3A_442 : vector<512x1xi32>
    %convert_element_type3A_444 = arith.extui %eq3A_443 : vector<512x1xi1> to vector<512x1xi32>
    %convert_element_type3A_445 = arith.sitofp %convert_element_type3A_444 : vector<512x1xi32> to vector<512x1xf32>
    %get3A_446 = arith.constant 28 : index
    %get3A_447 = arith.constant 0 : index
    %get3A_448 = arith.constant 0 : index
    %get3A_449 = vector.load %arg3[%get3A_446, %get3A_447, %get3A_448] : memref<32x64x64xf32, #tpu.memory_space<vmem>>, vector<1x64x64xf32>
    %get3A_450 = vector.shape_cast %get3A_449 : vector<1x64x64xf32> to vector<64x64xf32>
    %dot_general3A_451 = arith.constant dense<0.000000e+00> : vector<512x64xf32>
    %dot_general3A_452 = tpu.matmul %get3A_1, %get3A_450, %dot_general3A_451 {dimension_numbers = #tpu.dot_dimension_numbers<[1], [0], [0], [1], [0, 0, 1, 1], [], []>, transpose_lhs_hint = false} : vector<512x64xf32>, vector<64x64xf32>, vector<512x64xf32> -> vector<512x64xf32>
    %mul3A_453 = vector.broadcast %convert_element_type3A_445 : vector<512x1xf32> to vector<512x64xf32>
    %mul3A_454 = arith.mulf %dot_general3A_452, %mul3A_453 : vector<512x64xf32>
    %add3A_455 = arith.addf %add3A_440, %mul3A_454 : vector<512x64xf32>
    %eq3A_456 = arith.constant 29 : i32
    %eq3A_457 = vector.broadcast %eq3A_456 : i32 to vector<512x1xi32>
    %eq3A_458 = arith.cmpi eq, %slice3A, %eq3A_457 : vector<512x1xi32>
    %convert_element_type3A_459 = arith.extui %eq3A_458 : vector<512x1xi1> to vector<512x1xi32>
    %convert_element_type3A_460 = arith.sitofp %convert_element_type3A_459 : vector<512x1xi32> to vector<512x1xf32>
    %get3A_461 = arith.constant 29 : index
    %get3A_462 = arith.constant 0 : index
    %get3A_463 = arith.constant 0 : index
    %get3A_464 = vector.load %arg3[%get3A_461, %get3A_462, %get3A_463] : memref<32x64x64xf32, #tpu.memory_space<vmem>>, vector<1x64x64xf32>
    %get3A_465 = vector.shape_cast %get3A_464 : vector<1x64x64xf32> to vector<64x64xf32>
    %dot_general3A_466 = arith.constant dense<0.000000e+00> : vector<512x64xf32>
    %dot_general3A_467 = tpu.matmul %get3A_1, %get3A_465, %dot_general3A_466 {dimension_numbers = #tpu.dot_dimension_numbers<[1], [0], [0], [1], [0, 0, 1, 1], [], []>, transpose_lhs_hint = false} : vector<512x64xf32>, vector<64x64xf32>, vector<512x64xf32> -> vector<512x64xf32>
    %mul3A_468 = vector.broadcast %convert_element_type3A_460 : vector<512x1xf32> to vector<512x64xf32>
    %mul3A_469 = arith.mulf %dot_general3A_467, %mul3A_468 : vector<512x64xf32>
    %add3A_470 = arith.addf %add3A_455, %mul3A_469 : vector<512x64xf32>
    %eq3A_471 = arith.constant 30 : i32
    %eq3A_472 = vector.broadcast %eq3A_471 : i32 to vector<512x1xi32>
    %eq3A_473 = arith.cmpi eq, %slice3A, %eq3A_472 : vector<512x1xi32>
    %convert_element_type3A_474 = arith.extui %eq3A_473 : vector<512x1xi1> to vector<512x1xi32>
    %convert_element_type3A_475 = arith.sitofp %convert_element_type3A_474 : vector<512x1xi32> to vector<512x1xf32>
    %get3A_476 = arith.constant 30 : index
    %get3A_477 = arith.constant 0 : index
    %get3A_478 = arith.constant 0 : index
    %get3A_479 = vector.load %arg3[%get3A_476, %get3A_477, %get3A_478] : memref<32x64x64xf32, #tpu.memory_space<vmem>>, vector<1x64x64xf32>
    %get3A_480 = vector.shape_cast %get3A_479 : vector<1x64x64xf32> to vector<64x64xf32>
    %dot_general3A_481 = arith.constant dense<0.000000e+00> : vector<512x64xf32>
    %dot_general3A_482 = tpu.matmul %get3A_1, %get3A_480, %dot_general3A_481 {dimension_numbers = #tpu.dot_dimension_numbers<[1], [0], [0], [1], [0, 0, 1, 1], [], []>, transpose_lhs_hint = false} : vector<512x64xf32>, vector<64x64xf32>, vector<512x64xf32> -> vector<512x64xf32>
    %mul3A_483 = vector.broadcast %convert_element_type3A_475 : vector<512x1xf32> to vector<512x64xf32>
    %mul3A_484 = arith.mulf %dot_general3A_482, %mul3A_483 : vector<512x64xf32>
    %add3A_485 = arith.addf %add3A_470, %mul3A_484 : vector<512x64xf32>
    %eq3A_486 = arith.constant 31 : i32
    %eq3A_487 = vector.broadcast %eq3A_486 : i32 to vector<512x1xi32>
    %eq3A_488 = arith.cmpi eq, %slice3A, %eq3A_487 : vector<512x1xi32>
    %convert_element_type3A_489 = arith.extui %eq3A_488 : vector<512x1xi1> to vector<512x1xi32>
    %convert_element_type3A_490 = arith.sitofp %convert_element_type3A_489 : vector<512x1xi32> to vector<512x1xf32>
    %get3A_491 = arith.constant 31 : index
    %get3A_492 = arith.constant 0 : index
    %get3A_493 = arith.constant 0 : index
    %get3A_494 = vector.load %arg3[%get3A_491, %get3A_492, %get3A_493] : memref<32x64x64xf32, #tpu.memory_space<vmem>>, vector<1x64x64xf32>
    %get3A_495 = vector.shape_cast %get3A_494 : vector<1x64x64xf32> to vector<64x64xf32>
    %dot_general3A_496 = arith.constant dense<0.000000e+00> : vector<512x64xf32>
    %dot_general3A_497 = tpu.matmul %get3A_1, %get3A_495, %dot_general3A_496 {dimension_numbers = #tpu.dot_dimension_numbers<[1], [0], [0], [1], [0, 0, 1, 1], [], []>, transpose_lhs_hint = false} : vector<512x64xf32>, vector<64x64xf32>, vector<512x64xf32> -> vector<512x64xf32>
    %mul3A_498 = vector.broadcast %convert_element_type3A_490 : vector<512x1xf32> to vector<512x64xf32>
    %mul3A_499 = arith.mulf %dot_general3A_497, %mul3A_498 : vector<512x64xf32>
    %add3A_500 = arith.addf %add3A_485, %mul3A_499 : vector<512x64xf32>
    %swap3A_501 = arith.constant 0 : index
    %swap3A_502 = arith.constant 0 : index
    %swap3A_503 = vector.load %arg4[%swap3A_501, %swap3A_502] : memref<512x64xf32, #tpu.memory_space<vmem>>, vector<512x64xf32>
    tpu.vector_store %arg4[%swap3A_501, %swap3A_502], %add3A_500 {strides = array<i32>} : memref<512x64xf32, #tpu.memory_space<vmem>>, vector<512x64xf32>,
    return
  }
  func.func @transform_0(%arg0: i32) -> (i32, i32) {
    %c0_i32 = arith.constant 0 : i32
    %c0_i32_0 = arith.constant 0 : i32
    return %arg0, %c0_i32 : i32, i32
  }
  func.func @transform_1(%arg0: i32) -> (i32, i32) {
    %c0_i32 = arith.constant 0 : i32
    %c0_i32_0 = arith.constant 0 : i32
    return %arg0, %c0_i32 : i32, i32
  }
  func.func @transform_2(%arg0: i32) -> (i32, i32, i32) {
    %c0_i32 = arith.constant 0 : i32
    %c0_i32_0 = arith.constant 0 : i32
    %c0_i32_1 = arith.constant 0 : i32
    %c0_i32_2 = arith.constant 0 : i32
    return %c0_i32, %c0_i32_0, %c0_i32_1 : i32, i32, i32
  }
  func.func @transform_3(%arg0: i32) -> (i32, i32) {
    %c0_i32 = arith.constant 0 : i32
    %c0_i32_0 = arith.constant 0 : i32
    return %arg0, %c0_i32 : i32, i32
  }
  func.func @transform_4(%arg0: i32) -> (i32, i32) {
    %c0_i32 = arith.constant 0 : i32
    %c0_i32_0 = arith.constant 0 : i32
    return %arg0, %c0_i32 : i32, i32
  }
}

module attributes {stable_mosaic.version = 14 : i64} {
  func.func @_s3_body(%arg0: memref<256x128xf32, #tpu.memory_space<vmem>>, %arg1: memref<2048x256xf32, #tpu.memory_space<vmem>>, %arg2: memref<256x128xi32, #tpu.memory_space<vmem>>, %arg3: memref<2048x256xi32, #tpu.memory_space<vmem>>) attributes {dimension_semantics = [], scalar_prefetch = 0 : i64, scratch_operands = 0 : i64, tpu.core_type = #tpu.core_type<tc>} {
    %get3A = arith.constant 0 : index
    %get3A_0 = arith.constant 0 : index
    %get3A_1 = vector.load %arg0[%get3A, %get3A_0] : memref<256x128xf32, #tpu.memory_space<vmem>>, vector<256x128xf32>
    %gt3A = arith.constant 0.000000e+00 : f32
    %gt3A_2 = vector.broadcast %gt3A : f32 to vector<256x128xf32>
    %gt3A_3 = arith.cmpf ogt, %get3A_1, %gt3A_2 : vector<256x128xf32>
    %convert_element_type3A = arith.extui %gt3A_3 : vector<256x128xi1> to vector<256x128xi32>
    %convert_element_type3A_4 = arith.sitofp %convert_element_type3A : vector<256x128xi32> to vector<256x128xf32>
    %iota3A = tpu.iota {dimensions = array<i32: 0>} : vector<128x128xi32>
    %iota3A_5 = tpu.iota {dimensions = array<i32: 1>} : vector<128x128xi32>
    %lt3A = arith.cmpi slt, %iota3A, %iota3A_5 : vector<128x128xi32>
    %convert_element_type3A_6 = arith.extui %lt3A : vector<128x128xi1> to vector<128x128xi32>
    %convert_element_type3A_7 = arith.sitofp %convert_element_type3A_6 : vector<128x128xi32> to vector<128x128xf32>
    %dot_general3A = arith.constant dense<0.000000e+00> : vector<256x128xf32>
    %dot_general3A_8 = tpu.matmul %convert_element_type3A_4, %convert_element_type3A_7, %dot_general3A {dimension_numbers = #tpu.dot_dimension_numbers<[1], [0], [0], [1], [0, 0, 1, 1], [], []>, transpose_lhs_hint = false} : vector<256x128xf32>, vector<128x128xf32>, vector<256x128xf32> -> vector<256x128xf32>
    %reduce_sum3A = arith.constant dense<0.000000e+00> : vector<256xf32>
    %reduce_sum3A_9 = vector.multi_reduction <add>, %convert_element_type3A_4, %reduce_sum3A [1] : vector<256x128xf32> to vector<256xf32>
    %broadcast_in_dim3A = vector.shape_cast %reduce_sum3A_9 : vector<256xf32> to vector<256x1xf32>
    %iota3A_10 = tpu.iota {dimensions = array<i32: 0>} : vector<256x256xi32>
    %iota3A_11 = tpu.iota {dimensions = array<i32: 1>} : vector<256x256xi32>
    %gt3A_12 = arith.cmpi sgt, %iota3A_10, %iota3A_11 : vector<256x256xi32>
    %convert_element_type3A_13 = arith.extui %gt3A_12 : vector<256x256xi1> to vector<256x256xi32>
    %convert_element_type3A_14 = arith.sitofp %convert_element_type3A_13 : vector<256x256xi32> to vector<256x256xf32>
    %dot_general3A_15 = arith.constant dense<0.000000e+00> : vector<256x1xf32>
    %dot_general3A_16 = tpu.matmul %convert_element_type3A_14, %broadcast_in_dim3A, %dot_general3A_15 {dimension_numbers = #tpu.dot_dimension_numbers<[1], [0], [0], [1], [0, 0, 1, 1], [], []>, transpose_lhs_hint = false} : vector<256x256xf32>, vector<256x1xf32>, vector<256x1xf32> -> vector<256x1xf32>
    %add3A = vector.broadcast %dot_general3A_16 : vector<256x1xf32> to vector<256x128xf32>
    %add3A_17 = arith.addf %dot_general3A_8, %add3A : vector<256x128xf32>
    %convert_element_type3A_18 = arith.fptosi %add3A_17 : vector<256x128xf32> to vector<256x128xi32>
    %reduce_sum3A_19 = vector.shape_cast %convert_element_type3A_4 : vector<256x128xf32> to vector<1x256x128xf32>
    %reduce_sum3A_20 = arith.constant dense<0.000000e+00> : vector<1xf32>
    %reduce_sum3A_21 = vector.multi_reduction <add>, %reduce_sum3A_19, %reduce_sum3A_20 [1, 2] : vector<1x256x128xf32> to vector<1xf32>
    %reduce_sum3A_22 = vector.shape_cast %reduce_sum3A_21 : vector<1xf32> to vector<1x1x1xf32>
    %reduce_sum3A_23 = vector.extract %reduce_sum3A_22[0, 0, 0] : f32 from vector<1x1x1xf32>
    %convert_element_type3A_24 = arith.fptosi %reduce_sum3A_23 : f32 to i32
    %iota3A_25 = tpu.iota {dimensions = array<i32: 0>} : vector<256x128xi32>
    %mul3A = arith.constant 128 : i32
    %mul3A_26 = vector.broadcast %mul3A : i32 to vector<256x128xi32>
    %mul3A_27 = arith.muli %iota3A_25, %mul3A_26 : vector<256x128xi32>
    %iota3A_28 = tpu.iota {dimensions = array<i32: 1>} : vector<256x128xi32>
    %add3A_29 = arith.addi %mul3A_27, %iota3A_28 : vector<256x128xi32>
    %gt3A_30 = arith.constant 0.000000e+00 : f32
    %gt3A_31 = vector.broadcast %gt3A_30 : f32 to vector<256x128xf32>
    %gt3A_32 = arith.cmpf ogt, %convert_element_type3A_4, %gt3A_31 : vector<256x128xf32>
    %add3A_33 = vector.broadcast %convert_element_type3A_24 : i32 to vector<256x128xi32>
    %add3A_34 = arith.addi %add3A_33, %add3A_29 : vector<256x128xi32>
    %sub3A = arith.subi %add3A_34, %convert_element_type3A_18 : vector<256x128xi32>
    %select_n3A = arith.select %gt3A_32, %convert_element_type3A_18, %sub3A : vector<256x128xi1>, vector<256x128xi32>
    %swap3A = arith.constant 0 : index
    %swap3A_35 = arith.constant 0 : index
    %swap3A_36 = vector.load %arg2[%swap3A, %swap3A_35] : memref<256x128xi32, #tpu.memory_space<vmem>>, vector<256x128xi32>
    tpu.vector_store %arg2[%swap3A, %swap3A_35], %select_n3A {strides = array<i32>} : memref<256x128xi32, #tpu.memory_space<vmem>>, vector<256x128xi32>,
    %get3A_37 = arith.constant 0 : index
    %get3A_38 = arith.constant 0 : index
    %get3A_39 = vector.load %arg1[%get3A_37, %get3A_38] : memref<2048x256xf32, #tpu.memory_space<vmem>>, vector<2048x256xf32>
    %gt3A_40 = arith.constant 0.000000e+00 : f32
    %gt3A_41 = vector.broadcast %gt3A_40 : f32 to vector<2048x256xf32>
    %gt3A_42 = arith.cmpf ogt, %get3A_39, %gt3A_41 : vector<2048x256xf32>
    %iota3A_43 = tpu.iota {dimensions = array<i32: 0>} : vector<2048x256xi32>
    %iota3A_44 = tpu.iota {dimensions = array<i32: 1>} : vector<2048x256xi32>
    %mul3A_45 = arith.constant 16 : i32
    %mul3A_46 = vector.broadcast %mul3A_45 : i32 to vector<2048x256xi32>
    %mul3A_47 = arith.muli %iota3A_43, %mul3A_46 : vector<2048x256xi32>
    %shift_right_arithmetic3A = arith.constant 4 : i32
    %shift_right_arithmetic3A_48 = vector.broadcast %shift_right_arithmetic3A : i32 to vector<2048x256xi32>
    %shift_right_arithmetic3A_49 = arith.shrsi %iota3A_44, %shift_right_arithmetic3A_48 : vector<2048x256xi32>
    %add3A_50 = arith.addi %mul3A_47, %shift_right_arithmetic3A_49 : vector<2048x256xi32>
    %and3A = arith.constant 15 : i32
    %and3A_51 = vector.broadcast %and3A : i32 to vector<2048x256xi32>
    %and3A_52 = arith.andi %iota3A_44, %and3A_51 : vector<2048x256xi32>
    %eq3A = arith.constant 0 : i32
    %eq3A_53 = vector.broadcast %eq3A : i32 to vector<2048x256xi32>
    %eq3A_54 = arith.cmpi eq, %and3A_52, %eq3A_53 : vector<2048x256xi32>
    %shift_right_arithmetic3A_55 = arith.constant 10 : i32
    %shift_right_arithmetic3A_56 = vector.broadcast %shift_right_arithmetic3A_55 : i32 to vector<2048x256xi32>
    %shift_right_arithmetic3A_57 = arith.shrsi %add3A_50, %shift_right_arithmetic3A_56 : vector<2048x256xi32>
    %eq3A_58 = arith.constant 2 : i32
    %eq3A_59 = vector.broadcast %eq3A_58 : i32 to vector<2048x256xi32>
    %eq3A_60 = arith.cmpi eq, %and3A_52, %eq3A_59 : vector<2048x256xi32>
    %shift_right_arithmetic3A_61 = arith.constant 5 : i32
    %shift_right_arithmetic3A_62 = vector.broadcast %shift_right_arithmetic3A_61 : i32 to vector<2048x256xi32>
    %shift_right_arithmetic3A_63 = arith.shrsi %add3A_50, %shift_right_arithmetic3A_62 : vector<2048x256xi32>
    %and3A_64 = arith.constant 31 : i32
    %and3A_65 = vector.broadcast %and3A_64 : i32 to vector<2048x256xi32>
    %and3A_66 = arith.andi %shift_right_arithmetic3A_63, %and3A_65 : vector<2048x256xi32>
    %eq3A_67 = arith.constant 3 : i32
    %eq3A_68 = vector.broadcast %eq3A_67 : i32 to vector<2048x256xi32>
    %eq3A_69 = arith.cmpi eq, %and3A_52, %eq3A_68 : vector<2048x256xi32>
    %and3A_70 = arith.constant 31 : i32
    %and3A_71 = vector.broadcast %and3A_70 : i32 to vector<2048x256xi32>
    %and3A_72 = arith.andi %add3A_50, %and3A_71 : vector<2048x256xi32>
    %jit3A = arith.constant 0 : i32
    %broadcast_in_dim3A_73 = vector.broadcast %jit3A : i32 to vector<2048x256xi32>
    %select_n3A_74 = arith.select %eq3A_69, %and3A_72, %broadcast_in_dim3A_73 : vector<2048x256xi1>, vector<2048x256xi32>
    %select_n3A_75 = arith.select %eq3A_60, %and3A_66, %select_n3A_74 : vector<2048x256xi1>, vector<2048x256xi32>
    %select_n3A_76 = arith.select %eq3A_54, %shift_right_arithmetic3A_57, %select_n3A_75 : vector<2048x256xi1>, vector<2048x256xi32>
    %eq3A_77 = arith.constant 0 : i32
    %eq3A_78 = vector.broadcast %eq3A_77 : i32 to vector<2048x256xi32>
    %eq3A_79 = arith.cmpi eq, %and3A_52, %eq3A_78 : vector<2048x256xi32>
    %jit3A_80 = arith.constant -1 : i32
    %jit3A_81 = arith.constant 31 : i32
    %broadcast_in_dim3A_82 = vector.broadcast %jit3A_80 : i32 to vector<2048x256xi32>
    %broadcast_in_dim3A_83 = vector.broadcast %jit3A_81 : i32 to vector<2048x256xi32>
    %select_n3A_84 = arith.select %eq3A_79, %broadcast_in_dim3A_82, %broadcast_in_dim3A_83 : vector<2048x256xi1>, vector<2048x256xi32>
    %select_n3A_85 = arith.select %gt3A_42, %select_n3A_76, %select_n3A_84 : vector<2048x256xi1>, vector<2048x256xi32>
    %swap3A_86 = arith.constant 0 : index
    %swap3A_87 = arith.constant 0 : index
    %swap3A_88 = vector.load %arg3[%swap3A_86, %swap3A_87] : memref<2048x256xi32, #tpu.memory_space<vmem>>, vector<2048x256xi32>
    tpu.vector_store %arg3[%swap3A_86, %swap3A_87], %select_n3A_85 {strides = array<i32>} : memref<2048x256xi32, #tpu.memory_space<vmem>>, vector<2048x256xi32>,
    return
  }
}

</mosaic_0001>

<sc_bundles>
// kernel: kernel.10.cloned.1.call-start
scs
__scs_entry_jumppad:
0x0: {  	(pc) =	sbr.rel $0x88, $3  }
0x1: {  	(tag) =	ssettag $0x0;
	lr =	simm.s32 $0x1  }
0x2: {  	[smem:$0x3F9E] =	sst lr;
	_ =	strace $0xD0000000  }
0x3: {  	_ = 	snop  }
0x4: {  	_ = 	snop  }
0x5: {  	_ = 	snop  }
0x6: {  	_ = 	snop  }
0x7: {  	_ = 	snop  }
__scs_overlays_trampoline_lowered:
0x8: {  	[smem:$0x3FAD] =	sst s0  }
0x9: {  	[smem:$0x3FAE] =	sst s1  }
0xa: {  	[smem:$0x3FAF] =	sst s2  }
0xb: {  	[smem:$0x3FB0] =	sst s3  }
0xc: {  	[smem:$0x3FB1] =	sst s4  }
0xd: {  	[smem:$0x3FB2] =	sst s5  }
0xe: {  	[smem:$0x3FB3] =	sst s6  }
0xf: {  	[smem:$0x3FB4] =	sst s7  }
0x10: {  	[smem:$0x3FB5] =	sst s8  }
0x11: {  	[smem:$0x3FB6] =	sst s9;
	s0 =	simm.s32 @!p0 $0x0  }
0x12: {  	s1 =	sld [smem:$0x3F9C];
	s0 =	simm.s32 @p0 $0x1  }
0x13: {  	[smem:$0x3FB7] =	sst s0;
	s0 =	simm.s32 @!p1 $0x0  }
0x14: {  	s2 =	sld [smem:$0x3F9B];
	s0 =	simm.s32 @p1 $0x1  }
0x15: {  	[smem:$0x3FB8] =	sst s0;
	s0 =	simm.s32 @!p2 $0x0  }
0x16: {  	s3 =	sld [smem:$0x3FDB];
	s0 =	simm.s32 @p2 $0x1  }
0x17: {  	s4 =	simm.s32 $0x1BF5;
	[smem:$0x3FBA] =	sst s0  }
0x18: {  	s0 =	sld [smem:$0x3F9D];
	_ =	swait.ge [sflag:s4], $0x0  }
0x19: {  	s7 =	sld [smem:$0x3F9E]  }
0x1a: {  	s8 =	sadd.s32 $0xFFFFE003, lr  }
0x1b: {  	s9 =	sadd.s32 $0xFFFFFEF7, lr;
	s5 =	simm.s32 $0xFFFFFFFF;
	p2 =	slt.u32 s8, $0xFFFFF086  }
0x1c: {  	p1 =	slt.u32 s9, $0xF7A;
	s5 =	simm.s32 @!p2 $0x0  }
0x1d: {  	s5 =	simm.s32 @p1 $0x1;
	p0 =	seq.s32 s7, s2  }
0x1e: {  	s7 =	smul.u32 @!p0 $0xF7A, s2;
	p2 =	seq.s32 @!p0 s5, $0x0  }
0x1f: {  	s9 =	smul.u32 $0xF7A, s1;
	s8 =	simm.s32 @!p0 $0x1BF5;
	p2 =	por !p2, p0  }
0x20: {  	[sflag:s8] =	ssyncset.s32 @!p0 $0xFFFFF086;
	s6 =	sadd.s32 @!p0 s3, s7;
	s7 =	simm.s32 @!p0 $0x108  }
0x21: {  	s3 =	sadd.s32 s3, s9;
	s6 =	sadd.s32 @!p0 $0x88, s6;
	s7 =	simm.s32 @p2 $0x1082  }
0x22: {  	[simem:s7], [sflag:s8] =	dma.local @!p0 [hbm:s6], $0xF7A  }
0x23: {  	s9 =	sor.u32 $0xD0000000, s2;
	s6 =	simm.s32 $0x108;
	_ =	swait.ge @!p0 [sflag:s8], $0x0  }
0x24: {  	s3 =	sadd.s32 $0x88, s3;
	s6 =	simm.s32 @!p1 $0x1082;
	[sflag:s4] =	ssyncset.s32 $0xFFFFF086  }
0x25: {  	[simem:s6], [sflag:s4] =	dma.local [hbm:s3], $0xF7A  }
0x26: {  	[smem:$0x3F9E] =	sst s1;
	(tag) =	ssettag s2;
	_ =	strace s9  }
0x27: {  	s1 =	sld [smem:$0x3FAE]  }
0x28: {  	s2 =	sld [smem:$0x3FAF]  }
0x29: {  	s4 =	sld [smem:$0x3FB1]  }
0x2a: {  	p0 =	seq.s32 s5, $0x0;
	s5 =	sld [smem:$0x3FB2]  }
0x2b: {  	s6 =	sld [smem:$0x3FB3]  }
0x2c: {  	s7 =	sld [smem:$0x3FB4]  }
0x2d: {  	s3 =	simm.s32 $0x108;
	s8 =	sld [smem:$0x3FB5]  }
0x2e: {  	s3 =	simm.s32 @!p0 $0x1082;
	s9 =	sld [smem:$0x3FB6]  }
0x2f: {  	lr =	sadd.s32 s0, s3;
	s0 =	sld [smem:$0x3FAD]  }
0x30: {  	s3 =	sld [smem:$0x3FB0]  }
0x31: {  	[smem:$0x3FB9] =	sst s10  }
0x32: {  	s10 =	sld [smem:$0x3FB7];
	_ =	sdelay $0x3  }
0x33: {  	p0 =	seq.s32 s10, $0x1;
	s10 =	sld [smem:$0x3FB9];
	_ =	sdelay $0x3  }
0x34: {  	[smem:$0x3FB9] =	sst s10  }
0x35: {  	s10 =	sld [smem:$0x3FB8];
	_ =	sdelay $0x3  }
0x36: {  	p1 =	seq.s32 s10, $0x1;
	s10 =	sld [smem:$0x3FB9];
	_ =	sdelay $0x3  }
0x37: {  	[smem:$0x3FB9] =	sst s10  }
0x38: {  	s10 =	sld [smem:$0x3FBA]  }
0x39: {  	_ = 	snop;
	(pc) =	sbr.ind lr, $3  }
0x3a: {  	_ = 	snop  }
0x3b: {  	_ = 	snop  }
0x3c: {  	p2 =	seq.s32 s10, $0x1;
	s10 =	sld [smem:$0x3FB9]  }
0x3d: {  	_ =	shalt  }
0x3e: {  	_ =	shalt  }
0x3f: {  	_ =	shalt  }
0x40: {  	_ =	shalt  }
0x41: {  	_ =	shalt  }
0x42: {  	_ =	shalt  }
0x43: {  	_ =	shalt  }
0x44: {  	_ =	shalt  }
0x45: {  	_ =	shalt  }
0x46: {  	_ =	shalt  }
0x47: {  	_ =	shalt  }
0x48: {  	_ =	shalt  }
0x49: {  	_ =	shalt  }
0x4a: {  	_ =	shalt  }
0x4b: {  	_ =	shalt  }
0x4c: {  	_ =	shalt  }
0x4d: {  	_ =	shalt  }
0x4e: {  	_ =	shalt  }
0x4f: {  	_ =	shalt  }
0x50: {  	_ =	shalt  }
0x51: {  	_ =	shalt  }
0x52: {  	_ =	shalt  }
0x53: {  	_ =	shalt  }
0x54: {  	_ =	shalt  }
0x55: {  	_ =	shalt  }
0x56: {  	_ =	shalt  }
0x57: {  	_ =	shalt  }
0x58: {  	_ =	shalt  }
0x59: {  	_ =	shalt  }
0x5a: {  	_ =	shalt  }
0x5b: {  	_ =	shalt  }
0x5c: {  	_ =	shalt  }
0x5d: {  	_ =	shalt  }
0x5e: {  	_ =	shalt  }
0x5f: {  	_ =	shalt  }
0x60: {  	_ =	shalt  }
0x61: {  	_ =	shalt  }
0x62: {  	_ =	shalt  }
0x63: {  	_ =	shalt  }
0x64: {  	_ =	shalt  }
0x65: {  	_ =	shalt  }
0x66: {  	_ =	shalt  }
0x67: {  	_ =	shalt  }
0x68: {  	_ =	shalt  }
0x69: {  	_ =	shalt  }
0x6a: {  	_ =	shalt  }
0x6b: {  	_ =	shalt  }
0x6c: {  	_ =	shalt  }
0x6d: {  	_ =	shalt  }
0x6e: {  	_ =	shalt  }
0x6f: {  	_ =	shalt  }
0x70: {  	_ =	shalt  }
0x71: {  	_ =	shalt  }
0x72: {  	_ =	shalt  }
0x73: {  	_ =	shalt  }
0x74: {  	_ =	shalt  }
0x75: {  	_ =	shalt  }
0x76: {  	_ =	shalt  }
0x77: {  	_ =	shalt  }
0x78: {  	_ =	shalt  }
0x79: {  	_ =	shalt  }
0x7a: {  	_ =	shalt  }
0x7b: {  	_ =	shalt  }
0x7c: {  	_ =	shalt  }
0x7d: {  	_ =	shalt  }
0x7e: {  	_ =	shalt  }
0x7f: {  	_ =	shalt  }
0x80: {  	_ =	shalt  }
0x81: {  	_ =	shalt  }
0x82: {  	_ =	shalt  }
0x83: {  	_ =	shalt  }
0x84: {  	_ =	shalt  }
0x85: {  	_ =	shalt  }
0x86: {  	_ =	shalt  }
0x87: {  	_ =	shalt  }
.Lfunc_end0:
.L_simem_size_0:
called_computation.1_lowered:
.L_overlay_start_0:
0x88: {  	s2 =	sld [smem:$0x3FD9]  }
0x89: {  	s3 =	sld [smem:$0x3FFE];
	_ =	sdelay $0x1  }
0x8a: {  	s1 =	srdreg.scid  }
0x8b: {  	s0 =	sand.u32 $0x1, s1  }
0x8c: {  	s14 =	sshll.u32 s0, $0xA;
	s2 =	sadd.s32 s3, s2  }
0x8d: {  	s2 =	sadd.s32 s2, s14  }
0x8e: {  	[smem:$0x3FC5] =	sst s2  }
0x8f: {  	_ = 	snop  }
0x90: {  	s2 =	sld [smem:$0x3FD0];
	_ =	sdelay $0x2  }
0x91: {  	s15 =	simm.s32 $0xA;
	s4 =	simm.s32 $0x10  }
0x92: {  	[smem:s4], [sflag:s15] =	dma.local [hbm:s2], $0x1  }
0x93: {  	_ =	swait.eq [sflag:s15], $0x1  }
0x94: {  	[sflag:s15] =	ssyncset.done $0x0  }
0x95: {  	s16 =	sld [smem:$0x10];
	[sflag:s15] =	ssyncadd.s32 $0xFFFFFFFF  }
0x96: {  	s17 =	sld [smem:$0x11];
	(tm) =	ssettm $0x1  }
0x97: {  	s18 =	sld [smem:$0x3FFB];
	_ =	sdelay $0x3  }
0x98: {  	_ =	strace s18  }
0x99: {  	s4 =	sld [smem:$0x3FFC];
	_ =	sdelay $0x3  }
0x9a: {  	_ =	strace s4  }
0x9b: {  	s4 =	sld [smem:$0x3FFD];
	_ =	sdelay $0x3  }
0x9c: {  	_ =	strace s4  }
0x9d: {  	_ =	strace $0x8FFFFFFF  }
0x9e: {  	s19 =	sld [smem:$0x3FDB];
	_ =	sdelay $0x1  }
0x9f: {  	s5 =	simm.s32 $_scs_section_size  }
0xa0: {  	s6 =	simm.s32 $_size__tile_overlayer_lowered;
	s7 =	simm.s32 $_tile_overlayer_lowered  }
0xa1: {  	s22 =	simm.s32 $0x1BFF;
	s21 =	sshll.u32 s7, $0x1;
	s4 =	sadd.s32 s5, s19  }
0xa2: {  	s8 =	simm.s32 $0x0;
	s20 =	sshll.u32 s6, $0x1;
	s6 =	sadd.s32 s21, s4  }
0xa3: {  	[timem:s8], [sflag:s22] =	dma.local [hbm:s6], s20  }
0xa4: {  	_ =	swait.ge [sflag:s22], s20  }
0xa5: {  	s5 =	ssub.s32 $0x0, s20;
	[sflag:s22] =	ssyncset.done $0x0  }
0xa6: {  	[sflag:s22] =	ssyncadd.s32 s5;
	_ =	sdelay $0x1  }
0xa7: {  	s23 =	simm.s32 $0x1B8B  }
0xa8: {  	_ =	swait.ge [sflag:s23], $0x1  }
0xa9: {  	[sflag:s23] =	ssyncset.done $0x0  }
0xaa: {  	s25 =	simm.s32 $0x1B8E;
	s24 =	sld [smem:$0x3FFE];
	[sflag:s23] =	ssyncadd.s32 $0xFFFFFFFF  }
0xab: {  	s26 =	simm.s32 $execute0_lowered;
	[smem:$0x3FD2] =	sst s25  }
0xac: {  	s6 =	sshll.u32 s26, $0x1;
	_ =	strace $0x80000049;
	[dreg:$0x1] =	wrdreg $0xFFFFFFFF  }
0xad: {  	s28 =	simm.s32 $_size_execute0_lowered;
	s4 =	sadd.s32 s4, s6;
	[dreg:$0x0] =	wrdreg $0x0  }
0xae: {  	s6 =	sshll.u32 s28, $0x1;
	[dreg:$0x2] =	wrdreg s4  }
0xaf: {  	[dreg:$0x3] =	wrdreg s6  }
0xb0: {  	[dreg:$0x4] =	wrdreg $0xC0  }
0xb1: {  	_ =	task [dreg:s8], $0x5FFFF  }
0xb2: {  	[dreg:$0x1] =	wrdreg $0xFFFFFFFF  }
0xb3: {  	[dreg:$0x0] =	wrdreg $0x60  }
0xb4: {  	[dreg:$0x2] =	wrdreg s24  }
0xb5: {  	[dreg:$0x3] =	wrdreg s17  }
0xb6: {  	[dreg:$0x4] =	wrdreg s16  }
0xb7: {  	[dreg:$0x5] =	wrdreg $0x9  }
0xb8: {  	_ =	task.clear_ibuf [dreg:s8], $0x6FFFF;
	_ =	strace $0x90000049  }
0xb9: {  	s29 =	simm.s32 $0x9;
	_ =	strace $0x8000004B  }
0xba: {  	_ =	swait.ge [sflag:s29], $0x1  }
0xbb: {  	[sflag:s29] =	ssyncadd.s32 $0xFFFFFFFF  }
0xbc: {  	_ =	strace $0x9000004B  }
0xbd: {  	_ =	sfence  }
0xbe: {  	s30 =	sld [smem:$0x0];
	_ =	sdelay $0x2  }
0xbf: {  	s31 =	sshll.u32 s1, $0xD;
	s1 =	sshrl.u32 s1, $0x2  }
0xc0: {  	s3 =	sand.u32 $0x4000, s31;
	s1 =	sadd.s32 s1, s30  }
0xc1: {  	s0 =	sor.u32 s3, s0;
	s1 =	sshll.u32 s1, $0x11  }
0xc2: {  	s0 =	sor.u32 s1, s0  }
0xc3: {  	s0 =	sadd.s32 $0x8F2B, s0  }
0xc4: {  	[sflag:s0] =	ssyncadd.remote.s32 $0x1  }
0xc5: {  	_ =	sfence.sel $0xFFFF  }
0xc6: {  	[dreg:$0x0] =	wrdreg $0xFFFFFFFF;
	(pc) =	sbr.abs _section_cstart, $3  }
0xc7: {  	[dreg:$0x1] =	wrdreg $0xFFFFFFFF  }
0xc8: {  	_ =	task.clear_ibuf [dreg:s8], $0x2FFFF;
	_ =	strace $0x9FFFFFFF  }
0xc9: {  	(tm) =	ssettm $0x7FFFFFFF  }
tec
execute0_lowered:
.L_overlay_start_1:
0x0: {  	(tag) =	ssettag $0x1  }
0x1: {  	s0 =	rddreg [dreg:$0x0]  }
0x2: {  	s2 =	rddreg [dreg:$0x1]  }
0x3: {  	s1 =	rddreg [dreg:$0x2];
	s4 =	srdreg.scid;
	s3 =	simm.s32 $0x0  }
0x4: {  	s8 =	stileid.u32;
	s28 =	simm.s32 $0x400;
	s29 =	simm.s32 $0x2400  }
0x5: {  	s30 =	simm.s32 $0x80;
	s31 =	simm.s32 $0x100;
	s4 =	sand.u32 $0x1, s4  }
0x6: {  	s6 =	sadd.s32 $0x63400, s0;
	s5 =	ssub.s32 $0x2, s4;
	s4 =	sshll.u32 s4, $0x4  }
0x7: {  	[smem:$0x7FF] =	sst s3;
	s7 =	sshrl.u32 s5, $0x1;
	s4 =	sor.u32 s8, s4  }
0x8: {  	s8 =	sadd.s32 $0x1400, s0;
	s5 =	ssub.s32 s5, s7;
	s14 =	sshll.u32 s4, $0x7  }
0x9: {  	s9 =	sshll.u32 s4, $0xA;
	s15 =	sshll.u32 s4, $0xD;
	s16 =	sshll.u32 s4, $0xB  }
0xa: {  	p0 =	sne.s32 s4, $0x0;
	s2 =	sadd.s32 s2, s14;
	s17 =	sor.u32 $0x80, s9  }
0xb: {  	s20 =	sor.u32 $0x100, s9;
	s10 =	sor.u32 $0x180, s9;
	s24 =	sor.u32 $0x200, s9  }
0xc: {  	s26 =	sor.u32 $0x280, s9;
	[dreg:$0x4] =	wrdreg s2;
	s2 =	sadd.s32 s6, s15  }
0xd: {  	s18 =	sshll.u32 s17, $0x3;
	s7 =	sshll.u32 s17, $0x1;
	s21 =	sshll.u32 s20, $0x3  }
0xe: {  	s22 =	sshll.u32 s10, $0x3;
	s23 =	sshll.u32 s10, $0x1;
	s25 =	sshll.u32 s24, $0x3  }
0xf: {  	s17 =	sshll.u32 s26, $0x3;
	[dreg:$0x5] =	wrdreg s2;
	s2 =	sadd.s32 s8, s16  }
0x10: {  	s19 =	sadd.s32 s8, s7;
	s7 =	sadd.s32 s6, s21;
	s11 =	sadd.s32 s6, s22  }
0x11: {  	s12 =	sadd.s32 s8, s23;
	s13 =	sadd.s32 s6, s25;
	s16 =	sshll.u32 s24, $0x1  }
0x12: {  	s15 =	sadd.s32 s6, s17;
	s22 =	smul.u32 $0x10D0, s4;
	[dreg:$0x6] =	wrdreg s2  }
0x13: {  	s24 =	smul.u32 $0x440, s4;
	s4 =	simm.s32 $0x280;
	[dreg:$0x8] =	wrdreg s19  }
0x14: {  	s2 =	sadd.s32 s6, s18;
	[dreg:$0x9] =	wrdreg s7;
	s14 =	sadd.s32 s8, s16  }
0x15: {  	s18 =	sor.u32 $0x300, s9;
	s19 =	sshll.u32 s26, $0x1;
	s9 =	sor.u32 $0x380, s9  }
0x16: {  	s7 =	simm.s32 $0x0;
	[dreg:$0x7] =	wrdreg s2;
	s2 =	sshll.u32 s20, $0x1  }
0x17: {  	s20 =	sshll.u32 s18, $0x3;
	s16 =	sadd.s32 s8, s19;
	s21 =	sshll.u32 s9, $0x3  }
0x18: {  	s23 =	sshll.u32 s9, $0x1;
	s25 =	sadd.s32 s22, s1;
	s2 =	sadd.s32 s8, s2  }
0x19: {  	s17 =	sadd.s32 s6, s20;
	s20 =	sadd.s32 s8, s23;
	s22 =	sadd.s32 $0x40000, s25  }
0x1a: {  	s25 =	smax.u32 s5, $0x1;
	s5 =	simm.s32 $0x300;
	[dreg:$0xa] =	wrdreg s2  }
0x1b: {  	s2 =	sshll.u32 s18, $0x1;
	s18 =	sadd.s32 s6, s21;
	s21 =	sadd.s32 $0x11400, s0  }
0x1c: {  	s0 =	simm.s32 $0x180;
	s6 =	simm.s32 $0x380;
	s19 =	sadd.s32 s8, s2  }
0x1d: {  	v1 =	vimm.s32 $0x1F;
	vm0 =	vcmask $0x300;
	_ =	strace $0x8000004A;
	s26 =	sadd.s32 s24, s21;
	s24 =	sadd.s32 $0x61A00, s1  }
0x1e: {  	v0 =	vimm.f32 $0.0e+00;
	v1 =	vsel vm0, $0xFFFFFFFF, v1;
	s2 =	simm.s32 $0x200;
	s23 =	sadd.s32 $0x10000, s26;
	s26 =	simm.s32 $0x1  }
.LBB2_1:
0x1f: {  	s8 =	rddreg [dreg:$0x4]  }
0x20: {  	[tilespmem:s3], [sflag:$0x1] =	stream.linear.gather [hbm4b:s8+s3], $0x400, $0x38;
	[tilespmem:$0xD600] =	vst v63  }
0x21: {  	_ =	swait.ge [sflag:s26], $0x400  }
0x22: {  	[sflag:s26] =	ssyncset.done $0x0  }
0x23: {  	s9 =	rddreg [dreg:$0x5];
	[sflag:s26] =	ssyncadd.s32 $0xFFFFFC00  }
0x24: {  	[tilespmem:s28], [sflag:$0x1] =	stream.linear.gather [hbm4b:s9+s3], $0x2000, $0x38;
	[tilespmem:$0xD600] =	vst v63  }
0x25: {  	_ =	swait.ge [sflag:s26], $0x2000  }
0x26: {  	[sflag:s26] =	ssyncset.done $0x0  }
0x27: {  	s10 =	rddreg [dreg:$0x6];
	[sflag:s26] =	ssyncadd.s32 $0xFFFFE000  }
0x28: {  	[tilespmem:s29], [sflag:$0x1] =	stream.linear.gather [hbm4b:s10+s3], $0x800, $0x38;
	[tilespmem:$0xD600] =	vst v63  }
0x29: {  	_ =	swait.ge [sflag:s26], $0x800  }
0x2a: {  	[sflag:s26] =	ssyncset.done $0x0  }
0x2b: {  	[sflag:s26] =	ssyncadd.s32 $0xFFFFF800  }
0x2c: {  	[hbm4b:s1+s30] =	stream.indirect.scatter [tilespmem:s28], [sflag:$0x1], $0x40, s3, s30, $0xb8;
	[tilespmem:$0xD600] =	vst v63  }
0x2d: {  	_ =	swait.ge [sflag:s26], $0x2000  }
0x2e: {  	[sflag:s26] =	ssyncset.done $0x0  }
0x2f: {  	[sflag:s26] =	ssyncadd.s32 $0xFFFFE000  }
0x30: {  	[hbm4b:s21+s30] =	stream.indirect.scatter [tilespmem:s29], [sflag:$0x1], $0x10, s3, s30, $0xb8;
	[tilespmem:$0xD600] =	vst v63  }
0x31: {  	_ =	swait.ge [sflag:s26], $0x800  }
0x32: {  	[sflag:s26] =	ssyncset.done $0x0  }
0x33: {  	s9 =	rddreg [dreg:$0x7];
	[sflag:s26] =	ssyncadd.s32 $0xFFFFF800  }
0x34: {  	[tilespmem:s28], [sflag:$0x1] =	stream.linear.gather [hbm4b:s9+s3], $0x2000, $0x38;
	[tilespmem:$0xD600] =	vst v63  }
0x35: {  	_ =	swait.ge [sflag:s26], $0x2000  }
0x36: {  	[sflag:s26] =	ssyncset.done $0x0  }
0x37: {  	s10 =	rddreg [dreg:$0x8];
	[sflag:s26] =	ssyncadd.s32 $0xFFFFE000  }
0x38: {  	[tilespmem:s29], [sflag:$0x1] =	stream.linear.gather [hbm4b:s10+s3], $0x800, $0x38;
	[tilespmem:$0xD600] =	vst v63  }
0x39: {  	_ =	swait.ge [sflag:s26], $0x800  }
0x3a: {  	[sflag:s26] =	ssyncset.done $0x0  }
0x3b: {  	[sflag:s26] =	ssyncadd.s32 $0xFFFFF800  }
0x3c: {  	[hbm4b:s1+s30] =	stream.indirect.scatter [tilespmem:s28], [sflag:$0x1], $0x40, s30, s30, $0xb8;
	[tilespmem:$0xD600] =	vst v63  }
0x3d: {  	_ =	swait.ge [sflag:s26], $0x2000  }
0x3e: {  	[sflag:s26] =	ssyncset.done $0x0  }
0x3f: {  	[sflag:s26] =	ssyncadd.s32 $0xFFFFE000  }
0x40: {  	[hbm4b:s21+s30] =	stream.indirect.scatter [tilespmem:s29], [sflag:$0x1], $0x10, s30, s30, $0xb8;
	[tilespmem:$0xD600] =	vst v63  }
0x41: {  	_ =	swait.ge [sflag:s26], $0x800  }
0x42: {  	[sflag:s26] =	ssyncset.done $0x0  }
0x43: {  	s9 =	rddreg [dreg:$0x9];
	[sflag:s26] =	ssyncadd.s32 $0xFFFFF800  }
0x44: {  	[tilespmem:s28], [sflag:$0x1] =	stream.linear.gather [hbm4b:s9+s3], $0x2000, $0x38;
	[tilespmem:$0xD600] =	vst v63  }
0x45: {  	_ =	swait.ge [sflag:s26], $0x2000  }
0x46: {  	[sflag:s26] =	ssyncset.done $0x0  }
0x47: {  	s10 =	rddreg [dreg:$0xa];
	[sflag:s26] =	ssyncadd.s32 $0xFFFFE000  }
0x48: {  	[tilespmem:s29], [sflag:$0x1] =	stream.linear.gather [hbm4b:s10+s3], $0x800, $0x38;
	[tilespmem:$0xD600] =	vst v63  }
0x49: {  	_ =	swait.ge [sflag:s26], $0x800  }
0x4a: {  	[sflag:s26] =	ssyncset.done $0x0  }
0x4b: {  	[sflag:s26] =	ssyncadd.s32 $0xFFFFF800  }
0x4c: {  	[hbm4b:s1+s30] =	stream.indirect.scatter [tilespmem:s28], [sflag:$0x1], $0x40, s31, s30, $0xb8;
	[tilespmem:$0xD600] =	vst v63  }
0x4d: {  	_ =	swait.ge [sflag:s26], $0x2000  }
0x4e: {  	[sflag:s26] =	ssyncset.done $0x0  }
0x4f: {  	[sflag:s26] =	ssyncadd.s32 $0xFFFFE000  }
0x50: {  	[hbm4b:s21+s30] =	stream.indirect.scatter [tilespmem:s29], [sflag:$0x1], $0x10, s31, s30, $0xb8;
	[tilespmem:$0xD600] =	vst v63  }
0x51: {  	_ =	swait.ge [sflag:s26], $0x800  }
0x52: {  	[sflag:s26] =	ssyncset.done $0x0  }
0x53: {  	[sflag:s26] =	ssyncadd.s32 $0xFFFFF800  }
0x54: {  	[tilespmem:s28], [sflag:$0x1] =	stream.linear.gather [hbm4b:s11+s3], $0x2000, $0x38;
	[tilespmem:$0xD600] =	vst v63  }
0x55: {  	_ =	swait.ge [sflag:s26], $0x2000  }
0x56: {  	[sflag:s26] =	ssyncset.done $0x0  }
0x57: {  	[sflag:s26] =	ssyncadd.s32 $0xFFFFE000  }
0x58: {  	[tilespmem:s29], [sflag:$0x1] =	stream.linear.gather [hbm4b:s12+s3], $0x800, $0x38;
	[tilespmem:$0xD600] =	vst v63  }
0x59: {  	_ =	swait.ge [sflag:s26], $0x800  }
0x5a: {  	[sflag:s26] =	ssyncset.done $0x0  }
0x5b: {  	[sflag:s26] =	ssyncadd.s32 $0xFFFFF800  }
0x5c: {  	[hbm4b:s1+s30] =	stream.indirect.scatter [tilespmem:s28], [sflag:$0x1], $0x40, s0, s30, $0xb8;
	[tilespmem:$0xD600] =	vst v63  }
0x5d: {  	_ =	swait.ge [sflag:s26], $0x2000  }
0x5e: {  	[sflag:s26] =	ssyncset.done $0x0  }
0x5f: {  	[sflag:s26] =	ssyncadd.s32 $0xFFFFE000  }
0x60: {  	[hbm4b:s21+s30] =	stream.indirect.scatter [tilespmem:s29], [sflag:$0x1], $0x10, s0, s30, $0xb8;
	[tilespmem:$0xD600] =	vst v63  }
0x61: {  	_ =	swait.ge [sflag:s26], $0x800  }
0x62: {  	[sflag:s26] =	ssyncset.done $0x0  }
0x63: {  	[sflag:s26] =	ssyncadd.s32 $0xFFFFF800  }
0x64: {  	[tilespmem:s28], [sflag:$0x1] =	stream.linear.gather [hbm4b:s13+s3], $0x2000, $0x38;
	[tilespmem:$0xD600] =	vst v63  }
0x65: {  	_ =	swait.ge [sflag:s26], $0x2000  }
0x66: {  	[sflag:s26] =	ssyncset.done $0x0  }
0x67: {  	[sflag:s26] =	ssyncadd.s32 $0xFFFFE000  }
0x68: {  	[tilespmem:s29], [sflag:$0x1] =	stream.linear.gather [hbm4b:s14+s3], $0x800, $0x38;
	[tilespmem:$0xD600] =	vst v63  }
0x69: {  	_ =	swait.ge [sflag:s26], $0x800  }
0x6a: {  	[sflag:s26] =	ssyncset.done $0x0  }
0x6b: {  	[sflag:s26] =	ssyncadd.s32 $0xFFFFF800  }
0x6c: {  	[hbm4b:s1+s30] =	stream.indirect.scatter [tilespmem:s28], [sflag:$0x1], $0x40, s2, s30, $0xb8;
	[tilespmem:$0xD600] =	vst v63  }
0x6d: {  	_ =	swait.ge [sflag:s26], $0x2000  }
0x6e: {  	[sflag:s26] =	ssyncset.done $0x0  }
0x6f: {  	[sflag:s26] =	ssyncadd.s32 $0xFFFFE000  }
0x70: {  	[hbm4b:s21+s30] =	stream.indirect.scatter [tilespmem:s29], [sflag:$0x1], $0x10, s2, s30, $0xb8;
	[tilespmem:$0xD600] =	vst v63  }
0x71: {  	_ =	swait.ge [sflag:s26], $0x800  }
0x72: {  	[sflag:s26] =	ssyncset.done $0x0  }
0x73: {  	[sflag:s26] =	ssyncadd.s32 $0xFFFFF800  }
0x74: {  	[tilespmem:s28], [sflag:$0x1] =	stream.linear.gather [hbm4b:s15+s3], $0x2000, $0x38;
	[tilespmem:$0xD600] =	vst v63  }
0x75: {  	_ =	swait.ge [sflag:s26], $0x2000  }
0x76: {  	[sflag:s26] =	ssyncset.done $0x0  }
0x77: {  	[sflag:s26] =	ssyncadd.s32 $0xFFFFE000  }
0x78: {  	[tilespmem:s29], [sflag:$0x1] =	stream.linear.gather [hbm4b:s16+s3], $0x800, $0x38;
	[tilespmem:$0xD600] =	vst v63  }
0x79: {  	_ =	swait.ge [sflag:s26], $0x800  }
0x7a: {  	[sflag:s26] =	ssyncset.done $0x0  }
0x7b: {  	[sflag:s26] =	ssyncadd.s32 $0xFFFFF800  }
0x7c: {  	[hbm4b:s1+s30] =	stream.indirect.scatter [tilespmem:s28], [sflag:$0x1], $0x40, s4, s30, $0xb8;
	[tilespmem:$0xD600] =	vst v63  }
0x7d: {  	_ =	swait.ge [sflag:s26], $0x2000  }
0x7e: {  	[sflag:s26] =	ssyncset.done $0x0  }
0x7f: {  	[sflag:s26] =	ssyncadd.s32 $0xFFFFE000  }
0x80: {  	[hbm4b:s21+s30] =	stream.indirect.scatter [tilespmem:s29], [sflag:$0x1], $0x10, s4, s30, $0xb8;
	[tilespmem:$0xD600] =	vst v63  }
0x81: {  	_ =	swait.ge [sflag:s26], $0x800  }
0x82: {  	[sflag:s26] =	ssyncset.done $0x0  }
0x83: {  	[sflag:s26] =	ssyncadd.s32 $0xFFFFF800  }
0x84: {  	[tilespmem:s28], [sflag:$0x1] =	stream.linear.gather [hbm4b:s17+s3], $0x2000, $0x38;
	[tilespmem:$0xD600] =	vst v63  }
0x85: {  	_ =	swait.ge [sflag:s26], $0x2000  }
0x86: {  	[sflag:s26] =	ssyncset.done $0x0  }
0x87: {  	[sflag:s26] =	ssyncadd.s32 $0xFFFFE000  }
0x88: {  	[tilespmem:s29], [sflag:$0x1] =	stream.linear.gather [hbm4b:s19+s3], $0x800, $0x38;
	[tilespmem:$0xD600] =	vst v63  }
0x89: {  	_ =	swait.ge [sflag:s26], $0x800  }
0x8a: {  	[sflag:s26] =	ssyncset.done $0x0  }
0x8b: {  	[sflag:s26] =	ssyncadd.s32 $0xFFFFF800  }
0x8c: {  	[hbm4b:s1+s30] =	stream.indirect.scatter [tilespmem:s28], [sflag:$0x1], $0x40, s5, s30, $0xb8;
	[tilespmem:$0xD600] =	vst v63  }
0x8d: {  	_ =	swait.ge [sflag:s26], $0x2000  }
0x8e: {  	[sflag:s26] =	ssyncset.done $0x0  }
0x8f: {  	[sflag:s26] =	ssyncadd.s32 $0xFFFFE000  }
0x90: {  	[hbm4b:s21+s30] =	stream.indirect.scatter [tilespmem:s29], [sflag:$0x1], $0x10, s5, s30, $0xb8;
	[tilespmem:$0xD600] =	vst v63  }
0x91: {  	_ =	swait.ge [sflag:s26], $0x800  }
0x92: {  	[sflag:s26] =	ssyncset.done $0x0  }
0x93: {  	[sflag:s26] =	ssyncadd.s32 $0xFFFFF800  }
0x94: {  	[tilespmem:s28], [sflag:$0x1] =	stream.linear.gather [hbm4b:s18+s3], $0x2000, $0x38;
	[tilespmem:$0xD600] =	vst v63  }
0x95: {  	_ =	swait.ge [sflag:s26], $0x2000  }
0x96: {  	[sflag:s26] =	ssyncset.done $0x0  }
0x97: {  	[sflag:s26] =	ssyncadd.s32 $0xFFFFE000  }
0x98: {  	[tilespmem:s29], [sflag:$0x1] =	stream.linear.gather [hbm4b:s20+s3], $0x800, $0x38;
	[tilespmem:$0xD600] =	vst v63  }
0x99: {  	_ =	swait.ge [sflag:s26], $0x800  }
0x9a: {  	[sflag:s26] =	ssyncset.done $0x0  }
0x9b: {  	[sflag:s26] =	ssyncadd.s32 $0xFFFFF800  }
0x9c: {  	[hbm4b:s1+s30] =	stream.indirect.scatter [tilespmem:s28], [sflag:$0x1], $0x40, s6, s30, $0xb8;
	[tilespmem:$0xD600] =	vst v63  }
0x9d: {  	_ =	swait.ge [sflag:s26], $0x2000  }
0x9e: {  	[sflag:s26] =	ssyncset.done $0x0  }
0x9f: {  	[sflag:s26] =	ssyncadd.s32 $0xFFFFE000  }
0xa0: {  	[hbm4b:s21+s30] =	stream.indirect.scatter [tilespmem:s29], [sflag:$0x1], $0x10, s6, s30, $0xb8;
	[tilespmem:$0xD600] =	vst v63  }
0xa1: {  	_ =	swait.ge [sflag:s26], $0x800  }
0xa2: {  	[sflag:s26] =	ssyncset.done $0x0  }
0xa3: {  	s8 =	simm.s32 $0x2C20;
	[sflag:s26] =	ssyncadd.s32 $0xFFFFF800  }
0xa4: {  	[tilespmem:s8+$0x0] =	vst v0  }
0xa5: {  	[tilespmem:s8+$0xFFFFFFE0] =	vst v0  }
0xa6: {  	[tilespmem:s8+$0x10] =	vst v0  }
0xa7: {  	s9 =	simm.s32 $0x40;
	s10 =	simm.s32 $0x0;
	[tilespmem:s8+$0xFFFFFFF0] =	vst v0  }
.LBB2_2:
0xa8: {  	p1 =	sne.s32 s9, $0x87C0  }
0xa9: {  	[tilespmem:s10+$0xB400] =	vst v1;
	s8 =	sadd.s32 $0x40, s8;
	s10 =	smov.u32 s9;
	s9 =	sadd.s32 $0x40, s9  }
.Ltmp0:
0xaa: {  	[tilespmem:s8+$0x0] =	vst v0;
	(pc) =	sbr.rel @p1 .LBB2_2-.Ltmp0, $4  }
0xab: {  	_ = 	snop  }
0xac: {  	[tilespmem:s8+$0xFFFFFFE0] =	vst v0  }
0xad: {  	[tilespmem:s8+$0x10] =	vst v0  }
0xae: {  	s10 =	sshra.s32 s10, $0x2;
	[tilespmem:s8+$0xFFFFFFF0] =	vst v0  }
0xaf: {  	[tilespmem:s10+$0xB400] =	vst v1;
	s8 =	simm.s32 $0x2C00  }
0xb0: {  	[hbm4b:s22+s3] =	stream.linear.scatter [tilespmem:s8], [sflag:$0x1], $0x8680, $0x38;
	[tilespmem:$0xD600] =	vst v63  }
0xb1: {  	_ =	swait.ge [sflag:s26], $0x8680  }
0xb2: {  	[sflag:s26] =	ssyncset.done $0x0  }
0xb3: {  	s10 =	simm.s32 $0xB400;
	[sflag:s26] =	ssyncadd.s32 $0xFFFF7980  }
0xb4: {  	[hbm4b:s23+s3] =	stream.linear.scatter [tilespmem:s10], [sflag:$0x1], $0x2200, $0x38;
	[tilespmem:$0xD600] =	vst v63  }
0xb5: {  	_ =	swait.ge [sflag:s26], $0x2200  }
0xb6: {  	s9 =	simm.s32 @!p0 $0x2C00;
	s7 =	sadd.s32 $0x1, s7;
	[sflag:s26] =	ssyncset.done $0x0  }
0xb7: {  	s8 =	simm.s32 @!p0 $0x0;
	p1 =	sne.s32 s7, s25;
	[sflag:s26] =	ssyncadd.s32 $0xFFFFDE00  }
0xb8: {  	[hbm4b:s24+s8] =	stream.linear.scatter @!p0 [tilespmem:s9], [sflag:$0x1], $0x400, $0x38;
	[tilespmem:$0xD600] =	vst v63  }
.Ltmp1:
0xb9: {  	_ = 	snop;
	(pc) =	sbr.rel @p1 .LBB2_1-.Ltmp1, $4  }
0xba: {  	s8 =	simm.s32 @!p0 $0x1  }
0xbb: {  	_ =	swait.ge @!p0 [sflag:s8], $0x400  }
0xbc: {  	[sflag:s8] =	ssyncset.done @!p0 $0x0  }
0xbd: {  	[sflag:s8] =	ssyncadd.s32 @!p0 $0xFFFFFC00  }
0xbe: {  	_ =	sfence.sel $0x180000  }
0xbf: {  	[bflag:$0x0] =	sbarrier.arrive $0xFFFF  }
0xc0: {  	_ =	strace $0x9000004A  }
0xc1: {  	s0 =	stileid.u32;
	[bflag:$0x2] =	sbarrier.arrive $0xFFFF  }
0xc2: {  	p0 =	sne.s32 s0, $0x0;
	s0 =	rddreg [dreg:$0x3]  }
0xc3: {  	s0 =	sadd.s32 @!p0 $0x100000, s0  }
0xc4: {  	[sflag:s0] =	ssyncadd.tile.s32 @!p0 $0x1;
	_ =	shalt  }
.Lfunc_end2:
_tile_overlayer_lowered:
.L_overlay_start_2:
0xc5: {  	(tag) =	ssettag $0x2  }
0xc6: {  	s0 =	rddreg [dreg:$0x0];
	s2 =	stileid.u32  }
0xc7: {  	s1 =	rddreg [dreg:$0x1];
	p0 =	sne.s32 s2, $0x0  }
0xc8: {  	s3 =	rddreg [dreg:$0x2];
	[bflag:$0x3] =	sbarrier.arrive $0xFFFF;
	s2 =	simm.s32 @!p0 $0x1C01  }
0xc9: {  	[timem:s3], [sflag:s2] =	dma.local @!p0 [hbm:s0], s1  }
0xca: {  	s0 =	simm.s32 @!p0 $0x1  }
0xcb: {  	_ =	swait.ge @!p0 [sflag:s0], s1  }
0xcc: {  	s1 =	ssub.s32 @!p0 $0x0, s1;
	[sflag:s0] =	ssyncset.done @!p0 $0x0  }
0xcd: {  	[sflag:s0] =	ssyncadd.s32 @!p0 s1  }
0xce: {  	[bflag:$0x3] =	sbarrier.arrive $0xFFFF  }
0xcf: {  	_ =	shalt  }

// kernel: kernel.7.cloned.1.call-start
scs
__scs_entry_jumppad:
0x0: {  	(pc) =	sbr.rel $0x88, $3  }
0x1: {  	(tag) =	ssettag $0x0;
	lr =	simm.s32 $0x1  }
0x2: {  	[smem:$0x3F9E] =	sst lr;
	_ =	strace $0xD0000000  }
0x3: {  	_ = 	snop  }
0x4: {  	_ = 	snop  }
0x5: {  	_ = 	snop  }
0x6: {  	_ = 	snop  }
0x7: {  	_ = 	snop  }
__scs_overlays_trampoline_lowered:
0x8: {  	[smem:$0x3FAD] =	sst s0  }
0x9: {  	[smem:$0x3FAE] =	sst s1  }
0xa: {  	[smem:$0x3FAF] =	sst s2  }
0xb: {  	[smem:$0x3FB0] =	sst s3  }
0xc: {  	[smem:$0x3FB1] =	sst s4  }
0xd: {  	[smem:$0x3FB2] =	sst s5  }
0xe: {  	[smem:$0x3FB3] =	sst s6  }
0xf: {  	[smem:$0x3FB4] =	sst s7  }
0x10: {  	[smem:$0x3FB5] =	sst s8  }
0x11: {  	[smem:$0x3FB6] =	sst s9;
	s0 =	simm.s32 @!p0 $0x0  }
0x12: {  	s1 =	sld [smem:$0x3F9C];
	s0 =	simm.s32 @p0 $0x1  }
0x13: {  	[smem:$0x3FB7] =	sst s0;
	s0 =	simm.s32 @!p1 $0x0  }
0x14: {  	s2 =	sld [smem:$0x3F9B];
	s0 =	simm.s32 @p1 $0x1  }
0x15: {  	[smem:$0x3FB8] =	sst s0;
	s0 =	simm.s32 @!p2 $0x0  }
0x16: {  	s3 =	sld [smem:$0x3FDB];
	s0 =	simm.s32 @p2 $0x1  }
0x17: {  	s4 =	simm.s32 $0x1BF5;
	[smem:$0x3FBA] =	sst s0  }
0x18: {  	s0 =	sld [smem:$0x3F9D];
	_ =	swait.ge [sflag:s4], $0x0  }
0x19: {  	s7 =	sld [smem:$0x3F9E]  }
0x1a: {  	s8 =	sadd.s32 $0xFFFFE003, lr  }
0x1b: {  	s9 =	sadd.s32 $0xFFFFFEF7, lr;
	s5 =	simm.s32 $0xFFFFFFFF;
	p2 =	slt.u32 s8, $0xFFFFF086  }
0x1c: {  	p1 =	slt.u32 s9, $0xF7A;
	s5 =	simm.s32 @!p2 $0x0  }
0x1d: {  	s5 =	simm.s32 @p1 $0x1;
	p0 =	seq.s32 s7, s2  }
0x1e: {  	s7 =	smul.u32 @!p0 $0xF7A, s2;
	p2 =	seq.s32 @!p0 s5, $0x0  }
0x1f: {  	s9 =	smul.u32 $0xF7A, s1;
	s8 =	simm.s32 @!p0 $0x1BF5;
	p2 =	por !p2, p0  }
0x20: {  	[sflag:s8] =	ssyncset.s32 @!p0 $0xFFFFF086;
	s6 =	sadd.s32 @!p0 s3, s7;
	s7 =	simm.s32 @!p0 $0x108  }
0x21: {  	s3 =	sadd.s32 s3, s9;
	s6 =	sadd.s32 @!p0 $0x88, s6;
	s7 =	simm.s32 @p2 $0x1082  }
0x22: {  	[simem:s7], [sflag:s8] =	dma.local @!p0 [hbm:s6], $0xF7A  }
0x23: {  	s9 =	sor.u32 $0xD0000000, s2;
	s6 =	simm.s32 $0x108;
	_ =	swait.ge @!p0 [sflag:s8], $0x0  }
0x24: {  	s3 =	sadd.s32 $0x88, s3;
	s6 =	simm.s32 @!p1 $0x1082;
	[sflag:s4] =	ssyncset.s32 $0xFFFFF086  }
0x25: {  	[simem:s6], [sflag:s4] =	dma.local [hbm:s3], $0xF7A  }
0x26: {  	[smem:$0x3F9E] =	sst s1;
	(tag) =	ssettag s2;
	_ =	strace s9  }
0x27: {  	s1 =	sld [smem:$0x3FAE]  }
0x28: {  	s2 =	sld [smem:$0x3FAF]  }
0x29: {  	s4 =	sld [smem:$0x3FB1]  }
0x2a: {  	p0 =	seq.s32 s5, $0x0;
	s5 =	sld [smem:$0x3FB2]  }
0x2b: {  	s6 =	sld [smem:$0x3FB3]  }
0x2c: {  	s7 =	sld [smem:$0x3FB4]  }
0x2d: {  	s3 =	simm.s32 $0x108;
	s8 =	sld [smem:$0x3FB5]  }
0x2e: {  	s3 =	simm.s32 @!p0 $0x1082;
	s9 =	sld [smem:$0x3FB6]  }
0x2f: {  	lr =	sadd.s32 s0, s3;
	s0 =	sld [smem:$0x3FAD]  }
0x30: {  	s3 =	sld [smem:$0x3FB0]  }
0x31: {  	[smem:$0x3FB9] =	sst s10  }
0x32: {  	s10 =	sld [smem:$0x3FB7];
	_ =	sdelay $0x3  }
0x33: {  	p0 =	seq.s32 s10, $0x1;
	s10 =	sld [smem:$0x3FB9];
	_ =	sdelay $0x3  }
0x34: {  	[smem:$0x3FB9] =	sst s10  }
0x35: {  	s10 =	sld [smem:$0x3FB8];
	_ =	sdelay $0x3  }
0x36: {  	p1 =	seq.s32 s10, $0x1;
	s10 =	sld [smem:$0x3FB9];
	_ =	sdelay $0x3  }
0x37: {  	[smem:$0x3FB9] =	sst s10  }
0x38: {  	s10 =	sld [smem:$0x3FBA]  }
0x39: {  	_ = 	snop;
	(pc) =	sbr.ind lr, $3  }
0x3a: {  	_ = 	snop  }
0x3b: {  	_ = 	snop  }
0x3c: {  	p2 =	seq.s32 s10, $0x1;
	s10 =	sld [smem:$0x3FB9]  }
0x3d: {  	_ =	shalt  }
0x3e: {  	_ =	shalt  }
0x3f: {  	_ =	shalt  }
0x40: {  	_ =	shalt  }
0x41: {  	_ =	shalt  }
0x42: {  	_ =	shalt  }
0x43: {  	_ =	shalt  }
0x44: {  	_ =	shalt  }
0x45: {  	_ =	shalt  }
0x46: {  	_ =	shalt  }
0x47: {  	_ =	shalt  }
0x48: {  	_ =	shalt  }
0x49: {  	_ =	shalt  }
0x4a: {  	_ =	shalt  }
0x4b: {  	_ =	shalt  }
0x4c: {  	_ =	shalt  }
0x4d: {  	_ =	shalt  }
0x4e: {  	_ =	shalt  }
0x4f: {  	_ =	shalt  }
0x50: {  	_ =	shalt  }
0x51: {  	_ =	shalt  }
0x52: {  	_ =	shalt  }
0x53: {  	_ =	shalt  }
0x54: {  	_ =	shalt  }
0x55: {  	_ =	shalt  }
0x56: {  	_ =	shalt  }
0x57: {  	_ =	shalt  }
0x58: {  	_ =	shalt  }
0x59: {  	_ =	shalt  }
0x5a: {  	_ =	shalt  }
0x5b: {  	_ =	shalt  }
0x5c: {  	_ =	shalt  }
0x5d: {  	_ =	shalt  }
0x5e: {  	_ =	shalt  }
0x5f: {  	_ =	shalt  }
0x60: {  	_ =	shalt  }
0x61: {  	_ =	shalt  }
0x62: {  	_ =	shalt  }
0x63: {  	_ =	shalt  }
0x64: {  	_ =	shalt  }
0x65: {  	_ =	shalt  }
0x66: {  	_ =	shalt  }
0x67: {  	_ =	shalt  }
0x68: {  	_ =	shalt  }
0x69: {  	_ =	shalt  }
0x6a: {  	_ =	shalt  }
0x6b: {  	_ =	shalt  }
0x6c: {  	_ =	shalt  }
0x6d: {  	_ =	shalt  }
0x6e: {  	_ =	shalt  }
0x6f: {  	_ =	shalt  }
0x70: {  	_ =	shalt  }
0x71: {  	_ =	shalt  }
0x72: {  	_ =	shalt  }
0x73: {  	_ =	shalt  }
0x74: {  	_ =	shalt  }
0x75: {  	_ =	shalt  }
0x76: {  	_ =	shalt  }
0x77: {  	_ =	shalt  }
0x78: {  	_ =	shalt  }
0x79: {  	_ =	shalt  }
0x7a: {  	_ =	shalt  }
0x7b: {  	_ =	shalt  }
0x7c: {  	_ =	shalt  }
0x7d: {  	_ =	shalt  }
0x7e: {  	_ =	shalt  }
0x7f: {  	_ =	shalt  }
0x80: {  	_ =	shalt  }
0x81: {  	_ =	shalt  }
0x82: {  	_ =	shalt  }
0x83: {  	_ =	shalt  }
0x84: {  	_ =	shalt  }
0x85: {  	_ =	shalt  }
0x86: {  	_ =	shalt  }
0x87: {  	_ =	shalt  }
.Lfunc_end0:
.L_simem_size_0:
called_computation_lowered:
.L_overlay_start_0:
0x88: {  	s2 =	sld [smem:$0x3FD9]  }
0x89: {  	s3 =	sld [smem:$0x3FFE];
	_ =	sdelay $0x1  }
0x8a: {  	s1 =	srdreg.scid  }
0x8b: {  	s0 =	sand.u32 $0x1, s1  }
0x8c: {  	s14 =	sshll.u32 s0, $0xA;
	s2 =	sadd.s32 s3, s2  }
0x8d: {  	s2 =	sadd.s32 s2, s14  }
0x8e: {  	[smem:$0x3FC5] =	sst s2  }
0x8f: {  	_ = 	snop  }
0x90: {  	s2 =	sld [smem:$0x3FD0];
	_ =	sdelay $0x2  }
0x91: {  	s15 =	simm.s32 $0xA;
	s4 =	simm.s32 $0x10  }
0x92: {  	[smem:s4], [sflag:s15] =	dma.local [hbm:s2], $0x1  }
0x93: {  	_ =	swait.eq [sflag:s15], $0x1  }
0x94: {  	[sflag:s15] =	ssyncset.done $0x0  }
0x95: {  	s16 =	sld [smem:$0x10];
	[sflag:s15] =	ssyncadd.s32 $0xFFFFFFFF  }
0x96: {  	s17 =	sld [smem:$0x11];
	(tm) =	ssettm $0x1  }
0x97: {  	s18 =	sld [smem:$0x3FFB];
	_ =	sdelay $0x3  }
0x98: {  	_ =	strace s18  }
0x99: {  	s4 =	sld [smem:$0x3FFC];
	_ =	sdelay $0x3  }
0x9a: {  	_ =	strace s4  }
0x9b: {  	s4 =	sld [smem:$0x3FFD];
	_ =	sdelay $0x3  }
0x9c: {  	_ =	strace s4  }
0x9d: {  	_ =	strace $0x8FFFFFFF  }
0x9e: {  	s19 =	sld [smem:$0x3FDB];
	_ =	sdelay $0x1  }
0x9f: {  	s5 =	simm.s32 $_scs_section_size  }
0xa0: {  	s6 =	simm.s32 $_size__tile_overlayer_lowered;
	s7 =	simm.s32 $_tile_overlayer_lowered  }
0xa1: {  	s22 =	simm.s32 $0x1BFF;
	s21 =	sshll.u32 s7, $0x1;
	s4 =	sadd.s32 s5, s19  }
0xa2: {  	s8 =	simm.s32 $0x0;
	s20 =	sshll.u32 s6, $0x1;
	s6 =	sadd.s32 s21, s4  }
0xa3: {  	[timem:s8], [sflag:s22] =	dma.local [hbm:s6], s20  }
0xa4: {  	_ =	swait.ge [sflag:s22], s20  }
0xa5: {  	s5 =	ssub.s32 $0x0, s20;
	[sflag:s22] =	ssyncset.done $0x0  }
0xa6: {  	[sflag:s22] =	ssyncadd.s32 s5;
	_ =	sdelay $0x1  }
0xa7: {  	s23 =	simm.s32 $0x1B8B  }
0xa8: {  	_ =	swait.ge [sflag:s23], $0x1  }
0xa9: {  	[sflag:s23] =	ssyncset.done $0x0  }
0xaa: {  	s25 =	simm.s32 $0x1B8E;
	s24 =	sld [smem:$0x3FFE];
	[sflag:s23] =	ssyncadd.s32 $0xFFFFFFFF  }
0xab: {  	s26 =	simm.s32 $execute0_lowered;
	[smem:$0x3FD2] =	sst s25  }
0xac: {  	s6 =	sshll.u32 s26, $0x1;
	_ =	strace $0x80000046;
	[dreg:$0x1] =	wrdreg $0xFFFFFFFF  }
0xad: {  	s28 =	simm.s32 $_size_execute0_lowered;
	s4 =	sadd.s32 s4, s6;
	[dreg:$0x0] =	wrdreg $0x0  }
0xae: {  	s6 =	sshll.u32 s28, $0x1;
	[dreg:$0x2] =	wrdreg s4  }
0xaf: {  	[dreg:$0x3] =	wrdreg s6  }
0xb0: {  	[dreg:$0x4] =	wrdreg $0xC0  }
0xb1: {  	_ =	task [dreg:s8], $0x5FFFF  }
0xb2: {  	[dreg:$0x1] =	wrdreg $0xFFFFFFFF  }
0xb3: {  	[dreg:$0x0] =	wrdreg $0x60  }
0xb4: {  	[dreg:$0x2] =	wrdreg s17  }
0xb5: {  	[dreg:$0x3] =	wrdreg s24  }
0xb6: {  	[dreg:$0x4] =	wrdreg s16  }
0xb7: {  	[dreg:$0x5] =	wrdreg $0x0  }
0xb8: {  	[dreg:$0x6] =	wrdreg $0x100200  }
0xb9: {  	[dreg:$0x7] =	wrdreg $0x9  }
0xba: {  	_ =	task.clear_ibuf [dreg:s8], $0x8FFFF;
	_ =	strace $0x90000046  }
0xbb: {  	s29 =	simm.s32 $0x9;
	_ =	strace $0x80000048  }
0xbc: {  	_ =	swait.ge [sflag:s29], $0x1  }
0xbd: {  	[sflag:s29] =	ssyncadd.s32 $0xFFFFFFFF  }
0xbe: {  	_ =	strace $0x90000048  }
0xbf: {  	_ =	sfence  }
0xc0: {  	s30 =	sld [smem:$0x0];
	_ =	sdelay $0x2  }
0xc1: {  	s31 =	sshll.u32 s1, $0xD;
	s1 =	sshrl.u32 s1, $0x2  }
0xc2: {  	s3 =	sand.u32 $0x4000, s31;
	s1 =	sadd.s32 s1, s30  }
0xc3: {  	s0 =	sor.u32 s3, s0;
	s1 =	sshll.u32 s1, $0x11  }
0xc4: {  	s0 =	sor.u32 s1, s0  }
0xc5: {  	s0 =	sadd.s32 $0x8F2B, s0  }
0xc6: {  	[sflag:s0] =	ssyncadd.remote.s32 $0x1  }
0xc7: {  	_ =	sfence.sel $0xFFFF  }
0xc8: {  	[dreg:$0x0] =	wrdreg $0xFFFFFFFF;
	(pc) =	sbr.abs _section_cstart, $3  }
0xc9: {  	[dreg:$0x1] =	wrdreg $0xFFFFFFFF  }
0xca: {  	_ =	task.clear_ibuf [dreg:s8], $0x2FFFF;
	_ =	strace $0x9FFFFFFF  }
0xcb: {  	(tm) =	ssettm $0x7FFFFFFF  }
tec
execute0_lowered:
.L_overlay_start_1:
0x0: {  	(tag) =	ssettag $0x1  }
0x1: {  	s0 =	rddreg [dreg:$0x0]  }
0x2: {  	s5 =	rddreg [dreg:$0x1]  }
0x3: {  	s7 =	rddreg [dreg:$0x2]  }
0x4: {  	s1 =	rddreg [dreg:$0x3]  }
0x5: {  	s2 =	rddreg [dreg:$0x4];
	s6 =	srdreg.scid;
	s3 =	simm.s32 $0x0  }
0x6: {  	s4 =	stileid.u32;
	s30 =	simm.s32 $0x1C428;
	s31 =	simm.s32 $0x1  }
0x7: {  	s6 =	sand.u32 $0x1, s6;
	[smem:$0x7FF] =	sst s3;
	s8 =	sshll.u32 s4, $0xA  }
0x8: {  	s10 =	sshll.u32 s4, $0xC;
	s17 =	sshll.u32 s4, $0x10;
	s18 =	sshll.u32 s4, $0xE  }
0x9: {  	p0 =	sne.s32 s4, $0x0;
	s28 =	sadd.s32 $0x100000, s1;
	s29 =	sadd.s32 $0x40000, s2  }
0xa: {  	s13 =	sshll.u32 s6, $0xE;
	_ =	strace $0x80000047;
	s6 =	ssub.s32 $0x2, s6  }
0xb: {  	s10 =	sadd.s32 s10, s5;
	s14 =	sor.u32 $0x80, s8;
	s21 =	sor.u32 $0x180, s8  }
0xc: {  	s24 =	sor.u32 $0x200, s8;
	s26 =	sor.u32 $0x280, s8;
	s9 =	sor.u32 s8, s13  }
0xd: {  	s16 =	sshrl.u32 s6, $0x1;
	s15 =	sshll.u32 s14, $0x6;
	s14 =	sshll.u32 s14, $0x4  }
0xe: {  	s22 =	sshll.u32 s21, $0x6;
	s25 =	sshll.u32 s24, $0x6;
	s11 =	sshll.u32 s9, $0x3  }
0xf: {  	s12 =	ssub.s32 s6, s16;
	s6 =	sadd.s32 s18, s2;
	s16 =	sor.u32 $0x100, s8  }
0x10: {  	s15 =	sadd.s32 s15, s1;
	s14 =	sadd.s32 s14, s2;
	s9 =	sshll.u32 s9, $0x1  }
0x11: {  	s18 =	sshll.u32 s26, $0x4;
	s11 =	sadd.s32 s11, s5;
	[dreg:$0x6] =	wrdreg s15  }
0x12: {  	s5 =	sadd.s32 s17, s1;
	[dreg:$0x7] =	wrdreg s14;
	s19 =	sshll.u32 s16, $0x6  }
0x13: {  	s20 =	sshll.u32 s16, $0x4;
	s15 =	sshll.u32 s21, $0x4;
	s17 =	sor.u32 $0x300, s8  }
0x14: {  	s7 =	sadd.s32 s7, s9;
	s21 =	sor.u32 $0x380, s8;
	s9 =	simm.s32 $0x14028  }
0x15: {  	s16 =	simm.s32 $0x1C3A8;
	s14 =	sadd.s32 s19, s1;
	[dreg:$0xf] =	wrdreg s7  }
0x16: {  	s23 =	sadd.s32 s15, s2;
	s15 =	sadd.s32 s25, s1;
	[dreg:$0x8] =	wrdreg s14  }
0x17: {  	s19 =	sshll.u32 s17, $0x6;
	s25 =	sadd.s32 $0x63400, s11;
	[dreg:$0xb] =	wrdreg s23  }
0x18: {  	s11 =	simm.s32 $0x1C228;
	s14 =	sadd.s32 s20, s2;
	[dreg:$0xc] =	wrdreg s15  }
0x19: {  	s15 =	sshll.u32 s26, $0x6;
	s20 =	sadd.s32 s18, s2;
	[dreg:$0x15] =	wrdreg s25  }
0x1a: {  	s7 =	sadd.s32 s19, s1;
	s23 =	sshll.u32 s21, $0x6;
	[dreg:$0x9] =	wrdreg s14  }
0x1b: {  	v0 =	vmov s13;
	s26 =	sadd.s32 $0x4000, s13;
	s13 =	simm.s32 $0x16028;
	[dreg:$0x10] =	wrdreg s20  }
0x1c: {  	s18 =	simm.s32 $0x0;
	s14 =	sadd.s32 s22, s1;
	[dreg:$0x11] =	wrdreg s7  }
0x1d: {  	s22 =	sshll.u32 s17, $0x4;
	s7 =	sshll.u32 s21, $0x4;
	s20 =	sadd.s32 $0x1400, s10  }
0x1e: {  	s10 =	simm.s32 $0x80;
	s17 =	simm.s32 $0x1A028;
	[dreg:$0xa] =	wrdreg s14  }
0x1f: {  	s14 =	sshll.u32 s24, $0x4;
	s8 =	sadd.s32 s22, s2;
	s24 =	sadd.s32 s23, s1  }
0x20: {  	s7 =	sadd.s32 s7, s2;
	s23 =	smax.u32 s12, $0x1;
	[dreg:$0x12] =	wrdreg s8  }
.Ltmp0:
0x21: {  	s12 =	simm.s32 $0x1C2A8;
	[dreg:$0x13] =	wrdreg s24;
	(pc) =	sbr.rel .LBB2_1-.Ltmp0, $4  }
0x22: {  	s14 =	sadd.s32 s14, s2;
	[dreg:$0x14] =	wrdreg s7;
	s24 =	sshll.u32 s4, $0x6  }
0x23: {  	s7 =	simm.s32 $0x1C028;
	s8 =	simm.s32 $0x2;
	[dreg:$0xd] =	wrdreg s14  }
0x24: {  	s14 =	sadd.s32 s15, s1;
	s21 =	sadd.s32 s24, s0;
	s0 =	simm.s32 $0x1E428  }
0x25: {  	v2 =	vimm.f32 $0.0e+00;
	v3 =	vimm.f32 $1.000000000e+00;
	v1 =	vmov s26;
	s15 =	simm.s32 $0x18028;
	[dreg:$0xe] =	wrdreg s14;
	s14 =	simm.s32 $0x1C328  }
.LBB2_9:
0x26: {  	[bflag:$0x0] =	sbarrier.arrive $0xFFFF  }
0x27: {  	s19 =	sor.u32 $0x1C01, s24;
	s22 =	sshrl.u32 s5, $0x3;
	s25 =	rddreg [dreg:$0x15]  }
0x28: {  	[hbm:s25], [sflag:s19] =	dma.local [spmem:s22], $0x2000  }
0x29: {  	s18 =	sadd.s32 $0x1, s18;
	_ =	swait.ge [sflag:s31], $0x2000  }
0x2a: {  	p1 =	sne.s32 s18, s23;
	s25 =	sshrl.u32 s6, $0x3;
	[sflag:s31] =	ssyncset.done $0x0  }
.Ltmp1:
0x2b: {  	s26 =	rddreg [dreg:$0xf];
	[sflag:s31] =	ssyncadd.s32 $0xFFFFE000;
	(pc) =	sbr.rel @!p1 .LBB2_10-.Ltmp1, $4  }
0x2c: {  	[hbm:s26], [sflag:s19] =	dma.local [spmem:s25], $0x800  }
0x2d: {  	_ =	swait.ge [sflag:s31], $0x800  }
0x2e: {  	[sflag:s31] =	ssyncset.done $0x0  }
0x2f: {  	[sflag:s31] =	ssyncadd.s32 $0xFFFFF800  }
.LBB2_1:
0x30: {  	s19 =	simm.s32 $0x1C448  }
0x31: {  	[tilespmem:s19+$0x0] =	vst v2  }
0x32: {  	[tilespmem:s19+$0xFFFFFFE0] =	vst v2  }
0x33: {  	[tilespmem:s19+$0x10] =	vst v2  }
0x34: {  	s25 =	simm.s32 $0x40;
	s26 =	simm.s32 $0x0;
	[tilespmem:s19+$0xFFFFFFF0] =	vst v2  }
.LBB2_2:
0x35: {  	p1 =	sne.s32 s25, $0x1FC0  }
0x36: {  	[tilespmem:s26+$0x1E428] =	vst v2;
	s19 =	sadd.s32 $0x40, s19;
	s26 =	smov.u32 s25;
	s25 =	sadd.s32 $0x40, s25  }
.Ltmp2:
0x37: {  	[tilespmem:s19+$0x0] =	vst v2;
	(pc) =	sbr.rel @p1 .LBB2_2-.Ltmp2, $4  }
0x38: {  	_ = 	snop  }
0x39: {  	[tilespmem:s19+$0xFFFFFFE0] =	vst v2  }
0x3a: {  	[tilespmem:s19+$0x10] =	vst v2  }
0x3b: {  	s26 =	sshra.s32 s26, $0x2;
	[tilespmem:s19+$0xFFFFFFF0] =	vst v2  }
0x3c: {  	[tilespmem:s26+$0x1E428] =	vst v2  }
0x3d: {  	[spmem:s5] =	stream.linear.scatter [tilespmem:s30], [sflag:$0x1], $0x2000, $0x38;
	[tilespmem:$0x1EC28] =	vst v63  }
0x3e: {  	_ =	swait.ge [sflag:s31], $0x2000  }
0x3f: {  	[sflag:s31] =	ssyncset.done $0x0  }
0x40: {  	[sflag:s31] =	ssyncadd.s32 $0xFFFFE000  }
0x41: {  	[spmem:s6] =	stream.linear.scatter [tilespmem:s0], [sflag:$0x1], $0x800, $0x38;
	[tilespmem:$0x1EC28] =	vst v63  }
0x42: {  	_ =	swait.ge [sflag:s31], $0x800  }
0x43: {  	[sflag:s31] =	ssyncset.done $0x0  }
0x44: {  	s19 =	rddreg [dreg:$0x6];
	[sflag:s31] =	ssyncadd.s32 $0xFFFFF800  }
0x45: {  	[spmem:s19] =	stream.linear.scatter [tilespmem:s30], [sflag:$0x1], $0x2000, $0x38;
	[tilespmem:$0x1EC28] =	vst v63  }
0x46: {  	_ =	swait.ge [sflag:s31], $0x2000  }
0x47: {  	[sflag:s31] =	ssyncset.done $0x0  }
0x48: {  	s26 =	rddreg [dreg:$0x7];
	[sflag:s31] =	ssyncadd.s32 $0xFFFFE000  }
0x49: {  	[spmem:s26] =	stream.linear.scatter [tilespmem:s0], [sflag:$0x1], $0x800, $0x38;
	[tilespmem:$0x1EC28] =	vst v63  }
0x4a: {  	_ =	swait.ge [sflag:s31], $0x800  }
0x4b: {  	[sflag:s31] =	ssyncset.done $0x0  }
0x4c: {  	s22 =	rddreg [dreg:$0x8];
	[sflag:s31] =	ssyncadd.s32 $0xFFFFF800  }
0x4d: {  	[spmem:s22] =	stream.linear.scatter [tilespmem:s30], [sflag:$0x1], $0x2000, $0x38;
	[tilespmem:$0x1EC28] =	vst v63  }
0x4e: {  	_ =	swait.ge [sflag:s31], $0x2000  }
0x4f: {  	[sflag:s31] =	ssyncset.done $0x0  }
0x50: {  	s25 =	rddreg [dreg:$0x9];
	[sflag:s31] =	ssyncadd.s32 $0xFFFFE000  }
0x51: {  	[spmem:s25] =	stream.linear.scatter [tilespmem:s0], [sflag:$0x1], $0x800, $0x38;
	[tilespmem:$0x1EC28] =	vst v63  }
0x52: {  	_ =	swait.ge [sflag:s31], $0x800  }
0x53: {  	[sflag:s31] =	ssyncset.done $0x0  }
0x54: {  	s26 =	rddreg [dreg:$0xa];
	[sflag:s31] =	ssyncadd.s32 $0xFFFFF800  }
0x55: {  	[spmem:s26] =	stream.linear.scatter [tilespmem:s30], [sflag:$0x1], $0x2000, $0x38;
	[tilespmem:$0x1EC28] =	vst v63  }
0x56: {  	_ =	swait.ge [sflag:s31], $0x2000  }
0x57: {  	[sflag:s31] =	ssyncset.done $0x0  }
0x58: {  	s22 =	rddreg [dreg:$0xb];
	[sflag:s31] =	ssyncadd.s32 $0xFFFFE000  }
0x59: {  	[spmem:s22] =	stream.linear.scatter [tilespmem:s0], [sflag:$0x1], $0x800, $0x38;
	[tilespmem:$0x1EC28] =	vst v63  }
0x5a: {  	_ =	swait.ge [sflag:s31], $0x800  }
0x5b: {  	[sflag:s31] =	ssyncset.done $0x0  }
0x5c: {  	s25 =	rddreg [dreg:$0xc];
	[sflag:s31] =	ssyncadd.s32 $0xFFFFF800  }
0x5d: {  	[spmem:s25] =	stream.linear.scatter [tilespmem:s30], [sflag:$0x1], $0x2000, $0x38;
	[tilespmem:$0x1EC28] =	vst v63  }
0x5e: {  	_ =	swait.ge [sflag:s31], $0x2000  }
0x5f: {  	[sflag:s31] =	ssyncset.done $0x0  }
0x60: {  	s26 =	rddreg [dreg:$0xd];
	[sflag:s31] =	ssyncadd.s32 $0xFFFFE000  }
0x61: {  	[spmem:s26] =	stream.linear.scatter [tilespmem:s0], [sflag:$0x1], $0x800, $0x38;
	[tilespmem:$0x1EC28] =	vst v63  }
0x62: {  	_ =	swait.ge [sflag:s31], $0x800  }
0x63: {  	[sflag:s31] =	ssyncset.done $0x0  }
0x64: {  	s22 =	rddreg [dreg:$0xe];
	[sflag:s31] =	ssyncadd.s32 $0xFFFFF800  }
0x65: {  	[spmem:s22] =	stream.linear.scatter [tilespmem:s30], [sflag:$0x1], $0x2000, $0x38;
	[tilespmem:$0x1EC28] =	vst v63  }
0x66: {  	_ =	swait.ge [sflag:s31], $0x2000  }
0x67: {  	[sflag:s31] =	ssyncset.done $0x0  }
0x68: {  	s25 =	rddreg [dreg:$0x10];
	[sflag:s31] =	ssyncadd.s32 $0xFFFFE000  }
0x69: {  	[spmem:s25] =	stream.linear.scatter [tilespmem:s0], [sflag:$0x1], $0x800, $0x38;
	[tilespmem:$0x1EC28] =	vst v63  }
0x6a: {  	_ =	swait.ge [sflag:s31], $0x800  }
0x6b: {  	[sflag:s31] =	ssyncset.done $0x0  }
0x6c: {  	s26 =	rddreg [dreg:$0x11];
	[sflag:s31] =	ssyncadd.s32 $0xFFFFF800  }
0x6d: {  	[spmem:s26] =	stream.linear.scatter [tilespmem:s30], [sflag:$0x1], $0x2000, $0x38;
	[tilespmem:$0x1EC28] =	vst v63  }
0x6e: {  	_ =	swait.ge [sflag:s31], $0x2000  }
0x6f: {  	[sflag:s31] =	ssyncset.done $0x0  }
0x70: {  	s22 =	rddreg [dreg:$0x12];
	[sflag:s31] =	ssyncadd.s32 $0xFFFFE000  }
0x71: {  	[spmem:s22] =	stream.linear.scatter [tilespmem:s0], [sflag:$0x1], $0x800, $0x38;
	[tilespmem:$0x1EC28] =	vst v63  }
0x72: {  	_ =	swait.ge [sflag:s31], $0x800  }
0x73: {  	[sflag:s31] =	ssyncset.done $0x0  }
0x74: {  	s25 =	rddreg [dreg:$0x13];
	[sflag:s31] =	ssyncadd.s32 $0xFFFFF800  }
0x75: {  	[spmem:s25] =	stream.linear.scatter [tilespmem:s30], [sflag:$0x1], $0x2000, $0x38;
	[tilespmem:$0x1EC28] =	vst v63  }
0x76: {  	_ =	swait.ge [sflag:s31], $0x2000  }
0x77: {  	[sflag:s31] =	ssyncset.done $0x0  }
0x78: {  	s26 =	rddreg [dreg:$0x14];
	[sflag:s31] =	ssyncadd.s32 $0xFFFFE000  }
0x79: {  	[spmem:s26] =	stream.linear.scatter [tilespmem:s0], [sflag:$0x1], $0x800, $0x38;
	[tilespmem:$0x1EC28] =	vst v63  }
0x7a: {  	_ =	swait.ge [sflag:s31], $0x800  }
0x7b: {  	[sflag:s31] =	ssyncset.done $0x0  }
0x7c: {  	s19 =	simm.s32 @!p0 $0x1C428;
	[sflag:s31] =	ssyncadd.s32 $0xFFFFF800  }
0x7d: {  	[spmem:s28] =	stream.linear.scatter @!p0 [tilespmem:s19], [sflag:$0x1], $0x200, $0x38;
	[tilespmem:$0x1EC28] =	vst v63  }
0x7e: {  	s19 =	simm.s32 @!p0 $0x1  }
0x7f: {  	_ =	swait.ge @!p0 [sflag:s19], $0x200  }
0x80: {  	[sflag:s19] =	ssyncset.done @!p0 $0x0  }
0x81: {  	s25 =	simm.s32 @!p0 $0x1E428;
	[sflag:s19] =	ssyncadd.s32 @!p0 $0xFFFFFE00  }
0x82: {  	[spmem:s29] =	stream.linear.scatter @!p0 [tilespmem:s25], [sflag:$0x1], $0x80, $0x38;
	[tilespmem:$0x1EC28] =	vst v63  }
0x83: {  	_ =	swait.ge @!p0 [sflag:s19], $0x80  }
0x84: {  	[sflag:s19] =	ssyncset.done @!p0 $0x0  }
0x85: {  	s25 =	simm.s32 $0x0;
	[sflag:s19] =	ssyncadd.s32 @!p0 $0xFFFFFF80;
	s19 =	simm.s32 $0x40  }
.LBB2_4:
0x86: {  	p1 =	sne.s32 s19, $0x1FC0;
	[tilespmem:s25+$0x1E428] =	vst v3;
	s25 =	smov.u32 s19;
	s19 =	sadd.s32 $0x40, s19  }
.Ltmp3:
0x87: {  	(pc) =	sbr.rel @p1 .LBB2_4-.Ltmp3, $2  }
0x88: {  	_ =	sdelay $0x2  }
0x89: {  	s25 =	sshra.s32 s25, $0x2  }
.Ltmp4:
0x8a: {  	(pc) =	sbr.rel .LBB2_6-.Ltmp4, $4  }
0x8b: {  	_ = 	snop  }
0x8c: {  	[tilespmem:s25+$0x1E428] =	vst v3  }
0x8d: {  	[bflag:$0x0] =	sbarrier.arrive $0xFFFF  }
0x8e: {  	s19 =	simm.s32 $0x0;
	s26 =	smov.u32 s20;
	s25 =	smov.u32 s21  }
.LBB2_8:
0x8f: {  	s19 =	sadd.s32 $0x10, s19  }
0x90: {  	p1 =	sne.s32 s19, $0x70  }
.Ltmp5:
0x91: {  	_ = 	snop;
	(pc) =	sbr.rel @!p1 .LBB2_9-.Ltmp5, $2  }
0x92: {  	_ =	sdelay $0x2  }
0x93: {  	s25 =	sadd.s32 $0x400, s25;
	s26 =	sadd.s32 $0x10000, s26  }
.LBB2_6:
0x94: {  	s22 =	sadd.s32 s19, s4  }
0x95: {  	p1 =	sgt.u32 s22, $0x61  }
.Ltmp6:
0x96: {  	_ = 	snop;
	(pc) =	sbr.rel @p1 .LBB2_8-.Ltmp6, $1  }
0x97: {  	_ =	sdelay $0x3  }
0x98: {  	[tilespmem:s7], [sflag:$0x2] =	stream.linear.gather [hbm4b:s25+s3], $0x200, $0x38;
	[tilespmem:$0x1EC28] =	vst v63  }
0x99: {  	_ =	swait.ge [sflag:s8], $0x200  }
0x9a: {  	[sflag:s8] =	ssyncset.done $0x0  }
0x9b: {  	[sflag:s8] =	ssyncadd.s32 $0xFFFFFE00  }
0x9c: {  	[tilespmem:s9], [sflag:$0x2] =	stream.linear.gather [hbm4b:s26+s3], $0x8000, $0x38;
	[tilespmem:$0x1EC28] =	vst v63  }
0x9d: {  	_ =	swait.ge [sflag:s8], $0x8000  }
0x9e: {  	[sflag:s8] =	ssyncset.done $0x0  }
0x9f: {  	[sflag:s8] =	ssyncadd.s32 $0xFFFF8000  }
0xa0: {  	v4 =	vld [tilespmem:$0x1C028]  }
0xa1: {  	v5 =	vld [tilespmem:$0x1C038]  }
0xa2: {  	v6 =	vld [tilespmem:$0x1C048]  }
0xa3: {  	v7 =	vld [tilespmem:$0x1C058]  }
0xa4: {  	v8 =	vld [tilespmem:$0x1C068]  }
0xa5: {  	v9 =	vld [tilespmem:$0x1C078]  }
0xa6: {  	v10 =	vld [tilespmem:$0x1C088]  }
0xa7: {  	v18 =	vld [tilespmem:$0x1C108]  }
0xa8: {  	v19 =	vld [tilespmem:$0x1C118]  }
0xa9: {  	v20 =	vld [tilespmem:$0x1C128]  }
0xaa: {  	v21 =	vld [tilespmem:$0x1C138]  }
0xab: {  	v41 =	vld [tilespmem:$0x1C158]  }
0xac: {  	v45 =	vld [tilespmem:$0x1C178];
	vm0 =	vge.s32 v4, v0;
	vm1 =	vlt.s32 v4, v1;
	v4 =	vsub.s32 v4, v0  }
0xad: {  	v46 =	vld [tilespmem:$0x1C188];
	vm4 =	vge.s32 v5, v0;
	vm2 =	vlt.s32 v5, v1;
	v5 =	vsub.s32 v5, v0  }
0xae: {  	v48 =	vld [tilespmem:$0x1C198];
	vm6 =	vge.s32 v6, v0;
	vm7 =	vlt.s32 v6, v1;
	vm8 =	vge.s32 v7, v0  }
0xaf: {  	v52 =	vld [tilespmem:$0x1C1B8];
	vm9 =	vlt.s32 v7, v1;
	v6 =	vsub.s32 v6, v0;
	v7 =	vsub.s32 v7, v0  }
0xb0: {  	v54 =	vld [tilespmem:$0x1C1C8];
	vm10 =	vge.s32 v8, v0;
	vm11 =	vlt.s32 v8, v1;
	vm12 =	vge.s32 v9, v0  }
0xb1: {  	v56 =	vld [tilespmem:$0x1C1D8];
	vm3 =	vlt.s32 v9, v1;
	v8 =	vsub.s32 v8, v0;
	v9 =	vsub.s32 v9, v0  }
0xb2: {  	v11 =	vld [tilespmem:$0x1C098];
	vm14 =	vge.s32 v10, v0;
	vm15 =	vlt.s32 v10, v1;
	v10 =	vsub.s32 v10, v0  }
0xb3: {  	v13 =	vld [tilespmem:$0x1C0B8];
	v38 =	vsub.s32 v18, v0;
	v39 =	vsub.s32 v19, v0;
	v42 =	vsub.s32 v20, v0  }
0xb4: {  	v44 =	vsub.s32 v21, v0;
	v47 =	vsub.s32 v41, v0;
	v50 =	vsub.s32 v45, v0  }
0xb5: {  	v53 =	vsub.s32 v46, v0;
	v55 =	vsub.s32 v48, v0;
	v58 =	vsub.s32 v52, v0  }
0xb6: {  	v61 =	vsub.s32 v54, v0;
	v62 =	vsub.s32 v56, v0;
	vm0 =	vmand vm0, vm1  }
0xb7: {  	v14 =	vld [tilespmem:$0x1C0C8];
	vm5 =	vmand vm4, vm2;
	vm1 =	vmand vm8, vm9;
	vm13 =	vmand vm12, vm3  }
0xb8: {  	vm8 =	vlt.s32 v11, v1;
	vm12 =	vge.s32 v13, v0;
	vm4 =	vlt.s32 v18, v1  }
0xb9: {  	v4 =	vnsel vm0, $0x4000, v4;
	v5 =	vnsel vm5, $0x4000, v5;
	vm0 =	vmand vm6, vm7  }
0xba: {  	v12 =	vld [tilespmem:$0x1C0A8];
	v7 =	vnsel vm1, $0x4000, v7;
	v9 =	vnsel vm13, $0x4000, v9;
	vm6 =	vmand vm14, vm15  }
0xbb: {  	v15 =	vld [tilespmem:$0x1C0D8];
	vm7 =	vge.s32 v11, v0;
	v11 =	vsub.s32 v11, v0;
	vm13 =	vlt.s32 v13, v1  }
0xbc: {  	v17 =	vld [tilespmem:$0x1C0F8];
	v13 =	vsub.s32 v13, v0;
	vm14 =	vge.s32 v14, v0;
	vm15 =	vlt.s32 v14, v1  }
0xbd: {  	v43 =	vld [tilespmem:$0x1C168];
	v14 =	vsub.s32 v14, v0;
	vm5 =	vge.s32 v19, v0;
	v6 =	vnsel vm0, $0x4000, v6  }
0xbe: {  	vm0 =	vmand vm10, vm11;
	v10 =	vnsel vm6, $0x4000, v10;
	vm9 =	vmand vm7, vm8  }
0xbf: {  	v16 =	vld [tilespmem:$0x1C0E8];
	vm10 =	vge.s32 v12, v0;
	vm11 =	vlt.s32 v12, v1;
	v12 =	vsub.s32 v12, v0  }
0xc0: {  	vm1 =	vmand vm12, vm13;
	vm6 =	vge.s32 v15, v0;
	vm7 =	vlt.s32 v15, v1  }
0xc1: {  	v15 =	vsub.s32 v15, v0;
	vm12 =	vge.s32 v17, v0;
	vm13 =	vlt.s32 v17, v1  }
0xc2: {  	v17 =	vsub.s32 v17, v0;
	[tilespmem:$0x1C278] =	vst v9;
	v9 =	vsub.s32 v43, v0;
	v8 =	vnsel vm0, $0x4000, v8  }
0xc3: {  	v11 =	vnsel vm9, $0x4000, v11;
	vm0 =	vmand vm10, vm11;
	v13 =	vnsel vm1, $0x4000, v13  }
0xc4: {  	[tilespmem:$0x1C228] =	vst v4;
	vm8 =	vmand vm6, vm7;
	vm9 =	vge.s32 v16, v0;
	vm10 =	vlt.s32 v16, v1  }
0xc5: {  	[tilespmem:$0x1C238] =	vst v5;
	v16 =	vsub.s32 v16, v0;
	vm6 =	vlt.s32 v19, v1;
	vm7 =	vge.s32 v20, v0  }
0xc6: {  	[tilespmem:$0x1C258] =	vst v7;
	v12 =	vnsel vm0, $0x4000, v12;
	vm0 =	vmand vm14, vm15;
	v15 =	vnsel vm8, $0x4000, v15  }
0xc7: {  	[tilespmem:$0x1C248] =	vst v6;
	vm11 =	vmand vm9, vm10;
	vm14 =	vmand vm12, vm13;
	vm15 =	vge.s32 v18, v0  }
0xc8: {  	[tilespmem:$0x1C288] =	vst v10;
	vm1 =	vmand vm5, vm6;
	vm8 =	vlt.s32 v20, v1;
	vm9 =	vge.s32 v21, v0  }
0xc9: {  	v49 =	vld [tilespmem:$0x1C1A8];
	[tilespmem:$0x1C268] =	vst v8;
	vm10 =	vlt.s32 v21, v1;
	vm6 =	vge.s32 v43, v0;
	v14 =	vnsel vm0, $0x4000, v14  }
0xca: {  	v5 =	vld [tilespmem:$0x1C148];
	[tilespmem:$0x1C298] =	vst v11;
	v16 =	vnsel vm11, $0x4000, v16;
	v4 =	vnsel vm14, $0x4000, v17;
	vm0 =	vmand vm15, vm4  }
0xcb: {  	[tilespmem:$0x1C2B8] =	vst v13;
	v40 =	vnsel vm1, $0x4000, v39;
	vm11 =	vmand vm9, vm10;
	vm15 =	vge.s32 v41, v0  }
0xcc: {  	[tilespmem:$0x1C2A8] =	vst v12;
	vm4 =	vlt.s32 v41, v1;
	vm9 =	vlt.s32 v45, v1;
	vm10 =	vge.s32 v46, v0  }
0xcd: {  	[tilespmem:$0x1C2D8] =	vst v15;
	v6 =	vnsel vm0, $0x4000, v38;
	vm0 =	vmand vm7, vm8;
	v10 =	vnsel vm11, $0x4000, v44  }
0xce: {  	vm5 =	vmand vm15, vm4;
	[tilespmem:$0x1C2C8] =	vst v14;
	vm7 =	vlt.s32 v43, v1;
	vm8 =	vge.s32 v45, v0  }
0xcf: {  	[tilespmem:$0x1C2E8] =	vst v16;
	vm11 =	vlt.s32 v46, v1;
	vm15 =	vge.s32 v49, v0;
	vm12 =	vge.s32 v5, v0  }
0xd0: {  	v57 =	vld [tilespmem:$0x1C1E8];
	[tilespmem:$0x1C2F8] =	vst v4;
	vm13 =	vlt.s32 v5, v1;
	v8 =	vnsel vm0, $0x4000, v42;
	v5 =	vsub.s32 v5, v0  }
0xd1: {  	v59 =	vld [tilespmem:$0x1C1F8];
	[tilespmem:$0x1C318] =	vst v40;
	v12 =	vnsel vm5, $0x4000, v47;
	vm0 =	vmand vm6, vm7;
	vm1 =	vmand vm8, vm9  }
0xd2: {  	[tilespmem:$0x1C308] =	vst v6;
	vm6 =	vlt.s32 v49, v1;
	vm8 =	vge.s32 v52, v0;
	vm9 =	vlt.s32 v52, v1  }
0xd3: {  	[tilespmem:$0x1C338] =	vst v10;
	vm14 =	vmand vm12, vm13;
	v4 =	vnsel vm0, $0x4000, v9;
	v51 =	vnsel vm1, $0x4000, v50  }
0xd4: {  	v60 =	vld [tilespmem:$0x1C208];
	vm12 =	vge.s32 v48, v0;
	vm13 =	vlt.s32 v48, v1;
	vm0 =	vmand vm10, vm11;
	[tilespmem:$0x1C328] =	vst v8  }
0xd5: {  	vm7 =	vmand vm15, vm6;
	[tilespmem:$0x1C358] =	vst v12;
	vm10 =	vmand vm8, vm9;
	vm11 =	vge.s32 v54, v0  }
0xd6: {  	vm15 =	vge.s32 v57, v0;
	vm6 =	vlt.s32 v57, v1;
	vm8 =	vlt.s32 v59, v1;
	[tilespmem:$0x1C368] =	vst v4  }
0xd7: {  	v5 =	vnsel vm14, $0x4000, v5;
	vm14 =	vmand vm12, vm13;
	v6 =	vnsel vm0, $0x4000, v53;
	[tilespmem:$0x1C378] =	vst v51  }
0xd8: {  	v63 =	vld [tilespmem:$0x1C218];
	v4 =	vnsel vm10, $0x4000, v58;
	vm12 =	vlt.s32 v54, v1;
	vm13 =	vge.s32 v56, v0;
	[tilespmem:$0x1C348] =	vst v5  }
0xd9: {  	vm10 =	vge.s32 v60, v0;
	v8 =	vnsel vm14, $0x4000, v55;
	v5 =	vsub.s32 v49, v0;
	[tilespmem:$0x1C388] =	vst v6  }
0xda: {  	vm0 =	vmand vm11, vm12;
	vm14 =	vlt.s32 v56, v1;
	[tilespmem:$0x1C3B8] =	vst v4;
	v4 =	vsub.s32 v57, v0  }
0xdb: {  	vm11 =	vlt.s32 v60, v1;
	v5 =	vnsel vm7, $0x4000, v5;
	vm1 =	vmand vm13, vm14;
	[tilespmem:$0x1C398] =	vst v8  }
0xdc: {  	v6 =	vnsel vm0, $0x4000, v61;
	vm7 =	vge.s32 v59, v0;
	vm0 =	vmand vm15, vm6;
	[tilespmem:$0x1C3A8] =	vst v5  }
0xdd: {  	vm12 =	vmand vm10, vm11;
	vm13 =	vge.s32 v63, v0;
	v7 =	vnsel vm1, $0x4000, v62;
	[tilespmem:$0x1C3C8] =	vst v6  }
0xde: {  	vm9 =	vmand vm7, vm8;
	v5 =	vsub.s32 v59, v0;
	v4 =	vnsel vm0, $0x4000, v4;
	[tilespmem:$0x1C3D8] =	vst v7  }
0xdf: {  	vm14 =	vlt.s32 v63, v1;
	v5 =	vnsel vm9, $0x4000, v5;
	[tilespmem:$0x1C3E8] =	vst v4;
	v4 =	vsub.s32 v60, v0  }
0xe0: {  	vm15 =	vmand vm13, vm14;
	v4 =	vnsel vm12, $0x4000, v4;
	[tilespmem:$0x1C3F8] =	vst v5;
	v5 =	vsub.s32 v63, v0  }
0xe1: {  	[tilespmem:$0x1C408] =	vst v4;
	v4 =	vnsel vm15, $0x4000, v5  }
0xe2: {  	[tilespmem:$0x1C418] =	vst v4  }
0xe3: {  	[spmem:s1] =	stream.indirect.scatter.add.f32 [tilespmem:s9], [sflag:$0x2], $0x40, s11, s10, $0xb8;
	[tilespmem:$0x1EC28] =	vst v63  }
0xe4: {  	_ =	swait.ge [sflag:s8], $0x2000  }
0xe5: {  	[sflag:s8] =	ssyncset.done $0x0  }
0xe6: {  	[sflag:s8] =	ssyncadd.s32 $0xFFFFE000  }
0xe7: {  	[spmem:s2] =	stream.indirect.scatter.add.f32 [tilespmem:s0], [sflag:$0x2], $0x10, s11, s10, $0xb8;
	[tilespmem:$0x1EC28] =	vst v63  }
0xe8: {  	_ =	swait.ge [sflag:s8], $0x800  }
0xe9: {  	[sflag:s8] =	ssyncset.done $0x0  }
0xea: {  	[sflag:s8] =	ssyncadd.s32 $0xFFFFF800  }
0xeb: {  	[spmem:s1] =	stream.indirect.scatter.add.f32 [tilespmem:s13], [sflag:$0x2], $0x40, s12, s10, $0xb8;
	[tilespmem:$0x1EC28] =	vst v63  }
0xec: {  	_ =	swait.ge [sflag:s8], $0x2000  }
0xed: {  	[sflag:s8] =	ssyncset.done $0x0  }
0xee: {  	[sflag:s8] =	ssyncadd.s32 $0xFFFFE000  }
0xef: {  	[spmem:s2] =	stream.indirect.scatter.add.f32 [tilespmem:s0], [sflag:$0x2], $0x10, s12, s10, $0xb8;
	[tilespmem:$0x1EC28] =	vst v63  }
0xf0: {  	_ =	swait.ge [sflag:s8], $0x800  }
0xf1: {  	[sflag:s8] =	ssyncset.done $0x0  }
0xf2: {  	[sflag:s8] =	ssyncadd.s32 $0xFFFFF800  }
0xf3: {  	[spmem:s1] =	stream.indirect.scatter.add.f32 [tilespmem:s15], [sflag:$0x2], $0x40, s14, s10, $0xb8;
	[tilespmem:$0x1EC28] =	vst v63  }
0xf4: {  	_ =	swait.ge [sflag:s8], $0x2000  }
0xf5: {  	[sflag:s8] =	ssyncset.done $0x0  }
0xf6: {  	[sflag:s8] =	ssyncadd.s32 $0xFFFFE000  }
0xf7: {  	[spmem:s2] =	stream.indirect.scatter.add.f32 [tilespmem:s0], [sflag:$0x2], $0x10, s14, s10, $0xb8;
	[tilespmem:$0x1EC28] =	vst v63  }
0xf8: {  	_ =	swait.ge [sflag:s8], $0x800  }
0xf9: {  	[sflag:s8] =	ssyncset.done $0x0  }
0xfa: {  	[sflag:s8] =	ssyncadd.s32 $0xFFFFF800  }
0xfb: {  	[spmem:s1] =	stream.indirect.scatter.add.f32 [tilespmem:s17], [sflag:$0x2], $0x40, s16, s10, $0xb8;
	[tilespmem:$0x1EC28] =	vst v63  }
0xfc: {  	_ =	swait.ge [sflag:s8], $0x2000  }
0xfd: {  	[sflag:s8] =	ssyncset.done $0x0  }
.Ltmp7:
0xfe: {  	[sflag:s8] =	ssyncadd.s32 $0xFFFFE000;
	(pc) =	sbr.rel .LBB2_8-.Ltmp7, $4  }
0xff: {  	[spmem:s2] =	stream.indirect.scatter.add.f32 [tilespmem:s0], [sflag:$0x1], $0x10, s16, s10, $0xb8;
	[tilespmem:$0x1EC28] =	vst v63  }
0x100: {  	_ =	swait.ge [sflag:s31], $0x800  }
0x101: {  	[sflag:s31] =	ssyncset.done $0x0  }
0x102: {  	[sflag:s31] =	ssyncadd.s32 $0xFFFFF800  }
.LBB2_10:
0x103: {  	_ =	sfence.sel $0x180000  }
0x104: {  	[bflag:$0x0] =	sbarrier.arrive $0xFFFF  }
0x105: {  	_ =	strace $0x90000047  }
0x106: {  	[bflag:$0x2] =	sbarrier.arrive $0xFFFF  }
0x107: {  	s0 =	rddreg [dreg:$0x5]  }
0x108: {  	s0 =	sadd.s32 @!p0 $0x100000, s0  }
0x109: {  	[sflag:s0] =	ssyncadd.tile.s32 @!p0 $0x1;
	_ =	shalt  }
.Lfunc_end2:
_tile_overlayer_lowered:
.L_overlay_start_2:
0x10a: {  	(tag) =	ssettag $0x2  }
0x10b: {  	s0 =	rddreg [dreg:$0x0];
	s2 =	stileid.u32  }
0x10c: {  	s1 =	rddreg [dreg:$0x1];
	p0 =	sne.s32 s2, $0x0  }
0x10d: {  	s3 =	rddreg [dreg:$0x2];
	[bflag:$0x3] =	sbarrier.arrive $0xFFFF;
	s2 =	simm.s32 @!p0 $0x1C01  }
0x10e: {  	[timem:s3], [sflag:s2] =	dma.local @!p0 [hbm:s0], s1  }
0x10f: {  	s0 =	simm.s32 @!p0 $0x1  }
0x110: {  	_ =	swait.ge @!p0 [sflag:s0], s1  }
0x111: {  	s1 =	ssub.s32 @!p0 $0x0, s1;
	[sflag:s0] =	ssyncset.done @!p0 $0x0  }
0x112: {  	[sflag:s0] =	ssyncadd.s32 @!p0 s1  }
0x113: {  	[bflag:$0x3] =	sbarrier.arrive $0xFFFF  }
0x114: {  	_ =	shalt  }

</sc_bundles>
